<compile_context>
chip_gen: v7x
topology: tpu7x:2x2x1
jax: 0.10.2.dev20260603
libtpu: 0.0.44.dev20260713+nightly
codegen_flags: <defaults>
</compile_context>

<pallas_src>
import functools

import jax
import jax.numpy as jnp
from jax import lax
from jax.experimental import pallas as pl
from jax.experimental.pallas import tpu as pltpu
from jax.experimental.pallas import tpu_sc as plsc

N = 10000
E = 160000
P = 50000
FA = 128
FP = 16
H = 32

NC = 2
NS = 16
NW = NC * NS

ECH = 5
CHUNK = 1024
E_PAD = NW * ECH * CHUNK
NPAD = 10240
ROWS_PER_TILE = NPAD // NS

PCH = 5
PROWS = 640
P_FLAT = NW * PCH * PROWS

MBLK = 2048
BLK_P = 2000



def _embed_body(atom_ref, wemb_ref, bemb_ref, x0_ref):
    x0_ref[...] = (
        jnp.dot(atom_ref[...], wemb_ref[...], preferred_element_type=jnp.float32)
        + bemb_ref[...]
    )


_embed_call = pl.pallas_call(
    _embed_body,
    out_shape=jax.ShapeDtypeStruct((N, H), jnp.float32),
)


def _msg_body(a_ref, xs_ref, w1_ref, b1_ref, w2_ref, b2_ref, rep_ref, o_ref):
    h = jnp.maximum(a_ref[...] * w1_ref[...] + b1_ref[...], 0.0)
    we = jnp.dot(h, w2_ref[...], preferred_element_type=jnp.float32) + b2_ref[...]
    we_b = we.astype(jnp.bfloat16).astype(jnp.float32)
    xs_rep = jnp.dot(xs_ref[...], rep_ref[...], preferred_element_type=jnp.float32)
    prod = xs_rep * we_b
    s = prod[:, :512] + prod[:, 512:]
    s = s[:, :256] + s[:, 256:]
    s = s[:, :128] + s[:, 128:]
    s = s[:, :64] + s[:, 64:]
    o_ref[...] = s[:, :H] + s[:, H:]


_msg_call = pl.pallas_call(
    _msg_body,
    grid=(E_PAD // MBLK,),
    in_specs=[
        pl.BlockSpec((MBLK, 1), lambda i: (i, 0)),
        pl.BlockSpec((MBLK, H), lambda i: (i, 0)),
        pl.BlockSpec((1, H), lambda i: (0, 0)),
        pl.BlockSpec((1, H), lambda i: (0, 0)),
        pl.BlockSpec((H, H * H), lambda i: (0, 0)),
        pl.BlockSpec((1, H * H), lambda i: (0, 0)),
        pl.BlockSpec((H, H * H), lambda i: (0, 0)),
    ],
    out_specs=pl.BlockSpec((MBLK, H), lambda i: (i, 0)),
    out_shape=jax.ShapeDtypeStruct((E_PAD, H), jnp.float32),
)


def _update_body(x_ref, a1p_ref, r_ref, rb_ref, gam_ref, bet_ref, o_ref):
    agg = a1p_ref[0, :N] + a1p_ref[1, :N]
    t = (
        agg
        + jnp.dot(x_ref[...], r_ref[...], preferred_element_type=jnp.float32)
        + rb_ref[...]
    )
    mu = jnp.mean(t, axis=0, keepdims=True)
    var = jnp.mean((t - mu) ** 2, axis=0, keepdims=True)
    xn = (t - mu) / jnp.sqrt(var + 1e-5) * gam_ref[...] + bet_ref[...]
    o_ref[...] = jnp.maximum(xn, 0.0)


_update_call = pl.pallas_call(
    _update_body,
    out_shape=jax.ShapeDtypeStruct((N, H), jnp.float32),
)


def _pair_body(p0_ref, p1_ref, pf_ref, w1_ref, b1_ref, w2_ref, b2_ref,
               w3_ref, b3_ref, o_ref):
    c = jnp.concatenate([p0_ref[...], p1_ref[...], pf_ref[...]], axis=1)
    h1 = jnp.maximum(
        jnp.dot(c, w1_ref[...], preferred_element_type=jnp.float32) + b1_ref[...],
        0.0,
    )
    h2 = jnp.maximum(
        jnp.dot(h1, w2_ref[...], preferred_element_type=jnp.float32) + b2_ref[...],
        0.0,
    )
    o_ref[...] = (
        jnp.dot(h2, w3_ref[...], preferred_element_type=jnp.float32) + b3_ref[...]
    )


_pair_call = pl.pallas_call(
    _pair_body,
    grid=(P // BLK_P,),
    in_specs=[
        pl.BlockSpec((BLK_P, H), lambda i: (i, 0)),
        pl.BlockSpec((BLK_P, H), lambda i: (i, 0)),
        pl.BlockSpec((BLK_P, FP), lambda i: (i, 0)),
        pl.BlockSpec((2 * H + FP, 2 * H), lambda i: (0, 0)),
        pl.BlockSpec((1, 2 * H), lambda i: (0, 0)),
        pl.BlockSpec((2 * H, H), lambda i: (0, 0)),
        pl.BlockSpec((1, H), lambda i: (0, 0)),
        pl.BlockSpec((H, 1), lambda i: (0, 0)),
        pl.BlockSpec((1, 1), lambda i: (0, 0)),
    ],
    out_specs=pl.BlockSpec((BLK_P, 1), lambda i: (i, 0)),
    out_shape=jax.ShapeDtypeStruct((P, 1), jnp.float32),
)



_SC_MESH = plsc.VectorSubcoreMesh(
    core_axis_name="c", subcore_axis_name="s", num_cores=NC, num_subcores=NS
)

_SC_PARAMS = pltpu.CompilerParams(
    needs_layout_passes=False, use_tc_tiling_on_sc=False
)


def _make_gather(nch, rows):

    @functools.partial(
        pl.kernel,
        out_type=jax.ShapeDtypeStruct((NW, nch, rows, H), jnp.float32),
        mesh=_SC_MESH,
        compiler_params=_SC_PARAMS,
        scratch_types=[
            pltpu.VMEM((rows,), jnp.int32),
            pltpu.VMEM((rows,), jnp.int32),
            pltpu.VMEM((rows, H), jnp.float32),
            pltpu.VMEM((rows, H), jnp.float32),
            pltpu.SemaphoreType.DMA,
            pltpu.SemaphoreType.DMA,
            pltpu.SemaphoreType.DMA,
            pltpu.SemaphoreType.DMA,
        ],
    )
    def gather(x_hbm, idx_hbm, out_hbm, i0, i1, r0, r1, g0, g1, w0, w1):
        cid = lax.axis_index("c")
        sid = lax.axis_index("s")
        wid = sid * NC + cid

        idxs, rbufs = [i0, i1], [r0, r1]
        gsem, wsem = [g0, g1], [w0, w1]
        gd = [None, None]
        wd = [None, None]

        pltpu.sync_copy(idx_hbm.at[wid, 0], idxs[0])
        gd[0] = pltpu.async_copy(x_hbm.at[idxs[0]], rbufs[0], gsem[0])
        for c in range(nch):
            b = c % 2
            nb = (c + 1) % 2
            if c + 1 < nch:
                pltpu.sync_copy(idx_hbm.at[wid, c + 1], idxs[nb])
            gd[b].wait()
            if c + 1 < nch:
                if wd[nb] is not None:
                    wd[nb].wait()
                    wd[nb] = None
                gd[nb] = pltpu.async_copy(x_hbm.at[idxs[nb]], rbufs[nb], gsem[nb])
            wd[b] = pltpu.async_copy(rbufs[b], out_hbm.at[wid, c], wsem[b])
        for b in range(2):
            if wd[b] is not None:
                wd[b].wait()

    return gather


_edge_gather = _make_gather(ECH, CHUNK)
_pair_gather = _make_gather(PCH, PROWS)


@functools.partial(
    pl.kernel,
    out_type=jax.ShapeDtypeStruct((NC, NPAD, H), jnp.float32),
    mesh=_SC_MESH,
    compiler_params=_SC_PARAMS,
    scratch_types=[
        pltpu.VMEM((CHUNK,), jnp.int32),
        pltpu.VMEM((CHUNK,), jnp.int32),
        pltpu.VMEM((CHUNK, H), jnp.float32),
        pltpu.VMEM((CHUNK, H), jnp.float32),
        pltpu.VMEM_SHARED((NPAD, H), jnp.float32),
        pltpu.SemaphoreType.DMA,
        pltpu.SemaphoreType.DMA,
    ],
)
def _edge_scatter(msg_hbm, dst_hbm, z_hbm, out_hbm, d0, d1, m0, m1, acc_sh,
                  s0, s1):
    cid = lax.axis_index("c")
    sid = lax.axis_index("s")
    wid = sid * NC + cid

    dsts, mbufs, sems = [d0, d1], [m0, m1], [s0, s1]
    md = [None, None]

    pltpu.sync_copy(dst_hbm.at[wid, 0], dsts[0])
    md[0] = pltpu.async_copy(msg_hbm.at[wid, 0], mbufs[0], sems[0])
    pltpu.sync_copy(z_hbm, acc_sh.at[pl.ds(sid * ROWS_PER_TILE, ROWS_PER_TILE)])
    plsc.subcore_barrier()

    for c in range(ECH):
        b = c % 2
        nb = (c + 1) % 2
        if c + 1 < ECH:
            pltpu.sync_copy(dst_hbm.at[wid, c + 1], dsts[nb])
            md[nb] = pltpu.async_copy(msg_hbm.at[wid, c + 1], mbufs[nb], sems[nb])
        md[b].wait()
        pltpu.sync_copy(mbufs[b], acc_sh.at[dsts[b]], add=True)

    plsc.subcore_barrier()

    pltpu.sync_copy(
        acc_sh.at[pl.ds(sid * ROWS_PER_TILE, ROWS_PER_TILE)],
        out_hbm.at[cid, pl.ds(sid * ROWS_PER_TILE, ROWS_PER_TILE)],
    )



def kernel(atom_features, edge_index, edge_attr, pair_indices, pair_features,
           W_emb, b_emb, We1, be1, We2, be2, roots, root_bias, gammas, betas,
           Wp1, bp1, Wp2, bp2, Wp3, bp3):
    pad_e = E_PAD - E
    src_p = jnp.pad(edge_index[0], (0, pad_e)).reshape(NW, ECH, CHUNK)
    dst_p = jnp.pad(edge_index[1], (0, pad_e), constant_values=N).reshape(
        NW, ECH, CHUNK)
    a_p = jnp.pad(edge_attr, ((0, pad_e), (0, 0)))
    zeros_tile = jnp.zeros((ROWS_PER_TILE, H), jnp.float32)
    rep = (jnp.arange(H * H)[None, :] // H == jnp.arange(H)[:, None]).astype(
        jnp.float32)

    x = _embed_call(atom_features, W_emb, b_emb.reshape(1, H))

    for i in range(3):
        xs = _edge_gather(x, src_p).reshape(E_PAD, H)
        msg = _msg_call(a_p, xs, We1, be1.reshape(1, H), We2,
                        be2.reshape(1, H * H), rep)
        a1p = _edge_scatter(msg.reshape(NW, ECH, CHUNK, H), dst_p, zeros_tile)
        x = _update_call(
            x, a1p, roots[i],
            root_bias[i].reshape(1, H),
            gammas[i].reshape(1, H),
            betas[i].reshape(1, H),
        )

    idx_flat = jnp.concatenate([
        pair_indices[:, 0], pair_indices[:, 1],
        jnp.zeros((P_FLAT - 2 * P,), jnp.int32),
    ]).reshape(NW, PCH, PROWS)
    rows = _pair_gather(x, idx_flat).reshape(P_FLAT, H)
    p0 = rows[:P]
    p1 = rows[P:2 * P]

    return _pair_call(
        p0, p1, pair_features,
        Wp1, bp1.reshape(1, 2 * H),
        Wp2, bp2.reshape(1, H),
        Wp3, bp3.reshape(1, 1),
    )

# --- scband reference (transcript-rebuilt; emitter-appended) ---
"""Pipeline reference for scband-coupling-mpnn-16329465660192 (READ-ONLY COPY).

The authoritative reference and input builder live on the scoring server;
editing this copy changes nothing except your own understanding.
"""

import jax, jax.numpy as jnp
import numpy as np

N = 10000
E = 160000
P = 50000
F_ATOM = 128
F_PAIR = 16
H = 32
L = 3


def _lin(k, fin, fout):
    return (jax.random.normal(k, (fin, fout), dtype=jnp.float32) / np.sqrt(fin)).astype(jnp.float32)


def setup_inputs(seed: int = 0) -> dict:
    key = jax.random.key(seed)
    ks = jax.random.split(key, 24)
    atom_features = jax.random.normal(ks[0], (N, F_ATOM), dtype=jnp.float32)
    edge_index = jax.random.randint(ks[1], (2, E), 0, N, dtype=jnp.int32)
    edge_attr = jax.random.uniform(ks[2], (E, 1), dtype=jnp.float32)
    pair_indices = jax.random.randint(ks[3], (P, 2), 0, N, dtype=jnp.int32)
    pair_features = jax.random.normal(ks[4], (P, F_PAIR), dtype=jnp.float32)
    W_emb = _lin(ks[5], F_ATOM, H)
    b_emb = jnp.zeros((H,), dtype=jnp.float32)
    We1 = _lin(ks[6], 1, H)
    be1 = jnp.zeros((H,), dtype=jnp.float32)
    We2 = _lin(ks[7], H, H * H)
    be2 = jnp.zeros((H * H,), dtype=jnp.float32)
    roots = jax.random.normal(ks[8], (L, H, H), dtype=jnp.float32) / np.sqrt(H)
    root_bias = jnp.zeros((L, H), dtype=jnp.float32)
    gammas = jnp.ones((L, H), dtype=jnp.float32)
    betas = jnp.zeros((L, H), dtype=jnp.float32)
    Wp1 = _lin(ks[9], 2 * H + F_PAIR, 2 * H)
    bp1 = jnp.zeros((2 * H,), dtype=jnp.float32)
    Wp2 = _lin(ks[10], 2 * H, H)
    bp2 = jnp.zeros((H,), dtype=jnp.float32)
    Wp3 = _lin(ks[11], H, 1)
    bp3 = jnp.zeros((1,), dtype=jnp.float32)
    return {
        'atom_features': atom_features, 'edge_index': edge_index, 'edge_attr': edge_attr,
        'pair_indices': pair_indices, 'pair_features': pair_features,
        'W_emb': W_emb, 'b_emb': b_emb, 'We1': We1, 'be1': be1, 'We2': We2, 'be2': be2,
        'roots': roots, 'root_bias': root_bias, 'gammas': gammas, 'betas': betas,
        'Wp1': Wp1, 'bp1': bp1, 'Wp2': Wp2, 'bp2': bp2, 'Wp3': Wp3, 'bp3': bp3,
    }


def reference(atom_features, edge_index, edge_attr, pair_indices, pair_features,
              W_emb, b_emb, We1, be1, We2, be2, roots, root_bias, gammas, betas,
              Wp1, bp1, Wp2, bp2, Wp3, bp3):
    x = atom_features @ W_emb + b_emb
    # shared edge network (same Sequential instance reused by every NNConv layer,
    # applied to the same edge_attr -> compute once, mathematically identical)
    h = jax.nn.relu(edge_attr @ We1 + be1)
    We = (h @ We2 + be2).reshape(E, H, H)
    src = edge_index[0]
    dst = edge_index[1]
    for i in range(L):
        # NNConv: message = x_j @ W_e, aggr='add' at dst, plus root transform + bias
        msg = jnp.einsum('eh,ehk->ek', x[src], We)
        agg = jax.ops.segment_sum(msg, dst, num_segments=N)
        x = agg + x @ roots[i] + root_bias[i]
        # BatchNorm over nodes (training-mode batch statistics, biased variance)
        mu = jnp.mean(x, axis=0)
        var = jnp.mean((x - mu) ** 2, axis=0)
        x = (x - mu) / jnp.sqrt(var + 1e-5) * gammas[i] + betas[i]
        x = jax.nn.relu(x)
        # dropout omitted (eval / deterministic)
    p0 = x[pair_indices[:, 0]]
    p1 = x[pair_indices[:, 1]]
    c = jnp.concatenate([p0, p1, pair_features], axis=1)
    h1 = jax.nn.relu(c @ Wp1 + bp1)
    h2 = jax.nn.relu(h1 @ Wp2 + bp2)
    return h2 @ Wp3 + bp3

if __name__ == "__main__":
    import jax
    _d = setup_inputs()
    print(jax.jit(kernel)(*tuple(_d.values())))

</pallas_src>

<mosaic_0001>
#map = affine_map<(d0, d1) -> (0, 0)>
#map1 = affine_map<(d0, d1) -> (0, 0, 0)>
#map2 = affine_map<(d0, d1) -> (0, 0, 0, 0)>
module attributes {stable_mosaic.version = 14 : i64} {
  func.func @gather(%arg0: i32, %arg1: i32, %arg2: memref<10000x32xf32, #tpu.memory_space<hbm>>, %arg3: memref<32x5x1024xi32, #tpu.memory_space<hbm>>, %arg4: memref<32x5x1024x32xf32, #tpu.memory_space<hbm>>, %arg5: memref<1024xi32, #tpu.memory_space<vmem>>, %arg6: memref<1024xi32, #tpu.memory_space<vmem>>, %arg7: memref<1024x32xf32, #tpu.memory_space<vmem>>, %arg8: memref<1024x32xf32, #tpu.memory_space<vmem>>, %arg9: memref<!tpu.dma_semaphore, #tpu.memory_space<semaphore_mem>>, %arg10: memref<!tpu.dma_semaphore, #tpu.memory_space<semaphore_mem>>, %arg11: memref<!tpu.dma_semaphore, #tpu.memory_space<semaphore_mem>>, %arg12: memref<!tpu.dma_semaphore, #tpu.memory_space<semaphore_mem>>) attributes {dimension_semantics = [#tpu.dimension_semantics<core_parallel>, #tpu.dimension_semantics<subcore_parallel>], iteration_bounds = array<i64: 2, 16>, scalar_prefetch = 0 : i64, scratch_operands = 8 : i64, tpu.core_type = #tpu.core_type<sc_vector_subcore>, window_params = [{transform_indices = #map}, {transform_indices = #map1}, {transform_indices = #map2}]} {
    %mul3A = arith.constant 2 : i32
    %mul3A_0 = arith.muli %arg1, %mul3A : i32
    %add3A = arith.addi %mul3A_0, %arg0 : i32
    %run_scoped3A = arith.constant 0 : i32
    "tpu.region"() ({
      %run_scoped3A_123 = tpu.sem_alloc : memref<!tpu.dma_semaphore, #tpu.memory_space<semaphore_mem>>
      %dma_start3A_124 = arith.constant 0 : i32
      %dma_start3A_125 = tpu.memref_slice %arg3[%add3A, %run_scoped3A, %dma_start3A_124] : memref<32x5x1024xi32, #tpu.memory_space<hbm>> -> memref<1x1x1024xi32, #tpu.memory_space<hbm>>
      %dma_start3A_126 = tpu.memref_squeeze %dma_start3A_125 : memref<1x1x1024xi32, #tpu.memory_space<hbm>> -> memref<1024xi32, #tpu.memory_space<hbm>>
      %dma_start3A_127 = arith.constant 0 : i32
      %dma_start3A_128 = tpu.memref_slice %arg3[%add3A, %run_scoped3A, %dma_start3A_127] : memref<32x5x1024xi32, #tpu.memory_space<hbm>> -> memref<1x1x1024xi32, #tpu.memory_space<hbm>>
      %dma_start3A_129 = tpu.memref_squeeze %dma_start3A_128 : memref<1x1x1024xi32, #tpu.memory_space<hbm>> -> memref<1024xi32, #tpu.memory_space<hbm>>
      tpu.enqueue_dma source(%dma_start3A_129 : memref<1024xi32, #tpu.memory_space<hbm>>) target(%arg5 : memref<1024xi32, #tpu.memory_space<vmem>>) target_semaphore(%run_scoped3A_123 : memref<!tpu.dma_semaphore, #tpu.memory_space<semaphore_mem>>)
      %dma_wait3A_130 = arith.constant 0 : i32
      %dma_wait3A_131 = tpu.memref_slice %arg3[%add3A, %run_scoped3A, %dma_wait3A_130] : memref<32x5x1024xi32, #tpu.memory_space<hbm>> -> memref<1x1x1024xi32, #tpu.memory_space<hbm>>
      %dma_wait3A_132 = tpu.memref_squeeze %dma_wait3A_131 : memref<1x1x1024xi32, #tpu.memory_space<hbm>> -> memref<1024xi32, #tpu.memory_space<hbm>>
      %dma_wait3A_133 = arith.constant 0 : i32
      %dma_wait3A_134 = tpu.memref_slice %arg3[%add3A, %run_scoped3A, %dma_wait3A_133] : memref<32x5x1024xi32, #tpu.memory_space<hbm>> -> memref<1x1x1024xi32, #tpu.memory_space<hbm>>
      %dma_wait3A_135 = tpu.memref_squeeze %dma_wait3A_134 : memref<1x1x1024xi32, #tpu.memory_space<hbm>> -> memref<1024xi32, #tpu.memory_space<hbm>>
      tpu.wait_dma2 semaphore(%run_scoped3A_123 : memref<!tpu.dma_semaphore, #tpu.memory_space<semaphore_mem>>) src(%dma_wait3A_135 : memref<1024xi32, #tpu.memory_space<hbm>>) dst(%arg5 : memref<1024xi32, #tpu.memory_space<vmem>>)
      tpu.yield
    }) : () -> ()
    %dma_start3A = arith.constant 0 : i32
    %dma_start3A_1 = arith.constant 0 : i32
    %dma_start3A_2 = tpu.memref_slice %arg2[%dma_start3A, %dma_start3A_1] : memref<10000x32xf32, #tpu.memory_space<hbm>> -> memref<10000x32xf32, #tpu.memory_space<hbm>>
    tpu.enqueue_indirect_dma source(%dma_start3A_2 : memref<10000x32xf32, #tpu.memory_space<hbm>>) target(%arg7 : memref<1024x32xf32, #tpu.memory_space<vmem>>) offsets(%arg5 : memref<1024xi32, #tpu.memory_space<vmem>>) semaphore(%arg9 : memref<!tpu.dma_semaphore, #tpu.memory_space<semaphore_mem>>)
    %run_scoped3A_3 = arith.constant 1 : i32
    "tpu.region"() ({
      %run_scoped3A_123 = tpu.sem_alloc : memref<!tpu.dma_semaphore, #tpu.memory_space<semaphore_mem>>
      %dma_start3A_124 = arith.constant 0 : i32
      %dma_start3A_125 = tpu.memref_slice %arg3[%add3A, %run_scoped3A_3, %dma_start3A_124] : memref<32x5x1024xi32, #tpu.memory_space<hbm>> -> memref<1x1x1024xi32, #tpu.memory_space<hbm>>
      %dma_start3A_126 = tpu.memref_squeeze %dma_start3A_125 : memref<1x1x1024xi32, #tpu.memory_space<hbm>> -> memref<1024xi32, #tpu.memory_space<hbm>>
      %dma_start3A_127 = arith.constant 0 : i32
      %dma_start3A_128 = tpu.memref_slice %arg3[%add3A, %run_scoped3A_3, %dma_start3A_127] : memref<32x5x1024xi32, #tpu.memory_space<hbm>> -> memref<1x1x1024xi32, #tpu.memory_space<hbm>>
      %dma_start3A_129 = tpu.memref_squeeze %dma_start3A_128 : memref<1x1x1024xi32, #tpu.memory_space<hbm>> -> memref<1024xi32, #tpu.memory_space<hbm>>
      tpu.enqueue_dma source(%dma_start3A_129 : memref<1024xi32, #tpu.memory_space<hbm>>) target(%arg6 : memref<1024xi32, #tpu.memory_space<vmem>>) target_semaphore(%run_scoped3A_123 : memref<!tpu.dma_semaphore, #tpu.memory_space<semaphore_mem>>)
      %dma_wait3A_130 = arith.constant 0 : i32
      %dma_wait3A_131 = tpu.memref_slice %arg3[%add3A, %run_scoped3A_3, %dma_wait3A_130] : memref<32x5x1024xi32, #tpu.memory_space<hbm>> -> memref<1x1x1024xi32, #tpu.memory_space<hbm>>
      %dma_wait3A_132 = tpu.memref_squeeze %dma_wait3A_131 : memref<1x1x1024xi32, #tpu.memory_space<hbm>> -> memref<1024xi32, #tpu.memory_space<hbm>>
      %dma_wait3A_133 = arith.constant 0 : i32
      %dma_wait3A_134 = tpu.memref_slice %arg3[%add3A, %run_scoped3A_3, %dma_wait3A_133] : memref<32x5x1024xi32, #tpu.memory_space<hbm>> -> memref<1x1x1024xi32, #tpu.memory_space<hbm>>
      %dma_wait3A_135 = tpu.memref_squeeze %dma_wait3A_134 : memref<1x1x1024xi32, #tpu.memory_space<hbm>> -> memref<1024xi32, #tpu.memory_space<hbm>>
      tpu.wait_dma2 semaphore(%run_scoped3A_123 : memref<!tpu.dma_semaphore, #tpu.memory_space<semaphore_mem>>) src(%dma_wait3A_135 : memref<1024xi32, #tpu.memory_space<hbm>>) dst(%arg6 : memref<1024xi32, #tpu.memory_space<vmem>>)
      tpu.yield
    }) : () -> ()
    %dma_wait3A = arith.constant 0 : i32
    %dma_wait3A_4 = arith.constant 0 : i32
    %dma_wait3A_5 = tpu.memref_slice %arg2[%dma_wait3A, %dma_wait3A_4] : memref<10000x32xf32, #tpu.memory_space<hbm>> -> memref<10000x32xf32, #tpu.memory_space<hbm>>
    tpu.wait_indirect_dma semaphore(%arg9 : memref<!tpu.dma_semaphore, #tpu.memory_space<semaphore_mem>>) src(%dma_wait3A_5 : memref<10000x32xf32, #tpu.memory_space<hbm>>) dst(%arg7 : memref<1024x32xf32, #tpu.memory_space<vmem>>)
    %dma_start3A_6 = arith.constant 0 : i32
    %dma_start3A_7 = arith.constant 0 : i32
    %dma_start3A_8 = tpu.memref_slice %arg2[%dma_start3A_6, %dma_start3A_7] : memref<10000x32xf32, #tpu.memory_space<hbm>> -> memref<10000x32xf32, #tpu.memory_space<hbm>>
    tpu.enqueue_indirect_dma source(%dma_start3A_8 : memref<10000x32xf32, #tpu.memory_space<hbm>>) target(%arg8 : memref<1024x32xf32, #tpu.memory_space<vmem>>) offsets(%arg6 : memref<1024xi32, #tpu.memory_space<vmem>>) semaphore(%arg10 : memref<!tpu.dma_semaphore, #tpu.memory_space<semaphore_mem>>)
    %dma_start3A_9 = arith.constant 0 : i32
    %dma_start3A_10 = arith.constant 0 : i32
    %dma_start3A_11 = arith.constant 0 : i32
    %dma_start3A_12 = tpu.memref_slice %arg4[%add3A, %dma_start3A_9, %dma_start3A_10, %dma_start3A_11] : memref<32x5x1024x32xf32, #tpu.memory_space<hbm>> -> memref<1x1x1024x32xf32, #tpu.memory_space<hbm>>
    %dma_start3A_13 = tpu.memref_squeeze %dma_start3A_12 : memref<1x1x1024x32xf32, #tpu.memory_space<hbm>> -> memref<1024x32xf32, #tpu.memory_space<hbm>>
    %dma_start3A_14 = arith.constant 0 : i32
    %dma_start3A_15 = arith.constant 0 : i32
    %dma_start3A_16 = tpu.memref_slice %arg4[%add3A, %dma_start3A_9, %dma_start3A_14, %dma_start3A_15] : memref<32x5x1024x32xf32, #tpu.memory_space<hbm>> -> memref<1x1x1024x32xf32, #tpu.memory_space<hbm>>
    %dma_start3A_17 = tpu.memref_squeeze %dma_start3A_16 : memref<1x1x1024x32xf32, #tpu.memory_space<hbm>> -> memref<1024x32xf32, #tpu.memory_space<hbm>>
    tpu.enqueue_dma source(%arg7 : memref<1024x32xf32, #tpu.memory_space<vmem>>) target(%dma_start3A_17 : memref<1024x32xf32, #tpu.memory_space<hbm>>) target_semaphore(%arg11 : memref<!tpu.dma_semaphore, #tpu.memory_space<semaphore_mem>>)
    %run_scoped3A_18 = arith.constant 2 : i32
    "tpu.region"() ({
      %run_scoped3A_123 = tpu.sem_alloc : memref<!tpu.dma_semaphore, #tpu.memory_space<semaphore_mem>>
      %dma_start3A_124 = arith.constant 0 : i32
      %dma_start3A_125 = tpu.memref_slice %arg3[%add3A, %run_scoped3A_18, %dma_start3A_124] : memref<32x5x1024xi32, #tpu.memory_space<hbm>> -> memref<1x1x1024xi32, #tpu.memory_space<hbm>>
      %dma_start3A_126 = tpu.memref_squeeze %dma_start3A_125 : memref<1x1x1024xi32, #tpu.memory_space<hbm>> -> memref<1024xi32, #tpu.memory_space<hbm>>
      %dma_start3A_127 = arith.constant 0 : i32
      %dma_start3A_128 = tpu.memref_slice %arg3[%add3A, %run_scoped3A_18, %dma_start3A_127] : memref<32x5x1024xi32, #tpu.memory_space<hbm>> -> memref<1x1x1024xi32, #tpu.memory_space<hbm>>
      %dma_start3A_129 = tpu.memref_squeeze %dma_start3A_128 : memref<1x1x1024xi32, #tpu.memory_space<hbm>> -> memref<1024xi32, #tpu.memory_space<hbm>>
      tpu.enqueue_dma source(%dma_start3A_129 : memref<1024xi32, #tpu.memory_space<hbm>>) target(%arg5 : memref<1024xi32, #tpu.memory_space<vmem>>) target_semaphore(%run_scoped3A_123 : memref<!tpu.dma_semaphore, #tpu.memory_space<semaphore_mem>>)
      %dma_wait3A_130 = arith.constant 0 : i32
      %dma_wait3A_131 = tpu.memref_slice %arg3[%add3A, %run_scoped3A_18, %dma_wait3A_130] : memref<32x5x1024xi32, #tpu.memory_space<hbm>> -> memref<1x1x1024xi32, #tpu.memory_space<hbm>>
      %dma_wait3A_132 = tpu.memref_squeeze %dma_wait3A_131 : memref<1x1x1024xi32, #tpu.memory_space<hbm>> -> memref<1024xi32, #tpu.memory_space<hbm>>
      %dma_wait3A_133 = arith.constant 0 : i32
      %dma_wait3A_134 = tpu.memref_slice %arg3[%add3A, %run_scoped3A_18, %dma_wait3A_133] : memref<32x5x1024xi32, #tpu.memory_space<hbm>> -> memref<1x1x1024xi32, #tpu.memory_space<hbm>>
      %dma_wait3A_135 = tpu.memref_squeeze %dma_wait3A_134 : memref<1x1x1024xi32, #tpu.memory_space<hbm>> -> memref<1024xi32, #tpu.memory_space<hbm>>
      tpu.wait_dma2 semaphore(%run_scoped3A_123 : memref<!tpu.dma_semaphore, #tpu.memory_space<semaphore_mem>>) src(%dma_wait3A_135 : memref<1024xi32, #tpu.memory_space<hbm>>) dst(%arg5 : memref<1024xi32, #tpu.memory_space<vmem>>)
      tpu.yield
    }) : () -> ()
    %dma_wait3A_19 = arith.constant 0 : i32
    %dma_wait3A_20 = arith.constant 0 : i32
    %dma_wait3A_21 = tpu.memref_slice %arg2[%dma_wait3A_19, %dma_wait3A_20] : memref<10000x32xf32, #tpu.memory_space<hbm>> -> memref<10000x32xf32, #tpu.memory_space<hbm>>
    tpu.wait_indirect_dma semaphore(%arg10 : memref<!tpu.dma_semaphore, #tpu.memory_space<semaphore_mem>>) src(%dma_wait3A_21 : memref<10000x32xf32, #tpu.memory_space<hbm>>) dst(%arg8 : memref<1024x32xf32, #tpu.memory_space<vmem>>)
    %dma_wait3A_22 = arith.constant 0 : i32
    %dma_wait3A_23 = arith.constant 0 : i32
    %dma_wait3A_24 = arith.constant 0 : i32
    %dma_wait3A_25 = tpu.memref_slice %arg4[%add3A, %dma_wait3A_22, %dma_wait3A_23, %dma_wait3A_24] : memref<32x5x1024x32xf32, #tpu.memory_space<hbm>> -> memref<1x1x1024x32xf32, #tpu.memory_space<hbm>>
    %dma_wait3A_26 = tpu.memref_squeeze %dma_wait3A_25 : memref<1x1x1024x32xf32, #tpu.memory_space<hbm>> -> memref<1024x32xf32, #tpu.memory_space<hbm>>
    %dma_wait3A_27 = arith.constant 0 : i32
    %dma_wait3A_28 = arith.constant 0 : i32
    %dma_wait3A_29 = tpu.memref_slice %arg4[%add3A, %dma_wait3A_22, %dma_wait3A_27, %dma_wait3A_28] : memref<32x5x1024x32xf32, #tpu.memory_space<hbm>> -> memref<1x1x1024x32xf32, #tpu.memory_space<hbm>>
    %dma_wait3A_30 = tpu.memref_squeeze %dma_wait3A_29 : memref<1x1x1024x32xf32, #tpu.memory_space<hbm>> -> memref<1024x32xf32, #tpu.memory_space<hbm>>
    tpu.wait_dma2 semaphore(%arg11 : memref<!tpu.dma_semaphore, #tpu.memory_space<semaphore_mem>>) src(%arg7 : memref<1024x32xf32, #tpu.memory_space<vmem>>) dst(%dma_wait3A_30 : memref<1024x32xf32, #tpu.memory_space<hbm>>)
    %dma_start3A_31 = arith.constant 0 : i32
    %dma_start3A_32 = arith.constant 0 : i32
    %dma_start3A_33 = tpu.memref_slice %arg2[%dma_start3A_31, %dma_start3A_32] : memref<10000x32xf32, #tpu.memory_space<hbm>> -> memref<10000x32xf32, #tpu.memory_space<hbm>>
    tpu.enqueue_indirect_dma source(%dma_start3A_33 : memref<10000x32xf32, #tpu.memory_space<hbm>>) target(%arg7 : memref<1024x32xf32, #tpu.memory_space<vmem>>) offsets(%arg5 : memref<1024xi32, #tpu.memory_space<vmem>>) semaphore(%arg9 : memref<!tpu.dma_semaphore, #tpu.memory_space<semaphore_mem>>)
    %dma_start3A_34 = arith.constant 1 : i32
    %dma_start3A_35 = arith.constant 0 : i32
    %dma_start3A_36 = arith.constant 0 : i32
    %dma_start3A_37 = tpu.memref_slice %arg4[%add3A, %dma_start3A_34, %dma_start3A_35, %dma_start3A_36] : memref<32x5x1024x32xf32, #tpu.memory_space<hbm>> -> memref<1x1x1024x32xf32, #tpu.memory_space<hbm>>
    %dma_start3A_38 = tpu.memref_squeeze %dma_start3A_37 : memref<1x1x1024x32xf32, #tpu.memory_space<hbm>> -> memref<1024x32xf32, #tpu.memory_space<hbm>>
    %dma_start3A_39 = arith.constant 0 : i32
    %dma_start3A_40 = arith.constant 0 : i32
    %dma_start3A_41 = tpu.memref_slice %arg4[%add3A, %dma_start3A_34, %dma_start3A_39, %dma_start3A_40] : memref<32x5x1024x32xf32, #tpu.memory_space<hbm>> -> memref<1x1x1024x32xf32, #tpu.memory_space<hbm>>
    %dma_start3A_42 = tpu.memref_squeeze %dma_start3A_41 : memref<1x1x1024x32xf32, #tpu.memory_space<hbm>> -> memref<1024x32xf32, #tpu.memory_space<hbm>>
    tpu.enqueue_dma source(%arg8 : memref<1024x32xf32, #tpu.memory_space<vmem>>) target(%dma_start3A_42 : memref<1024x32xf32, #tpu.memory_space<hbm>>) target_semaphore(%arg12 : memref<!tpu.dma_semaphore, #tpu.memory_space<semaphore_mem>>)
    %run_scoped3A_43 = arith.constant 3 : i32
    "tpu.region"() ({
      %run_scoped3A_123 = tpu.sem_alloc : memref<!tpu.dma_semaphore, #tpu.memory_space<semaphore_mem>>
      %dma_start3A_124 = arith.constant 0 : i32
      %dma_start3A_125 = tpu.memref_slice %arg3[%add3A, %run_scoped3A_43, %dma_start3A_124] : memref<32x5x1024xi32, #tpu.memory_space<hbm>> -> memref<1x1x1024xi32, #tpu.memory_space<hbm>>
      %dma_start3A_126 = tpu.memref_squeeze %dma_start3A_125 : memref<1x1x1024xi32, #tpu.memory_space<hbm>> -> memref<1024xi32, #tpu.memory_space<hbm>>
      %dma_start3A_127 = arith.constant 0 : i32
      %dma_start3A_128 = tpu.memref_slice %arg3[%add3A, %run_scoped3A_43, %dma_start3A_127] : memref<32x5x1024xi32, #tpu.memory_space<hbm>> -> memref<1x1x1024xi32, #tpu.memory_space<hbm>>
      %dma_start3A_129 = tpu.memref_squeeze %dma_start3A_128 : memref<1x1x1024xi32, #tpu.memory_space<hbm>> -> memref<1024xi32, #tpu.memory_space<hbm>>
      tpu.enqueue_dma source(%dma_start3A_129 : memref<1024xi32, #tpu.memory_space<hbm>>) target(%arg6 : memref<1024xi32, #tpu.memory_space<vmem>>) target_semaphore(%run_scoped3A_123 : memref<!tpu.dma_semaphore, #tpu.memory_space<semaphore_mem>>)
      %dma_wait3A_130 = arith.constant 0 : i32
      %dma_wait3A_131 = tpu.memref_slice %arg3[%add3A, %run_scoped3A_43, %dma_wait3A_130] : memref<32x5x1024xi32, #tpu.memory_space<hbm>> -> memref<1x1x1024xi32, #tpu.memory_space<hbm>>
      %dma_wait3A_132 = tpu.memref_squeeze %dma_wait3A_131 : memref<1x1x1024xi32, #tpu.memory_space<hbm>> -> memref<1024xi32, #tpu.memory_space<hbm>>
      %dma_wait3A_133 = arith.constant 0 : i32
      %dma_wait3A_134 = tpu.memref_slice %arg3[%add3A, %run_scoped3A_43, %dma_wait3A_133] : memref<32x5x1024xi32, #tpu.memory_space<hbm>> -> memref<1x1x1024xi32, #tpu.memory_space<hbm>>
      %dma_wait3A_135 = tpu.memref_squeeze %dma_wait3A_134 : memref<1x1x1024xi32, #tpu.memory_space<hbm>> -> memref<1024xi32, #tpu.memory_space<hbm>>
      tpu.wait_dma2 semaphore(%run_scoped3A_123 : memref<!tpu.dma_semaphore, #tpu.memory_space<semaphore_mem>>) src(%dma_wait3A_135 : memref<1024xi32, #tpu.memory_space<hbm>>) dst(%arg6 : memref<1024xi32, #tpu.memory_space<vmem>>)
      tpu.yield
    }) : () -> ()
    %dma_wait3A_44 = arith.constant 0 : i32
    %dma_wait3A_45 = arith.constant 0 : i32
    %dma_wait3A_46 = tpu.memref_slice %arg2[%dma_wait3A_44, %dma_wait3A_45] : memref<10000x32xf32, #tpu.memory_space<hbm>> -> memref<10000x32xf32, #tpu.memory_space<hbm>>
    tpu.wait_indirect_dma semaphore(%arg9 : memref<!tpu.dma_semaphore, #tpu.memory_space<semaphore_mem>>) src(%dma_wait3A_46 : memref<10000x32xf32, #tpu.memory_space<hbm>>) dst(%arg7 : memref<1024x32xf32, #tpu.memory_space<vmem>>)
    %dma_wait3A_47 = arith.constant 1 : i32
    %dma_wait3A_48 = arith.constant 0 : i32
    %dma_wait3A_49 = arith.constant 0 : i32
    %dma_wait3A_50 = tpu.memref_slice %arg4[%add3A, %dma_wait3A_47, %dma_wait3A_48, %dma_wait3A_49] : memref<32x5x1024x32xf32, #tpu.memory_space<hbm>> -> memref<1x1x1024x32xf32, #tpu.memory_space<hbm>>
    %dma_wait3A_51 = tpu.memref_squeeze %dma_wait3A_50 : memref<1x1x1024x32xf32, #tpu.memory_space<hbm>> -> memref<1024x32xf32, #tpu.memory_space<hbm>>
    %dma_wait3A_52 = arith.constant 0 : i32
    %dma_wait3A_53 = arith.constant 0 : i32
    %dma_wait3A_54 = tpu.memref_slice %arg4[%add3A, %dma_wait3A_47, %dma_wait3A_52, %dma_wait3A_53] : memref<32x5x1024x32xf32, #tpu.memory_space<hbm>> -> memref<1x1x1024x32xf32, #tpu.memory_space<hbm>>
    %dma_wait3A_55 = tpu.memref_squeeze %dma_wait3A_54 : memref<1x1x1024x32xf32, #tpu.memory_space<hbm>> -> memref<1024x32xf32, #tpu.memory_space<hbm>>
    tpu.wait_dma2 semaphore(%arg12 : memref<!tpu.dma_semaphore, #tpu.memory_space<semaphore_mem>>) src(%arg8 : memref<1024x32xf32, #tpu.memory_space<vmem>>) dst(%dma_wait3A_55 : memref<1024x32xf32, #tpu.memory_space<hbm>>)
    %dma_start3A_56 = arith.constant 0 : i32
    %dma_start3A_57 = arith.constant 0 : i32
    %dma_start3A_58 = tpu.memref_slice %arg2[%dma_start3A_56, %dma_start3A_57] : memref<10000x32xf32, #tpu.memory_space<hbm>> -> memref<10000x32xf32, #tpu.memory_space<hbm>>
    tpu.enqueue_indirect_dma source(%dma_start3A_58 : memref<10000x32xf32, #tpu.memory_space<hbm>>) target(%arg8 : memref<1024x32xf32, #tpu.memory_space<vmem>>) offsets(%arg6 : memref<1024xi32, #tpu.memory_space<vmem>>) semaphore(%arg10 : memref<!tpu.dma_semaphore, #tpu.memory_space<semaphore_mem>>)
    %dma_start3A_59 = arith.constant 2 : i32
    %dma_start3A_60 = arith.constant 0 : i32
    %dma_start3A_61 = arith.constant 0 : i32
    %dma_start3A_62 = tpu.memref_slice %arg4[%add3A, %dma_start3A_59, %dma_start3A_60, %dma_start3A_61] : memref<32x5x1024x32xf32, #tpu.memory_space<hbm>> -> memref<1x1x1024x32xf32, #tpu.memory_space<hbm>>
    %dma_start3A_63 = tpu.memref_squeeze %dma_start3A_62 : memref<1x1x1024x32xf32, #tpu.memory_space<hbm>> -> memref<1024x32xf32, #tpu.memory_space<hbm>>
    %dma_start3A_64 = arith.constant 0 : i32
    %dma_start3A_65 = arith.constant 0 : i32
    %dma_start3A_66 = tpu.memref_slice %arg4[%add3A, %dma_start3A_59, %dma_start3A_64, %dma_start3A_65] : memref<32x5x1024x32xf32, #tpu.memory_space<hbm>> -> memref<1x1x1024x32xf32, #tpu.memory_space<hbm>>
    %dma_start3A_67 = tpu.memref_squeeze %dma_start3A_66 : memref<1x1x1024x32xf32, #tpu.memory_space<hbm>> -> memref<1024x32xf32, #tpu.memory_space<hbm>>
    tpu.enqueue_dma source(%arg7 : memref<1024x32xf32, #tpu.memory_space<vmem>>) target(%dma_start3A_67 : memref<1024x32xf32, #tpu.memory_space<hbm>>) target_semaphore(%arg11 : memref<!tpu.dma_semaphore, #tpu.memory_space<semaphore_mem>>)
    %run_scoped3A_68 = arith.constant 4 : i32
    "tpu.region"() ({
      %run_scoped3A_123 = tpu.sem_alloc : memref<!tpu.dma_semaphore, #tpu.memory_space<semaphore_mem>>
      %dma_start3A_124 = arith.constant 0 : i32
      %dma_start3A_125 = tpu.memref_slice %arg3[%add3A, %run_scoped3A_68, %dma_start3A_124] : memref<32x5x1024xi32, #tpu.memory_space<hbm>> -> memref<1x1x1024xi32, #tpu.memory_space<hbm>>
      %dma_start3A_126 = tpu.memref_squeeze %dma_start3A_125 : memref<1x1x1024xi32, #tpu.memory_space<hbm>> -> memref<1024xi32, #tpu.memory_space<hbm>>
      %dma_start3A_127 = arith.constant 0 : i32
      %dma_start3A_128 = tpu.memref_slice %arg3[%add3A, %run_scoped3A_68, %dma_start3A_127] : memref<32x5x1024xi32, #tpu.memory_space<hbm>> -> memref<1x1x1024xi32, #tpu.memory_space<hbm>>
      %dma_start3A_129 = tpu.memref_squeeze %dma_start3A_128 : memref<1x1x1024xi32, #tpu.memory_space<hbm>> -> memref<1024xi32, #tpu.memory_space<hbm>>
      tpu.enqueue_dma source(%dma_start3A_129 : memref<1024xi32, #tpu.memory_space<hbm>>) target(%arg5 : memref<1024xi32, #tpu.memory_space<vmem>>) target_semaphore(%run_scoped3A_123 : memref<!tpu.dma_semaphore, #tpu.memory_space<semaphore_mem>>)
      %dma_wait3A_130 = arith.constant 0 : i32
      %dma_wait3A_131 = tpu.memref_slice %arg3[%add3A, %run_scoped3A_68, %dma_wait3A_130] : memref<32x5x1024xi32, #tpu.memory_space<hbm>> -> memref<1x1x1024xi32, #tpu.memory_space<hbm>>
      %dma_wait3A_132 = tpu.memref_squeeze %dma_wait3A_131 : memref<1x1x1024xi32, #tpu.memory_space<hbm>> -> memref<1024xi32, #tpu.memory_space<hbm>>
      %dma_wait3A_133 = arith.constant 0 : i32
      %dma_wait3A_134 = tpu.memref_slice %arg3[%add3A, %run_scoped3A_68, %dma_wait3A_133] : memref<32x5x1024xi32, #tpu.memory_space<hbm>> -> memref<1x1x1024xi32, #tpu.memory_space<hbm>>
      %dma_wait3A_135 = tpu.memref_squeeze %dma_wait3A_134 : memref<1x1x1024xi32, #tpu.memory_space<hbm>> -> memref<1024xi32, #tpu.memory_space<hbm>>
      tpu.wait_dma2 semaphore(%run_scoped3A_123 : memref<!tpu.dma_semaphore, #tpu.memory_space<semaphore_mem>>) src(%dma_wait3A_135 : memref<1024xi32, #tpu.memory_space<hbm>>) dst(%arg5 : memref<1024xi32, #tpu.memory_space<vmem>>)
      tpu.yield
    }) : () -> ()
    %dma_wait3A_69 = arith.constant 0 : i32
    %dma_wait3A_70 = arith.constant 0 : i32
    %dma_wait3A_71 = tpu.memref_slice %arg2[%dma_wait3A_69, %dma_wait3A_70] : memref<10000x32xf32, #tpu.memory_space<hbm>> -> memref<10000x32xf32, #tpu.memory_space<hbm>>
    tpu.wait_indirect_dma semaphore(%arg10 : memref<!tpu.dma_semaphore, #tpu.memory_space<semaphore_mem>>) src(%dma_wait3A_71 : memref<10000x32xf32, #tpu.memory_space<hbm>>) dst(%arg8 : memref<1024x32xf32, #tpu.memory_space<vmem>>)
    %dma_wait3A_72 = arith.constant 2 : i32
    %dma_wait3A_73 = arith.constant 0 : i32
    %dma_wait3A_74 = arith.constant 0 : i32
    %dma_wait3A_75 = tpu.memref_slice %arg4[%add3A, %dma_wait3A_72, %dma_wait3A_73, %dma_wait3A_74] : memref<32x5x1024x32xf32, #tpu.memory_space<hbm>> -> memref<1x1x1024x32xf32, #tpu.memory_space<hbm>>
    %dma_wait3A_76 = tpu.memref_squeeze %dma_wait3A_75 : memref<1x1x1024x32xf32, #tpu.memory_space<hbm>> -> memref<1024x32xf32, #tpu.memory_space<hbm>>
    %dma_wait3A_77 = arith.constant 0 : i32
    %dma_wait3A_78 = arith.constant 0 : i32
    %dma_wait3A_79 = tpu.memref_slice %arg4[%add3A, %dma_wait3A_72, %dma_wait3A_77, %dma_wait3A_78] : memref<32x5x1024x32xf32, #tpu.memory_space<hbm>> -> memref<1x1x1024x32xf32, #tpu.memory_space<hbm>>
    %dma_wait3A_80 = tpu.memref_squeeze %dma_wait3A_79 : memref<1x1x1024x32xf32, #tpu.memory_space<hbm>> -> memref<1024x32xf32, #tpu.memory_space<hbm>>
    tpu.wait_dma2 semaphore(%arg11 : memref<!tpu.dma_semaphore, #tpu.memory_space<semaphore_mem>>) src(%arg7 : memref<1024x32xf32, #tpu.memory_space<vmem>>) dst(%dma_wait3A_80 : memref<1024x32xf32, #tpu.memory_space<hbm>>)
    %dma_start3A_81 = arith.constant 0 : i32
    %dma_start3A_82 = arith.constant 0 : i32
    %dma_start3A_83 = tpu.memref_slice %arg2[%dma_start3A_81, %dma_start3A_82] : memref<10000x32xf32, #tpu.memory_space<hbm>> -> memref<10000x32xf32, #tpu.memory_space<hbm>>
    tpu.enqueue_indirect_dma source(%dma_start3A_83 : memref<10000x32xf32, #tpu.memory_space<hbm>>) target(%arg7 : memref<1024x32xf32, #tpu.memory_space<vmem>>) offsets(%arg5 : memref<1024xi32, #tpu.memory_space<vmem>>) semaphore(%arg9 : memref<!tpu.dma_semaphore, #tpu.memory_space<semaphore_mem>>)
    %dma_start3A_84 = arith.constant 3 : i32
    %dma_start3A_85 = arith.constant 0 : i32
    %dma_start3A_86 = arith.constant 0 : i32
    %dma_start3A_87 = tpu.memref_slice %arg4[%add3A, %dma_start3A_84, %dma_start3A_85, %dma_start3A_86] : memref<32x5x1024x32xf32, #tpu.memory_space<hbm>> -> memref<1x1x1024x32xf32, #tpu.memory_space<hbm>>
    %dma_start3A_88 = tpu.memref_squeeze %dma_start3A_87 : memref<1x1x1024x32xf32, #tpu.memory_space<hbm>> -> memref<1024x32xf32, #tpu.memory_space<hbm>>
    %dma_start3A_89 = arith.constant 0 : i32
    %dma_start3A_90 = arith.constant 0 : i32
    %dma_start3A_91 = tpu.memref_slice %arg4[%add3A, %dma_start3A_84, %dma_start3A_89, %dma_start3A_90] : memref<32x5x1024x32xf32, #tpu.memory_space<hbm>> -> memref<1x1x1024x32xf32, #tpu.memory_space<hbm>>
    %dma_start3A_92 = tpu.memref_squeeze %dma_start3A_91 : memref<1x1x1024x32xf32, #tpu.memory_space<hbm>> -> memref<1024x32xf32, #tpu.memory_space<hbm>>
    tpu.enqueue_dma source(%arg8 : memref<1024x32xf32, #tpu.memory_space<vmem>>) target(%dma_start3A_92 : memref<1024x32xf32, #tpu.memory_space<hbm>>) target_semaphore(%arg12 : memref<!tpu.dma_semaphore, #tpu.memory_space<semaphore_mem>>)
    %dma_wait3A_93 = arith.constant 0 : i32
    %dma_wait3A_94 = arith.constant 0 : i32
    %dma_wait3A_95 = tpu.memref_slice %arg2[%dma_wait3A_93, %dma_wait3A_94] : memref<10000x32xf32, #tpu.memory_space<hbm>> -> memref<10000x32xf32, #tpu.memory_space<hbm>>
    tpu.wait_indirect_dma semaphore(%arg9 : memref<!tpu.dma_semaphore, #tpu.memory_space<semaphore_mem>>) src(%dma_wait3A_95 : memref<10000x32xf32, #tpu.memory_space<hbm>>) dst(%arg7 : memref<1024x32xf32, #tpu.memory_space<vmem>>)
    %dma_start3A_96 = arith.constant 4 : i32
    %dma_start3A_97 = arith.constant 0 : i32
    %dma_start3A_98 = arith.constant 0 : i32
    %dma_start3A_99 = tpu.memref_slice %arg4[%add3A, %dma_start3A_96, %dma_start3A_97, %dma_start3A_98] : memref<32x5x1024x32xf32, #tpu.memory_space<hbm>> -> memref<1x1x1024x32xf32, #tpu.memory_space<hbm>>
    %dma_start3A_100 = tpu.memref_squeeze %dma_start3A_99 : memref<1x1x1024x32xf32, #tpu.memory_space<hbm>> -> memref<1024x32xf32, #tpu.memory_space<hbm>>
    %dma_start3A_101 = arith.constant 0 : i32
    %dma_start3A_102 = arith.constant 0 : i32
    %dma_start3A_103 = tpu.memref_slice %arg4[%add3A, %dma_start3A_96, %dma_start3A_101, %dma_start3A_102] : memref<32x5x1024x32xf32, #tpu.memory_space<hbm>> -> memref<1x1x1024x32xf32, #tpu.memory_space<hbm>>
    %dma_start3A_104 = tpu.memref_squeeze %dma_start3A_103 : memref<1x1x1024x32xf32, #tpu.memory_space<hbm>> -> memref<1024x32xf32, #tpu.memory_space<hbm>>
    tpu.enqueue_dma source(%arg7 : memref<1024x32xf32, #tpu.memory_space<vmem>>) target(%dma_start3A_104 : memref<1024x32xf32, #tpu.memory_space<hbm>>) target_semaphore(%arg11 : memref<!tpu.dma_semaphore, #tpu.memory_space<semaphore_mem>>)
    %dma_wait3A_105 = arith.constant 4 : i32
    %dma_wait3A_106 = arith.constant 0 : i32
    %dma_wait3A_107 = arith.constant 0 : i32
    %dma_wait3A_108 = tpu.memref_slice %arg4[%add3A, %dma_wait3A_105, %dma_wait3A_106, %dma_wait3A_107] : memref<32x5x1024x32xf32, #tpu.memory_space<hbm>> -> memref<1x1x1024x32xf32, #tpu.memory_space<hbm>>
    %dma_wait3A_109 = tpu.memref_squeeze %dma_wait3A_108 : memref<1x1x1024x32xf32, #tpu.memory_space<hbm>> -> memref<1024x32xf32, #tpu.memory_space<hbm>>
    %dma_wait3A_110 = arith.constant 0 : i32
    %dma_wait3A_111 = arith.constant 0 : i32
    %dma_wait3A_112 = tpu.memref_slice %arg4[%add3A, %dma_wait3A_105, %dma_wait3A_110, %dma_wait3A_111] : memref<32x5x1024x32xf32, #tpu.memory_space<hbm>> -> memref<1x1x1024x32xf32, #tpu.memory_space<hbm>>
    %dma_wait3A_113 = tpu.memref_squeeze %dma_wait3A_112 : memref<1x1x1024x32xf32, #tpu.memory_space<hbm>> -> memref<1024x32xf32, #tpu.memory_space<hbm>>
    tpu.wait_dma2 semaphore(%arg11 : memref<!tpu.dma_semaphore, #tpu.memory_space<semaphore_mem>>) src(%arg7 : memref<1024x32xf32, #tpu.memory_space<vmem>>) dst(%dma_wait3A_113 : memref<1024x32xf32, #tpu.memory_space<hbm>>)
    %dma_wait3A_114 = arith.constant 3 : i32
    %dma_wait3A_115 = arith.constant 0 : i32
    %dma_wait3A_116 = arith.constant 0 : i32
    %dma_wait3A_117 = tpu.memref_slice %arg4[%add3A, %dma_wait3A_114, %dma_wait3A_115, %dma_wait3A_116] : memref<32x5x1024x32xf32, #tpu.memory_space<hbm>> -> memref<1x1x1024x32xf32, #tpu.memory_space<hbm>>
    %dma_wait3A_118 = tpu.memref_squeeze %dma_wait3A_117 : memref<1x1x1024x32xf32, #tpu.memory_space<hbm>> -> memref<1024x32xf32, #tpu.memory_space<hbm>>
    %dma_wait3A_119 = arith.constant 0 : i32
    %dma_wait3A_120 = arith.constant 0 : i32
    %dma_wait3A_121 = tpu.memref_slice %arg4[%add3A, %dma_wait3A_114, %dma_wait3A_119, %dma_wait3A_120] : memref<32x5x1024x32xf32, #tpu.memory_space<hbm>> -> memref<1x1x1024x32xf32, #tpu.memory_space<hbm>>
    %dma_wait3A_122 = tpu.memref_squeeze %dma_wait3A_121 : memref<1x1x1024x32xf32, #tpu.memory_space<hbm>> -> memref<1024x32xf32, #tpu.memory_space<hbm>>
    tpu.wait_dma2 semaphore(%arg12 : memref<!tpu.dma_semaphore, #tpu.memory_space<semaphore_mem>>) src(%arg8 : memref<1024x32xf32, #tpu.memory_space<vmem>>) dst(%dma_wait3A_122 : memref<1024x32xf32, #tpu.memory_space<hbm>>)
    return
  }
}

#map = affine_map<(d0, d1) -> (0, 0, 0, 0)>
#map1 = affine_map<(d0, d1) -> (0, 0, 0)>
#map2 = affine_map<(d0, d1) -> (0, 0)>
module attributes {stable_mosaic.version = 14 : i64} {
  func.func @_edge_scatter(%arg0: i32, %arg1: i32, %arg2: memref<32x5x1024x32xf32, #tpu.memory_space<hbm>>, %arg3: memref<32x5x1024xi32, #tpu.memory_space<hbm>>, %arg4: memref<640x32xf32, #tpu.memory_space<hbm>>, %arg5: memref<2x10240x32xf32, #tpu.memory_space<hbm>>, %arg6: memref<1024xi32, #tpu.memory_space<vmem>>, %arg7: memref<1024xi32, #tpu.memory_space<vmem>>, %arg8: memref<1024x32xf32, #tpu.memory_space<vmem>>, %arg9: memref<1024x32xf32, #tpu.memory_space<vmem>>, %arg10: memref<10240x32xf32, #tpu.memory_space<vmem_shared>>, %arg11: memref<!tpu.dma_semaphore, #tpu.memory_space<semaphore_mem>>, %arg12: memref<!tpu.dma_semaphore, #tpu.memory_space<semaphore_mem>>) attributes {dimension_semantics = [#tpu.dimension_semantics<core_parallel>, #tpu.dimension_semantics<subcore_parallel>], iteration_bounds = array<i64: 2, 16>, scalar_prefetch = 0 : i64, scratch_operands = 7 : i64, tpu.core_type = #tpu.core_type<sc_vector_subcore>, window_params = [{transform_indices = #map}, {transform_indices = #map1}, {transform_indices = #map2}, {transform_indices = #map1}]} {
    %mul3A = arith.constant 2 : i32
    %mul3A_0 = arith.muli %arg1, %mul3A : i32
    %add3A = arith.addi %mul3A_0, %arg0 : i32
    %run_scoped3A = arith.constant 0 : i32
    "tpu.region"() ({
      %run_scoped3A_100 = tpu.sem_alloc : memref<!tpu.dma_semaphore, #tpu.memory_space<semaphore_mem>>
      %dma_start3A_101 = arith.constant 0 : i32
      %dma_start3A_102 = tpu.memref_slice %arg3[%add3A, %run_scoped3A, %dma_start3A_101] : memref<32x5x1024xi32, #tpu.memory_space<hbm>> -> memref<1x1x1024xi32, #tpu.memory_space<hbm>>
      %dma_start3A_103 = tpu.memref_squeeze %dma_start3A_102 : memref<1x1x1024xi32, #tpu.memory_space<hbm>> -> memref<1024xi32, #tpu.memory_space<hbm>>
      %dma_start3A_104 = arith.constant 0 : i32
      %dma_start3A_105 = tpu.memref_slice %arg3[%add3A, %run_scoped3A, %dma_start3A_104] : memref<32x5x1024xi32, #tpu.memory_space<hbm>> -> memref<1x1x1024xi32, #tpu.memory_space<hbm>>
      %dma_start3A_106 = tpu.memref_squeeze %dma_start3A_105 : memref<1x1x1024xi32, #tpu.memory_space<hbm>> -> memref<1024xi32, #tpu.memory_space<hbm>>
      tpu.enqueue_dma source(%dma_start3A_106 : memref<1024xi32, #tpu.memory_space<hbm>>) target(%arg6 : memref<1024xi32, #tpu.memory_space<vmem>>) target_semaphore(%run_scoped3A_100 : memref<!tpu.dma_semaphore, #tpu.memory_space<semaphore_mem>>)
      %dma_wait3A_107 = arith.constant 0 : i32
      %dma_wait3A_108 = tpu.memref_slice %arg3[%add3A, %run_scoped3A, %dma_wait3A_107] : memref<32x5x1024xi32, #tpu.memory_space<hbm>> -> memref<1x1x1024xi32, #tpu.memory_space<hbm>>
      %dma_wait3A_109 = tpu.memref_squeeze %dma_wait3A_108 : memref<1x1x1024xi32, #tpu.memory_space<hbm>> -> memref<1024xi32, #tpu.memory_space<hbm>>
      %dma_wait3A_110 = arith.constant 0 : i32
      %dma_wait3A_111 = tpu.memref_slice %arg3[%add3A, %run_scoped3A, %dma_wait3A_110] : memref<32x5x1024xi32, #tpu.memory_space<hbm>> -> memref<1x1x1024xi32, #tpu.memory_space<hbm>>
      %dma_wait3A_112 = tpu.memref_squeeze %dma_wait3A_111 : memref<1x1x1024xi32, #tpu.memory_space<hbm>> -> memref<1024xi32, #tpu.memory_space<hbm>>
      tpu.wait_dma2 semaphore(%run_scoped3A_100 : memref<!tpu.dma_semaphore, #tpu.memory_space<semaphore_mem>>) src(%dma_wait3A_112 : memref<1024xi32, #tpu.memory_space<hbm>>) dst(%arg6 : memref<1024xi32, #tpu.memory_space<vmem>>)
      tpu.yield
    }) : () -> ()
    %dma_start3A = arith.constant 0 : i32
    %dma_start3A_1 = arith.constant 0 : i32
    %dma_start3A_2 = arith.constant 0 : i32
    %dma_start3A_3 = tpu.memref_slice %arg2[%add3A, %dma_start3A, %dma_start3A_1, %dma_start3A_2] : memref<32x5x1024x32xf32, #tpu.memory_space<hbm>> -> memref<1x1x1024x32xf32, #tpu.memory_space<hbm>>
    %dma_start3A_4 = tpu.memref_squeeze %dma_start3A_3 : memref<1x1x1024x32xf32, #tpu.memory_space<hbm>> -> memref<1024x32xf32, #tpu.memory_space<hbm>>
    %dma_start3A_5 = arith.constant 0 : i32
    %dma_start3A_6 = arith.constant 0 : i32
    %dma_start3A_7 = tpu.memref_slice %arg2[%add3A, %dma_start3A, %dma_start3A_5, %dma_start3A_6] : memref<32x5x1024x32xf32, #tpu.memory_space<hbm>> -> memref<1x1x1024x32xf32, #tpu.memory_space<hbm>>
    %dma_start3A_8 = tpu.memref_squeeze %dma_start3A_7 : memref<1x1x1024x32xf32, #tpu.memory_space<hbm>> -> memref<1024x32xf32, #tpu.memory_space<hbm>>
    tpu.enqueue_dma source(%dma_start3A_8 : memref<1024x32xf32, #tpu.memory_space<hbm>>) target(%arg8 : memref<1024x32xf32, #tpu.memory_space<vmem>>) target_semaphore(%arg11 : memref<!tpu.dma_semaphore, #tpu.memory_space<semaphore_mem>>)
    %mul3A_9 = arith.constant 640 : i32
    %mul3A_10 = arith.muli %arg1, %mul3A_9 : i32
    "tpu.region"() ({
      %run_scoped3A_100 = tpu.sem_alloc : memref<!tpu.dma_semaphore, #tpu.memory_space<semaphore_mem>>
      %dma_start3A_101 = arith.constant 0 : i32
      %dma_start3A_102 = tpu.memref_slice %arg10[%mul3A_10, %dma_start3A_101] : memref<10240x32xf32, #tpu.memory_space<vmem_shared>> -> memref<640x32xf32, #tpu.memory_space<vmem_shared>>
      tpu.enqueue_dma source(%arg4 : memref<640x32xf32, #tpu.memory_space<hbm>>) target(%dma_start3A_102 : memref<640x32xf32, #tpu.memory_space<vmem_shared>>) target_semaphore(%run_scoped3A_100 : memref<!tpu.dma_semaphore, #tpu.memory_space<semaphore_mem>>)
      %dma_wait3A_103 = arith.constant 0 : i32
      %dma_wait3A_104 = tpu.memref_slice %arg10[%mul3A_10, %dma_wait3A_103] : memref<10240x32xf32, #tpu.memory_space<vmem_shared>> -> memref<640x32xf32, #tpu.memory_space<vmem_shared>>
      tpu.wait_dma2 semaphore(%run_scoped3A_100 : memref<!tpu.dma_semaphore, #tpu.memory_space<semaphore_mem>>) src(%arg4 : memref<640x32xf32, #tpu.memory_space<hbm>>) dst(%dma_wait3A_104 : memref<640x32xf32, #tpu.memory_space<vmem_shared>>)
      tpu.yield
    }) : () -> ()
    %barrier3A = arith.constant 0 : index
    tpu.barrier barrier_id(%barrier3A)
    %run_scoped3A_11 = arith.constant 1 : i32
    "tpu.region"() ({
      %run_scoped3A_100 = tpu.sem_alloc : memref<!tpu.dma_semaphore, #tpu.memory_space<semaphore_mem>>
      %dma_start3A_101 = arith.constant 0 : i32
      %dma_start3A_102 = tpu.memref_slice %arg3[%add3A, %run_scoped3A_11, %dma_start3A_101] : memref<32x5x1024xi32, #tpu.memory_space<hbm>> -> memref<1x1x1024xi32, #tpu.memory_space<hbm>>
      %dma_start3A_103 = tpu.memref_squeeze %dma_start3A_102 : memref<1x1x1024xi32, #tpu.memory_space<hbm>> -> memref<1024xi32, #tpu.memory_space<hbm>>
      %dma_start3A_104 = arith.constant 0 : i32
      %dma_start3A_105 = tpu.memref_slice %arg3[%add3A, %run_scoped3A_11, %dma_start3A_104] : memref<32x5x1024xi32, #tpu.memory_space<hbm>> -> memref<1x1x1024xi32, #tpu.memory_space<hbm>>
      %dma_start3A_106 = tpu.memref_squeeze %dma_start3A_105 : memref<1x1x1024xi32, #tpu.memory_space<hbm>> -> memref<1024xi32, #tpu.memory_space<hbm>>
      tpu.enqueue_dma source(%dma_start3A_106 : memref<1024xi32, #tpu.memory_space<hbm>>) target(%arg7 : memref<1024xi32, #tpu.memory_space<vmem>>) target_semaphore(%run_scoped3A_100 : memref<!tpu.dma_semaphore, #tpu.memory_space<semaphore_mem>>)
      %dma_wait3A_107 = arith.constant 0 : i32
      %dma_wait3A_108 = tpu.memref_slice %arg3[%add3A, %run_scoped3A_11, %dma_wait3A_107] : memref<32x5x1024xi32, #tpu.memory_space<hbm>> -> memref<1x1x1024xi32, #tpu.memory_space<hbm>>
      %dma_wait3A_109 = tpu.memref_squeeze %dma_wait3A_108 : memref<1x1x1024xi32, #tpu.memory_space<hbm>> -> memref<1024xi32, #tpu.memory_space<hbm>>
      %dma_wait3A_110 = arith.constant 0 : i32
      %dma_wait3A_111 = tpu.memref_slice %arg3[%add3A, %run_scoped3A_11, %dma_wait3A_110] : memref<32x5x1024xi32, #tpu.memory_space<hbm>> -> memref<1x1x1024xi32, #tpu.memory_space<hbm>>
      %dma_wait3A_112 = tpu.memref_squeeze %dma_wait3A_111 : memref<1x1x1024xi32, #tpu.memory_space<hbm>> -> memref<1024xi32, #tpu.memory_space<hbm>>
      tpu.wait_dma2 semaphore(%run_scoped3A_100 : memref<!tpu.dma_semaphore, #tpu.memory_space<semaphore_mem>>) src(%dma_wait3A_112 : memref<1024xi32, #tpu.memory_space<hbm>>) dst(%arg7 : memref<1024xi32, #tpu.memory_space<vmem>>)
      tpu.yield
    }) : () -> ()
    %dma_start3A_12 = arith.constant 1 : i32
    %dma_start3A_13 = arith.constant 0 : i32
    %dma_start3A_14 = arith.constant 0 : i32
    %dma_start3A_15 = tpu.memref_slice %arg2[%add3A, %dma_start3A_12, %dma_start3A_13, %dma_start3A_14] : memref<32x5x1024x32xf32, #tpu.memory_space<hbm>> -> memref<1x1x1024x32xf32, #tpu.memory_space<hbm>>
    %dma_start3A_16 = tpu.memref_squeeze %dma_start3A_15 : memref<1x1x1024x32xf32, #tpu.memory_space<hbm>> -> memref<1024x32xf32, #tpu.memory_space<hbm>>
    %dma_start3A_17 = arith.constant 0 : i32
    %dma_start3A_18 = arith.constant 0 : i32
    %dma_start3A_19 = tpu.memref_slice %arg2[%add3A, %dma_start3A_12, %dma_start3A_17, %dma_start3A_18] : memref<32x5x1024x32xf32, #tpu.memory_space<hbm>> -> memref<1x1x1024x32xf32, #tpu.memory_space<hbm>>
    %dma_start3A_20 = tpu.memref_squeeze %dma_start3A_19 : memref<1x1x1024x32xf32, #tpu.memory_space<hbm>> -> memref<1024x32xf32, #tpu.memory_space<hbm>>
    tpu.enqueue_dma source(%dma_start3A_20 : memref<1024x32xf32, #tpu.memory_space<hbm>>) target(%arg9 : memref<1024x32xf32, #tpu.memory_space<vmem>>) target_semaphore(%arg12 : memref<!tpu.dma_semaphore, #tpu.memory_space<semaphore_mem>>)
    %dma_wait3A = arith.constant 0 : i32
    %dma_wait3A_21 = arith.constant 0 : i32
    %dma_wait3A_22 = arith.constant 0 : i32
    %dma_wait3A_23 = tpu.memref_slice %arg2[%add3A, %dma_wait3A, %dma_wait3A_21, %dma_wait3A_22] : memref<32x5x1024x32xf32, #tpu.memory_space<hbm>> -> memref<1x1x1024x32xf32, #tpu.memory_space<hbm>>
    %dma_wait3A_24 = tpu.memref_squeeze %dma_wait3A_23 : memref<1x1x1024x32xf32, #tpu.memory_space<hbm>> -> memref<1024x32xf32, #tpu.memory_space<hbm>>
    %dma_wait3A_25 = arith.constant 0 : i32
    %dma_wait3A_26 = arith.constant 0 : i32
    %dma_wait3A_27 = tpu.memref_slice %arg2[%add3A, %dma_wait3A, %dma_wait3A_25, %dma_wait3A_26] : memref<32x5x1024x32xf32, #tpu.memory_space<hbm>> -> memref<1x1x1024x32xf32, #tpu.memory_space<hbm>>
    %dma_wait3A_28 = tpu.memref_squeeze %dma_wait3A_27 : memref<1x1x1024x32xf32, #tpu.memory_space<hbm>> -> memref<1024x32xf32, #tpu.memory_space<hbm>>
    tpu.wait_dma2 semaphore(%arg11 : memref<!tpu.dma_semaphore, #tpu.memory_space<semaphore_mem>>) src(%dma_wait3A_28 : memref<1024x32xf32, #tpu.memory_space<hbm>>) dst(%arg8 : memref<1024x32xf32, #tpu.memory_space<vmem>>)
    "tpu.region"() ({
      %run_scoped3A_100 = tpu.sem_alloc : memref<!tpu.dma_semaphore, #tpu.memory_space<semaphore_mem>>
      %dma_start3A_101 = arith.constant 0 : i32
      %dma_start3A_102 = arith.constant 0 : i32
      %dma_start3A_103 = tpu.memref_slice %arg10[%dma_start3A_101, %dma_start3A_102] : memref<10240x32xf32, #tpu.memory_space<vmem_shared>> -> memref<10240x32xf32, #tpu.memory_space<vmem_shared>>
      tpu.enqueue_indirect_dma source(%arg8 : memref<1024x32xf32, #tpu.memory_space<vmem>>) target(%dma_start3A_103 : memref<10240x32xf32, #tpu.memory_space<vmem_shared>>) offsets(%arg6 : memref<1024xi32, #tpu.memory_space<vmem>>) semaphore(%run_scoped3A_100 : memref<!tpu.dma_semaphore, #tpu.memory_space<semaphore_mem>>) {add = true}
      %dma_wait3A_104 = arith.constant 0 : i32
      %dma_wait3A_105 = arith.constant 0 : i32
      %dma_wait3A_106 = tpu.memref_slice %arg10[%dma_wait3A_104, %dma_wait3A_105] : memref<10240x32xf32, #tpu.memory_space<vmem_shared>> -> memref<10240x32xf32, #tpu.memory_space<vmem_shared>>
      tpu.wait_indirect_dma semaphore(%run_scoped3A_100 : memref<!tpu.dma_semaphore, #tpu.memory_space<semaphore_mem>>) src(%arg8 : memref<1024x32xf32, #tpu.memory_space<vmem>>) dst(%dma_wait3A_106 : memref<10240x32xf32, #tpu.memory_space<vmem_shared>>)
      tpu.yield
    }) : () -> ()
    %run_scoped3A_29 = arith.constant 2 : i32
    "tpu.region"() ({
      %run_scoped3A_100 = tpu.sem_alloc : memref<!tpu.dma_semaphore, #tpu.memory_space<semaphore_mem>>
      %dma_start3A_101 = arith.constant 0 : i32
      %dma_start3A_102 = tpu.memref_slice %arg3[%add3A, %run_scoped3A_29, %dma_start3A_101] : memref<32x5x1024xi32, #tpu.memory_space<hbm>> -> memref<1x1x1024xi32, #tpu.memory_space<hbm>>
      %dma_start3A_103 = tpu.memref_squeeze %dma_start3A_102 : memref<1x1x1024xi32, #tpu.memory_space<hbm>> -> memref<1024xi32, #tpu.memory_space<hbm>>
      %dma_start3A_104 = arith.constant 0 : i32
      %dma_start3A_105 = tpu.memref_slice %arg3[%add3A, %run_scoped3A_29, %dma_start3A_104] : memref<32x5x1024xi32, #tpu.memory_space<hbm>> -> memref<1x1x1024xi32, #tpu.memory_space<hbm>>
      %dma_start3A_106 = tpu.memref_squeeze %dma_start3A_105 : memref<1x1x1024xi32, #tpu.memory_space<hbm>> -> memref<1024xi32, #tpu.memory_space<hbm>>
      tpu.enqueue_dma source(%dma_start3A_106 : memref<1024xi32, #tpu.memory_space<hbm>>) target(%arg6 : memref<1024xi32, #tpu.memory_space<vmem>>) target_semaphore(%run_scoped3A_100 : memref<!tpu.dma_semaphore, #tpu.memory_space<semaphore_mem>>)
      %dma_wait3A_107 = arith.constant 0 : i32
      %dma_wait3A_108 = tpu.memref_slice %arg3[%add3A, %run_scoped3A_29, %dma_wait3A_107] : memref<32x5x1024xi32, #tpu.memory_space<hbm>> -> memref<1x1x1024xi32, #tpu.memory_space<hbm>>
      %dma_wait3A_109 = tpu.memref_squeeze %dma_wait3A_108 : memref<1x1x1024xi32, #tpu.memory_space<hbm>> -> memref<1024xi32, #tpu.memory_space<hbm>>
      %dma_wait3A_110 = arith.constant 0 : i32
      %dma_wait3A_111 = tpu.memref_slice %arg3[%add3A, %run_scoped3A_29, %dma_wait3A_110] : memref<32x5x1024xi32, #tpu.memory_space<hbm>> -> memref<1x1x1024xi32, #tpu.memory_space<hbm>>
      %dma_wait3A_112 = tpu.memref_squeeze %dma_wait3A_111 : memref<1x1x1024xi32, #tpu.memory_space<hbm>> -> memref<1024xi32, #tpu.memory_space<hbm>>
      tpu.wait_dma2 semaphore(%run_scoped3A_100 : memref<!tpu.dma_semaphore, #tpu.memory_space<semaphore_mem>>) src(%dma_wait3A_112 : memref<1024xi32, #tpu.memory_space<hbm>>) dst(%arg6 : memref<1024xi32, #tpu.memory_space<vmem>>)
      tpu.yield
    }) : () -> ()
    %dma_start3A_30 = arith.constant 2 : i32
    %dma_start3A_31 = arith.constant 0 : i32
    %dma_start3A_32 = arith.constant 0 : i32
    %dma_start3A_33 = tpu.memref_slice %arg2[%add3A, %dma_start3A_30, %dma_start3A_31, %dma_start3A_32] : memref<32x5x1024x32xf32, #tpu.memory_space<hbm>> -> memref<1x1x1024x32xf32, #tpu.memory_space<hbm>>
    %dma_start3A_34 = tpu.memref_squeeze %dma_start3A_33 : memref<1x1x1024x32xf32, #tpu.memory_space<hbm>> -> memref<1024x32xf32, #tpu.memory_space<hbm>>
    %dma_start3A_35 = arith.constant 0 : i32
    %dma_start3A_36 = arith.constant 0 : i32
    %dma_start3A_37 = tpu.memref_slice %arg2[%add3A, %dma_start3A_30, %dma_start3A_35, %dma_start3A_36] : memref<32x5x1024x32xf32, #tpu.memory_space<hbm>> -> memref<1x1x1024x32xf32, #tpu.memory_space<hbm>>
    %dma_start3A_38 = tpu.memref_squeeze %dma_start3A_37 : memref<1x1x1024x32xf32, #tpu.memory_space<hbm>> -> memref<1024x32xf32, #tpu.memory_space<hbm>>
    tpu.enqueue_dma source(%dma_start3A_38 : memref<1024x32xf32, #tpu.memory_space<hbm>>) target(%arg8 : memref<1024x32xf32, #tpu.memory_space<vmem>>) target_semaphore(%arg11 : memref<!tpu.dma_semaphore, #tpu.memory_space<semaphore_mem>>)
    %dma_wait3A_39 = arith.constant 1 : i32
    %dma_wait3A_40 = arith.constant 0 : i32
    %dma_wait3A_41 = arith.constant 0 : i32
    %dma_wait3A_42 = tpu.memref_slice %arg2[%add3A, %dma_wait3A_39, %dma_wait3A_40, %dma_wait3A_41] : memref<32x5x1024x32xf32, #tpu.memory_space<hbm>> -> memref<1x1x1024x32xf32, #tpu.memory_space<hbm>>
    %dma_wait3A_43 = tpu.memref_squeeze %dma_wait3A_42 : memref<1x1x1024x32xf32, #tpu.memory_space<hbm>> -> memref<1024x32xf32, #tpu.memory_space<hbm>>
    %dma_wait3A_44 = arith.constant 0 : i32
    %dma_wait3A_45 = arith.constant 0 : i32
    %dma_wait3A_46 = tpu.memref_slice %arg2[%add3A, %dma_wait3A_39, %dma_wait3A_44, %dma_wait3A_45] : memref<32x5x1024x32xf32, #tpu.memory_space<hbm>> -> memref<1x1x1024x32xf32, #tpu.memory_space<hbm>>
    %dma_wait3A_47 = tpu.memref_squeeze %dma_wait3A_46 : memref<1x1x1024x32xf32, #tpu.memory_space<hbm>> -> memref<1024x32xf32, #tpu.memory_space<hbm>>
    tpu.wait_dma2 semaphore(%arg12 : memref<!tpu.dma_semaphore, #tpu.memory_space<semaphore_mem>>) src(%dma_wait3A_47 : memref<1024x32xf32, #tpu.memory_space<hbm>>) dst(%arg9 : memref<1024x32xf32, #tpu.memory_space<vmem>>)
    "tpu.region"() ({
      %run_scoped3A_100 = tpu.sem_alloc : memref<!tpu.dma_semaphore, #tpu.memory_space<semaphore_mem>>
      %dma_start3A_101 = arith.constant 0 : i32
      %dma_start3A_102 = arith.constant 0 : i32
      %dma_start3A_103 = tpu.memref_slice %arg10[%dma_start3A_101, %dma_start3A_102] : memref<10240x32xf32, #tpu.memory_space<vmem_shared>> -> memref<10240x32xf32, #tpu.memory_space<vmem_shared>>
      tpu.enqueue_indirect_dma source(%arg9 : memref<1024x32xf32, #tpu.memory_space<vmem>>) target(%dma_start3A_103 : memref<10240x32xf32, #tpu.memory_space<vmem_shared>>) offsets(%arg7 : memref<1024xi32, #tpu.memory_space<vmem>>) semaphore(%run_scoped3A_100 : memref<!tpu.dma_semaphore, #tpu.memory_space<semaphore_mem>>) {add = true}
      %dma_wait3A_104 = arith.constant 0 : i32
      %dma_wait3A_105 = arith.constant 0 : i32
      %dma_wait3A_106 = tpu.memref_slice %arg10[%dma_wait3A_104, %dma_wait3A_105] : memref<10240x32xf32, #tpu.memory_space<vmem_shared>> -> memref<10240x32xf32, #tpu.memory_space<vmem_shared>>
      tpu.wait_indirect_dma semaphore(%run_scoped3A_100 : memref<!tpu.dma_semaphore, #tpu.memory_space<semaphore_mem>>) src(%arg9 : memref<1024x32xf32, #tpu.memory_space<vmem>>) dst(%dma_wait3A_106 : memref<10240x32xf32, #tpu.memory_space<vmem_shared>>)
      tpu.yield
    }) : () -> ()
    %run_scoped3A_48 = arith.constant 3 : i32
    "tpu.region"() ({
      %run_scoped3A_100 = tpu.sem_alloc : memref<!tpu.dma_semaphore, #tpu.memory_space<semaphore_mem>>
      %dma_start3A_101 = arith.constant 0 : i32
      %dma_start3A_102 = tpu.memref_slice %arg3[%add3A, %run_scoped3A_48, %dma_start3A_101] : memref<32x5x1024xi32, #tpu.memory_space<hbm>> -> memref<1x1x1024xi32, #tpu.memory_space<hbm>>
      %dma_start3A_103 = tpu.memref_squeeze %dma_start3A_102 : memref<1x1x1024xi32, #tpu.memory_space<hbm>> -> memref<1024xi32, #tpu.memory_space<hbm>>
      %dma_start3A_104 = arith.constant 0 : i32
      %dma_start3A_105 = tpu.memref_slice %arg3[%add3A, %run_scoped3A_48, %dma_start3A_104] : memref<32x5x1024xi32, #tpu.memory_space<hbm>> -> memref<1x1x1024xi32, #tpu.memory_space<hbm>>
      %dma_start3A_106 = tpu.memref_squeeze %dma_start3A_105 : memref<1x1x1024xi32, #tpu.memory_space<hbm>> -> memref<1024xi32, #tpu.memory_space<hbm>>
      tpu.enqueue_dma source(%dma_start3A_106 : memref<1024xi32, #tpu.memory_space<hbm>>) target(%arg7 : memref<1024xi32, #tpu.memory_space<vmem>>) target_semaphore(%run_scoped3A_100 : memref<!tpu.dma_semaphore, #tpu.memory_space<semaphore_mem>>)
      %dma_wait3A_107 = arith.constant 0 : i32
      %dma_wait3A_108 = tpu.memref_slice %arg3[%add3A, %run_scoped3A_48, %dma_wait3A_107] : memref<32x5x1024xi32, #tpu.memory_space<hbm>> -> memref<1x1x1024xi32, #tpu.memory_space<hbm>>
      %dma_wait3A_109 = tpu.memref_squeeze %dma_wait3A_108 : memref<1x1x1024xi32, #tpu.memory_space<hbm>> -> memref<1024xi32, #tpu.memory_space<hbm>>
      %dma_wait3A_110 = arith.constant 0 : i32
      %dma_wait3A_111 = tpu.memref_slice %arg3[%add3A, %run_scoped3A_48, %dma_wait3A_110] : memref<32x5x1024xi32, #tpu.memory_space<hbm>> -> memref<1x1x1024xi32, #tpu.memory_space<hbm>>
      %dma_wait3A_112 = tpu.memref_squeeze %dma_wait3A_111 : memref<1x1x1024xi32, #tpu.memory_space<hbm>> -> memref<1024xi32, #tpu.memory_space<hbm>>
      tpu.wait_dma2 semaphore(%run_scoped3A_100 : memref<!tpu.dma_semaphore, #tpu.memory_space<semaphore_mem>>) src(%dma_wait3A_112 : memref<1024xi32, #tpu.memory_space<hbm>>) dst(%arg7 : memref<1024xi32, #tpu.memory_space<vmem>>)
      tpu.yield
    }) : () -> ()
    %dma_start3A_49 = arith.constant 3 : i32
    %dma_start3A_50 = arith.constant 0 : i32
    %dma_start3A_51 = arith.constant 0 : i32
    %dma_start3A_52 = tpu.memref_slice %arg2[%add3A, %dma_start3A_49, %dma_start3A_50, %dma_start3A_51] : memref<32x5x1024x32xf32, #tpu.memory_space<hbm>> -> memref<1x1x1024x32xf32, #tpu.memory_space<hbm>>
    %dma_start3A_53 = tpu.memref_squeeze %dma_start3A_52 : memref<1x1x1024x32xf32, #tpu.memory_space<hbm>> -> memref<1024x32xf32, #tpu.memory_space<hbm>>
    %dma_start3A_54 = arith.constant 0 : i32
    %dma_start3A_55 = arith.constant 0 : i32
    %dma_start3A_56 = tpu.memref_slice %arg2[%add3A, %dma_start3A_49, %dma_start3A_54, %dma_start3A_55] : memref<32x5x1024x32xf32, #tpu.memory_space<hbm>> -> memref<1x1x1024x32xf32, #tpu.memory_space<hbm>>
    %dma_start3A_57 = tpu.memref_squeeze %dma_start3A_56 : memref<1x1x1024x32xf32, #tpu.memory_space<hbm>> -> memref<1024x32xf32, #tpu.memory_space<hbm>>
    tpu.enqueue_dma source(%dma_start3A_57 : memref<1024x32xf32, #tpu.memory_space<hbm>>) target(%arg9 : memref<1024x32xf32, #tpu.memory_space<vmem>>) target_semaphore(%arg12 : memref<!tpu.dma_semaphore, #tpu.memory_space<semaphore_mem>>)
    %dma_wait3A_58 = arith.constant 2 : i32
    %dma_wait3A_59 = arith.constant 0 : i32
    %dma_wait3A_60 = arith.constant 0 : i32
    %dma_wait3A_61 = tpu.memref_slice %arg2[%add3A, %dma_wait3A_58, %dma_wait3A_59, %dma_wait3A_60] : memref<32x5x1024x32xf32, #tpu.memory_space<hbm>> -> memref<1x1x1024x32xf32, #tpu.memory_space<hbm>>
    %dma_wait3A_62 = tpu.memref_squeeze %dma_wait3A_61 : memref<1x1x1024x32xf32, #tpu.memory_space<hbm>> -> memref<1024x32xf32, #tpu.memory_space<hbm>>
    %dma_wait3A_63 = arith.constant 0 : i32
    %dma_wait3A_64 = arith.constant 0 : i32
    %dma_wait3A_65 = tpu.memref_slice %arg2[%add3A, %dma_wait3A_58, %dma_wait3A_63, %dma_wait3A_64] : memref<32x5x1024x32xf32, #tpu.memory_space<hbm>> -> memref<1x1x1024x32xf32, #tpu.memory_space<hbm>>
    %dma_wait3A_66 = tpu.memref_squeeze %dma_wait3A_65 : memref<1x1x1024x32xf32, #tpu.memory_space<hbm>> -> memref<1024x32xf32, #tpu.memory_space<hbm>>
    tpu.wait_dma2 semaphore(%arg11 : memref<!tpu.dma_semaphore, #tpu.memory_space<semaphore_mem>>) src(%dma_wait3A_66 : memref<1024x32xf32, #tpu.memory_space<hbm>>) dst(%arg8 : memref<1024x32xf32, #tpu.memory_space<vmem>>)
    "tpu.region"() ({
      %run_scoped3A_100 = tpu.sem_alloc : memref<!tpu.dma_semaphore, #tpu.memory_space<semaphore_mem>>
      %dma_start3A_101 = arith.constant 0 : i32
      %dma_start3A_102 = arith.constant 0 : i32
      %dma_start3A_103 = tpu.memref_slice %arg10[%dma_start3A_101, %dma_start3A_102] : memref<10240x32xf32, #tpu.memory_space<vmem_shared>> -> memref<10240x32xf32, #tpu.memory_space<vmem_shared>>
      tpu.enqueue_indirect_dma source(%arg8 : memref<1024x32xf32, #tpu.memory_space<vmem>>) target(%dma_start3A_103 : memref<10240x32xf32, #tpu.memory_space<vmem_shared>>) offsets(%arg6 : memref<1024xi32, #tpu.memory_space<vmem>>) semaphore(%run_scoped3A_100 : memref<!tpu.dma_semaphore, #tpu.memory_space<semaphore_mem>>) {add = true}
      %dma_wait3A_104 = arith.constant 0 : i32
      %dma_wait3A_105 = arith.constant 0 : i32
      %dma_wait3A_106 = tpu.memref_slice %arg10[%dma_wait3A_104, %dma_wait3A_105] : memref<10240x32xf32, #tpu.memory_space<vmem_shared>> -> memref<10240x32xf32, #tpu.memory_space<vmem_shared>>
      tpu.wait_indirect_dma semaphore(%run_scoped3A_100 : memref<!tpu.dma_semaphore, #tpu.memory_space<semaphore_mem>>) src(%arg8 : memref<1024x32xf32, #tpu.memory_space<vmem>>) dst(%dma_wait3A_106 : memref<10240x32xf32, #tpu.memory_space<vmem_shared>>)
      tpu.yield
    }) : () -> ()
    %run_scoped3A_67 = arith.constant 4 : i32
    "tpu.region"() ({
      %run_scoped3A_100 = tpu.sem_alloc : memref<!tpu.dma_semaphore, #tpu.memory_space<semaphore_mem>>
      %dma_start3A_101 = arith.constant 0 : i32
      %dma_start3A_102 = tpu.memref_slice %arg3[%add3A, %run_scoped3A_67, %dma_start3A_101] : memref<32x5x1024xi32, #tpu.memory_space<hbm>> -> memref<1x1x1024xi32, #tpu.memory_space<hbm>>
      %dma_start3A_103 = tpu.memref_squeeze %dma_start3A_102 : memref<1x1x1024xi32, #tpu.memory_space<hbm>> -> memref<1024xi32, #tpu.memory_space<hbm>>
      %dma_start3A_104 = arith.constant 0 : i32
      %dma_start3A_105 = tpu.memref_slice %arg3[%add3A, %run_scoped3A_67, %dma_start3A_104] : memref<32x5x1024xi32, #tpu.memory_space<hbm>> -> memref<1x1x1024xi32, #tpu.memory_space<hbm>>
      %dma_start3A_106 = tpu.memref_squeeze %dma_start3A_105 : memref<1x1x1024xi32, #tpu.memory_space<hbm>> -> memref<1024xi32, #tpu.memory_space<hbm>>
      tpu.enqueue_dma source(%dma_start3A_106 : memref<1024xi32, #tpu.memory_space<hbm>>) target(%arg6 : memref<1024xi32, #tpu.memory_space<vmem>>) target_semaphore(%run_scoped3A_100 : memref<!tpu.dma_semaphore, #tpu.memory_space<semaphore_mem>>)
      %dma_wait3A_107 = arith.constant 0 : i32
      %dma_wait3A_108 = tpu.memref_slice %arg3[%add3A, %run_scoped3A_67, %dma_wait3A_107] : memref<32x5x1024xi32, #tpu.memory_space<hbm>> -> memref<1x1x1024xi32, #tpu.memory_space<hbm>>
      %dma_wait3A_109 = tpu.memref_squeeze %dma_wait3A_108 : memref<1x1x1024xi32, #tpu.memory_space<hbm>> -> memref<1024xi32, #tpu.memory_space<hbm>>
      %dma_wait3A_110 = arith.constant 0 : i32
      %dma_wait3A_111 = tpu.memref_slice %arg3[%add3A, %run_scoped3A_67, %dma_wait3A_110] : memref<32x5x1024xi32, #tpu.memory_space<hbm>> -> memref<1x1x1024xi32, #tpu.memory_space<hbm>>
      %dma_wait3A_112 = tpu.memref_squeeze %dma_wait3A_111 : memref<1x1x1024xi32, #tpu.memory_space<hbm>> -> memref<1024xi32, #tpu.memory_space<hbm>>
      tpu.wait_dma2 semaphore(%run_scoped3A_100 : memref<!tpu.dma_semaphore, #tpu.memory_space<semaphore_mem>>) src(%dma_wait3A_112 : memref<1024xi32, #tpu.memory_space<hbm>>) dst(%arg6 : memref<1024xi32, #tpu.memory_space<vmem>>)
      tpu.yield
    }) : () -> ()
    %dma_start3A_68 = arith.constant 4 : i32
    %dma_start3A_69 = arith.constant 0 : i32
    %dma_start3A_70 = arith.constant 0 : i32
    %dma_start3A_71 = tpu.memref_slice %arg2[%add3A, %dma_start3A_68, %dma_start3A_69, %dma_start3A_70] : memref<32x5x1024x32xf32, #tpu.memory_space<hbm>> -> memref<1x1x1024x32xf32, #tpu.memory_space<hbm>>
    %dma_start3A_72 = tpu.memref_squeeze %dma_start3A_71 : memref<1x1x1024x32xf32, #tpu.memory_space<hbm>> -> memref<1024x32xf32, #tpu.memory_space<hbm>>
    %dma_start3A_73 = arith.constant 0 : i32
    %dma_start3A_74 = arith.constant 0 : i32
    %dma_start3A_75 = tpu.memref_slice %arg2[%add3A, %dma_start3A_68, %dma_start3A_73, %dma_start3A_74] : memref<32x5x1024x32xf32, #tpu.memory_space<hbm>> -> memref<1x1x1024x32xf32, #tpu.memory_space<hbm>>
    %dma_start3A_76 = tpu.memref_squeeze %dma_start3A_75 : memref<1x1x1024x32xf32, #tpu.memory_space<hbm>> -> memref<1024x32xf32, #tpu.memory_space<hbm>>
    tpu.enqueue_dma source(%dma_start3A_76 : memref<1024x32xf32, #tpu.memory_space<hbm>>) target(%arg8 : memref<1024x32xf32, #tpu.memory_space<vmem>>) target_semaphore(%arg11 : memref<!tpu.dma_semaphore, #tpu.memory_space<semaphore_mem>>)
    %dma_wait3A_77 = arith.constant 3 : i32
    %dma_wait3A_78 = arith.constant 0 : i32
    %dma_wait3A_79 = arith.constant 0 : i32
    %dma_wait3A_80 = tpu.memref_slice %arg2[%add3A, %dma_wait3A_77, %dma_wait3A_78, %dma_wait3A_79] : memref<32x5x1024x32xf32, #tpu.memory_space<hbm>> -> memref<1x1x1024x32xf32, #tpu.memory_space<hbm>>
    %dma_wait3A_81 = tpu.memref_squeeze %dma_wait3A_80 : memref<1x1x1024x32xf32, #tpu.memory_space<hbm>> -> memref<1024x32xf32, #tpu.memory_space<hbm>>
    %dma_wait3A_82 = arith.constant 0 : i32
    %dma_wait3A_83 = arith.constant 0 : i32
    %dma_wait3A_84 = tpu.memref_slice %arg2[%add3A, %dma_wait3A_77, %dma_wait3A_82, %dma_wait3A_83] : memref<32x5x1024x32xf32, #tpu.memory_space<hbm>> -> memref<1x1x1024x32xf32, #tpu.memory_space<hbm>>
    %dma_wait3A_85 = tpu.memref_squeeze %dma_wait3A_84 : memref<1x1x1024x32xf32, #tpu.memory_space<hbm>> -> memref<1024x32xf32, #tpu.memory_space<hbm>>
    tpu.wait_dma2 semaphore(%arg12 : memref<!tpu.dma_semaphore, #tpu.memory_space<semaphore_mem>>) src(%dma_wait3A_85 : memref<1024x32xf32, #tpu.memory_space<hbm>>) dst(%arg9 : memref<1024x32xf32, #tpu.memory_space<vmem>>)
    "tpu.region"() ({
      %run_scoped3A_100 = tpu.sem_alloc : memref<!tpu.dma_semaphore, #tpu.memory_space<semaphore_mem>>
      %dma_start3A_101 = arith.constant 0 : i32
      %dma_start3A_102 = arith.constant 0 : i32
      %dma_start3A_103 = tpu.memref_slice %arg10[%dma_start3A_101, %dma_start3A_102] : memref<10240x32xf32, #tpu.memory_space<vmem_shared>> -> memref<10240x32xf32, #tpu.memory_space<vmem_shared>>
      tpu.enqueue_indirect_dma source(%arg9 : memref<1024x32xf32, #tpu.memory_space<vmem>>) target(%dma_start3A_103 : memref<10240x32xf32, #tpu.memory_space<vmem_shared>>) offsets(%arg7 : memref<1024xi32, #tpu.memory_space<vmem>>) semaphore(%run_scoped3A_100 : memref<!tpu.dma_semaphore, #tpu.memory_space<semaphore_mem>>) {add = true}
      %dma_wait3A_104 = arith.constant 0 : i32
      %dma_wait3A_105 = arith.constant 0 : i32
      %dma_wait3A_106 = tpu.memref_slice %arg10[%dma_wait3A_104, %dma_wait3A_105] : memref<10240x32xf32, #tpu.memory_space<vmem_shared>> -> memref<10240x32xf32, #tpu.memory_space<vmem_shared>>
      tpu.wait_indirect_dma semaphore(%run_scoped3A_100 : memref<!tpu.dma_semaphore, #tpu.memory_space<semaphore_mem>>) src(%arg9 : memref<1024x32xf32, #tpu.memory_space<vmem>>) dst(%dma_wait3A_106 : memref<10240x32xf32, #tpu.memory_space<vmem_shared>>)
      tpu.yield
    }) : () -> ()
    %dma_wait3A_86 = arith.constant 4 : i32
    %dma_wait3A_87 = arith.constant 0 : i32
    %dma_wait3A_88 = arith.constant 0 : i32
    %dma_wait3A_89 = tpu.memref_slice %arg2[%add3A, %dma_wait3A_86, %dma_wait3A_87, %dma_wait3A_88] : memref<32x5x1024x32xf32, #tpu.memory_space<hbm>> -> memref<1x1x1024x32xf32, #tpu.memory_space<hbm>>
    %dma_wait3A_90 = tpu.memref_squeeze %dma_wait3A_89 : memref<1x1x1024x32xf32, #tpu.memory_space<hbm>> -> memref<1024x32xf32, #tpu.memory_space<hbm>>
    %dma_wait3A_91 = arith.constant 0 : i32
    %dma_wait3A_92 = arith.constant 0 : i32
    %dma_wait3A_93 = tpu.memref_slice %arg2[%add3A, %dma_wait3A_86, %dma_wait3A_91, %dma_wait3A_92] : memref<32x5x1024x32xf32, #tpu.memory_space<hbm>> -> memref<1x1x1024x32xf32, #tpu.memory_space<hbm>>
    %dma_wait3A_94 = tpu.memref_squeeze %dma_wait3A_93 : memref<1x1x1024x32xf32, #tpu.memory_space<hbm>> -> memref<1024x32xf32, #tpu.memory_space<hbm>>
    tpu.wait_dma2 semaphore(%arg11 : memref<!tpu.dma_semaphore, #tpu.memory_space<semaphore_mem>>) src(%dma_wait3A_94 : memref<1024x32xf32, #tpu.memory_space<hbm>>) dst(%arg8 : memref<1024x32xf32, #tpu.memory_space<vmem>>)
    "tpu.region"() ({
      %run_scoped3A_100 = tpu.sem_alloc : memref<!tpu.dma_semaphore, #tpu.memory_space<semaphore_mem>>
      %dma_start3A_101 = arith.constant 0 : i32
      %dma_start3A_102 = arith.constant 0 : i32
      %dma_start3A_103 = tpu.memref_slice %arg10[%dma_start3A_101, %dma_start3A_102] : memref<10240x32xf32, #tpu.memory_space<vmem_shared>> -> memref<10240x32xf32, #tpu.memory_space<vmem_shared>>
      tpu.enqueue_indirect_dma source(%arg8 : memref<1024x32xf32, #tpu.memory_space<vmem>>) target(%dma_start3A_103 : memref<10240x32xf32, #tpu.memory_space<vmem_shared>>) offsets(%arg6 : memref<1024xi32, #tpu.memory_space<vmem>>) semaphore(%run_scoped3A_100 : memref<!tpu.dma_semaphore, #tpu.memory_space<semaphore_mem>>) {add = true}
      %dma_wait3A_104 = arith.constant 0 : i32
      %dma_wait3A_105 = arith.constant 0 : i32
      %dma_wait3A_106 = tpu.memref_slice %arg10[%dma_wait3A_104, %dma_wait3A_105] : memref<10240x32xf32, #tpu.memory_space<vmem_shared>> -> memref<10240x32xf32, #tpu.memory_space<vmem_shared>>
      tpu.wait_indirect_dma semaphore(%run_scoped3A_100 : memref<!tpu.dma_semaphore, #tpu.memory_space<semaphore_mem>>) src(%arg8 : memref<1024x32xf32, #tpu.memory_space<vmem>>) dst(%dma_wait3A_106 : memref<10240x32xf32, #tpu.memory_space<vmem_shared>>)
      tpu.yield
    }) : () -> ()
    %barrier3A_95 = arith.constant 0 : index
    tpu.barrier barrier_id(%barrier3A_95)
    %mul3A_96 = arith.constant 640 : i32
    %mul3A_97 = arith.muli %arg1, %mul3A_96 : i32
    %mul3A_98 = arith.constant 640 : i32
    %mul3A_99 = arith.muli %arg1, %mul3A_98 : i32
    "tpu.region"() ({
      %run_scoped3A_100 = tpu.sem_alloc : memref<!tpu.dma_semaphore, #tpu.memory_space<semaphore_mem>>
      %dma_start3A_101 = arith.constant 0 : i32
      %dma_start3A_102 = tpu.memref_slice %arg5[%arg0, %mul3A_99, %dma_start3A_101] : memref<2x10240x32xf32, #tpu.memory_space<hbm>> -> memref<1x640x32xf32, #tpu.memory_space<hbm>>
      %dma_start3A_103 = tpu.memref_squeeze %dma_start3A_102 : memref<1x640x32xf32, #tpu.memory_space<hbm>> -> memref<640x32xf32, #tpu.memory_space<hbm>>
      %dma_start3A_104 = arith.constant 0 : i32
      %dma_start3A_105 = tpu.memref_slice %arg10[%mul3A_97, %dma_start3A_104] : memref<10240x32xf32, #tpu.memory_space<vmem_shared>> -> memref<640x32xf32, #tpu.memory_space<vmem_shared>>
      tpu.enqueue_dma source(%dma_start3A_105 : memref<640x32xf32, #tpu.memory_space<vmem_shared>>) target(%dma_start3A_103 : memref<640x32xf32, #tpu.memory_space<hbm>>) target_semaphore(%run_scoped3A_100 : memref<!tpu.dma_semaphore, #tpu.memory_space<semaphore_mem>>)
      %dma_wait3A_106 = arith.constant 0 : i32
      %dma_wait3A_107 = tpu.memref_slice %arg5[%arg0, %mul3A_99, %dma_wait3A_106] : memref<2x10240x32xf32, #tpu.memory_space<hbm>> -> memref<1x640x32xf32, #tpu.memory_space<hbm>>
      %dma_wait3A_108 = tpu.memref_squeeze %dma_wait3A_107 : memref<1x640x32xf32, #tpu.memory_space<hbm>> -> memref<640x32xf32, #tpu.memory_space<hbm>>
      %dma_wait3A_109 = arith.constant 0 : i32
      %dma_wait3A_110 = tpu.memref_slice %arg10[%mul3A_97, %dma_wait3A_109] : memref<10240x32xf32, #tpu.memory_space<vmem_shared>> -> memref<640x32xf32, #tpu.memory_space<vmem_shared>>
      tpu.wait_dma2 semaphore(%run_scoped3A_100 : memref<!tpu.dma_semaphore, #tpu.memory_space<semaphore_mem>>) src(%dma_wait3A_110 : memref<640x32xf32, #tpu.memory_space<vmem_shared>>) dst(%dma_wait3A_108 : memref<640x32xf32, #tpu.memory_space<hbm>>)
      tpu.yield
    }) : () -> ()
    return
  }
}

#map = affine_map<(d0, d1) -> (0, 0, 0, 0)>
#map1 = affine_map<(d0, d1) -> (0, 0, 0)>
#map2 = affine_map<(d0, d1) -> (0, 0)>
module attributes {stable_mosaic.version = 14 : i64} {
  func.func @_edge_scatter(%arg0: i32, %arg1: i32, %arg2: memref<32x5x1024x32xf32, #tpu.memory_space<hbm>>, %arg3: memref<32x5x1024xi32, #tpu.memory_space<hbm>>, %arg4: memref<640x32xf32, #tpu.memory_space<hbm>>, %arg5: memref<2x10240x32xf32, #tpu.memory_space<hbm>>, %arg6: memref<1024xi32, #tpu.memory_space<vmem>>, %arg7: memref<1024xi32, #tpu.memory_space<vmem>>, %arg8: memref<1024x32xf32, #tpu.memory_space<vmem>>, %arg9: memref<1024x32xf32, #tpu.memory_space<vmem>>, %arg10: memref<10240x32xf32, #tpu.memory_space<vmem_shared>>, %arg11: memref<!tpu.dma_semaphore, #tpu.memory_space<semaphore_mem>>, %arg12: memref<!tpu.dma_semaphore, #tpu.memory_space<semaphore_mem>>) attributes {dimension_semantics = [#tpu.dimension_semantics<core_parallel>, #tpu.dimension_semantics<subcore_parallel>], iteration_bounds = array<i64: 2, 16>, scalar_prefetch = 0 : i64, scratch_operands = 7 : i64, tpu.core_type = #tpu.core_type<sc_vector_subcore>, window_params = [{transform_indices = #map}, {transform_indices = #map1}, {transform_indices = #map2}, {transform_indices = #map1}]} {
    %mul3A = arith.constant 2 : i32
    %mul3A_0 = arith.muli %arg1, %mul3A : i32
    %add3A = arith.addi %mul3A_0, %arg0 : i32
    %run_scoped3A = arith.constant 0 : i32
    "tpu.region"() ({
      %run_scoped3A_100 = tpu.sem_alloc : memref<!tpu.dma_semaphore, #tpu.memory_space<semaphore_mem>>
      %dma_start3A_101 = arith.constant 0 : i32
      %dma_start3A_102 = tpu.memref_slice %arg3[%add3A, %run_scoped3A, %dma_start3A_101] : memref<32x5x1024xi32, #tpu.memory_space<hbm>> -> memref<1x1x1024xi32, #tpu.memory_space<hbm>>
      %dma_start3A_103 = tpu.memref_squeeze %dma_start3A_102 : memref<1x1x1024xi32, #tpu.memory_space<hbm>> -> memref<1024xi32, #tpu.memory_space<hbm>>
      %dma_start3A_104 = arith.constant 0 : i32
      %dma_start3A_105 = tpu.memref_slice %arg3[%add3A, %run_scoped3A, %dma_start3A_104] : memref<32x5x1024xi32, #tpu.memory_space<hbm>> -> memref<1x1x1024xi32, #tpu.memory_space<hbm>>
      %dma_start3A_106 = tpu.memref_squeeze %dma_start3A_105 : memref<1x1x1024xi32, #tpu.memory_space<hbm>> -> memref<1024xi32, #tpu.memory_space<hbm>>
      tpu.enqueue_dma source(%dma_start3A_106 : memref<1024xi32, #tpu.memory_space<hbm>>) target(%arg6 : memref<1024xi32, #tpu.memory_space<vmem>>) target_semaphore(%run_scoped3A_100 : memref<!tpu.dma_semaphore, #tpu.memory_space<semaphore_mem>>)
      %dma_wait3A_107 = arith.constant 0 : i32
      %dma_wait3A_108 = tpu.memref_slice %arg3[%add3A, %run_scoped3A, %dma_wait3A_107] : memref<32x5x1024xi32, #tpu.memory_space<hbm>> -> memref<1x1x1024xi32, #tpu.memory_space<hbm>>
      %dma_wait3A_109 = tpu.memref_squeeze %dma_wait3A_108 : memref<1x1x1024xi32, #tpu.memory_space<hbm>> -> memref<1024xi32, #tpu.memory_space<hbm>>
      %dma_wait3A_110 = arith.constant 0 : i32
      %dma_wait3A_111 = tpu.memref_slice %arg3[%add3A, %run_scoped3A, %dma_wait3A_110] : memref<32x5x1024xi32, #tpu.memory_space<hbm>> -> memref<1x1x1024xi32, #tpu.memory_space<hbm>>
      %dma_wait3A_112 = tpu.memref_squeeze %dma_wait3A_111 : memref<1x1x1024xi32, #tpu.memory_space<hbm>> -> memref<1024xi32, #tpu.memory_space<hbm>>
      tpu.wait_dma2 semaphore(%run_scoped3A_100 : memref<!tpu.dma_semaphore, #tpu.memory_space<semaphore_mem>>) src(%dma_wait3A_112 : memref<1024xi32, #tpu.memory_space<hbm>>) dst(%arg6 : memref<1024xi32, #tpu.memory_space<vmem>>)
      tpu.yield
    }) : () -> ()
    %dma_start3A = arith.constant 0 : i32
    %dma_start3A_1 = arith.constant 0 : i32
    %dma_start3A_2 = arith.constant 0 : i32
    %dma_start3A_3 = tpu.memref_slice %arg2[%add3A, %dma_start3A, %dma_start3A_1, %dma_start3A_2] : memref<32x5x1024x32xf32, #tpu.memory_space<hbm>> -> memref<1x1x1024x32xf32, #tpu.memory_space<hbm>>
    %dma_start3A_4 = tpu.memref_squeeze %dma_start3A_3 : memref<1x1x1024x32xf32, #tpu.memory_space<hbm>> -> memref<1024x32xf32, #tpu.memory_space<hbm>>
    %dma_start3A_5 = arith.constant 0 : i32
    %dma_start3A_6 = arith.constant 0 : i32
    %dma_start3A_7 = tpu.memref_slice %arg2[%add3A, %dma_start3A, %dma_start3A_5, %dma_start3A_6] : memref<32x5x1024x32xf32, #tpu.memory_space<hbm>> -> memref<1x1x1024x32xf32, #tpu.memory_space<hbm>>
    %dma_start3A_8 = tpu.memref_squeeze %dma_start3A_7 : memref<1x1x1024x32xf32, #tpu.memory_space<hbm>> -> memref<1024x32xf32, #tpu.memory_space<hbm>>
    tpu.enqueue_dma source(%dma_start3A_8 : memref<1024x32xf32, #tpu.memory_space<hbm>>) target(%arg8 : memref<1024x32xf32, #tpu.memory_space<vmem>>) target_semaphore(%arg11 : memref<!tpu.dma_semaphore, #tpu.memory_space<semaphore_mem>>)
    %mul3A_9 = arith.constant 640 : i32
    %mul3A_10 = arith.muli %arg1, %mul3A_9 : i32
    "tpu.region"() ({
      %run_scoped3A_100 = tpu.sem_alloc : memref<!tpu.dma_semaphore, #tpu.memory_space<semaphore_mem>>
      %dma_start3A_101 = arith.constant 0 : i32
      %dma_start3A_102 = tpu.memref_slice %arg10[%mul3A_10, %dma_start3A_101] : memref<10240x32xf32, #tpu.memory_space<vmem_shared>> -> memref<640x32xf32, #tpu.memory_space<vmem_shared>>
      tpu.enqueue_dma source(%arg4 : memref<640x32xf32, #tpu.memory_space<hbm>>) target(%dma_start3A_102 : memref<640x32xf32, #tpu.memory_space<vmem_shared>>) target_semaphore(%run_scoped3A_100 : memref<!tpu.dma_semaphore, #tpu.memory_space<semaphore_mem>>)
      %dma_wait3A_103 = arith.constant 0 : i32
      %dma_wait3A_104 = tpu.memref_slice %arg10[%mul3A_10, %dma_wait3A_103] : memref<10240x32xf32, #tpu.memory_space<vmem_shared>> -> memref<640x32xf32, #tpu.memory_space<vmem_shared>>
      tpu.wait_dma2 semaphore(%run_scoped3A_100 : memref<!tpu.dma_semaphore, #tpu.memory_space<semaphore_mem>>) src(%arg4 : memref<640x32xf32, #tpu.memory_space<hbm>>) dst(%dma_wait3A_104 : memref<640x32xf32, #tpu.memory_space<vmem_shared>>)
      tpu.yield
    }) : () -> ()
    %barrier3A = arith.constant 0 : index
    tpu.barrier barrier_id(%barrier3A)
    %run_scoped3A_11 = arith.constant 1 : i32
    "tpu.region"() ({
      %run_scoped3A_100 = tpu.sem_alloc : memref<!tpu.dma_semaphore, #tpu.memory_space<semaphore_mem>>
      %dma_start3A_101 = arith.constant 0 : i32
      %dma_start3A_102 = tpu.memref_slice %arg3[%add3A, %run_scoped3A_11, %dma_start3A_101] : memref<32x5x1024xi32, #tpu.memory_space<hbm>> -> memref<1x1x1024xi32, #tpu.memory_space<hbm>>
      %dma_start3A_103 = tpu.memref_squeeze %dma_start3A_102 : memref<1x1x1024xi32, #tpu.memory_space<hbm>> -> memref<1024xi32, #tpu.memory_space<hbm>>
      %dma_start3A_104 = arith.constant 0 : i32
      %dma_start3A_105 = tpu.memref_slice %arg3[%add3A, %run_scoped3A_11, %dma_start3A_104] : memref<32x5x1024xi32, #tpu.memory_space<hbm>> -> memref<1x1x1024xi32, #tpu.memory_space<hbm>>
      %dma_start3A_106 = tpu.memref_squeeze %dma_start3A_105 : memref<1x1x1024xi32, #tpu.memory_space<hbm>> -> memref<1024xi32, #tpu.memory_space<hbm>>
      tpu.enqueue_dma source(%dma_start3A_106 : memref<1024xi32, #tpu.memory_space<hbm>>) target(%arg7 : memref<1024xi32, #tpu.memory_space<vmem>>) target_semaphore(%run_scoped3A_100 : memref<!tpu.dma_semaphore, #tpu.memory_space<semaphore_mem>>)
      %dma_wait3A_107 = arith.constant 0 : i32
      %dma_wait3A_108 = tpu.memref_slice %arg3[%add3A, %run_scoped3A_11, %dma_wait3A_107] : memref<32x5x1024xi32, #tpu.memory_space<hbm>> -> memref<1x1x1024xi32, #tpu.memory_space<hbm>>
      %dma_wait3A_109 = tpu.memref_squeeze %dma_wait3A_108 : memref<1x1x1024xi32, #tpu.memory_space<hbm>> -> memref<1024xi32, #tpu.memory_space<hbm>>
      %dma_wait3A_110 = arith.constant 0 : i32
      %dma_wait3A_111 = tpu.memref_slice %arg3[%add3A, %run_scoped3A_11, %dma_wait3A_110] : memref<32x5x1024xi32, #tpu.memory_space<hbm>> -> memref<1x1x1024xi32, #tpu.memory_space<hbm>>
      %dma_wait3A_112 = tpu.memref_squeeze %dma_wait3A_111 : memref<1x1x1024xi32, #tpu.memory_space<hbm>> -> memref<1024xi32, #tpu.memory_space<hbm>>
      tpu.wait_dma2 semaphore(%run_scoped3A_100 : memref<!tpu.dma_semaphore, #tpu.memory_space<semaphore_mem>>) src(%dma_wait3A_112 : memref<1024xi32, #tpu.memory_space<hbm>>) dst(%arg7 : memref<1024xi32, #tpu.memory_space<vmem>>)
      tpu.yield
    }) : () -> ()
    %dma_start3A_12 = arith.constant 1 : i32
    %dma_start3A_13 = arith.constant 0 : i32
    %dma_start3A_14 = arith.constant 0 : i32
    %dma_start3A_15 = tpu.memref_slice %arg2[%add3A, %dma_start3A_12, %dma_start3A_13, %dma_start3A_14] : memref<32x5x1024x32xf32, #tpu.memory_space<hbm>> -> memref<1x1x1024x32xf32, #tpu.memory_space<hbm>>
    %dma_start3A_16 = tpu.memref_squeeze %dma_start3A_15 : memref<1x1x1024x32xf32, #tpu.memory_space<hbm>> -> memref<1024x32xf32, #tpu.memory_space<hbm>>
    %dma_start3A_17 = arith.constant 0 : i32
    %dma_start3A_18 = arith.constant 0 : i32
    %dma_start3A_19 = tpu.memref_slice %arg2[%add3A, %dma_start3A_12, %dma_start3A_17, %dma_start3A_18] : memref<32x5x1024x32xf32, #tpu.memory_space<hbm>> -> memref<1x1x1024x32xf32, #tpu.memory_space<hbm>>
    %dma_start3A_20 = tpu.memref_squeeze %dma_start3A_19 : memref<1x1x1024x32xf32, #tpu.memory_space<hbm>> -> memref<1024x32xf32, #tpu.memory_space<hbm>>
    tpu.enqueue_dma source(%dma_start3A_20 : memref<1024x32xf32, #tpu.memory_space<hbm>>) target(%arg9 : memref<1024x32xf32, #tpu.memory_space<vmem>>) target_semaphore(%arg12 : memref<!tpu.dma_semaphore, #tpu.memory_space<semaphore_mem>>)
    %dma_wait3A = arith.constant 0 : i32
    %dma_wait3A_21 = arith.constant 0 : i32
    %dma_wait3A_22 = arith.constant 0 : i32
    %dma_wait3A_23 = tpu.memref_slice %arg2[%add3A, %dma_wait3A, %dma_wait3A_21, %dma_wait3A_22] : memref<32x5x1024x32xf32, #tpu.memory_space<hbm>> -> memref<1x1x1024x32xf32, #tpu.memory_space<hbm>>
    %dma_wait3A_24 = tpu.memref_squeeze %dma_wait3A_23 : memref<1x1x1024x32xf32, #tpu.memory_space<hbm>> -> memref<1024x32xf32, #tpu.memory_space<hbm>>
    %dma_wait3A_25 = arith.constant 0 : i32
    %dma_wait3A_26 = arith.constant 0 : i32
    %dma_wait3A_27 = tpu.memref_slice %arg2[%add3A, %dma_wait3A, %dma_wait3A_25, %dma_wait3A_26] : memref<32x5x1024x32xf32, #tpu.memory_space<hbm>> -> memref<1x1x1024x32xf32, #tpu.memory_space<hbm>>
    %dma_wait3A_28 = tpu.memref_squeeze %dma_wait3A_27 : memref<1x1x1024x32xf32, #tpu.memory_space<hbm>> -> memref<1024x32xf32, #tpu.memory_space<hbm>>
    tpu.wait_dma2 semaphore(%arg11 : memref<!tpu.dma_semaphore, #tpu.memory_space<semaphore_mem>>) src(%dma_wait3A_28 : memref<1024x32xf32, #tpu.memory_space<hbm>>) dst(%arg8 : memref<1024x32xf32, #tpu.memory_space<vmem>>)
    "tpu.region"() ({
      %run_scoped3A_100 = tpu.sem_alloc : memref<!tpu.dma_semaphore, #tpu.memory_space<semaphore_mem>>
      %dma_start3A_101 = arith.constant 0 : i32
      %dma_start3A_102 = arith.constant 0 : i32
      %dma_start3A_103 = tpu.memref_slice %arg10[%dma_start3A_101, %dma_start3A_102] : memref<10240x32xf32, #tpu.memory_space<vmem_shared>> -> memref<10240x32xf32, #tpu.memory_space<vmem_shared>>
      tpu.enqueue_indirect_dma source(%arg8 : memref<1024x32xf32, #tpu.memory_space<vmem>>) target(%dma_start3A_103 : memref<10240x32xf32, #tpu.memory_space<vmem_shared>>) offsets(%arg6 : memref<1024xi32, #tpu.memory_space<vmem>>) semaphore(%run_scoped3A_100 : memref<!tpu.dma_semaphore, #tpu.memory_space<semaphore_mem>>) {add = true}
      %dma_wait3A_104 = arith.constant 0 : i32
      %dma_wait3A_105 = arith.constant 0 : i32
      %dma_wait3A_106 = tpu.memref_slice %arg10[%dma_wait3A_104, %dma_wait3A_105] : memref<10240x32xf32, #tpu.memory_space<vmem_shared>> -> memref<10240x32xf32, #tpu.memory_space<vmem_shared>>
      tpu.wait_indirect_dma semaphore(%run_scoped3A_100 : memref<!tpu.dma_semaphore, #tpu.memory_space<semaphore_mem>>) src(%arg8 : memref<1024x32xf32, #tpu.memory_space<vmem>>) dst(%dma_wait3A_106 : memref<10240x32xf32, #tpu.memory_space<vmem_shared>>)
      tpu.yield
    }) : () -> ()
    %run_scoped3A_29 = arith.constant 2 : i32
    "tpu.region"() ({
      %run_scoped3A_100 = tpu.sem_alloc : memref<!tpu.dma_semaphore, #tpu.memory_space<semaphore_mem>>
      %dma_start3A_101 = arith.constant 0 : i32
      %dma_start3A_102 = tpu.memref_slice %arg3[%add3A, %run_scoped3A_29, %dma_start3A_101] : memref<32x5x1024xi32, #tpu.memory_space<hbm>> -> memref<1x1x1024xi32, #tpu.memory_space<hbm>>
      %dma_start3A_103 = tpu.memref_squeeze %dma_start3A_102 : memref<1x1x1024xi32, #tpu.memory_space<hbm>> -> memref<1024xi32, #tpu.memory_space<hbm>>
      %dma_start3A_104 = arith.constant 0 : i32
      %dma_start3A_105 = tpu.memref_slice %arg3[%add3A, %run_scoped3A_29, %dma_start3A_104] : memref<32x5x1024xi32, #tpu.memory_space<hbm>> -> memref<1x1x1024xi32, #tpu.memory_space<hbm>>
      %dma_start3A_106 = tpu.memref_squeeze %dma_start3A_105 : memref<1x1x1024xi32, #tpu.memory_space<hbm>> -> memref<1024xi32, #tpu.memory_space<hbm>>
      tpu.enqueue_dma source(%dma_start3A_106 : memref<1024xi32, #tpu.memory_space<hbm>>) target(%arg6 : memref<1024xi32, #tpu.memory_space<vmem>>) target_semaphore(%run_scoped3A_100 : memref<!tpu.dma_semaphore, #tpu.memory_space<semaphore_mem>>)
      %dma_wait3A_107 = arith.constant 0 : i32
      %dma_wait3A_108 = tpu.memref_slice %arg3[%add3A, %run_scoped3A_29, %dma_wait3A_107] : memref<32x5x1024xi32, #tpu.memory_space<hbm>> -> memref<1x1x1024xi32, #tpu.memory_space<hbm>>
      %dma_wait3A_109 = tpu.memref_squeeze %dma_wait3A_108 : memref<1x1x1024xi32, #tpu.memory_space<hbm>> -> memref<1024xi32, #tpu.memory_space<hbm>>
      %dma_wait3A_110 = arith.constant 0 : i32
      %dma_wait3A_111 = tpu.memref_slice %arg3[%add3A, %run_scoped3A_29, %dma_wait3A_110] : memref<32x5x1024xi32, #tpu.memory_space<hbm>> -> memref<1x1x1024xi32, #tpu.memory_space<hbm>>
      %dma_wait3A_112 = tpu.memref_squeeze %dma_wait3A_111 : memref<1x1x1024xi32, #tpu.memory_space<hbm>> -> memref<1024xi32, #tpu.memory_space<hbm>>
      tpu.wait_dma2 semaphore(%run_scoped3A_100 : memref<!tpu.dma_semaphore, #tpu.memory_space<semaphore_mem>>) src(%dma_wait3A_112 : memref<1024xi32, #tpu.memory_space<hbm>>) dst(%arg6 : memref<1024xi32, #tpu.memory_space<vmem>>)
      tpu.yield
    }) : () -> ()
    %dma_start3A_30 = arith.constant 2 : i32
    %dma_start3A_31 = arith.constant 0 : i32
    %dma_start3A_32 = arith.constant 0 : i32
    %dma_start3A_33 = tpu.memref_slice %arg2[%add3A, %dma_start3A_30, %dma_start3A_31, %dma_start3A_32] : memref<32x5x1024x32xf32, #tpu.memory_space<hbm>> -> memref<1x1x1024x32xf32, #tpu.memory_space<hbm>>
    %dma_start3A_34 = tpu.memref_squeeze %dma_start3A_33 : memref<1x1x1024x32xf32, #tpu.memory_space<hbm>> -> memref<1024x32xf32, #tpu.memory_space<hbm>>
    %dma_start3A_35 = arith.constant 0 : i32
    %dma_start3A_36 = arith.constant 0 : i32
    %dma_start3A_37 = tpu.memref_slice %arg2[%add3A, %dma_start3A_30, %dma_start3A_35, %dma_start3A_36] : memref<32x5x1024x32xf32, #tpu.memory_space<hbm>> -> memref<1x1x1024x32xf32, #tpu.memory_space<hbm>>
    %dma_start3A_38 = tpu.memref_squeeze %dma_start3A_37 : memref<1x1x1024x32xf32, #tpu.memory_space<hbm>> -> memref<1024x32xf32, #tpu.memory_space<hbm>>
    tpu.enqueue_dma source(%dma_start3A_38 : memref<1024x32xf32, #tpu.memory_space<hbm>>) target(%arg8 : memref<1024x32xf32, #tpu.memory_space<vmem>>) target_semaphore(%arg11 : memref<!tpu.dma_semaphore, #tpu.memory_space<semaphore_mem>>)
    %dma_wait3A_39 = arith.constant 1 : i32
    %dma_wait3A_40 = arith.constant 0 : i32
    %dma_wait3A_41 = arith.constant 0 : i32
    %dma_wait3A_42 = tpu.memref_slice %arg2[%add3A, %dma_wait3A_39, %dma_wait3A_40, %dma_wait3A_41] : memref<32x5x1024x32xf32, #tpu.memory_space<hbm>> -> memref<1x1x1024x32xf32, #tpu.memory_space<hbm>>
    %dma_wait3A_43 = tpu.memref_squeeze %dma_wait3A_42 : memref<1x1x1024x32xf32, #tpu.memory_space<hbm>> -> memref<1024x32xf32, #tpu.memory_space<hbm>>
    %dma_wait3A_44 = arith.constant 0 : i32
    %dma_wait3A_45 = arith.constant 0 : i32
    %dma_wait3A_46 = tpu.memref_slice %arg2[%add3A, %dma_wait3A_39, %dma_wait3A_44, %dma_wait3A_45] : memref<32x5x1024x32xf32, #tpu.memory_space<hbm>> -> memref<1x1x1024x32xf32, #tpu.memory_space<hbm>>
    %dma_wait3A_47 = tpu.memref_squeeze %dma_wait3A_46 : memref<1x1x1024x32xf32, #tpu.memory_space<hbm>> -> memref<1024x32xf32, #tpu.memory_space<hbm>>
    tpu.wait_dma2 semaphore(%arg12 : memref<!tpu.dma_semaphore, #tpu.memory_space<semaphore_mem>>) src(%dma_wait3A_47 : memref<1024x32xf32, #tpu.memory_space<hbm>>) dst(%arg9 : memref<1024x32xf32, #tpu.memory_space<vmem>>)
    "tpu.region"() ({
      %run_scoped3A_100 = tpu.sem_alloc : memref<!tpu.dma_semaphore, #tpu.memory_space<semaphore_mem>>
      %dma_start3A_101 = arith.constant 0 : i32
      %dma_start3A_102 = arith.constant 0 : i32
      %dma_start3A_103 = tpu.memref_slice %arg10[%dma_start3A_101, %dma_start3A_102] : memref<10240x32xf32, #tpu.memory_space<vmem_shared>> -> memref<10240x32xf32, #tpu.memory_space<vmem_shared>>
      tpu.enqueue_indirect_dma source(%arg9 : memref<1024x32xf32, #tpu.memory_space<vmem>>) target(%dma_start3A_103 : memref<10240x32xf32, #tpu.memory_space<vmem_shared>>) offsets(%arg7 : memref<1024xi32, #tpu.memory_space<vmem>>) semaphore(%run_scoped3A_100 : memref<!tpu.dma_semaphore, #tpu.memory_space<semaphore_mem>>) {add = true}
      %dma_wait3A_104 = arith.constant 0 : i32
      %dma_wait3A_105 = arith.constant 0 : i32
      %dma_wait3A_106 = tpu.memref_slice %arg10[%dma_wait3A_104, %dma_wait3A_105] : memref<10240x32xf32, #tpu.memory_space<vmem_shared>> -> memref<10240x32xf32, #tpu.memory_space<vmem_shared>>
      tpu.wait_indirect_dma semaphore(%run_scoped3A_100 : memref<!tpu.dma_semaphore, #tpu.memory_space<semaphore_mem>>) src(%arg9 : memref<1024x32xf32, #tpu.memory_space<vmem>>) dst(%dma_wait3A_106 : memref<10240x32xf32, #tpu.memory_space<vmem_shared>>)
      tpu.yield
    }) : () -> ()
    %run_scoped3A_48 = arith.constant 3 : i32
    "tpu.region"() ({
      %run_scoped3A_100 = tpu.sem_alloc : memref<!tpu.dma_semaphore, #tpu.memory_space<semaphore_mem>>
      %dma_start3A_101 = arith.constant 0 : i32
      %dma_start3A_102 = tpu.memref_slice %arg3[%add3A, %run_scoped3A_48, %dma_start3A_101] : memref<32x5x1024xi32, #tpu.memory_space<hbm>> -> memref<1x1x1024xi32, #tpu.memory_space<hbm>>
      %dma_start3A_103 = tpu.memref_squeeze %dma_start3A_102 : memref<1x1x1024xi32, #tpu.memory_space<hbm>> -> memref<1024xi32, #tpu.memory_space<hbm>>
      %dma_start3A_104 = arith.constant 0 : i32
      %dma_start3A_105 = tpu.memref_slice %arg3[%add3A, %run_scoped3A_48, %dma_start3A_104] : memref<32x5x1024xi32, #tpu.memory_space<hbm>> -> memref<1x1x1024xi32, #tpu.memory_space<hbm>>
      %dma_start3A_106 = tpu.memref_squeeze %dma_start3A_105 : memref<1x1x1024xi32, #tpu.memory_space<hbm>> -> memref<1024xi32, #tpu.memory_space<hbm>>
      tpu.enqueue_dma source(%dma_start3A_106 : memref<1024xi32, #tpu.memory_space<hbm>>) target(%arg7 : memref<1024xi32, #tpu.memory_space<vmem>>) target_semaphore(%run_scoped3A_100 : memref<!tpu.dma_semaphore, #tpu.memory_space<semaphore_mem>>)
      %dma_wait3A_107 = arith.constant 0 : i32
      %dma_wait3A_108 = tpu.memref_slice %arg3[%add3A, %run_scoped3A_48, %dma_wait3A_107] : memref<32x5x1024xi32, #tpu.memory_space<hbm>> -> memref<1x1x1024xi32, #tpu.memory_space<hbm>>
      %dma_wait3A_109 = tpu.memref_squeeze %dma_wait3A_108 : memref<1x1x1024xi32, #tpu.memory_space<hbm>> -> memref<1024xi32, #tpu.memory_space<hbm>>
      %dma_wait3A_110 = arith.constant 0 : i32
      %dma_wait3A_111 = tpu.memref_slice %arg3[%add3A, %run_scoped3A_48, %dma_wait3A_110] : memref<32x5x1024xi32, #tpu.memory_space<hbm>> -> memref<1x1x1024xi32, #tpu.memory_space<hbm>>
      %dma_wait3A_112 = tpu.memref_squeeze %dma_wait3A_111 : memref<1x1x1024xi32, #tpu.memory_space<hbm>> -> memref<1024xi32, #tpu.memory_space<hbm>>
      tpu.wait_dma2 semaphore(%run_scoped3A_100 : memref<!tpu.dma_semaphore, #tpu.memory_space<semaphore_mem>>) src(%dma_wait3A_112 : memref<1024xi32, #tpu.memory_space<hbm>>) dst(%arg7 : memref<1024xi32, #tpu.memory_space<vmem>>)
      tpu.yield
    }) : () -> ()
    %dma_start3A_49 = arith.constant 3 : i32
    %dma_start3A_50 = arith.constant 0 : i32
    %dma_start3A_51 = arith.constant 0 : i32
    %dma_start3A_52 = tpu.memref_slice %arg2[%add3A, %dma_start3A_49, %dma_start3A_50, %dma_start3A_51] : memref<32x5x1024x32xf32, #tpu.memory_space<hbm>> -> memref<1x1x1024x32xf32, #tpu.memory_space<hbm>>
    %dma_start3A_53 = tpu.memref_squeeze %dma_start3A_52 : memref<1x1x1024x32xf32, #tpu.memory_space<hbm>> -> memref<1024x32xf32, #tpu.memory_space<hbm>>
    %dma_start3A_54 = arith.constant 0 : i32
    %dma_start3A_55 = arith.constant 0 : i32
    %dma_start3A_56 = tpu.memref_slice %arg2[%add3A, %dma_start3A_49, %dma_start3A_54, %dma_start3A_55] : memref<32x5x1024x32xf32, #tpu.memory_space<hbm>> -> memref<1x1x1024x32xf32, #tpu.memory_space<hbm>>
    %dma_start3A_57 = tpu.memref_squeeze %dma_start3A_56 : memref<1x1x1024x32xf32, #tpu.memory_space<hbm>> -> memref<1024x32xf32, #tpu.memory_space<hbm>>
    tpu.enqueue_dma source(%dma_start3A_57 : memref<1024x32xf32, #tpu.memory_space<hbm>>) target(%arg9 : memref<1024x32xf32, #tpu.memory_space<vmem>>) target_semaphore(%arg12 : memref<!tpu.dma_semaphore, #tpu.memory_space<semaphore_mem>>)
    %dma_wait3A_58 = arith.constant 2 : i32
    %dma_wait3A_59 = arith.constant 0 : i32
    %dma_wait3A_60 = arith.constant 0 : i32
    %dma_wait3A_61 = tpu.memref_slice %arg2[%add3A, %dma_wait3A_58, %dma_wait3A_59, %dma_wait3A_60] : memref<32x5x1024x32xf32, #tpu.memory_space<hbm>> -> memref<1x1x1024x32xf32, #tpu.memory_space<hbm>>
    %dma_wait3A_62 = tpu.memref_squeeze %dma_wait3A_61 : memref<1x1x1024x32xf32, #tpu.memory_space<hbm>> -> memref<1024x32xf32, #tpu.memory_space<hbm>>
    %dma_wait3A_63 = arith.constant 0 : i32
    %dma_wait3A_64 = arith.constant 0 : i32
    %dma_wait3A_65 = tpu.memref_slice %arg2[%add3A, %dma_wait3A_58, %dma_wait3A_63, %dma_wait3A_64] : memref<32x5x1024x32xf32, #tpu.memory_space<hbm>> -> memref<1x1x1024x32xf32, #tpu.memory_space<hbm>>
    %dma_wait3A_66 = tpu.memref_squeeze %dma_wait3A_65 : memref<1x1x1024x32xf32, #tpu.memory_space<hbm>> -> memref<1024x32xf32, #tpu.memory_space<hbm>>
    tpu.wait_dma2 semaphore(%arg11 : memref<!tpu.dma_semaphore, #tpu.memory_space<semaphore_mem>>) src(%dma_wait3A_66 : memref<1024x32xf32, #tpu.memory_space<hbm>>) dst(%arg8 : memref<1024x32xf32, #tpu.memory_space<vmem>>)
    "tpu.region"() ({
      %run_scoped3A_100 = tpu.sem_alloc : memref<!tpu.dma_semaphore, #tpu.memory_space<semaphore_mem>>
      %dma_start3A_101 = arith.constant 0 : i32
      %dma_start3A_102 = arith.constant 0 : i32
      %dma_start3A_103 = tpu.memref_slice %arg10[%dma_start3A_101, %dma_start3A_102] : memref<10240x32xf32, #tpu.memory_space<vmem_shared>> -> memref<10240x32xf32, #tpu.memory_space<vmem_shared>>
      tpu.enqueue_indirect_dma source(%arg8 : memref<1024x32xf32, #tpu.memory_space<vmem>>) target(%dma_start3A_103 : memref<10240x32xf32, #tpu.memory_space<vmem_shared>>) offsets(%arg6 : memref<1024xi32, #tpu.memory_space<vmem>>) semaphore(%run_scoped3A_100 : memref<!tpu.dma_semaphore, #tpu.memory_space<semaphore_mem>>) {add = true}
      %dma_wait3A_104 = arith.constant 0 : i32
      %dma_wait3A_105 = arith.constant 0 : i32
      %dma_wait3A_106 = tpu.memref_slice %arg10[%dma_wait3A_104, %dma_wait3A_105] : memref<10240x32xf32, #tpu.memory_space<vmem_shared>> -> memref<10240x32xf32, #tpu.memory_space<vmem_shared>>
      tpu.wait_indirect_dma semaphore(%run_scoped3A_100 : memref<!tpu.dma_semaphore, #tpu.memory_space<semaphore_mem>>) src(%arg8 : memref<1024x32xf32, #tpu.memory_space<vmem>>) dst(%dma_wait3A_106 : memref<10240x32xf32, #tpu.memory_space<vmem_shared>>)
      tpu.yield
    }) : () -> ()
    %run_scoped3A_67 = arith.constant 4 : i32
    "tpu.region"() ({
      %run_scoped3A_100 = tpu.sem_alloc : memref<!tpu.dma_semaphore, #tpu.memory_space<semaphore_mem>>
      %dma_start3A_101 = arith.constant 0 : i32
      %dma_start3A_102 = tpu.memref_slice %arg3[%add3A, %run_scoped3A_67, %dma_start3A_101] : memref<32x5x1024xi32, #tpu.memory_space<hbm>> -> memref<1x1x1024xi32, #tpu.memory_space<hbm>>
      %dma_start3A_103 = tpu.memref_squeeze %dma_start3A_102 : memref<1x1x1024xi32, #tpu.memory_space<hbm>> -> memref<1024xi32, #tpu.memory_space<hbm>>
      %dma_start3A_104 = arith.constant 0 : i32
      %dma_start3A_105 = tpu.memref_slice %arg3[%add3A, %run_scoped3A_67, %dma_start3A_104] : memref<32x5x1024xi32, #tpu.memory_space<hbm>> -> memref<1x1x1024xi32, #tpu.memory_space<hbm>>
      %dma_start3A_106 = tpu.memref_squeeze %dma_start3A_105 : memref<1x1x1024xi32, #tpu.memory_space<hbm>> -> memref<1024xi32, #tpu.memory_space<hbm>>
      tpu.enqueue_dma source(%dma_start3A_106 : memref<1024xi32, #tpu.memory_space<hbm>>) target(%arg6 : memref<1024xi32, #tpu.memory_space<vmem>>) target_semaphore(%run_scoped3A_100 : memref<!tpu.dma_semaphore, #tpu.memory_space<semaphore_mem>>)
      %dma_wait3A_107 = arith.constant 0 : i32
      %dma_wait3A_108 = tpu.memref_slice %arg3[%add3A, %run_scoped3A_67, %dma_wait3A_107] : memref<32x5x1024xi32, #tpu.memory_space<hbm>> -> memref<1x1x1024xi32, #tpu.memory_space<hbm>>
      %dma_wait3A_109 = tpu.memref_squeeze %dma_wait3A_108 : memref<1x1x1024xi32, #tpu.memory_space<hbm>> -> memref<1024xi32, #tpu.memory_space<hbm>>
      %dma_wait3A_110 = arith.constant 0 : i32
      %dma_wait3A_111 = tpu.memref_slice %arg3[%add3A, %run_scoped3A_67, %dma_wait3A_110] : memref<32x5x1024xi32, #tpu.memory_space<hbm>> -> memref<1x1x1024xi32, #tpu.memory_space<hbm>>
      %dma_wait3A_112 = tpu.memref_squeeze %dma_wait3A_111 : memref<1x1x1024xi32, #tpu.memory_space<hbm>> -> memref<1024xi32, #tpu.memory_space<hbm>>
      tpu.wait_dma2 semaphore(%run_scoped3A_100 : memref<!tpu.dma_semaphore, #tpu.memory_space<semaphore_mem>>) src(%dma_wait3A_112 : memref<1024xi32, #tpu.memory_space<hbm>>) dst(%arg6 : memref<1024xi32, #tpu.memory_space<vmem>>)
      tpu.yield
    }) : () -> ()
    %dma_start3A_68 = arith.constant 4 : i32
    %dma_start3A_69 = arith.constant 0 : i32
    %dma_start3A_70 = arith.constant 0 : i32
    %dma_start3A_71 = tpu.memref_slice %arg2[%add3A, %dma_start3A_68, %dma_start3A_69, %dma_start3A_70] : memref<32x5x1024x32xf32, #tpu.memory_space<hbm>> -> memref<1x1x1024x32xf32, #tpu.memory_space<hbm>>
    %dma_start3A_72 = tpu.memref_squeeze %dma_start3A_71 : memref<1x1x1024x32xf32, #tpu.memory_space<hbm>> -> memref<1024x32xf32, #tpu.memory_space<hbm>>
    %dma_start3A_73 = arith.constant 0 : i32
    %dma_start3A_74 = arith.constant 0 : i32
    %dma_start3A_75 = tpu.memref_slice %arg2[%add3A, %dma_start3A_68, %dma_start3A_73, %dma_start3A_74] : memref<32x5x1024x32xf32, #tpu.memory_space<hbm>> -> memref<1x1x1024x32xf32, #tpu.memory_space<hbm>>
    %dma_start3A_76 = tpu.memref_squeeze %dma_start3A_75 : memref<1x1x1024x32xf32, #tpu.memory_space<hbm>> -> memref<1024x32xf32, #tpu.memory_space<hbm>>
    tpu.enqueue_dma source(%dma_start3A_76 : memref<1024x32xf32, #tpu.memory_space<hbm>>) target(%arg8 : memref<1024x32xf32, #tpu.memory_space<vmem>>) target_semaphore(%arg11 : memref<!tpu.dma_semaphore, #tpu.memory_space<semaphore_mem>>)
    %dma_wait3A_77 = arith.constant 3 : i32
    %dma_wait3A_78 = arith.constant 0 : i32
    %dma_wait3A_79 = arith.constant 0 : i32
    %dma_wait3A_80 = tpu.memref_slice %arg2[%add3A, %dma_wait3A_77, %dma_wait3A_78, %dma_wait3A_79] : memref<32x5x1024x32xf32, #tpu.memory_space<hbm>> -> memref<1x1x1024x32xf32, #tpu.memory_space<hbm>>
    %dma_wait3A_81 = tpu.memref_squeeze %dma_wait3A_80 : memref<1x1x1024x32xf32, #tpu.memory_space<hbm>> -> memref<1024x32xf32, #tpu.memory_space<hbm>>
    %dma_wait3A_82 = arith.constant 0 : i32
    %dma_wait3A_83 = arith.constant 0 : i32
    %dma_wait3A_84 = tpu.memref_slice %arg2[%add3A, %dma_wait3A_77, %dma_wait3A_82, %dma_wait3A_83] : memref<32x5x1024x32xf32, #tpu.memory_space<hbm>> -> memref<1x1x1024x32xf32, #tpu.memory_space<hbm>>
    %dma_wait3A_85 = tpu.memref_squeeze %dma_wait3A_84 : memref<1x1x1024x32xf32, #tpu.memory_space<hbm>> -> memref<1024x32xf32, #tpu.memory_space<hbm>>
    tpu.wait_dma2 semaphore(%arg12 : memref<!tpu.dma_semaphore, #tpu.memory_space<semaphore_mem>>) src(%dma_wait3A_85 : memref<1024x32xf32, #tpu.memory_space<hbm>>) dst(%arg9 : memref<1024x32xf32, #tpu.memory_space<vmem>>)
    "tpu.region"() ({
      %run_scoped3A_100 = tpu.sem_alloc : memref<!tpu.dma_semaphore, #tpu.memory_space<semaphore_mem>>
      %dma_start3A_101 = arith.constant 0 : i32
      %dma_start3A_102 = arith.constant 0 : i32
      %dma_start3A_103 = tpu.memref_slice %arg10[%dma_start3A_101, %dma_start3A_102] : memref<10240x32xf32, #tpu.memory_space<vmem_shared>> -> memref<10240x32xf32, #tpu.memory_space<vmem_shared>>
      tpu.enqueue_indirect_dma source(%arg9 : memref<1024x32xf32, #tpu.memory_space<vmem>>) target(%dma_start3A_103 : memref<10240x32xf32, #tpu.memory_space<vmem_shared>>) offsets(%arg7 : memref<1024xi32, #tpu.memory_space<vmem>>) semaphore(%run_scoped3A_100 : memref<!tpu.dma_semaphore, #tpu.memory_space<semaphore_mem>>) {add = true}
      %dma_wait3A_104 = arith.constant 0 : i32
      %dma_wait3A_105 = arith.constant 0 : i32
      %dma_wait3A_106 = tpu.memref_slice %arg10[%dma_wait3A_104, %dma_wait3A_105] : memref<10240x32xf32, #tpu.memory_space<vmem_shared>> -> memref<10240x32xf32, #tpu.memory_space<vmem_shared>>
      tpu.wait_indirect_dma semaphore(%run_scoped3A_100 : memref<!tpu.dma_semaphore, #tpu.memory_space<semaphore_mem>>) src(%arg9 : memref<1024x32xf32, #tpu.memory_space<vmem>>) dst(%dma_wait3A_106 : memref<10240x32xf32, #tpu.memory_space<vmem_shared>>)
      tpu.yield
    }) : () -> ()
    %dma_wait3A_86 = arith.constant 4 : i32
    %dma_wait3A_87 = arith.constant 0 : i32
    %dma_wait3A_88 = arith.constant 0 : i32
    %dma_wait3A_89 = tpu.memref_slice %arg2[%add3A, %dma_wait3A_86, %dma_wait3A_87, %dma_wait3A_88] : memref<32x5x1024x32xf32, #tpu.memory_space<hbm>> -> memref<1x1x1024x32xf32, #tpu.memory_space<hbm>>
    %dma_wait3A_90 = tpu.memref_squeeze %dma_wait3A_89 : memref<1x1x1024x32xf32, #tpu.memory_space<hbm>> -> memref<1024x32xf32, #tpu.memory_space<hbm>>
    %dma_wait3A_91 = arith.constant 0 : i32
    %dma_wait3A_92 = arith.constant 0 : i32
    %dma_wait3A_93 = tpu.memref_slice %arg2[%add3A, %dma_wait3A_86, %dma_wait3A_91, %dma_wait3A_92] : memref<32x5x1024x32xf32, #tpu.memory_space<hbm>> -> memref<1x1x1024x32xf32, #tpu.memory_space<hbm>>
    %dma_wait3A_94 = tpu.memref_squeeze %dma_wait3A_93 : memref<1x1x1024x32xf32, #tpu.memory_space<hbm>> -> memref<1024x32xf32, #tpu.memory_space<hbm>>
    tpu.wait_dma2 semaphore(%arg11 : memref<!tpu.dma_semaphore, #tpu.memory_space<semaphore_mem>>) src(%dma_wait3A_94 : memref<1024x32xf32, #tpu.memory_space<hbm>>) dst(%arg8 : memref<1024x32xf32, #tpu.memory_space<vmem>>)
    "tpu.region"() ({
      %run_scoped3A_100 = tpu.sem_alloc : memref<!tpu.dma_semaphore, #tpu.memory_space<semaphore_mem>>
      %dma_start3A_101 = arith.constant 0 : i32
      %dma_start3A_102 = arith.constant 0 : i32
      %dma_start3A_103 = tpu.memref_slice %arg10[%dma_start3A_101, %dma_start3A_102] : memref<10240x32xf32, #tpu.memory_space<vmem_shared>> -> memref<10240x32xf32, #tpu.memory_space<vmem_shared>>
      tpu.enqueue_indirect_dma source(%arg8 : memref<1024x32xf32, #tpu.memory_space<vmem>>) target(%dma_start3A_103 : memref<10240x32xf32, #tpu.memory_space<vmem_shared>>) offsets(%arg6 : memref<1024xi32, #tpu.memory_space<vmem>>) semaphore(%run_scoped3A_100 : memref<!tpu.dma_semaphore, #tpu.memory_space<semaphore_mem>>) {add = true}
      %dma_wait3A_104 = arith.constant 0 : i32
      %dma_wait3A_105 = arith.constant 0 : i32
      %dma_wait3A_106 = tpu.memref_slice %arg10[%dma_wait3A_104, %dma_wait3A_105] : memref<10240x32xf32, #tpu.memory_space<vmem_shared>> -> memref<10240x32xf32, #tpu.memory_space<vmem_shared>>
      tpu.wait_indirect_dma semaphore(%run_scoped3A_100 : memref<!tpu.dma_semaphore, #tpu.memory_space<semaphore_mem>>) src(%arg8 : memref<1024x32xf32, #tpu.memory_space<vmem>>) dst(%dma_wait3A_106 : memref<10240x32xf32, #tpu.memory_space<vmem_shared>>)
      tpu.yield
    }) : () -> ()
    %barrier3A_95 = arith.constant 0 : index
    tpu.barrier barrier_id(%barrier3A_95)
    %mul3A_96 = arith.constant 640 : i32
    %mul3A_97 = arith.muli %arg1, %mul3A_96 : i32
    %mul3A_98 = arith.constant 640 : i32
    %mul3A_99 = arith.muli %arg1, %mul3A_98 : i32
    "tpu.region"() ({
      %run_scoped3A_100 = tpu.sem_alloc : memref<!tpu.dma_semaphore, #tpu.memory_space<semaphore_mem>>
      %dma_start3A_101 = arith.constant 0 : i32
      %dma_start3A_102 = tpu.memref_slice %arg5[%arg0, %mul3A_99, %dma_start3A_101] : memref<2x10240x32xf32, #tpu.memory_space<hbm>> -> memref<1x640x32xf32, #tpu.memory_space<hbm>>
      %dma_start3A_103 = tpu.memref_squeeze %dma_start3A_102 : memref<1x640x32xf32, #tpu.memory_space<hbm>> -> memref<640x32xf32, #tpu.memory_space<hbm>>
      %dma_start3A_104 = arith.constant 0 : i32
      %dma_start3A_105 = tpu.memref_slice %arg10[%mul3A_97, %dma_start3A_104] : memref<10240x32xf32, #tpu.memory_space<vmem_shared>> -> memref<640x32xf32, #tpu.memory_space<vmem_shared>>
      tpu.enqueue_dma source(%dma_start3A_105 : memref<640x32xf32, #tpu.memory_space<vmem_shared>>) target(%dma_start3A_103 : memref<640x32xf32, #tpu.memory_space<hbm>>) target_semaphore(%run_scoped3A_100 : memref<!tpu.dma_semaphore, #tpu.memory_space<semaphore_mem>>)
      %dma_wait3A_106 = arith.constant 0 : i32
      %dma_wait3A_107 = tpu.memref_slice %arg5[%arg0, %mul3A_99, %dma_wait3A_106] : memref<2x10240x32xf32, #tpu.memory_space<hbm>> -> memref<1x640x32xf32, #tpu.memory_space<hbm>>
      %dma_wait3A_108 = tpu.memref_squeeze %dma_wait3A_107 : memref<1x640x32xf32, #tpu.memory_space<hbm>> -> memref<640x32xf32, #tpu.memory_space<hbm>>
      %dma_wait3A_109 = arith.constant 0 : i32
      %dma_wait3A_110 = tpu.memref_slice %arg10[%mul3A_97, %dma_wait3A_109] : memref<10240x32xf32, #tpu.memory_space<vmem_shared>> -> memref<640x32xf32, #tpu.memory_space<vmem_shared>>
      tpu.wait_dma2 semaphore(%run_scoped3A_100 : memref<!tpu.dma_semaphore, #tpu.memory_space<semaphore_mem>>) src(%dma_wait3A_110 : memref<640x32xf32, #tpu.memory_space<vmem_shared>>) dst(%dma_wait3A_108 : memref<640x32xf32, #tpu.memory_space<hbm>>)
      tpu.yield
    }) : () -> ()
    return
  }
}

#map = affine_map<(d0, d1) -> (0, 0)>
#map1 = affine_map<(d0, d1) -> (0, 0, 0)>
#map2 = affine_map<(d0, d1) -> (0, 0, 0, 0)>
module attributes {stable_mosaic.version = 14 : i64} {
  func.func @gather(%arg0: i32, %arg1: i32, %arg2: memref<10000x32xf32, #tpu.memory_space<hbm>>, %arg3: memref<32x5x1024xi32, #tpu.memory_space<hbm>>, %arg4: memref<32x5x1024x32xf32, #tpu.memory_space<hbm>>, %arg5: memref<1024xi32, #tpu.memory_space<vmem>>, %arg6: memref<1024xi32, #tpu.memory_space<vmem>>, %arg7: memref<1024x32xf32, #tpu.memory_space<vmem>>, %arg8: memref<1024x32xf32, #tpu.memory_space<vmem>>, %arg9: memref<!tpu.dma_semaphore, #tpu.memory_space<semaphore_mem>>, %arg10: memref<!tpu.dma_semaphore, #tpu.memory_space<semaphore_mem>>, %arg11: memref<!tpu.dma_semaphore, #tpu.memory_space<semaphore_mem>>, %arg12: memref<!tpu.dma_semaphore, #tpu.memory_space<semaphore_mem>>) attributes {dimension_semantics = [#tpu.dimension_semantics<core_parallel>, #tpu.dimension_semantics<subcore_parallel>], iteration_bounds = array<i64: 2, 16>, scalar_prefetch = 0 : i64, scratch_operands = 8 : i64, tpu.core_type = #tpu.core_type<sc_vector_subcore>, window_params = [{transform_indices = #map}, {transform_indices = #map1}, {transform_indices = #map2}]} {
    %mul3A = arith.constant 2 : i32
    %mul3A_0 = arith.muli %arg1, %mul3A : i32
    %add3A = arith.addi %mul3A_0, %arg0 : i32
    %run_scoped3A = arith.constant 0 : i32
    "tpu.region"() ({
      %run_scoped3A_123 = tpu.sem_alloc : memref<!tpu.dma_semaphore, #tpu.memory_space<semaphore_mem>>
      %dma_start3A_124 = arith.constant 0 : i32
      %dma_start3A_125 = tpu.memref_slice %arg3[%add3A, %run_scoped3A, %dma_start3A_124] : memref<32x5x1024xi32, #tpu.memory_space<hbm>> -> memref<1x1x1024xi32, #tpu.memory_space<hbm>>
      %dma_start3A_126 = tpu.memref_squeeze %dma_start3A_125 : memref<1x1x1024xi32, #tpu.memory_space<hbm>> -> memref<1024xi32, #tpu.memory_space<hbm>>
      %dma_start3A_127 = arith.constant 0 : i32
      %dma_start3A_128 = tpu.memref_slice %arg3[%add3A, %run_scoped3A, %dma_start3A_127] : memref<32x5x1024xi32, #tpu.memory_space<hbm>> -> memref<1x1x1024xi32, #tpu.memory_space<hbm>>
      %dma_start3A_129 = tpu.memref_squeeze %dma_start3A_128 : memref<1x1x1024xi32, #tpu.memory_space<hbm>> -> memref<1024xi32, #tpu.memory_space<hbm>>
      tpu.enqueue_dma source(%dma_start3A_129 : memref<1024xi32, #tpu.memory_space<hbm>>) target(%arg5 : memref<1024xi32, #tpu.memory_space<vmem>>) target_semaphore(%run_scoped3A_123 : memref<!tpu.dma_semaphore, #tpu.memory_space<semaphore_mem>>)
      %dma_wait3A_130 = arith.constant 0 : i32
      %dma_wait3A_131 = tpu.memref_slice %arg3[%add3A, %run_scoped3A, %dma_wait3A_130] : memref<32x5x1024xi32, #tpu.memory_space<hbm>> -> memref<1x1x1024xi32, #tpu.memory_space<hbm>>
      %dma_wait3A_132 = tpu.memref_squeeze %dma_wait3A_131 : memref<1x1x1024xi32, #tpu.memory_space<hbm>> -> memref<1024xi32, #tpu.memory_space<hbm>>
      %dma_wait3A_133 = arith.constant 0 : i32
      %dma_wait3A_134 = tpu.memref_slice %arg3[%add3A, %run_scoped3A, %dma_wait3A_133] : memref<32x5x1024xi32, #tpu.memory_space<hbm>> -> memref<1x1x1024xi32, #tpu.memory_space<hbm>>
      %dma_wait3A_135 = tpu.memref_squeeze %dma_wait3A_134 : memref<1x1x1024xi32, #tpu.memory_space<hbm>> -> memref<1024xi32, #tpu.memory_space<hbm>>
      tpu.wait_dma2 semaphore(%run_scoped3A_123 : memref<!tpu.dma_semaphore, #tpu.memory_space<semaphore_mem>>) src(%dma_wait3A_135 : memref<1024xi32, #tpu.memory_space<hbm>>) dst(%arg5 : memref<1024xi32, #tpu.memory_space<vmem>>)
      tpu.yield
    }) : () -> ()
    %dma_start3A = arith.constant 0 : i32
    %dma_start3A_1 = arith.constant 0 : i32
    %dma_start3A_2 = tpu.memref_slice %arg2[%dma_start3A, %dma_start3A_1] : memref<10000x32xf32, #tpu.memory_space<hbm>> -> memref<10000x32xf32, #tpu.memory_space<hbm>>
    tpu.enqueue_indirect_dma source(%dma_start3A_2 : memref<10000x32xf32, #tpu.memory_space<hbm>>) target(%arg7 : memref<1024x32xf32, #tpu.memory_space<vmem>>) offsets(%arg5 : memref<1024xi32, #tpu.memory_space<vmem>>) semaphore(%arg9 : memref<!tpu.dma_semaphore, #tpu.memory_space<semaphore_mem>>)
    %run_scoped3A_3 = arith.constant 1 : i32
    "tpu.region"() ({
      %run_scoped3A_123 = tpu.sem_alloc : memref<!tpu.dma_semaphore, #tpu.memory_space<semaphore_mem>>
      %dma_start3A_124 = arith.constant 0 : i32
      %dma_start3A_125 = tpu.memref_slice %arg3[%add3A, %run_scoped3A_3, %dma_start3A_124] : memref<32x5x1024xi32, #tpu.memory_space<hbm>> -> memref<1x1x1024xi32, #tpu.memory_space<hbm>>
      %dma_start3A_126 = tpu.memref_squeeze %dma_start3A_125 : memref<1x1x1024xi32, #tpu.memory_space<hbm>> -> memref<1024xi32, #tpu.memory_space<hbm>>
      %dma_start3A_127 = arith.constant 0 : i32
      %dma_start3A_128 = tpu.memref_slice %arg3[%add3A, %run_scoped3A_3, %dma_start3A_127] : memref<32x5x1024xi32, #tpu.memory_space<hbm>> -> memref<1x1x1024xi32, #tpu.memory_space<hbm>>
      %dma_start3A_129 = tpu.memref_squeeze %dma_start3A_128 : memref<1x1x1024xi32, #tpu.memory_space<hbm>> -> memref<1024xi32, #tpu.memory_space<hbm>>
      tpu.enqueue_dma source(%dma_start3A_129 : memref<1024xi32, #tpu.memory_space<hbm>>) target(%arg6 : memref<1024xi32, #tpu.memory_space<vmem>>) target_semaphore(%run_scoped3A_123 : memref<!tpu.dma_semaphore, #tpu.memory_space<semaphore_mem>>)
      %dma_wait3A_130 = arith.constant 0 : i32
      %dma_wait3A_131 = tpu.memref_slice %arg3[%add3A, %run_scoped3A_3, %dma_wait3A_130] : memref<32x5x1024xi32, #tpu.memory_space<hbm>> -> memref<1x1x1024xi32, #tpu.memory_space<hbm>>
      %dma_wait3A_132 = tpu.memref_squeeze %dma_wait3A_131 : memref<1x1x1024xi32, #tpu.memory_space<hbm>> -> memref<1024xi32, #tpu.memory_space<hbm>>
      %dma_wait3A_133 = arith.constant 0 : i32
      %dma_wait3A_134 = tpu.memref_slice %arg3[%add3A, %run_scoped3A_3, %dma_wait3A_133] : memref<32x5x1024xi32, #tpu.memory_space<hbm>> -> memref<1x1x1024xi32, #tpu.memory_space<hbm>>
      %dma_wait3A_135 = tpu.memref_squeeze %dma_wait3A_134 : memref<1x1x1024xi32, #tpu.memory_space<hbm>> -> memref<1024xi32, #tpu.memory_space<hbm>>
      tpu.wait_dma2 semaphore(%run_scoped3A_123 : memref<!tpu.dma_semaphore, #tpu.memory_space<semaphore_mem>>) src(%dma_wait3A_135 : memref<1024xi32, #tpu.memory_space<hbm>>) dst(%arg6 : memref<1024xi32, #tpu.memory_space<vmem>>)
      tpu.yield
    }) : () -> ()
    %dma_wait3A = arith.constant 0 : i32
    %dma_wait3A_4 = arith.constant 0 : i32
    %dma_wait3A_5 = tpu.memref_slice %arg2[%dma_wait3A, %dma_wait3A_4] : memref<10000x32xf32, #tpu.memory_space<hbm>> -> memref<10000x32xf32, #tpu.memory_space<hbm>>
    tpu.wait_indirect_dma semaphore(%arg9 : memref<!tpu.dma_semaphore, #tpu.memory_space<semaphore_mem>>) src(%dma_wait3A_5 : memref<10000x32xf32, #tpu.memory_space<hbm>>) dst(%arg7 : memref<1024x32xf32, #tpu.memory_space<vmem>>)
    %dma_start3A_6 = arith.constant 0 : i32
    %dma_start3A_7 = arith.constant 0 : i32
    %dma_start3A_8 = tpu.memref_slice %arg2[%dma_start3A_6, %dma_start3A_7] : memref<10000x32xf32, #tpu.memory_space<hbm>> -> memref<10000x32xf32, #tpu.memory_space<hbm>>
    tpu.enqueue_indirect_dma source(%dma_start3A_8 : memref<10000x32xf32, #tpu.memory_space<hbm>>) target(%arg8 : memref<1024x32xf32, #tpu.memory_space<vmem>>) offsets(%arg6 : memref<1024xi32, #tpu.memory_space<vmem>>) semaphore(%arg10 : memref<!tpu.dma_semaphore, #tpu.memory_space<semaphore_mem>>)
    %dma_start3A_9 = arith.constant 0 : i32
    %dma_start3A_10 = arith.constant 0 : i32
    %dma_start3A_11 = arith.constant 0 : i32
    %dma_start3A_12 = tpu.memref_slice %arg4[%add3A, %dma_start3A_9, %dma_start3A_10, %dma_start3A_11] : memref<32x5x1024x32xf32, #tpu.memory_space<hbm>> -> memref<1x1x1024x32xf32, #tpu.memory_space<hbm>>
    %dma_start3A_13 = tpu.memref_squeeze %dma_start3A_12 : memref<1x1x1024x32xf32, #tpu.memory_space<hbm>> -> memref<1024x32xf32, #tpu.memory_space<hbm>>
    %dma_start3A_14 = arith.constant 0 : i32
    %dma_start3A_15 = arith.constant 0 : i32
    %dma_start3A_16 = tpu.memref_slice %arg4[%add3A, %dma_start3A_9, %dma_start3A_14, %dma_start3A_15] : memref<32x5x1024x32xf32, #tpu.memory_space<hbm>> -> memref<1x1x1024x32xf32, #tpu.memory_space<hbm>>
    %dma_start3A_17 = tpu.memref_squeeze %dma_start3A_16 : memref<1x1x1024x32xf32, #tpu.memory_space<hbm>> -> memref<1024x32xf32, #tpu.memory_space<hbm>>
    tpu.enqueue_dma source(%arg7 : memref<1024x32xf32, #tpu.memory_space<vmem>>) target(%dma_start3A_17 : memref<1024x32xf32, #tpu.memory_space<hbm>>) target_semaphore(%arg11 : memref<!tpu.dma_semaphore, #tpu.memory_space<semaphore_mem>>)
    %run_scoped3A_18 = arith.constant 2 : i32
    "tpu.region"() ({
      %run_scoped3A_123 = tpu.sem_alloc : memref<!tpu.dma_semaphore, #tpu.memory_space<semaphore_mem>>
      %dma_start3A_124 = arith.constant 0 : i32
      %dma_start3A_125 = tpu.memref_slice %arg3[%add3A, %run_scoped3A_18, %dma_start3A_124] : memref<32x5x1024xi32, #tpu.memory_space<hbm>> -> memref<1x1x1024xi32, #tpu.memory_space<hbm>>
      %dma_start3A_126 = tpu.memref_squeeze %dma_start3A_125 : memref<1x1x1024xi32, #tpu.memory_space<hbm>> -> memref<1024xi32, #tpu.memory_space<hbm>>
      %dma_start3A_127 = arith.constant 0 : i32
      %dma_start3A_128 = tpu.memref_slice %arg3[%add3A, %run_scoped3A_18, %dma_start3A_127] : memref<32x5x1024xi32, #tpu.memory_space<hbm>> -> memref<1x1x1024xi32, #tpu.memory_space<hbm>>
      %dma_start3A_129 = tpu.memref_squeeze %dma_start3A_128 : memref<1x1x1024xi32, #tpu.memory_space<hbm>> -> memref<1024xi32, #tpu.memory_space<hbm>>
      tpu.enqueue_dma source(%dma_start3A_129 : memref<1024xi32, #tpu.memory_space<hbm>>) target(%arg5 : memref<1024xi32, #tpu.memory_space<vmem>>) target_semaphore(%run_scoped3A_123 : memref<!tpu.dma_semaphore, #tpu.memory_space<semaphore_mem>>)
      %dma_wait3A_130 = arith.constant 0 : i32
      %dma_wait3A_131 = tpu.memref_slice %arg3[%add3A, %run_scoped3A_18, %dma_wait3A_130] : memref<32x5x1024xi32, #tpu.memory_space<hbm>> -> memref<1x1x1024xi32, #tpu.memory_space<hbm>>
      %dma_wait3A_132 = tpu.memref_squeeze %dma_wait3A_131 : memref<1x1x1024xi32, #tpu.memory_space<hbm>> -> memref<1024xi32, #tpu.memory_space<hbm>>
      %dma_wait3A_133 = arith.constant 0 : i32
      %dma_wait3A_134 = tpu.memref_slice %arg3[%add3A, %run_scoped3A_18, %dma_wait3A_133] : memref<32x5x1024xi32, #tpu.memory_space<hbm>> -> memref<1x1x1024xi32, #tpu.memory_space<hbm>>
      %dma_wait3A_135 = tpu.memref_squeeze %dma_wait3A_134 : memref<1x1x1024xi32, #tpu.memory_space<hbm>> -> memref<1024xi32, #tpu.memory_space<hbm>>
      tpu.wait_dma2 semaphore(%run_scoped3A_123 : memref<!tpu.dma_semaphore, #tpu.memory_space<semaphore_mem>>) src(%dma_wait3A_135 : memref<1024xi32, #tpu.memory_space<hbm>>) dst(%arg5 : memref<1024xi32, #tpu.memory_space<vmem>>)
      tpu.yield
    }) : () -> ()
    %dma_wait3A_19 = arith.constant 0 : i32
    %dma_wait3A_20 = arith.constant 0 : i32
    %dma_wait3A_21 = tpu.memref_slice %arg2[%dma_wait3A_19, %dma_wait3A_20] : memref<10000x32xf32, #tpu.memory_space<hbm>> -> memref<10000x32xf32, #tpu.memory_space<hbm>>
    tpu.wait_indirect_dma semaphore(%arg10 : memref<!tpu.dma_semaphore, #tpu.memory_space<semaphore_mem>>) src(%dma_wait3A_21 : memref<10000x32xf32, #tpu.memory_space<hbm>>) dst(%arg8 : memref<1024x32xf32, #tpu.memory_space<vmem>>)
    %dma_wait3A_22 = arith.constant 0 : i32
    %dma_wait3A_23 = arith.constant 0 : i32
    %dma_wait3A_24 = arith.constant 0 : i32
    %dma_wait3A_25 = tpu.memref_slice %arg4[%add3A, %dma_wait3A_22, %dma_wait3A_23, %dma_wait3A_24] : memref<32x5x1024x32xf32, #tpu.memory_space<hbm>> -> memref<1x1x1024x32xf32, #tpu.memory_space<hbm>>
    %dma_wait3A_26 = tpu.memref_squeeze %dma_wait3A_25 : memref<1x1x1024x32xf32, #tpu.memory_space<hbm>> -> memref<1024x32xf32, #tpu.memory_space<hbm>>
    %dma_wait3A_27 = arith.constant 0 : i32
    %dma_wait3A_28 = arith.constant 0 : i32
    %dma_wait3A_29 = tpu.memref_slice %arg4[%add3A, %dma_wait3A_22, %dma_wait3A_27, %dma_wait3A_28] : memref<32x5x1024x32xf32, #tpu.memory_space<hbm>> -> memref<1x1x1024x32xf32, #tpu.memory_space<hbm>>
    %dma_wait3A_30 = tpu.memref_squeeze %dma_wait3A_29 : memref<1x1x1024x32xf32, #tpu.memory_space<hbm>> -> memref<1024x32xf32, #tpu.memory_space<hbm>>
    tpu.wait_dma2 semaphore(%arg11 : memref<!tpu.dma_semaphore, #tpu.memory_space<semaphore_mem>>) src(%arg7 : memref<1024x32xf32, #tpu.memory_space<vmem>>) dst(%dma_wait3A_30 : memref<1024x32xf32, #tpu.memory_space<hbm>>)
    %dma_start3A_31 = arith.constant 0 : i32
    %dma_start3A_32 = arith.constant 0 : i32
    %dma_start3A_33 = tpu.memref_slice %arg2[%dma_start3A_31, %dma_start3A_32] : memref<10000x32xf32, #tpu.memory_space<hbm>> -> memref<10000x32xf32, #tpu.memory_space<hbm>>
    tpu.enqueue_indirect_dma source(%dma_start3A_33 : memref<10000x32xf32, #tpu.memory_space<hbm>>) target(%arg7 : memref<1024x32xf32, #tpu.memory_space<vmem>>) offsets(%arg5 : memref<1024xi32, #tpu.memory_space<vmem>>) semaphore(%arg9 : memref<!tpu.dma_semaphore, #tpu.memory_space<semaphore_mem>>)
    %dma_start3A_34 = arith.constant 1 : i32
    %dma_start3A_35 = arith.constant 0 : i32
    %dma_start3A_36 = arith.constant 0 : i32
    %dma_start3A_37 = tpu.memref_slice %arg4[%add3A, %dma_start3A_34, %dma_start3A_35, %dma_start3A_36] : memref<32x5x1024x32xf32, #tpu.memory_space<hbm>> -> memref<1x1x1024x32xf32, #tpu.memory_space<hbm>>
    %dma_start3A_38 = tpu.memref_squeeze %dma_start3A_37 : memref<1x1x1024x32xf32, #tpu.memory_space<hbm>> -> memref<1024x32xf32, #tpu.memory_space<hbm>>
    %dma_start3A_39 = arith.constant 0 : i32
    %dma_start3A_40 = arith.constant 0 : i32
    %dma_start3A_41 = tpu.memref_slice %arg4[%add3A, %dma_start3A_34, %dma_start3A_39, %dma_start3A_40] : memref<32x5x1024x32xf32, #tpu.memory_space<hbm>> -> memref<1x1x1024x32xf32, #tpu.memory_space<hbm>>
    %dma_start3A_42 = tpu.memref_squeeze %dma_start3A_41 : memref<1x1x1024x32xf32, #tpu.memory_space<hbm>> -> memref<1024x32xf32, #tpu.memory_space<hbm>>
    tpu.enqueue_dma source(%arg8 : memref<1024x32xf32, #tpu.memory_space<vmem>>) target(%dma_start3A_42 : memref<1024x32xf32, #tpu.memory_space<hbm>>) target_semaphore(%arg12 : memref<!tpu.dma_semaphore, #tpu.memory_space<semaphore_mem>>)
    %run_scoped3A_43 = arith.constant 3 : i32
    "tpu.region"() ({
      %run_scoped3A_123 = tpu.sem_alloc : memref<!tpu.dma_semaphore, #tpu.memory_space<semaphore_mem>>
      %dma_start3A_124 = arith.constant 0 : i32
      %dma_start3A_125 = tpu.memref_slice %arg3[%add3A, %run_scoped3A_43, %dma_start3A_124] : memref<32x5x1024xi32, #tpu.memory_space<hbm>> -> memref<1x1x1024xi32, #tpu.memory_space<hbm>>
      %dma_start3A_126 = tpu.memref_squeeze %dma_start3A_125 : memref<1x1x1024xi32, #tpu.memory_space<hbm>> -> memref<1024xi32, #tpu.memory_space<hbm>>
      %dma_start3A_127 = arith.constant 0 : i32
      %dma_start3A_128 = tpu.memref_slice %arg3[%add3A, %run_scoped3A_43, %dma_start3A_127] : memref<32x5x1024xi32, #tpu.memory_space<hbm>> -> memref<1x1x1024xi32, #tpu.memory_space<hbm>>
      %dma_start3A_129 = tpu.memref_squeeze %dma_start3A_128 : memref<1x1x1024xi32, #tpu.memory_space<hbm>> -> memref<1024xi32, #tpu.memory_space<hbm>>
      tpu.enqueue_dma source(%dma_start3A_129 : memref<1024xi32, #tpu.memory_space<hbm>>) target(%arg6 : memref<1024xi32, #tpu.memory_space<vmem>>) target_semaphore(%run_scoped3A_123 : memref<!tpu.dma_semaphore, #tpu.memory_space<semaphore_mem>>)
      %dma_wait3A_130 = arith.constant 0 : i32
      %dma_wait3A_131 = tpu.memref_slice %arg3[%add3A, %run_scoped3A_43, %dma_wait3A_130] : memref<32x5x1024xi32, #tpu.memory_space<hbm>> -> memref<1x1x1024xi32, #tpu.memory_space<hbm>>
      %dma_wait3A_132 = tpu.memref_squeeze %dma_wait3A_131 : memref<1x1x1024xi32, #tpu.memory_space<hbm>> -> memref<1024xi32, #tpu.memory_space<hbm>>
      %dma_wait3A_133 = arith.constant 0 : i32
      %dma_wait3A_134 = tpu.memref_slice %arg3[%add3A, %run_scoped3A_43, %dma_wait3A_133] : memref<32x5x1024xi32, #tpu.memory_space<hbm>> -> memref<1x1x1024xi32, #tpu.memory_space<hbm>>
      %dma_wait3A_135 = tpu.memref_squeeze %dma_wait3A_134 : memref<1x1x1024xi32, #tpu.memory_space<hbm>> -> memref<1024xi32, #tpu.memory_space<hbm>>
      tpu.wait_dma2 semaphore(%run_scoped3A_123 : memref<!tpu.dma_semaphore, #tpu.memory_space<semaphore_mem>>) src(%dma_wait3A_135 : memref<1024xi32, #tpu.memory_space<hbm>>) dst(%arg6 : memref<1024xi32, #tpu.memory_space<vmem>>)
      tpu.yield
    }) : () -> ()
    %dma_wait3A_44 = arith.constant 0 : i32
    %dma_wait3A_45 = arith.constant 0 : i32
    %dma_wait3A_46 = tpu.memref_slice %arg2[%dma_wait3A_44, %dma_wait3A_45] : memref<10000x32xf32, #tpu.memory_space<hbm>> -> memref<10000x32xf32, #tpu.memory_space<hbm>>
    tpu.wait_indirect_dma semaphore(%arg9 : memref<!tpu.dma_semaphore, #tpu.memory_space<semaphore_mem>>) src(%dma_wait3A_46 : memref<10000x32xf32, #tpu.memory_space<hbm>>) dst(%arg7 : memref<1024x32xf32, #tpu.memory_space<vmem>>)
    %dma_wait3A_47 = arith.constant 1 : i32
    %dma_wait3A_48 = arith.constant 0 : i32
    %dma_wait3A_49 = arith.constant 0 : i32
    %dma_wait3A_50 = tpu.memref_slice %arg4[%add3A, %dma_wait3A_47, %dma_wait3A_48, %dma_wait3A_49] : memref<32x5x1024x32xf32, #tpu.memory_space<hbm>> -> memref<1x1x1024x32xf32, #tpu.memory_space<hbm>>
    %dma_wait3A_51 = tpu.memref_squeeze %dma_wait3A_50 : memref<1x1x1024x32xf32, #tpu.memory_space<hbm>> -> memref<1024x32xf32, #tpu.memory_space<hbm>>
    %dma_wait3A_52 = arith.constant 0 : i32
    %dma_wait3A_53 = arith.constant 0 : i32
    %dma_wait3A_54 = tpu.memref_slice %arg4[%add3A, %dma_wait3A_47, %dma_wait3A_52, %dma_wait3A_53] : memref<32x5x1024x32xf32, #tpu.memory_space<hbm>> -> memref<1x1x1024x32xf32, #tpu.memory_space<hbm>>
    %dma_wait3A_55 = tpu.memref_squeeze %dma_wait3A_54 : memref<1x1x1024x32xf32, #tpu.memory_space<hbm>> -> memref<1024x32xf32, #tpu.memory_space<hbm>>
    tpu.wait_dma2 semaphore(%arg12 : memref<!tpu.dma_semaphore, #tpu.memory_space<semaphore_mem>>) src(%arg8 : memref<1024x32xf32, #tpu.memory_space<vmem>>) dst(%dma_wait3A_55 : memref<1024x32xf32, #tpu.memory_space<hbm>>)
    %dma_start3A_56 = arith.constant 0 : i32
    %dma_start3A_57 = arith.constant 0 : i32
    %dma_start3A_58 = tpu.memref_slice %arg2[%dma_start3A_56, %dma_start3A_57] : memref<10000x32xf32, #tpu.memory_space<hbm>> -> memref<10000x32xf32, #tpu.memory_space<hbm>>
    tpu.enqueue_indirect_dma source(%dma_start3A_58 : memref<10000x32xf32, #tpu.memory_space<hbm>>) target(%arg8 : memref<1024x32xf32, #tpu.memory_space<vmem>>) offsets(%arg6 : memref<1024xi32, #tpu.memory_space<vmem>>) semaphore(%arg10 : memref<!tpu.dma_semaphore, #tpu.memory_space<semaphore_mem>>)
    %dma_start3A_59 = arith.constant 2 : i32
    %dma_start3A_60 = arith.constant 0 : i32
    %dma_start3A_61 = arith.constant 0 : i32
    %dma_start3A_62 = tpu.memref_slice %arg4[%add3A, %dma_start3A_59, %dma_start3A_60, %dma_start3A_61] : memref<32x5x1024x32xf32, #tpu.memory_space<hbm>> -> memref<1x1x1024x32xf32, #tpu.memory_space<hbm>>
    %dma_start3A_63 = tpu.memref_squeeze %dma_start3A_62 : memref<1x1x1024x32xf32, #tpu.memory_space<hbm>> -> memref<1024x32xf32, #tpu.memory_space<hbm>>
    %dma_start3A_64 = arith.constant 0 : i32
    %dma_start3A_65 = arith.constant 0 : i32
    %dma_start3A_66 = tpu.memref_slice %arg4[%add3A, %dma_start3A_59, %dma_start3A_64, %dma_start3A_65] : memref<32x5x1024x32xf32, #tpu.memory_space<hbm>> -> memref<1x1x1024x32xf32, #tpu.memory_space<hbm>>
    %dma_start3A_67 = tpu.memref_squeeze %dma_start3A_66 : memref<1x1x1024x32xf32, #tpu.memory_space<hbm>> -> memref<1024x32xf32, #tpu.memory_space<hbm>>
    tpu.enqueue_dma source(%arg7 : memref<1024x32xf32, #tpu.memory_space<vmem>>) target(%dma_start3A_67 : memref<1024x32xf32, #tpu.memory_space<hbm>>) target_semaphore(%arg11 : memref<!tpu.dma_semaphore, #tpu.memory_space<semaphore_mem>>)
    %run_scoped3A_68 = arith.constant 4 : i32
    "tpu.region"() ({
      %run_scoped3A_123 = tpu.sem_alloc : memref<!tpu.dma_semaphore, #tpu.memory_space<semaphore_mem>>
      %dma_start3A_124 = arith.constant 0 : i32
      %dma_start3A_125 = tpu.memref_slice %arg3[%add3A, %run_scoped3A_68, %dma_start3A_124] : memref<32x5x1024xi32, #tpu.memory_space<hbm>> -> memref<1x1x1024xi32, #tpu.memory_space<hbm>>
      %dma_start3A_126 = tpu.memref_squeeze %dma_start3A_125 : memref<1x1x1024xi32, #tpu.memory_space<hbm>> -> memref<1024xi32, #tpu.memory_space<hbm>>
      %dma_start3A_127 = arith.constant 0 : i32
      %dma_start3A_128 = tpu.memref_slice %arg3[%add3A, %run_scoped3A_68, %dma_start3A_127] : memref<32x5x1024xi32, #tpu.memory_space<hbm>> -> memref<1x1x1024xi32, #tpu.memory_space<hbm>>
      %dma_start3A_129 = tpu.memref_squeeze %dma_start3A_128 : memref<1x1x1024xi32, #tpu.memory_space<hbm>> -> memref<1024xi32, #tpu.memory_space<hbm>>
      tpu.enqueue_dma source(%dma_start3A_129 : memref<1024xi32, #tpu.memory_space<hbm>>) target(%arg5 : memref<1024xi32, #tpu.memory_space<vmem>>) target_semaphore(%run_scoped3A_123 : memref<!tpu.dma_semaphore, #tpu.memory_space<semaphore_mem>>)
      %dma_wait3A_130 = arith.constant 0 : i32
      %dma_wait3A_131 = tpu.memref_slice %arg3[%add3A, %run_scoped3A_68, %dma_wait3A_130] : memref<32x5x1024xi32, #tpu.memory_space<hbm>> -> memref<1x1x1024xi32, #tpu.memory_space<hbm>>
      %dma_wait3A_132 = tpu.memref_squeeze %dma_wait3A_131 : memref<1x1x1024xi32, #tpu.memory_space<hbm>> -> memref<1024xi32, #tpu.memory_space<hbm>>
      %dma_wait3A_133 = arith.constant 0 : i32
      %dma_wait3A_134 = tpu.memref_slice %arg3[%add3A, %run_scoped3A_68, %dma_wait3A_133] : memref<32x5x1024xi32, #tpu.memory_space<hbm>> -> memref<1x1x1024xi32, #tpu.memory_space<hbm>>
      %dma_wait3A_135 = tpu.memref_squeeze %dma_wait3A_134 : memref<1x1x1024xi32, #tpu.memory_space<hbm>> -> memref<1024xi32, #tpu.memory_space<hbm>>
      tpu.wait_dma2 semaphore(%run_scoped3A_123 : memref<!tpu.dma_semaphore, #tpu.memory_space<semaphore_mem>>) src(%dma_wait3A_135 : memref<1024xi32, #tpu.memory_space<hbm>>) dst(%arg5 : memref<1024xi32, #tpu.memory_space<vmem>>)
      tpu.yield
    }) : () -> ()
    %dma_wait3A_69 = arith.constant 0 : i32
    %dma_wait3A_70 = arith.constant 0 : i32
    %dma_wait3A_71 = tpu.memref_slice %arg2[%dma_wait3A_69, %dma_wait3A_70] : memref<10000x32xf32, #tpu.memory_space<hbm>> -> memref<10000x32xf32, #tpu.memory_space<hbm>>
    tpu.wait_indirect_dma semaphore(%arg10 : memref<!tpu.dma_semaphore, #tpu.memory_space<semaphore_mem>>) src(%dma_wait3A_71 : memref<10000x32xf32, #tpu.memory_space<hbm>>) dst(%arg8 : memref<1024x32xf32, #tpu.memory_space<vmem>>)
    %dma_wait3A_72 = arith.constant 2 : i32
    %dma_wait3A_73 = arith.constant 0 : i32
    %dma_wait3A_74 = arith.constant 0 : i32
    %dma_wait3A_75 = tpu.memref_slice %arg4[%add3A, %dma_wait3A_72, %dma_wait3A_73, %dma_wait3A_74] : memref<32x5x1024x32xf32, #tpu.memory_space<hbm>> -> memref<1x1x1024x32xf32, #tpu.memory_space<hbm>>
    %dma_wait3A_76 = tpu.memref_squeeze %dma_wait3A_75 : memref<1x1x1024x32xf32, #tpu.memory_space<hbm>> -> memref<1024x32xf32, #tpu.memory_space<hbm>>
    %dma_wait3A_77 = arith.constant 0 : i32
    %dma_wait3A_78 = arith.constant 0 : i32
    %dma_wait3A_79 = tpu.memref_slice %arg4[%add3A, %dma_wait3A_72, %dma_wait3A_77, %dma_wait3A_78] : memref<32x5x1024x32xf32, #tpu.memory_space<hbm>> -> memref<1x1x1024x32xf32, #tpu.memory_space<hbm>>
    %dma_wait3A_80 = tpu.memref_squeeze %dma_wait3A_79 : memref<1x1x1024x32xf32, #tpu.memory_space<hbm>> -> memref<1024x32xf32, #tpu.memory_space<hbm>>
    tpu.wait_dma2 semaphore(%arg11 : memref<!tpu.dma_semaphore, #tpu.memory_space<semaphore_mem>>) src(%arg7 : memref<1024x32xf32, #tpu.memory_space<vmem>>) dst(%dma_wait3A_80 : memref<1024x32xf32, #tpu.memory_space<hbm>>)
    %dma_start3A_81 = arith.constant 0 : i32
    %dma_start3A_82 = arith.constant 0 : i32
    %dma_start3A_83 = tpu.memref_slice %arg2[%dma_start3A_81, %dma_start3A_82] : memref<10000x32xf32, #tpu.memory_space<hbm>> -> memref<10000x32xf32, #tpu.memory_space<hbm>>
    tpu.enqueue_indirect_dma source(%dma_start3A_83 : memref<10000x32xf32, #tpu.memory_space<hbm>>) target(%arg7 : memref<1024x32xf32, #tpu.memory_space<vmem>>) offsets(%arg5 : memref<1024xi32, #tpu.memory_space<vmem>>) semaphore(%arg9 : memref<!tpu.dma_semaphore, #tpu.memory_space<semaphore_mem>>)
    %dma_start3A_84 = arith.constant 3 : i32
    %dma_start3A_85 = arith.constant 0 : i32
    %dma_start3A_86 = arith.constant 0 : i32
    %dma_start3A_87 = tpu.memref_slice %arg4[%add3A, %dma_start3A_84, %dma_start3A_85, %dma_start3A_86] : memref<32x5x1024x32xf32, #tpu.memory_space<hbm>> -> memref<1x1x1024x32xf32, #tpu.memory_space<hbm>>
    %dma_start3A_88 = tpu.memref_squeeze %dma_start3A_87 : memref<1x1x1024x32xf32, #tpu.memory_space<hbm>> -> memref<1024x32xf32, #tpu.memory_space<hbm>>
    %dma_start3A_89 = arith.constant 0 : i32
    %dma_start3A_90 = arith.constant 0 : i32
    %dma_start3A_91 = tpu.memref_slice %arg4[%add3A, %dma_start3A_84, %dma_start3A_89, %dma_start3A_90] : memref<32x5x1024x32xf32, #tpu.memory_space<hbm>> -> memref<1x1x1024x32xf32, #tpu.memory_space<hbm>>
    %dma_start3A_92 = tpu.memref_squeeze %dma_start3A_91 : memref<1x1x1024x32xf32, #tpu.memory_space<hbm>> -> memref<1024x32xf32, #tpu.memory_space<hbm>>
    tpu.enqueue_dma source(%arg8 : memref<1024x32xf32, #tpu.memory_space<vmem>>) target(%dma_start3A_92 : memref<1024x32xf32, #tpu.memory_space<hbm>>) target_semaphore(%arg12 : memref<!tpu.dma_semaphore, #tpu.memory_space<semaphore_mem>>)
    %dma_wait3A_93 = arith.constant 0 : i32
    %dma_wait3A_94 = arith.constant 0 : i32
    %dma_wait3A_95 = tpu.memref_slice %arg2[%dma_wait3A_93, %dma_wait3A_94] : memref<10000x32xf32, #tpu.memory_space<hbm>> -> memref<10000x32xf32, #tpu.memory_space<hbm>>
    tpu.wait_indirect_dma semaphore(%arg9 : memref<!tpu.dma_semaphore, #tpu.memory_space<semaphore_mem>>) src(%dma_wait3A_95 : memref<10000x32xf32, #tpu.memory_space<hbm>>) dst(%arg7 : memref<1024x32xf32, #tpu.memory_space<vmem>>)
    %dma_start3A_96 = arith.constant 4 : i32
    %dma_start3A_97 = arith.constant 0 : i32
    %dma_start3A_98 = arith.constant 0 : i32
    %dma_start3A_99 = tpu.memref_slice %arg4[%add3A, %dma_start3A_96, %dma_start3A_97, %dma_start3A_98] : memref<32x5x1024x32xf32, #tpu.memory_space<hbm>> -> memref<1x1x1024x32xf32, #tpu.memory_space<hbm>>
    %dma_start3A_100 = tpu.memref_squeeze %dma_start3A_99 : memref<1x1x1024x32xf32, #tpu.memory_space<hbm>> -> memref<1024x32xf32, #tpu.memory_space<hbm>>
    %dma_start3A_101 = arith.constant 0 : i32
    %dma_start3A_102 = arith.constant 0 : i32
    %dma_start3A_103 = tpu.memref_slice %arg4[%add3A, %dma_start3A_96, %dma_start3A_101, %dma_start3A_102] : memref<32x5x1024x32xf32, #tpu.memory_space<hbm>> -> memref<1x1x1024x32xf32, #tpu.memory_space<hbm>>
    %dma_start3A_104 = tpu.memref_squeeze %dma_start3A_103 : memref<1x1x1024x32xf32, #tpu.memory_space<hbm>> -> memref<1024x32xf32, #tpu.memory_space<hbm>>
    tpu.enqueue_dma source(%arg7 : memref<1024x32xf32, #tpu.memory_space<vmem>>) target(%dma_start3A_104 : memref<1024x32xf32, #tpu.memory_space<hbm>>) target_semaphore(%arg11 : memref<!tpu.dma_semaphore, #tpu.memory_space<semaphore_mem>>)
    %dma_wait3A_105 = arith.constant 4 : i32
    %dma_wait3A_106 = arith.constant 0 : i32
    %dma_wait3A_107 = arith.constant 0 : i32
    %dma_wait3A_108 = tpu.memref_slice %arg4[%add3A, %dma_wait3A_105, %dma_wait3A_106, %dma_wait3A_107] : memref<32x5x1024x32xf32, #tpu.memory_space<hbm>> -> memref<1x1x1024x32xf32, #tpu.memory_space<hbm>>
    %dma_wait3A_109 = tpu.memref_squeeze %dma_wait3A_108 : memref<1x1x1024x32xf32, #tpu.memory_space<hbm>> -> memref<1024x32xf32, #tpu.memory_space<hbm>>
    %dma_wait3A_110 = arith.constant 0 : i32
    %dma_wait3A_111 = arith.constant 0 : i32
    %dma_wait3A_112 = tpu.memref_slice %arg4[%add3A, %dma_wait3A_105, %dma_wait3A_110, %dma_wait3A_111] : memref<32x5x1024x32xf32, #tpu.memory_space<hbm>> -> memref<1x1x1024x32xf32, #tpu.memory_space<hbm>>
    %dma_wait3A_113 = tpu.memref_squeeze %dma_wait3A_112 : memref<1x1x1024x32xf32, #tpu.memory_space<hbm>> -> memref<1024x32xf32, #tpu.memory_space<hbm>>
    tpu.wait_dma2 semaphore(%arg11 : memref<!tpu.dma_semaphore, #tpu.memory_space<semaphore_mem>>) src(%arg7 : memref<1024x32xf32, #tpu.memory_space<vmem>>) dst(%dma_wait3A_113 : memref<1024x32xf32, #tpu.memory_space<hbm>>)
    %dma_wait3A_114 = arith.constant 3 : i32
    %dma_wait3A_115 = arith.constant 0 : i32
    %dma_wait3A_116 = arith.constant 0 : i32
    %dma_wait3A_117 = tpu.memref_slice %arg4[%add3A, %dma_wait3A_114, %dma_wait3A_115, %dma_wait3A_116] : memref<32x5x1024x32xf32, #tpu.memory_space<hbm>> -> memref<1x1x1024x32xf32, #tpu.memory_space<hbm>>
    %dma_wait3A_118 = tpu.memref_squeeze %dma_wait3A_117 : memref<1x1x1024x32xf32, #tpu.memory_space<hbm>> -> memref<1024x32xf32, #tpu.memory_space<hbm>>
    %dma_wait3A_119 = arith.constant 0 : i32
    %dma_wait3A_120 = arith.constant 0 : i32
    %dma_wait3A_121 = tpu.memref_slice %arg4[%add3A, %dma_wait3A_114, %dma_wait3A_119, %dma_wait3A_120] : memref<32x5x1024x32xf32, #tpu.memory_space<hbm>> -> memref<1x1x1024x32xf32, #tpu.memory_space<hbm>>
    %dma_wait3A_122 = tpu.memref_squeeze %dma_wait3A_121 : memref<1x1x1024x32xf32, #tpu.memory_space<hbm>> -> memref<1024x32xf32, #tpu.memory_space<hbm>>
    tpu.wait_dma2 semaphore(%arg12 : memref<!tpu.dma_semaphore, #tpu.memory_space<semaphore_mem>>) src(%arg8 : memref<1024x32xf32, #tpu.memory_space<vmem>>) dst(%dma_wait3A_122 : memref<1024x32xf32, #tpu.memory_space<hbm>>)
    return
  }
}

#map = affine_map<(d0, d1) -> (0, 0, 0, 0)>
#map1 = affine_map<(d0, d1) -> (0, 0, 0)>
#map2 = affine_map<(d0, d1) -> (0, 0)>
module attributes {stable_mosaic.version = 14 : i64} {
  func.func @_edge_scatter(%arg0: i32, %arg1: i32, %arg2: memref<32x5x1024x32xf32, #tpu.memory_space<hbm>>, %arg3: memref<32x5x1024xi32, #tpu.memory_space<hbm>>, %arg4: memref<640x32xf32, #tpu.memory_space<hbm>>, %arg5: memref<2x10240x32xf32, #tpu.memory_space<hbm>>, %arg6: memref<1024xi32, #tpu.memory_space<vmem>>, %arg7: memref<1024xi32, #tpu.memory_space<vmem>>, %arg8: memref<1024x32xf32, #tpu.memory_space<vmem>>, %arg9: memref<1024x32xf32, #tpu.memory_space<vmem>>, %arg10: memref<10240x32xf32, #tpu.memory_space<vmem_shared>>, %arg11: memref<!tpu.dma_semaphore, #tpu.memory_space<semaphore_mem>>, %arg12: memref<!tpu.dma_semaphore, #tpu.memory_space<semaphore_mem>>) attributes {dimension_semantics = [#tpu.dimension_semantics<core_parallel>, #tpu.dimension_semantics<subcore_parallel>], iteration_bounds = array<i64: 2, 16>, scalar_prefetch = 0 : i64, scratch_operands = 7 : i64, tpu.core_type = #tpu.core_type<sc_vector_subcore>, window_params = [{transform_indices = #map}, {transform_indices = #map1}, {transform_indices = #map2}, {transform_indices = #map1}]} {
    %mul3A = arith.constant 2 : i32
    %mul3A_0 = arith.muli %arg1, %mul3A : i32
    %add3A = arith.addi %mul3A_0, %arg0 : i32
    %run_scoped3A = arith.constant 0 : i32
    "tpu.region"() ({
      %run_scoped3A_100 = tpu.sem_alloc : memref<!tpu.dma_semaphore, #tpu.memory_space<semaphore_mem>>
      %dma_start3A_101 = arith.constant 0 : i32
      %dma_start3A_102 = tpu.memref_slice %arg3[%add3A, %run_scoped3A, %dma_start3A_101] : memref<32x5x1024xi32, #tpu.memory_space<hbm>> -> memref<1x1x1024xi32, #tpu.memory_space<hbm>>
      %dma_start3A_103 = tpu.memref_squeeze %dma_start3A_102 : memref<1x1x1024xi32, #tpu.memory_space<hbm>> -> memref<1024xi32, #tpu.memory_space<hbm>>
      %dma_start3A_104 = arith.constant 0 : i32
      %dma_start3A_105 = tpu.memref_slice %arg3[%add3A, %run_scoped3A, %dma_start3A_104] : memref<32x5x1024xi32, #tpu.memory_space<hbm>> -> memref<1x1x1024xi32, #tpu.memory_space<hbm>>
      %dma_start3A_106 = tpu.memref_squeeze %dma_start3A_105 : memref<1x1x1024xi32, #tpu.memory_space<hbm>> -> memref<1024xi32, #tpu.memory_space<hbm>>
      tpu.enqueue_dma source(%dma_start3A_106 : memref<1024xi32, #tpu.memory_space<hbm>>) target(%arg6 : memref<1024xi32, #tpu.memory_space<vmem>>) target_semaphore(%run_scoped3A_100 : memref<!tpu.dma_semaphore, #tpu.memory_space<semaphore_mem>>)
      %dma_wait3A_107 = arith.constant 0 : i32
      %dma_wait3A_108 = tpu.memref_slice %arg3[%add3A, %run_scoped3A, %dma_wait3A_107] : memref<32x5x1024xi32, #tpu.memory_space<hbm>> -> memref<1x1x1024xi32, #tpu.memory_space<hbm>>
      %dma_wait3A_109 = tpu.memref_squeeze %dma_wait3A_108 : memref<1x1x1024xi32, #tpu.memory_space<hbm>> -> memref<1024xi32, #tpu.memory_space<hbm>>
      %dma_wait3A_110 = arith.constant 0 : i32
      %dma_wait3A_111 = tpu.memref_slice %arg3[%add3A, %run_scoped3A, %dma_wait3A_110] : memref<32x5x1024xi32, #tpu.memory_space<hbm>> -> memref<1x1x1024xi32, #tpu.memory_space<hbm>>
      %dma_wait3A_112 = tpu.memref_squeeze %dma_wait3A_111 : memref<1x1x1024xi32, #tpu.memory_space<hbm>> -> memref<1024xi32, #tpu.memory_space<hbm>>
      tpu.wait_dma2 semaphore(%run_scoped3A_100 : memref<!tpu.dma_semaphore, #tpu.memory_space<semaphore_mem>>) src(%dma_wait3A_112 : memref<1024xi32, #tpu.memory_space<hbm>>) dst(%arg6 : memref<1024xi32, #tpu.memory_space<vmem>>)
      tpu.yield
    }) : () -> ()
    %dma_start3A = arith.constant 0 : i32
    %dma_start3A_1 = arith.constant 0 : i32
    %dma_start3A_2 = arith.constant 0 : i32
    %dma_start3A_3 = tpu.memref_slice %arg2[%add3A, %dma_start3A, %dma_start3A_1, %dma_start3A_2] : memref<32x5x1024x32xf32, #tpu.memory_space<hbm>> -> memref<1x1x1024x32xf32, #tpu.memory_space<hbm>>
    %dma_start3A_4 = tpu.memref_squeeze %dma_start3A_3 : memref<1x1x1024x32xf32, #tpu.memory_space<hbm>> -> memref<1024x32xf32, #tpu.memory_space<hbm>>
    %dma_start3A_5 = arith.constant 0 : i32
    %dma_start3A_6 = arith.constant 0 : i32
    %dma_start3A_7 = tpu.memref_slice %arg2[%add3A, %dma_start3A, %dma_start3A_5, %dma_start3A_6] : memref<32x5x1024x32xf32, #tpu.memory_space<hbm>> -> memref<1x1x1024x32xf32, #tpu.memory_space<hbm>>
    %dma_start3A_8 = tpu.memref_squeeze %dma_start3A_7 : memref<1x1x1024x32xf32, #tpu.memory_space<hbm>> -> memref<1024x32xf32, #tpu.memory_space<hbm>>
    tpu.enqueue_dma source(%dma_start3A_8 : memref<1024x32xf32, #tpu.memory_space<hbm>>) target(%arg8 : memref<1024x32xf32, #tpu.memory_space<vmem>>) target_semaphore(%arg11 : memref<!tpu.dma_semaphore, #tpu.memory_space<semaphore_mem>>)
    %mul3A_9 = arith.constant 640 : i32
    %mul3A_10 = arith.muli %arg1, %mul3A_9 : i32
    "tpu.region"() ({
      %run_scoped3A_100 = tpu.sem_alloc : memref<!tpu.dma_semaphore, #tpu.memory_space<semaphore_mem>>
      %dma_start3A_101 = arith.constant 0 : i32
      %dma_start3A_102 = tpu.memref_slice %arg10[%mul3A_10, %dma_start3A_101] : memref<10240x32xf32, #tpu.memory_space<vmem_shared>> -> memref<640x32xf32, #tpu.memory_space<vmem_shared>>
      tpu.enqueue_dma source(%arg4 : memref<640x32xf32, #tpu.memory_space<hbm>>) target(%dma_start3A_102 : memref<640x32xf32, #tpu.memory_space<vmem_shared>>) target_semaphore(%run_scoped3A_100 : memref<!tpu.dma_semaphore, #tpu.memory_space<semaphore_mem>>)
      %dma_wait3A_103 = arith.constant 0 : i32
      %dma_wait3A_104 = tpu.memref_slice %arg10[%mul3A_10, %dma_wait3A_103] : memref<10240x32xf32, #tpu.memory_space<vmem_shared>> -> memref<640x32xf32, #tpu.memory_space<vmem_shared>>
      tpu.wait_dma2 semaphore(%run_scoped3A_100 : memref<!tpu.dma_semaphore, #tpu.memory_space<semaphore_mem>>) src(%arg4 : memref<640x32xf32, #tpu.memory_space<hbm>>) dst(%dma_wait3A_104 : memref<640x32xf32, #tpu.memory_space<vmem_shared>>)
      tpu.yield
    }) : () -> ()
    %barrier3A = arith.constant 0 : index
    tpu.barrier barrier_id(%barrier3A)
    %run_scoped3A_11 = arith.constant 1 : i32
    "tpu.region"() ({
      %run_scoped3A_100 = tpu.sem_alloc : memref<!tpu.dma_semaphore, #tpu.memory_space<semaphore_mem>>
      %dma_start3A_101 = arith.constant 0 : i32
      %dma_start3A_102 = tpu.memref_slice %arg3[%add3A, %run_scoped3A_11, %dma_start3A_101] : memref<32x5x1024xi32, #tpu.memory_space<hbm>> -> memref<1x1x1024xi32, #tpu.memory_space<hbm>>
      %dma_start3A_103 = tpu.memref_squeeze %dma_start3A_102 : memref<1x1x1024xi32, #tpu.memory_space<hbm>> -> memref<1024xi32, #tpu.memory_space<hbm>>
      %dma_start3A_104 = arith.constant 0 : i32
      %dma_start3A_105 = tpu.memref_slice %arg3[%add3A, %run_scoped3A_11, %dma_start3A_104] : memref<32x5x1024xi32, #tpu.memory_space<hbm>> -> memref<1x1x1024xi32, #tpu.memory_space<hbm>>
      %dma_start3A_106 = tpu.memref_squeeze %dma_start3A_105 : memref<1x1x1024xi32, #tpu.memory_space<hbm>> -> memref<1024xi32, #tpu.memory_space<hbm>>
      tpu.enqueue_dma source(%dma_start3A_106 : memref<1024xi32, #tpu.memory_space<hbm>>) target(%arg7 : memref<1024xi32, #tpu.memory_space<vmem>>) target_semaphore(%run_scoped3A_100 : memref<!tpu.dma_semaphore, #tpu.memory_space<semaphore_mem>>)
      %dma_wait3A_107 = arith.constant 0 : i32
      %dma_wait3A_108 = tpu.memref_slice %arg3[%add3A, %run_scoped3A_11, %dma_wait3A_107] : memref<32x5x1024xi32, #tpu.memory_space<hbm>> -> memref<1x1x1024xi32, #tpu.memory_space<hbm>>
      %dma_wait3A_109 = tpu.memref_squeeze %dma_wait3A_108 : memref<1x1x1024xi32, #tpu.memory_space<hbm>> -> memref<1024xi32, #tpu.memory_space<hbm>>
      %dma_wait3A_110 = arith.constant 0 : i32
      %dma_wait3A_111 = tpu.memref_slice %arg3[%add3A, %run_scoped3A_11, %dma_wait3A_110] : memref<32x5x1024xi32, #tpu.memory_space<hbm>> -> memref<1x1x1024xi32, #tpu.memory_space<hbm>>
      %dma_wait3A_112 = tpu.memref_squeeze %dma_wait3A_111 : memref<1x1x1024xi32, #tpu.memory_space<hbm>> -> memref<1024xi32, #tpu.memory_space<hbm>>
      tpu.wait_dma2 semaphore(%run_scoped3A_100 : memref<!tpu.dma_semaphore, #tpu.memory_space<semaphore_mem>>) src(%dma_wait3A_112 : memref<1024xi32, #tpu.memory_space<hbm>>) dst(%arg7 : memref<1024xi32, #tpu.memory_space<vmem>>)
      tpu.yield
    }) : () -> ()
    %dma_start3A_12 = arith.constant 1 : i32
    %dma_start3A_13 = arith.constant 0 : i32
    %dma_start3A_14 = arith.constant 0 : i32
    %dma_start3A_15 = tpu.memref_slice %arg2[%add3A, %dma_start3A_12, %dma_start3A_13, %dma_start3A_14] : memref<32x5x1024x32xf32, #tpu.memory_space<hbm>> -> memref<1x1x1024x32xf32, #tpu.memory_space<hbm>>
    %dma_start3A_16 = tpu.memref_squeeze %dma_start3A_15 : memref<1x1x1024x32xf32, #tpu.memory_space<hbm>> -> memref<1024x32xf32, #tpu.memory_space<hbm>>
    %dma_start3A_17 = arith.constant 0 : i32
    %dma_start3A_18 = arith.constant 0 : i32
    %dma_start3A_19 = tpu.memref_slice %arg2[%add3A, %dma_start3A_12, %dma_start3A_17, %dma_start3A_18] : memref<32x5x1024x32xf32, #tpu.memory_space<hbm>> -> memref<1x1x1024x32xf32, #tpu.memory_space<hbm>>
    %dma_start3A_20 = tpu.memref_squeeze %dma_start3A_19 : memref<1x1x1024x32xf32, #tpu.memory_space<hbm>> -> memref<1024x32xf32, #tpu.memory_space<hbm>>
    tpu.enqueue_dma source(%dma_start3A_20 : memref<1024x32xf32, #tpu.memory_space<hbm>>) target(%arg9 : memref<1024x32xf32, #tpu.memory_space<vmem>>) target_semaphore(%arg12 : memref<!tpu.dma_semaphore, #tpu.memory_space<semaphore_mem>>)
    %dma_wait3A = arith.constant 0 : i32
    %dma_wait3A_21 = arith.constant 0 : i32
    %dma_wait3A_22 = arith.constant 0 : i32
    %dma_wait3A_23 = tpu.memref_slice %arg2[%add3A, %dma_wait3A, %dma_wait3A_21, %dma_wait3A_22] : memref<32x5x1024x32xf32, #tpu.memory_space<hbm>> -> memref<1x1x1024x32xf32, #tpu.memory_space<hbm>>
    %dma_wait3A_24 = tpu.memref_squeeze %dma_wait3A_23 : memref<1x1x1024x32xf32, #tpu.memory_space<hbm>> -> memref<1024x32xf32, #tpu.memory_space<hbm>>
    %dma_wait3A_25 = arith.constant 0 : i32
    %dma_wait3A_26 = arith.constant 0 : i32
    %dma_wait3A_27 = tpu.memref_slice %arg2[%add3A, %dma_wait3A, %dma_wait3A_25, %dma_wait3A_26] : memref<32x5x1024x32xf32, #tpu.memory_space<hbm>> -> memref<1x1x1024x32xf32, #tpu.memory_space<hbm>>
    %dma_wait3A_28 = tpu.memref_squeeze %dma_wait3A_27 : memref<1x1x1024x32xf32, #tpu.memory_space<hbm>> -> memref<1024x32xf32, #tpu.memory_space<hbm>>
    tpu.wait_dma2 semaphore(%arg11 : memref<!tpu.dma_semaphore, #tpu.memory_space<semaphore_mem>>) src(%dma_wait3A_28 : memref<1024x32xf32, #tpu.memory_space<hbm>>) dst(%arg8 : memref<1024x32xf32, #tpu.memory_space<vmem>>)
    "tpu.region"() ({
      %run_scoped3A_100 = tpu.sem_alloc : memref<!tpu.dma_semaphore, #tpu.memory_space<semaphore_mem>>
      %dma_start3A_101 = arith.constant 0 : i32
      %dma_start3A_102 = arith.constant 0 : i32
      %dma_start3A_103 = tpu.memref_slice %arg10[%dma_start3A_101, %dma_start3A_102] : memref<10240x32xf32, #tpu.memory_space<vmem_shared>> -> memref<10240x32xf32, #tpu.memory_space<vmem_shared>>
      tpu.enqueue_indirect_dma source(%arg8 : memref<1024x32xf32, #tpu.memory_space<vmem>>) target(%dma_start3A_103 : memref<10240x32xf32, #tpu.memory_space<vmem_shared>>) offsets(%arg6 : memref<1024xi32, #tpu.memory_space<vmem>>) semaphore(%run_scoped3A_100 : memref<!tpu.dma_semaphore, #tpu.memory_space<semaphore_mem>>) {add = true}
      %dma_wait3A_104 = arith.constant 0 : i32
      %dma_wait3A_105 = arith.constant 0 : i32
      %dma_wait3A_106 = tpu.memref_slice %arg10[%dma_wait3A_104, %dma_wait3A_105] : memref<10240x32xf32, #tpu.memory_space<vmem_shared>> -> memref<10240x32xf32, #tpu.memory_space<vmem_shared>>
      tpu.wait_indirect_dma semaphore(%run_scoped3A_100 : memref<!tpu.dma_semaphore, #tpu.memory_space<semaphore_mem>>) src(%arg8 : memref<1024x32xf32, #tpu.memory_space<vmem>>) dst(%dma_wait3A_106 : memref<10240x32xf32, #tpu.memory_space<vmem_shared>>)
      tpu.yield
    }) : () -> ()
    %run_scoped3A_29 = arith.constant 2 : i32
    "tpu.region"() ({
      %run_scoped3A_100 = tpu.sem_alloc : memref<!tpu.dma_semaphore, #tpu.memory_space<semaphore_mem>>
      %dma_start3A_101 = arith.constant 0 : i32
      %dma_start3A_102 = tpu.memref_slice %arg3[%add3A, %run_scoped3A_29, %dma_start3A_101] : memref<32x5x1024xi32, #tpu.memory_space<hbm>> -> memref<1x1x1024xi32, #tpu.memory_space<hbm>>
      %dma_start3A_103 = tpu.memref_squeeze %dma_start3A_102 : memref<1x1x1024xi32, #tpu.memory_space<hbm>> -> memref<1024xi32, #tpu.memory_space<hbm>>
      %dma_start3A_104 = arith.constant 0 : i32
      %dma_start3A_105 = tpu.memref_slice %arg3[%add3A, %run_scoped3A_29, %dma_start3A_104] : memref<32x5x1024xi32, #tpu.memory_space<hbm>> -> memref<1x1x1024xi32, #tpu.memory_space<hbm>>
      %dma_start3A_106 = tpu.memref_squeeze %dma_start3A_105 : memref<1x1x1024xi32, #tpu.memory_space<hbm>> -> memref<1024xi32, #tpu.memory_space<hbm>>
      tpu.enqueue_dma source(%dma_start3A_106 : memref<1024xi32, #tpu.memory_space<hbm>>) target(%arg6 : memref<1024xi32, #tpu.memory_space<vmem>>) target_semaphore(%run_scoped3A_100 : memref<!tpu.dma_semaphore, #tpu.memory_space<semaphore_mem>>)
      %dma_wait3A_107 = arith.constant 0 : i32
      %dma_wait3A_108 = tpu.memref_slice %arg3[%add3A, %run_scoped3A_29, %dma_wait3A_107] : memref<32x5x1024xi32, #tpu.memory_space<hbm>> -> memref<1x1x1024xi32, #tpu.memory_space<hbm>>
      %dma_wait3A_109 = tpu.memref_squeeze %dma_wait3A_108 : memref<1x1x1024xi32, #tpu.memory_space<hbm>> -> memref<1024xi32, #tpu.memory_space<hbm>>
      %dma_wait3A_110 = arith.constant 0 : i32
      %dma_wait3A_111 = tpu.memref_slice %arg3[%add3A, %run_scoped3A_29, %dma_wait3A_110] : memref<32x5x1024xi32, #tpu.memory_space<hbm>> -> memref<1x1x1024xi32, #tpu.memory_space<hbm>>
      %dma_wait3A_112 = tpu.memref_squeeze %dma_wait3A_111 : memref<1x1x1024xi32, #tpu.memory_space<hbm>> -> memref<1024xi32, #tpu.memory_space<hbm>>
      tpu.wait_dma2 semaphore(%run_scoped3A_100 : memref<!tpu.dma_semaphore, #tpu.memory_space<semaphore_mem>>) src(%dma_wait3A_112 : memref<1024xi32, #tpu.memory_space<hbm>>) dst(%arg6 : memref<1024xi32, #tpu.memory_space<vmem>>)
      tpu.yield
    }) : () -> ()
    %dma_start3A_30 = arith.constant 2 : i32
    %dma_start3A_31 = arith.constant 0 : i32
    %dma_start3A_32 = arith.constant 0 : i32
    %dma_start3A_33 = tpu.memref_slice %arg2[%add3A, %dma_start3A_30, %dma_start3A_31, %dma_start3A_32] : memref<32x5x1024x32xf32, #tpu.memory_space<hbm>> -> memref<1x1x1024x32xf32, #tpu.memory_space<hbm>>
    %dma_start3A_34 = tpu.memref_squeeze %dma_start3A_33 : memref<1x1x1024x32xf32, #tpu.memory_space<hbm>> -> memref<1024x32xf32, #tpu.memory_space<hbm>>
    %dma_start3A_35 = arith.constant 0 : i32
    %dma_start3A_36 = arith.constant 0 : i32
    %dma_start3A_37 = tpu.memref_slice %arg2[%add3A, %dma_start3A_30, %dma_start3A_35, %dma_start3A_36] : memref<32x5x1024x32xf32, #tpu.memory_space<hbm>> -> memref<1x1x1024x32xf32, #tpu.memory_space<hbm>>
    %dma_start3A_38 = tpu.memref_squeeze %dma_start3A_37 : memref<1x1x1024x32xf32, #tpu.memory_space<hbm>> -> memref<1024x32xf32, #tpu.memory_space<hbm>>
    tpu.enqueue_dma source(%dma_start3A_38 : memref<1024x32xf32, #tpu.memory_space<hbm>>) target(%arg8 : memref<1024x32xf32, #tpu.memory_space<vmem>>) target_semaphore(%arg11 : memref<!tpu.dma_semaphore, #tpu.memory_space<semaphore_mem>>)
    %dma_wait3A_39 = arith.constant 1 : i32
    %dma_wait3A_40 = arith.constant 0 : i32
    %dma_wait3A_41 = arith.constant 0 : i32
    %dma_wait3A_42 = tpu.memref_slice %arg2[%add3A, %dma_wait3A_39, %dma_wait3A_40, %dma_wait3A_41] : memref<32x5x1024x32xf32, #tpu.memory_space<hbm>> -> memref<1x1x1024x32xf32, #tpu.memory_space<hbm>>
    %dma_wait3A_43 = tpu.memref_squeeze %dma_wait3A_42 : memref<1x1x1024x32xf32, #tpu.memory_space<hbm>> -> memref<1024x32xf32, #tpu.memory_space<hbm>>
    %dma_wait3A_44 = arith.constant 0 : i32
    %dma_wait3A_45 = arith.constant 0 : i32
    %dma_wait3A_46 = tpu.memref_slice %arg2[%add3A, %dma_wait3A_39, %dma_wait3A_44, %dma_wait3A_45] : memref<32x5x1024x32xf32, #tpu.memory_space<hbm>> -> memref<1x1x1024x32xf32, #tpu.memory_space<hbm>>
    %dma_wait3A_47 = tpu.memref_squeeze %dma_wait3A_46 : memref<1x1x1024x32xf32, #tpu.memory_space<hbm>> -> memref<1024x32xf32, #tpu.memory_space<hbm>>
    tpu.wait_dma2 semaphore(%arg12 : memref<!tpu.dma_semaphore, #tpu.memory_space<semaphore_mem>>) src(%dma_wait3A_47 : memref<1024x32xf32, #tpu.memory_space<hbm>>) dst(%arg9 : memref<1024x32xf32, #tpu.memory_space<vmem>>)
    "tpu.region"() ({
      %run_scoped3A_100 = tpu.sem_alloc : memref<!tpu.dma_semaphore, #tpu.memory_space<semaphore_mem>>
      %dma_start3A_101 = arith.constant 0 : i32
      %dma_start3A_102 = arith.constant 0 : i32
      %dma_start3A_103 = tpu.memref_slice %arg10[%dma_start3A_101, %dma_start3A_102] : memref<10240x32xf32, #tpu.memory_space<vmem_shared>> -> memref<10240x32xf32, #tpu.memory_space<vmem_shared>>
      tpu.enqueue_indirect_dma source(%arg9 : memref<1024x32xf32, #tpu.memory_space<vmem>>) target(%dma_start3A_103 : memref<10240x32xf32, #tpu.memory_space<vmem_shared>>) offsets(%arg7 : memref<1024xi32, #tpu.memory_space<vmem>>) semaphore(%run_scoped3A_100 : memref<!tpu.dma_semaphore, #tpu.memory_space<semaphore_mem>>) {add = true}
      %dma_wait3A_104 = arith.constant 0 : i32
      %dma_wait3A_105 = arith.constant 0 : i32
      %dma_wait3A_106 = tpu.memref_slice %arg10[%dma_wait3A_104, %dma_wait3A_105] : memref<10240x32xf32, #tpu.memory_space<vmem_shared>> -> memref<10240x32xf32, #tpu.memory_space<vmem_shared>>
      tpu.wait_indirect_dma semaphore(%run_scoped3A_100 : memref<!tpu.dma_semaphore, #tpu.memory_space<semaphore_mem>>) src(%arg9 : memref<1024x32xf32, #tpu.memory_space<vmem>>) dst(%dma_wait3A_106 : memref<10240x32xf32, #tpu.memory_space<vmem_shared>>)
      tpu.yield
    }) : () -> ()
    %run_scoped3A_48 = arith.constant 3 : i32
    "tpu.region"() ({
      %run_scoped3A_100 = tpu.sem_alloc : memref<!tpu.dma_semaphore, #tpu.memory_space<semaphore_mem>>
      %dma_start3A_101 = arith.constant 0 : i32
      %dma_start3A_102 = tpu.memref_slice %arg3[%add3A, %run_scoped3A_48, %dma_start3A_101] : memref<32x5x1024xi32, #tpu.memory_space<hbm>> -> memref<1x1x1024xi32, #tpu.memory_space<hbm>>
      %dma_start3A_103 = tpu.memref_squeeze %dma_start3A_102 : memref<1x1x1024xi32, #tpu.memory_space<hbm>> -> memref<1024xi32, #tpu.memory_space<hbm>>
      %dma_start3A_104 = arith.constant 0 : i32
      %dma_start3A_105 = tpu.memref_slice %arg3[%add3A, %run_scoped3A_48, %dma_start3A_104] : memref<32x5x1024xi32, #tpu.memory_space<hbm>> -> memref<1x1x1024xi32, #tpu.memory_space<hbm>>
      %dma_start3A_106 = tpu.memref_squeeze %dma_start3A_105 : memref<1x1x1024xi32, #tpu.memory_space<hbm>> -> memref<1024xi32, #tpu.memory_space<hbm>>
      tpu.enqueue_dma source(%dma_start3A_106 : memref<1024xi32, #tpu.memory_space<hbm>>) target(%arg7 : memref<1024xi32, #tpu.memory_space<vmem>>) target_semaphore(%run_scoped3A_100 : memref<!tpu.dma_semaphore, #tpu.memory_space<semaphore_mem>>)
      %dma_wait3A_107 = arith.constant 0 : i32
      %dma_wait3A_108 = tpu.memref_slice %arg3[%add3A, %run_scoped3A_48, %dma_wait3A_107] : memref<32x5x1024xi32, #tpu.memory_space<hbm>> -> memref<1x1x1024xi32, #tpu.memory_space<hbm>>
      %dma_wait3A_109 = tpu.memref_squeeze %dma_wait3A_108 : memref<1x1x1024xi32, #tpu.memory_space<hbm>> -> memref<1024xi32, #tpu.memory_space<hbm>>
      %dma_wait3A_110 = arith.constant 0 : i32
      %dma_wait3A_111 = tpu.memref_slice %arg3[%add3A, %run_scoped3A_48, %dma_wait3A_110] : memref<32x5x1024xi32, #tpu.memory_space<hbm>> -> memref<1x1x1024xi32, #tpu.memory_space<hbm>>
      %dma_wait3A_112 = tpu.memref_squeeze %dma_wait3A_111 : memref<1x1x1024xi32, #tpu.memory_space<hbm>> -> memref<1024xi32, #tpu.memory_space<hbm>>
      tpu.wait_dma2 semaphore(%run_scoped3A_100 : memref<!tpu.dma_semaphore, #tpu.memory_space<semaphore_mem>>) src(%dma_wait3A_112 : memref<1024xi32, #tpu.memory_space<hbm>>) dst(%arg7 : memref<1024xi32, #tpu.memory_space<vmem>>)
      tpu.yield
    }) : () -> ()
    %dma_start3A_49 = arith.constant 3 : i32
    %dma_start3A_50 = arith.constant 0 : i32
    %dma_start3A_51 = arith.constant 0 : i32
    %dma_start3A_52 = tpu.memref_slice %arg2[%add3A, %dma_start3A_49, %dma_start3A_50, %dma_start3A_51] : memref<32x5x1024x32xf32, #tpu.memory_space<hbm>> -> memref<1x1x1024x32xf32, #tpu.memory_space<hbm>>
    %dma_start3A_53 = tpu.memref_squeeze %dma_start3A_52 : memref<1x1x1024x32xf32, #tpu.memory_space<hbm>> -> memref<1024x32xf32, #tpu.memory_space<hbm>>
    %dma_start3A_54 = arith.constant 0 : i32
    %dma_start3A_55 = arith.constant 0 : i32
    %dma_start3A_56 = tpu.memref_slice %arg2[%add3A, %dma_start3A_49, %dma_start3A_54, %dma_start3A_55] : memref<32x5x1024x32xf32, #tpu.memory_space<hbm>> -> memref<1x1x1024x32xf32, #tpu.memory_space<hbm>>
    %dma_start3A_57 = tpu.memref_squeeze %dma_start3A_56 : memref<1x1x1024x32xf32, #tpu.memory_space<hbm>> -> memref<1024x32xf32, #tpu.memory_space<hbm>>
    tpu.enqueue_dma source(%dma_start3A_57 : memref<1024x32xf32, #tpu.memory_space<hbm>>) target(%arg9 : memref<1024x32xf32, #tpu.memory_space<vmem>>) target_semaphore(%arg12 : memref<!tpu.dma_semaphore, #tpu.memory_space<semaphore_mem>>)
    %dma_wait3A_58 = arith.constant 2 : i32
    %dma_wait3A_59 = arith.constant 0 : i32
    %dma_wait3A_60 = arith.constant 0 : i32
    %dma_wait3A_61 = tpu.memref_slice %arg2[%add3A, %dma_wait3A_58, %dma_wait3A_59, %dma_wait3A_60] : memref<32x5x1024x32xf32, #tpu.memory_space<hbm>> -> memref<1x1x1024x32xf32, #tpu.memory_space<hbm>>
    %dma_wait3A_62 = tpu.memref_squeeze %dma_wait3A_61 : memref<1x1x1024x32xf32, #tpu.memory_space<hbm>> -> memref<1024x32xf32, #tpu.memory_space<hbm>>
    %dma_wait3A_63 = arith.constant 0 : i32
    %dma_wait3A_64 = arith.constant 0 : i32
    %dma_wait3A_65 = tpu.memref_slice %arg2[%add3A, %dma_wait3A_58, %dma_wait3A_63, %dma_wait3A_64] : memref<32x5x1024x32xf32, #tpu.memory_space<hbm>> -> memref<1x1x1024x32xf32, #tpu.memory_space<hbm>>
    %dma_wait3A_66 = tpu.memref_squeeze %dma_wait3A_65 : memref<1x1x1024x32xf32, #tpu.memory_space<hbm>> -> memref<1024x32xf32, #tpu.memory_space<hbm>>
    tpu.wait_dma2 semaphore(%arg11 : memref<!tpu.dma_semaphore, #tpu.memory_space<semaphore_mem>>) src(%dma_wait3A_66 : memref<1024x32xf32, #tpu.memory_space<hbm>>) dst(%arg8 : memref<1024x32xf32, #tpu.memory_space<vmem>>)
    "tpu.region"() ({
      %run_scoped3A_100 = tpu.sem_alloc : memref<!tpu.dma_semaphore, #tpu.memory_space<semaphore_mem>>
      %dma_start3A_101 = arith.constant 0 : i32
      %dma_start3A_102 = arith.constant 0 : i32
      %dma_start3A_103 = tpu.memref_slice %arg10[%dma_start3A_101, %dma_start3A_102] : memref<10240x32xf32, #tpu.memory_space<vmem_shared>> -> memref<10240x32xf32, #tpu.memory_space<vmem_shared>>
      tpu.enqueue_indirect_dma source(%arg8 : memref<1024x32xf32, #tpu.memory_space<vmem>>) target(%dma_start3A_103 : memref<10240x32xf32, #tpu.memory_space<vmem_shared>>) offsets(%arg6 : memref<1024xi32, #tpu.memory_space<vmem>>) semaphore(%run_scoped3A_100 : memref<!tpu.dma_semaphore, #tpu.memory_space<semaphore_mem>>) {add = true}
      %dma_wait3A_104 = arith.constant 0 : i32
      %dma_wait3A_105 = arith.constant 0 : i32
      %dma_wait3A_106 = tpu.memref_slice %arg10[%dma_wait3A_104, %dma_wait3A_105] : memref<10240x32xf32, #tpu.memory_space<vmem_shared>> -> memref<10240x32xf32, #tpu.memory_space<vmem_shared>>
      tpu.wait_indirect_dma semaphore(%run_scoped3A_100 : memref<!tpu.dma_semaphore, #tpu.memory_space<semaphore_mem>>) src(%arg8 : memref<1024x32xf32, #tpu.memory_space<vmem>>) dst(%dma_wait3A_106 : memref<10240x32xf32, #tpu.memory_space<vmem_shared>>)
      tpu.yield
    }) : () -> ()
    %run_scoped3A_67 = arith.constant 4 : i32
    "tpu.region"() ({
      %run_scoped3A_100 = tpu.sem_alloc : memref<!tpu.dma_semaphore, #tpu.memory_space<semaphore_mem>>
      %dma_start3A_101 = arith.constant 0 : i32
      %dma_start3A_102 = tpu.memref_slice %arg3[%add3A, %run_scoped3A_67, %dma_start3A_101] : memref<32x5x1024xi32, #tpu.memory_space<hbm>> -> memref<1x1x1024xi32, #tpu.memory_space<hbm>>
      %dma_start3A_103 = tpu.memref_squeeze %dma_start3A_102 : memref<1x1x1024xi32, #tpu.memory_space<hbm>> -> memref<1024xi32, #tpu.memory_space<hbm>>
      %dma_start3A_104 = arith.constant 0 : i32
      %dma_start3A_105 = tpu.memref_slice %arg3[%add3A, %run_scoped3A_67, %dma_start3A_104] : memref<32x5x1024xi32, #tpu.memory_space<hbm>> -> memref<1x1x1024xi32, #tpu.memory_space<hbm>>
      %dma_start3A_106 = tpu.memref_squeeze %dma_start3A_105 : memref<1x1x1024xi32, #tpu.memory_space<hbm>> -> memref<1024xi32, #tpu.memory_space<hbm>>
      tpu.enqueue_dma source(%dma_start3A_106 : memref<1024xi32, #tpu.memory_space<hbm>>) target(%arg6 : memref<1024xi32, #tpu.memory_space<vmem>>) target_semaphore(%run_scoped3A_100 : memref<!tpu.dma_semaphore, #tpu.memory_space<semaphore_mem>>)
      %dma_wait3A_107 = arith.constant 0 : i32
      %dma_wait3A_108 = tpu.memref_slice %arg3[%add3A, %run_scoped3A_67, %dma_wait3A_107] : memref<32x5x1024xi32, #tpu.memory_space<hbm>> -> memref<1x1x1024xi32, #tpu.memory_space<hbm>>
      %dma_wait3A_109 = tpu.memref_squeeze %dma_wait3A_108 : memref<1x1x1024xi32, #tpu.memory_space<hbm>> -> memref<1024xi32, #tpu.memory_space<hbm>>
      %dma_wait3A_110 = arith.constant 0 : i32
      %dma_wait3A_111 = tpu.memref_slice %arg3[%add3A, %run_scoped3A_67, %dma_wait3A_110] : memref<32x5x1024xi32, #tpu.memory_space<hbm>> -> memref<1x1x1024xi32, #tpu.memory_space<hbm>>
      %dma_wait3A_112 = tpu.memref_squeeze %dma_wait3A_111 : memref<1x1x1024xi32, #tpu.memory_space<hbm>> -> memref<1024xi32, #tpu.memory_space<hbm>>
      tpu.wait_dma2 semaphore(%run_scoped3A_100 : memref<!tpu.dma_semaphore, #tpu.memory_space<semaphore_mem>>) src(%dma_wait3A_112 : memref<1024xi32, #tpu.memory_space<hbm>>) dst(%arg6 : memref<1024xi32, #tpu.memory_space<vmem>>)
      tpu.yield
    }) : () -> ()
    %dma_start3A_68 = arith.constant 4 : i32
    %dma_start3A_69 = arith.constant 0 : i32
    %dma_start3A_70 = arith.constant 0 : i32
    %dma_start3A_71 = tpu.memref_slice %arg2[%add3A, %dma_start3A_68, %dma_start3A_69, %dma_start3A_70] : memref<32x5x1024x32xf32, #tpu.memory_space<hbm>> -> memref<1x1x1024x32xf32, #tpu.memory_space<hbm>>
    %dma_start3A_72 = tpu.memref_squeeze %dma_start3A_71 : memref<1x1x1024x32xf32, #tpu.memory_space<hbm>> -> memref<1024x32xf32, #tpu.memory_space<hbm>>
    %dma_start3A_73 = arith.constant 0 : i32
    %dma_start3A_74 = arith.constant 0 : i32
    %dma_start3A_75 = tpu.memref_slice %arg2[%add3A, %dma_start3A_68, %dma_start3A_73, %dma_start3A_74] : memref<32x5x1024x32xf32, #tpu.memory_space<hbm>> -> memref<1x1x1024x32xf32, #tpu.memory_space<hbm>>
    %dma_start3A_76 = tpu.memref_squeeze %dma_start3A_75 : memref<1x1x1024x32xf32, #tpu.memory_space<hbm>> -> memref<1024x32xf32, #tpu.memory_space<hbm>>
    tpu.enqueue_dma source(%dma_start3A_76 : memref<1024x32xf32, #tpu.memory_space<hbm>>) target(%arg8 : memref<1024x32xf32, #tpu.memory_space<vmem>>) target_semaphore(%arg11 : memref<!tpu.dma_semaphore, #tpu.memory_space<semaphore_mem>>)
    %dma_wait3A_77 = arith.constant 3 : i32
    %dma_wait3A_78 = arith.constant 0 : i32
    %dma_wait3A_79 = arith.constant 0 : i32
    %dma_wait3A_80 = tpu.memref_slice %arg2[%add3A, %dma_wait3A_77, %dma_wait3A_78, %dma_wait3A_79] : memref<32x5x1024x32xf32, #tpu.memory_space<hbm>> -> memref<1x1x1024x32xf32, #tpu.memory_space<hbm>>
    %dma_wait3A_81 = tpu.memref_squeeze %dma_wait3A_80 : memref<1x1x1024x32xf32, #tpu.memory_space<hbm>> -> memref<1024x32xf32, #tpu.memory_space<hbm>>
    %dma_wait3A_82 = arith.constant 0 : i32
    %dma_wait3A_83 = arith.constant 0 : i32
    %dma_wait3A_84 = tpu.memref_slice %arg2[%add3A, %dma_wait3A_77, %dma_wait3A_82, %dma_wait3A_83] : memref<32x5x1024x32xf32, #tpu.memory_space<hbm>> -> memref<1x1x1024x32xf32, #tpu.memory_space<hbm>>
    %dma_wait3A_85 = tpu.memref_squeeze %dma_wait3A_84 : memref<1x1x1024x32xf32, #tpu.memory_space<hbm>> -> memref<1024x32xf32, #tpu.memory_space<hbm>>
    tpu.wait_dma2 semaphore(%arg12 : memref<!tpu.dma_semaphore, #tpu.memory_space<semaphore_mem>>) src(%dma_wait3A_85 : memref<1024x32xf32, #tpu.memory_space<hbm>>) dst(%arg9 : memref<1024x32xf32, #tpu.memory_space<vmem>>)
    "tpu.region"() ({
      %run_scoped3A_100 = tpu.sem_alloc : memref<!tpu.dma_semaphore, #tpu.memory_space<semaphore_mem>>
      %dma_start3A_101 = arith.constant 0 : i32
      %dma_start3A_102 = arith.constant 0 : i32
      %dma_start3A_103 = tpu.memref_slice %arg10[%dma_start3A_101, %dma_start3A_102] : memref<10240x32xf32, #tpu.memory_space<vmem_shared>> -> memref<10240x32xf32, #tpu.memory_space<vmem_shared>>
      tpu.enqueue_indirect_dma source(%arg9 : memref<1024x32xf32, #tpu.memory_space<vmem>>) target(%dma_start3A_103 : memref<10240x32xf32, #tpu.memory_space<vmem_shared>>) offsets(%arg7 : memref<1024xi32, #tpu.memory_space<vmem>>) semaphore(%run_scoped3A_100 : memref<!tpu.dma_semaphore, #tpu.memory_space<semaphore_mem>>) {add = true}
      %dma_wait3A_104 = arith.constant 0 : i32
      %dma_wait3A_105 = arith.constant 0 : i32
      %dma_wait3A_106 = tpu.memref_slice %arg10[%dma_wait3A_104, %dma_wait3A_105] : memref<10240x32xf32, #tpu.memory_space<vmem_shared>> -> memref<10240x32xf32, #tpu.memory_space<vmem_shared>>
      tpu.wait_indirect_dma semaphore(%run_scoped3A_100 : memref<!tpu.dma_semaphore, #tpu.memory_space<semaphore_mem>>) src(%arg9 : memref<1024x32xf32, #tpu.memory_space<vmem>>) dst(%dma_wait3A_106 : memref<10240x32xf32, #tpu.memory_space<vmem_shared>>)
      tpu.yield
    }) : () -> ()
    %dma_wait3A_86 = arith.constant 4 : i32
    %dma_wait3A_87 = arith.constant 0 : i32
    %dma_wait3A_88 = arith.constant 0 : i32
    %dma_wait3A_89 = tpu.memref_slice %arg2[%add3A, %dma_wait3A_86, %dma_wait3A_87, %dma_wait3A_88] : memref<32x5x1024x32xf32, #tpu.memory_space<hbm>> -> memref<1x1x1024x32xf32, #tpu.memory_space<hbm>>
    %dma_wait3A_90 = tpu.memref_squeeze %dma_wait3A_89 : memref<1x1x1024x32xf32, #tpu.memory_space<hbm>> -> memref<1024x32xf32, #tpu.memory_space<hbm>>
    %dma_wait3A_91 = arith.constant 0 : i32
    %dma_wait3A_92 = arith.constant 0 : i32
    %dma_wait3A_93 = tpu.memref_slice %arg2[%add3A, %dma_wait3A_86, %dma_wait3A_91, %dma_wait3A_92] : memref<32x5x1024x32xf32, #tpu.memory_space<hbm>> -> memref<1x1x1024x32xf32, #tpu.memory_space<hbm>>
    %dma_wait3A_94 = tpu.memref_squeeze %dma_wait3A_93 : memref<1x1x1024x32xf32, #tpu.memory_space<hbm>> -> memref<1024x32xf32, #tpu.memory_space<hbm>>
    tpu.wait_dma2 semaphore(%arg11 : memref<!tpu.dma_semaphore, #tpu.memory_space<semaphore_mem>>) src(%dma_wait3A_94 : memref<1024x32xf32, #tpu.memory_space<hbm>>) dst(%arg8 : memref<1024x32xf32, #tpu.memory_space<vmem>>)
    "tpu.region"() ({
      %run_scoped3A_100 = tpu.sem_alloc : memref<!tpu.dma_semaphore, #tpu.memory_space<semaphore_mem>>
      %dma_start3A_101 = arith.constant 0 : i32
      %dma_start3A_102 = arith.constant 0 : i32
      %dma_start3A_103 = tpu.memref_slice %arg10[%dma_start3A_101, %dma_start3A_102] : memref<10240x32xf32, #tpu.memory_space<vmem_shared>> -> memref<10240x32xf32, #tpu.memory_space<vmem_shared>>
      tpu.enqueue_indirect_dma source(%arg8 : memref<1024x32xf32, #tpu.memory_space<vmem>>) target(%dma_start3A_103 : memref<10240x32xf32, #tpu.memory_space<vmem_shared>>) offsets(%arg6 : memref<1024xi32, #tpu.memory_space<vmem>>) semaphore(%run_scoped3A_100 : memref<!tpu.dma_semaphore, #tpu.memory_space<semaphore_mem>>) {add = true}
      %dma_wait3A_104 = arith.constant 0 : i32
      %dma_wait3A_105 = arith.constant 0 : i32
      %dma_wait3A_106 = tpu.memref_slice %arg10[%dma_wait3A_104, %dma_wait3A_105] : memref<10240x32xf32, #tpu.memory_space<vmem_shared>> -> memref<10240x32xf32, #tpu.memory_space<vmem_shared>>
      tpu.wait_indirect_dma semaphore(%run_scoped3A_100 : memref<!tpu.dma_semaphore, #tpu.memory_space<semaphore_mem>>) src(%arg8 : memref<1024x32xf32, #tpu.memory_space<vmem>>) dst(%dma_wait3A_106 : memref<10240x32xf32, #tpu.memory_space<vmem_shared>>)
      tpu.yield
    }) : () -> ()
    %barrier3A_95 = arith.constant 0 : index
    tpu.barrier barrier_id(%barrier3A_95)
    %mul3A_96 = arith.constant 640 : i32
    %mul3A_97 = arith.muli %arg1, %mul3A_96 : i32
    %mul3A_98 = arith.constant 640 : i32
    %mul3A_99 = arith.muli %arg1, %mul3A_98 : i32
    "tpu.region"() ({
      %run_scoped3A_100 = tpu.sem_alloc : memref<!tpu.dma_semaphore, #tpu.memory_space<semaphore_mem>>
      %dma_start3A_101 = arith.constant 0 : i32
      %dma_start3A_102 = tpu.memref_slice %arg5[%arg0, %mul3A_99, %dma_start3A_101] : memref<2x10240x32xf32, #tpu.memory_space<hbm>> -> memref<1x640x32xf32, #tpu.memory_space<hbm>>
      %dma_start3A_103 = tpu.memref_squeeze %dma_start3A_102 : memref<1x640x32xf32, #tpu.memory_space<hbm>> -> memref<640x32xf32, #tpu.memory_space<hbm>>
      %dma_start3A_104 = arith.constant 0 : i32
      %dma_start3A_105 = tpu.memref_slice %arg10[%mul3A_97, %dma_start3A_104] : memref<10240x32xf32, #tpu.memory_space<vmem_shared>> -> memref<640x32xf32, #tpu.memory_space<vmem_shared>>
      tpu.enqueue_dma source(%dma_start3A_105 : memref<640x32xf32, #tpu.memory_space<vmem_shared>>) target(%dma_start3A_103 : memref<640x32xf32, #tpu.memory_space<hbm>>) target_semaphore(%run_scoped3A_100 : memref<!tpu.dma_semaphore, #tpu.memory_space<semaphore_mem>>)
      %dma_wait3A_106 = arith.constant 0 : i32
      %dma_wait3A_107 = tpu.memref_slice %arg5[%arg0, %mul3A_99, %dma_wait3A_106] : memref<2x10240x32xf32, #tpu.memory_space<hbm>> -> memref<1x640x32xf32, #tpu.memory_space<hbm>>
      %dma_wait3A_108 = tpu.memref_squeeze %dma_wait3A_107 : memref<1x640x32xf32, #tpu.memory_space<hbm>> -> memref<640x32xf32, #tpu.memory_space<hbm>>
      %dma_wait3A_109 = arith.constant 0 : i32
      %dma_wait3A_110 = tpu.memref_slice %arg10[%mul3A_97, %dma_wait3A_109] : memref<10240x32xf32, #tpu.memory_space<vmem_shared>> -> memref<640x32xf32, #tpu.memory_space<vmem_shared>>
      tpu.wait_dma2 semaphore(%run_scoped3A_100 : memref<!tpu.dma_semaphore, #tpu.memory_space<semaphore_mem>>) src(%dma_wait3A_110 : memref<640x32xf32, #tpu.memory_space<vmem_shared>>) dst(%dma_wait3A_108 : memref<640x32xf32, #tpu.memory_space<hbm>>)
      tpu.yield
    }) : () -> ()
    return
  }
}

#map = affine_map<(d0, d1) -> (0, 0)>
#map1 = affine_map<(d0, d1) -> (0, 0, 0)>
#map2 = affine_map<(d0, d1) -> (0, 0, 0, 0)>
module attributes {stable_mosaic.version = 14 : i64} {
  func.func @gather(%arg0: i32, %arg1: i32, %arg2: memref<10000x32xf32, #tpu.memory_space<hbm>>, %arg3: memref<32x5x1024xi32, #tpu.memory_space<hbm>>, %arg4: memref<32x5x1024x32xf32, #tpu.memory_space<hbm>>, %arg5: memref<1024xi32, #tpu.memory_space<vmem>>, %arg6: memref<1024xi32, #tpu.memory_space<vmem>>, %arg7: memref<1024x32xf32, #tpu.memory_space<vmem>>, %arg8: memref<1024x32xf32, #tpu.memory_space<vmem>>, %arg9: memref<!tpu.dma_semaphore, #tpu.memory_space<semaphore_mem>>, %arg10: memref<!tpu.dma_semaphore, #tpu.memory_space<semaphore_mem>>, %arg11: memref<!tpu.dma_semaphore, #tpu.memory_space<semaphore_mem>>, %arg12: memref<!tpu.dma_semaphore, #tpu.memory_space<semaphore_mem>>) attributes {dimension_semantics = [#tpu.dimension_semantics<core_parallel>, #tpu.dimension_semantics<subcore_parallel>], iteration_bounds = array<i64: 2, 16>, scalar_prefetch = 0 : i64, scratch_operands = 8 : i64, tpu.core_type = #tpu.core_type<sc_vector_subcore>, window_params = [{transform_indices = #map}, {transform_indices = #map1}, {transform_indices = #map2}]} {
    %mul3A = arith.constant 2 : i32
    %mul3A_0 = arith.muli %arg1, %mul3A : i32
    %add3A = arith.addi %mul3A_0, %arg0 : i32
    %run_scoped3A = arith.constant 0 : i32
    "tpu.region"() ({
      %run_scoped3A_123 = tpu.sem_alloc : memref<!tpu.dma_semaphore, #tpu.memory_space<semaphore_mem>>
      %dma_start3A_124 = arith.constant 0 : i32
      %dma_start3A_125 = tpu.memref_slice %arg3[%add3A, %run_scoped3A, %dma_start3A_124] : memref<32x5x1024xi32, #tpu.memory_space<hbm>> -> memref<1x1x1024xi32, #tpu.memory_space<hbm>>
      %dma_start3A_126 = tpu.memref_squeeze %dma_start3A_125 : memref<1x1x1024xi32, #tpu.memory_space<hbm>> -> memref<1024xi32, #tpu.memory_space<hbm>>
      %dma_start3A_127 = arith.constant 0 : i32
      %dma_start3A_128 = tpu.memref_slice %arg3[%add3A, %run_scoped3A, %dma_start3A_127] : memref<32x5x1024xi32, #tpu.memory_space<hbm>> -> memref<1x1x1024xi32, #tpu.memory_space<hbm>>
      %dma_start3A_129 = tpu.memref_squeeze %dma_start3A_128 : memref<1x1x1024xi32, #tpu.memory_space<hbm>> -> memref<1024xi32, #tpu.memory_space<hbm>>
      tpu.enqueue_dma source(%dma_start3A_129 : memref<1024xi32, #tpu.memory_space<hbm>>) target(%arg5 : memref<1024xi32, #tpu.memory_space<vmem>>) target_semaphore(%run_scoped3A_123 : memref<!tpu.dma_semaphore, #tpu.memory_space<semaphore_mem>>)
      %dma_wait3A_130 = arith.constant 0 : i32
      %dma_wait3A_131 = tpu.memref_slice %arg3[%add3A, %run_scoped3A, %dma_wait3A_130] : memref<32x5x1024xi32, #tpu.memory_space<hbm>> -> memref<1x1x1024xi32, #tpu.memory_space<hbm>>
      %dma_wait3A_132 = tpu.memref_squeeze %dma_wait3A_131 : memref<1x1x1024xi32, #tpu.memory_space<hbm>> -> memref<1024xi32, #tpu.memory_space<hbm>>
      %dma_wait3A_133 = arith.constant 0 : i32
      %dma_wait3A_134 = tpu.memref_slice %arg3[%add3A, %run_scoped3A, %dma_wait3A_133] : memref<32x5x1024xi32, #tpu.memory_space<hbm>> -> memref<1x1x1024xi32, #tpu.memory_space<hbm>>
      %dma_wait3A_135 = tpu.memref_squeeze %dma_wait3A_134 : memref<1x1x1024xi32, #tpu.memory_space<hbm>> -> memref<1024xi32, #tpu.memory_space<hbm>>
      tpu.wait_dma2 semaphore(%run_scoped3A_123 : memref<!tpu.dma_semaphore, #tpu.memory_space<semaphore_mem>>) src(%dma_wait3A_135 : memref<1024xi32, #tpu.memory_space<hbm>>) dst(%arg5 : memref<1024xi32, #tpu.memory_space<vmem>>)
      tpu.yield
    }) : () -> ()
    %dma_start3A = arith.constant 0 : i32
    %dma_start3A_1 = arith.constant 0 : i32
    %dma_start3A_2 = tpu.memref_slice %arg2[%dma_start3A, %dma_start3A_1] : memref<10000x32xf32, #tpu.memory_space<hbm>> -> memref<10000x32xf32, #tpu.memory_space<hbm>>
    tpu.enqueue_indirect_dma source(%dma_start3A_2 : memref<10000x32xf32, #tpu.memory_space<hbm>>) target(%arg7 : memref<1024x32xf32, #tpu.memory_space<vmem>>) offsets(%arg5 : memref<1024xi32, #tpu.memory_space<vmem>>) semaphore(%arg9 : memref<!tpu.dma_semaphore, #tpu.memory_space<semaphore_mem>>)
    %run_scoped3A_3 = arith.constant 1 : i32
    "tpu.region"() ({
      %run_scoped3A_123 = tpu.sem_alloc : memref<!tpu.dma_semaphore, #tpu.memory_space<semaphore_mem>>
      %dma_start3A_124 = arith.constant 0 : i32
      %dma_start3A_125 = tpu.memref_slice %arg3[%add3A, %run_scoped3A_3, %dma_start3A_124] : memref<32x5x1024xi32, #tpu.memory_space<hbm>> -> memref<1x1x1024xi32, #tpu.memory_space<hbm>>
      %dma_start3A_126 = tpu.memref_squeeze %dma_start3A_125 : memref<1x1x1024xi32, #tpu.memory_space<hbm>> -> memref<1024xi32, #tpu.memory_space<hbm>>
      %dma_start3A_127 = arith.constant 0 : i32
      %dma_start3A_128 = tpu.memref_slice %arg3[%add3A, %run_scoped3A_3, %dma_start3A_127] : memref<32x5x1024xi32, #tpu.memory_space<hbm>> -> memref<1x1x1024xi32, #tpu.memory_space<hbm>>
      %dma_start3A_129 = tpu.memref_squeeze %dma_start3A_128 : memref<1x1x1024xi32, #tpu.memory_space<hbm>> -> memref<1024xi32, #tpu.memory_space<hbm>>
      tpu.enqueue_dma source(%dma_start3A_129 : memref<1024xi32, #tpu.memory_space<hbm>>) target(%arg6 : memref<1024xi32, #tpu.memory_space<vmem>>) target_semaphore(%run_scoped3A_123 : memref<!tpu.dma_semaphore, #tpu.memory_space<semaphore_mem>>)
      %dma_wait3A_130 = arith.constant 0 : i32
      %dma_wait3A_131 = tpu.memref_slice %arg3[%add3A, %run_scoped3A_3, %dma_wait3A_130] : memref<32x5x1024xi32, #tpu.memory_space<hbm>> -> memref<1x1x1024xi32, #tpu.memory_space<hbm>>
      %dma_wait3A_132 = tpu.memref_squeeze %dma_wait3A_131 : memref<1x1x1024xi32, #tpu.memory_space<hbm>> -> memref<1024xi32, #tpu.memory_space<hbm>>
      %dma_wait3A_133 = arith.constant 0 : i32
      %dma_wait3A_134 = tpu.memref_slice %arg3[%add3A, %run_scoped3A_3, %dma_wait3A_133] : memref<32x5x1024xi32, #tpu.memory_space<hbm>> -> memref<1x1x1024xi32, #tpu.memory_space<hbm>>
      %dma_wait3A_135 = tpu.memref_squeeze %dma_wait3A_134 : memref<1x1x1024xi32, #tpu.memory_space<hbm>> -> memref<1024xi32, #tpu.memory_space<hbm>>
      tpu.wait_dma2 semaphore(%run_scoped3A_123 : memref<!tpu.dma_semaphore, #tpu.memory_space<semaphore_mem>>) src(%dma_wait3A_135 : memref<1024xi32, #tpu.memory_space<hbm>>) dst(%arg6 : memref<1024xi32, #tpu.memory_space<vmem>>)
      tpu.yield
    }) : () -> ()
    %dma_wait3A = arith.constant 0 : i32
    %dma_wait3A_4 = arith.constant 0 : i32
    %dma_wait3A_5 = tpu.memref_slice %arg2[%dma_wait3A, %dma_wait3A_4] : memref<10000x32xf32, #tpu.memory_space<hbm>> -> memref<10000x32xf32, #tpu.memory_space<hbm>>
    tpu.wait_indirect_dma semaphore(%arg9 : memref<!tpu.dma_semaphore, #tpu.memory_space<semaphore_mem>>) src(%dma_wait3A_5 : memref<10000x32xf32, #tpu.memory_space<hbm>>) dst(%arg7 : memref<1024x32xf32, #tpu.memory_space<vmem>>)
    %dma_start3A_6 = arith.constant 0 : i32
    %dma_start3A_7 = arith.constant 0 : i32
    %dma_start3A_8 = tpu.memref_slice %arg2[%dma_start3A_6, %dma_start3A_7] : memref<10000x32xf32, #tpu.memory_space<hbm>> -> memref<10000x32xf32, #tpu.memory_space<hbm>>
    tpu.enqueue_indirect_dma source(%dma_start3A_8 : memref<10000x32xf32, #tpu.memory_space<hbm>>) target(%arg8 : memref<1024x32xf32, #tpu.memory_space<vmem>>) offsets(%arg6 : memref<1024xi32, #tpu.memory_space<vmem>>) semaphore(%arg10 : memref<!tpu.dma_semaphore, #tpu.memory_space<semaphore_mem>>)
    %dma_start3A_9 = arith.constant 0 : i32
    %dma_start3A_10 = arith.constant 0 : i32
    %dma_start3A_11 = arith.constant 0 : i32
    %dma_start3A_12 = tpu.memref_slice %arg4[%add3A, %dma_start3A_9, %dma_start3A_10, %dma_start3A_11] : memref<32x5x1024x32xf32, #tpu.memory_space<hbm>> -> memref<1x1x1024x32xf32, #tpu.memory_space<hbm>>
    %dma_start3A_13 = tpu.memref_squeeze %dma_start3A_12 : memref<1x1x1024x32xf32, #tpu.memory_space<hbm>> -> memref<1024x32xf32, #tpu.memory_space<hbm>>
    %dma_start3A_14 = arith.constant 0 : i32
    %dma_start3A_15 = arith.constant 0 : i32
    %dma_start3A_16 = tpu.memref_slice %arg4[%add3A, %dma_start3A_9, %dma_start3A_14, %dma_start3A_15] : memref<32x5x1024x32xf32, #tpu.memory_space<hbm>> -> memref<1x1x1024x32xf32, #tpu.memory_space<hbm>>
    %dma_start3A_17 = tpu.memref_squeeze %dma_start3A_16 : memref<1x1x1024x32xf32, #tpu.memory_space<hbm>> -> memref<1024x32xf32, #tpu.memory_space<hbm>>
    tpu.enqueue_dma source(%arg7 : memref<1024x32xf32, #tpu.memory_space<vmem>>) target(%dma_start3A_17 : memref<1024x32xf32, #tpu.memory_space<hbm>>) target_semaphore(%arg11 : memref<!tpu.dma_semaphore, #tpu.memory_space<semaphore_mem>>)
    %run_scoped3A_18 = arith.constant 2 : i32
    "tpu.region"() ({
      %run_scoped3A_123 = tpu.sem_alloc : memref<!tpu.dma_semaphore, #tpu.memory_space<semaphore_mem>>
      %dma_start3A_124 = arith.constant 0 : i32
      %dma_start3A_125 = tpu.memref_slice %arg3[%add3A, %run_scoped3A_18, %dma_start3A_124] : memref<32x5x1024xi32, #tpu.memory_space<hbm>> -> memref<1x1x1024xi32, #tpu.memory_space<hbm>>
      %dma_start3A_126 = tpu.memref_squeeze %dma_start3A_125 : memref<1x1x1024xi32, #tpu.memory_space<hbm>> -> memref<1024xi32, #tpu.memory_space<hbm>>
      %dma_start3A_127 = arith.constant 0 : i32
      %dma_start3A_128 = tpu.memref_slice %arg3[%add3A, %run_scoped3A_18, %dma_start3A_127] : memref<32x5x1024xi32, #tpu.memory_space<hbm>> -> memref<1x1x1024xi32, #tpu.memory_space<hbm>>
      %dma_start3A_129 = tpu.memref_squeeze %dma_start3A_128 : memref<1x1x1024xi32, #tpu.memory_space<hbm>> -> memref<1024xi32, #tpu.memory_space<hbm>>
      tpu.enqueue_dma source(%dma_start3A_129 : memref<1024xi32, #tpu.memory_space<hbm>>) target(%arg5 : memref<1024xi32, #tpu.memory_space<vmem>>) target_semaphore(%run_scoped3A_123 : memref<!tpu.dma_semaphore, #tpu.memory_space<semaphore_mem>>)
      %dma_wait3A_130 = arith.constant 0 : i32
      %dma_wait3A_131 = tpu.memref_slice %arg3[%add3A, %run_scoped3A_18, %dma_wait3A_130] : memref<32x5x1024xi32, #tpu.memory_space<hbm>> -> memref<1x1x1024xi32, #tpu.memory_space<hbm>>
      %dma_wait3A_132 = tpu.memref_squeeze %dma_wait3A_131 : memref<1x1x1024xi32, #tpu.memory_space<hbm>> -> memref<1024xi32, #tpu.memory_space<hbm>>
      %dma_wait3A_133 = arith.constant 0 : i32
      %dma_wait3A_134 = tpu.memref_slice %arg3[%add3A, %run_scoped3A_18, %dma_wait3A_133] : memref<32x5x1024xi32, #tpu.memory_space<hbm>> -> memref<1x1x1024xi32, #tpu.memory_space<hbm>>
      %dma_wait3A_135 = tpu.memref_squeeze %dma_wait3A_134 : memref<1x1x1024xi32, #tpu.memory_space<hbm>> -> memref<1024xi32, #tpu.memory_space<hbm>>
      tpu.wait_dma2 semaphore(%run_scoped3A_123 : memref<!tpu.dma_semaphore, #tpu.memory_space<semaphore_mem>>) src(%dma_wait3A_135 : memref<1024xi32, #tpu.memory_space<hbm>>) dst(%arg5 : memref<1024xi32, #tpu.memory_space<vmem>>)
      tpu.yield
    }) : () -> ()
    %dma_wait3A_19 = arith.constant 0 : i32
    %dma_wait3A_20 = arith.constant 0 : i32
    %dma_wait3A_21 = tpu.memref_slice %arg2[%dma_wait3A_19, %dma_wait3A_20] : memref<10000x32xf32, #tpu.memory_space<hbm>> -> memref<10000x32xf32, #tpu.memory_space<hbm>>
    tpu.wait_indirect_dma semaphore(%arg10 : memref<!tpu.dma_semaphore, #tpu.memory_space<semaphore_mem>>) src(%dma_wait3A_21 : memref<10000x32xf32, #tpu.memory_space<hbm>>) dst(%arg8 : memref<1024x32xf32, #tpu.memory_space<vmem>>)
    %dma_wait3A_22 = arith.constant 0 : i32
    %dma_wait3A_23 = arith.constant 0 : i32
    %dma_wait3A_24 = arith.constant 0 : i32
    %dma_wait3A_25 = tpu.memref_slice %arg4[%add3A, %dma_wait3A_22, %dma_wait3A_23, %dma_wait3A_24] : memref<32x5x1024x32xf32, #tpu.memory_space<hbm>> -> memref<1x1x1024x32xf32, #tpu.memory_space<hbm>>
    %dma_wait3A_26 = tpu.memref_squeeze %dma_wait3A_25 : memref<1x1x1024x32xf32, #tpu.memory_space<hbm>> -> memref<1024x32xf32, #tpu.memory_space<hbm>>
    %dma_wait3A_27 = arith.constant 0 : i32
    %dma_wait3A_28 = arith.constant 0 : i32
    %dma_wait3A_29 = tpu.memref_slice %arg4[%add3A, %dma_wait3A_22, %dma_wait3A_27, %dma_wait3A_28] : memref<32x5x1024x32xf32, #tpu.memory_space<hbm>> -> memref<1x1x1024x32xf32, #tpu.memory_space<hbm>>
    %dma_wait3A_30 = tpu.memref_squeeze %dma_wait3A_29 : memref<1x1x1024x32xf32, #tpu.memory_space<hbm>> -> memref<1024x32xf32, #tpu.memory_space<hbm>>
    tpu.wait_dma2 semaphore(%arg11 : memref<!tpu.dma_semaphore, #tpu.memory_space<semaphore_mem>>) src(%arg7 : memref<1024x32xf32, #tpu.memory_space<vmem>>) dst(%dma_wait3A_30 : memref<1024x32xf32, #tpu.memory_space<hbm>>)
    %dma_start3A_31 = arith.constant 0 : i32
    %dma_start3A_32 = arith.constant 0 : i32
    %dma_start3A_33 = tpu.memref_slice %arg2[%dma_start3A_31, %dma_start3A_32] : memref<10000x32xf32, #tpu.memory_space<hbm>> -> memref<10000x32xf32, #tpu.memory_space<hbm>>
    tpu.enqueue_indirect_dma source(%dma_start3A_33 : memref<10000x32xf32, #tpu.memory_space<hbm>>) target(%arg7 : memref<1024x32xf32, #tpu.memory_space<vmem>>) offsets(%arg5 : memref<1024xi32, #tpu.memory_space<vmem>>) semaphore(%arg9 : memref<!tpu.dma_semaphore, #tpu.memory_space<semaphore_mem>>)
    %dma_start3A_34 = arith.constant 1 : i32
    %dma_start3A_35 = arith.constant 0 : i32
    %dma_start3A_36 = arith.constant 0 : i32
    %dma_start3A_37 = tpu.memref_slice %arg4[%add3A, %dma_start3A_34, %dma_start3A_35, %dma_start3A_36] : memref<32x5x1024x32xf32, #tpu.memory_space<hbm>> -> memref<1x1x1024x32xf32, #tpu.memory_space<hbm>>
    %dma_start3A_38 = tpu.memref_squeeze %dma_start3A_37 : memref<1x1x1024x32xf32, #tpu.memory_space<hbm>> -> memref<1024x32xf32, #tpu.memory_space<hbm>>
    %dma_start3A_39 = arith.constant 0 : i32
    %dma_start3A_40 = arith.constant 0 : i32
    %dma_start3A_41 = tpu.memref_slice %arg4[%add3A, %dma_start3A_34, %dma_start3A_39, %dma_start3A_40] : memref<32x5x1024x32xf32, #tpu.memory_space<hbm>> -> memref<1x1x1024x32xf32, #tpu.memory_space<hbm>>
    %dma_start3A_42 = tpu.memref_squeeze %dma_start3A_41 : memref<1x1x1024x32xf32, #tpu.memory_space<hbm>> -> memref<1024x32xf32, #tpu.memory_space<hbm>>
    tpu.enqueue_dma source(%arg8 : memref<1024x32xf32, #tpu.memory_space<vmem>>) target(%dma_start3A_42 : memref<1024x32xf32, #tpu.memory_space<hbm>>) target_semaphore(%arg12 : memref<!tpu.dma_semaphore, #tpu.memory_space<semaphore_mem>>)
    %run_scoped3A_43 = arith.constant 3 : i32
    "tpu.region"() ({
      %run_scoped3A_123 = tpu.sem_alloc : memref<!tpu.dma_semaphore, #tpu.memory_space<semaphore_mem>>
      %dma_start3A_124 = arith.constant 0 : i32
      %dma_start3A_125 = tpu.memref_slice %arg3[%add3A, %run_scoped3A_43, %dma_start3A_124] : memref<32x5x1024xi32, #tpu.memory_space<hbm>> -> memref<1x1x1024xi32, #tpu.memory_space<hbm>>
      %dma_start3A_126 = tpu.memref_squeeze %dma_start3A_125 : memref<1x1x1024xi32, #tpu.memory_space<hbm>> -> memref<1024xi32, #tpu.memory_space<hbm>>
      %dma_start3A_127 = arith.constant 0 : i32
      %dma_start3A_128 = tpu.memref_slice %arg3[%add3A, %run_scoped3A_43, %dma_start3A_127] : memref<32x5x1024xi32, #tpu.memory_space<hbm>> -> memref<1x1x1024xi32, #tpu.memory_space<hbm>>
      %dma_start3A_129 = tpu.memref_squeeze %dma_start3A_128 : memref<1x1x1024xi32, #tpu.memory_space<hbm>> -> memref<1024xi32, #tpu.memory_space<hbm>>
      tpu.enqueue_dma source(%dma_start3A_129 : memref<1024xi32, #tpu.memory_space<hbm>>) target(%arg6 : memref<1024xi32, #tpu.memory_space<vmem>>) target_semaphore(%run_scoped3A_123 : memref<!tpu.dma_semaphore, #tpu.memory_space<semaphore_mem>>)
      %dma_wait3A_130 = arith.constant 0 : i32
      %dma_wait3A_131 = tpu.memref_slice %arg3[%add3A, %run_scoped3A_43, %dma_wait3A_130] : memref<32x5x1024xi32, #tpu.memory_space<hbm>> -> memref<1x1x1024xi32, #tpu.memory_space<hbm>>
      %dma_wait3A_132 = tpu.memref_squeeze %dma_wait3A_131 : memref<1x1x1024xi32, #tpu.memory_space<hbm>> -> memref<1024xi32, #tpu.memory_space<hbm>>
      %dma_wait3A_133 = arith.constant 0 : i32
      %dma_wait3A_134 = tpu.memref_slice %arg3[%add3A, %run_scoped3A_43, %dma_wait3A_133] : memref<32x5x1024xi32, #tpu.memory_space<hbm>> -> memref<1x1x1024xi32, #tpu.memory_space<hbm>>
      %dma_wait3A_135 = tpu.memref_squeeze %dma_wait3A_134 : memref<1x1x1024xi32, #tpu.memory_space<hbm>> -> memref<1024xi32, #tpu.memory_space<hbm>>
      tpu.wait_dma2 semaphore(%run_scoped3A_123 : memref<!tpu.dma_semaphore, #tpu.memory_space<semaphore_mem>>) src(%dma_wait3A_135 : memref<1024xi32, #tpu.memory_space<hbm>>) dst(%arg6 : memref<1024xi32, #tpu.memory_space<vmem>>)
      tpu.yield
    }) : () -> ()
    %dma_wait3A_44 = arith.constant 0 : i32
    %dma_wait3A_45 = arith.constant 0 : i32
    %dma_wait3A_46 = tpu.memref_slice %arg2[%dma_wait3A_44, %dma_wait3A_45] : memref<10000x32xf32, #tpu.memory_space<hbm>> -> memref<10000x32xf32, #tpu.memory_space<hbm>>
    tpu.wait_indirect_dma semaphore(%arg9 : memref<!tpu.dma_semaphore, #tpu.memory_space<semaphore_mem>>) src(%dma_wait3A_46 : memref<10000x32xf32, #tpu.memory_space<hbm>>) dst(%arg7 : memref<1024x32xf32, #tpu.memory_space<vmem>>)
    %dma_wait3A_47 = arith.constant 1 : i32
    %dma_wait3A_48 = arith.constant 0 : i32
    %dma_wait3A_49 = arith.constant 0 : i32
    %dma_wait3A_50 = tpu.memref_slice %arg4[%add3A, %dma_wait3A_47, %dma_wait3A_48, %dma_wait3A_49] : memref<32x5x1024x32xf32, #tpu.memory_space<hbm>> -> memref<1x1x1024x32xf32, #tpu.memory_space<hbm>>
    %dma_wait3A_51 = tpu.memref_squeeze %dma_wait3A_50 : memref<1x1x1024x32xf32, #tpu.memory_space<hbm>> -> memref<1024x32xf32, #tpu.memory_space<hbm>>
    %dma_wait3A_52 = arith.constant 0 : i32
    %dma_wait3A_53 = arith.constant 0 : i32
    %dma_wait3A_54 = tpu.memref_slice %arg4[%add3A, %dma_wait3A_47, %dma_wait3A_52, %dma_wait3A_53] : memref<32x5x1024x32xf32, #tpu.memory_space<hbm>> -> memref<1x1x1024x32xf32, #tpu.memory_space<hbm>>
    %dma_wait3A_55 = tpu.memref_squeeze %dma_wait3A_54 : memref<1x1x1024x32xf32, #tpu.memory_space<hbm>> -> memref<1024x32xf32, #tpu.memory_space<hbm>>
    tpu.wait_dma2 semaphore(%arg12 : memref<!tpu.dma_semaphore, #tpu.memory_space<semaphore_mem>>) src(%arg8 : memref<1024x32xf32, #tpu.memory_space<vmem>>) dst(%dma_wait3A_55 : memref<1024x32xf32, #tpu.memory_space<hbm>>)
    %dma_start3A_56 = arith.constant 0 : i32
    %dma_start3A_57 = arith.constant 0 : i32
    %dma_start3A_58 = tpu.memref_slice %arg2[%dma_start3A_56, %dma_start3A_57] : memref<10000x32xf32, #tpu.memory_space<hbm>> -> memref<10000x32xf32, #tpu.memory_space<hbm>>
    tpu.enqueue_indirect_dma source(%dma_start3A_58 : memref<10000x32xf32, #tpu.memory_space<hbm>>) target(%arg8 : memref<1024x32xf32, #tpu.memory_space<vmem>>) offsets(%arg6 : memref<1024xi32, #tpu.memory_space<vmem>>) semaphore(%arg10 : memref<!tpu.dma_semaphore, #tpu.memory_space<semaphore_mem>>)
    %dma_start3A_59 = arith.constant 2 : i32
    %dma_start3A_60 = arith.constant 0 : i32
    %dma_start3A_61 = arith.constant 0 : i32
    %dma_start3A_62 = tpu.memref_slice %arg4[%add3A, %dma_start3A_59, %dma_start3A_60, %dma_start3A_61] : memref<32x5x1024x32xf32, #tpu.memory_space<hbm>> -> memref<1x1x1024x32xf32, #tpu.memory_space<hbm>>
    %dma_start3A_63 = tpu.memref_squeeze %dma_start3A_62 : memref<1x1x1024x32xf32, #tpu.memory_space<hbm>> -> memref<1024x32xf32, #tpu.memory_space<hbm>>
    %dma_start3A_64 = arith.constant 0 : i32
    %dma_start3A_65 = arith.constant 0 : i32
    %dma_start3A_66 = tpu.memref_slice %arg4[%add3A, %dma_start3A_59, %dma_start3A_64, %dma_start3A_65] : memref<32x5x1024x32xf32, #tpu.memory_space<hbm>> -> memref<1x1x1024x32xf32, #tpu.memory_space<hbm>>
    %dma_start3A_67 = tpu.memref_squeeze %dma_start3A_66 : memref<1x1x1024x32xf32, #tpu.memory_space<hbm>> -> memref<1024x32xf32, #tpu.memory_space<hbm>>
    tpu.enqueue_dma source(%arg7 : memref<1024x32xf32, #tpu.memory_space<vmem>>) target(%dma_start3A_67 : memref<1024x32xf32, #tpu.memory_space<hbm>>) target_semaphore(%arg11 : memref<!tpu.dma_semaphore, #tpu.memory_space<semaphore_mem>>)
    %run_scoped3A_68 = arith.constant 4 : i32
    "tpu.region"() ({
      %run_scoped3A_123 = tpu.sem_alloc : memref<!tpu.dma_semaphore, #tpu.memory_space<semaphore_mem>>
      %dma_start3A_124 = arith.constant 0 : i32
      %dma_start3A_125 = tpu.memref_slice %arg3[%add3A, %run_scoped3A_68, %dma_start3A_124] : memref<32x5x1024xi32, #tpu.memory_space<hbm>> -> memref<1x1x1024xi32, #tpu.memory_space<hbm>>
      %dma_start3A_126 = tpu.memref_squeeze %dma_start3A_125 : memref<1x1x1024xi32, #tpu.memory_space<hbm>> -> memref<1024xi32, #tpu.memory_space<hbm>>
      %dma_start3A_127 = arith.constant 0 : i32
      %dma_start3A_128 = tpu.memref_slice %arg3[%add3A, %run_scoped3A_68, %dma_start3A_127] : memref<32x5x1024xi32, #tpu.memory_space<hbm>> -> memref<1x1x1024xi32, #tpu.memory_space<hbm>>
      %dma_start3A_129 = tpu.memref_squeeze %dma_start3A_128 : memref<1x1x1024xi32, #tpu.memory_space<hbm>> -> memref<1024xi32, #tpu.memory_space<hbm>>
      tpu.enqueue_dma source(%dma_start3A_129 : memref<1024xi32, #tpu.memory_space<hbm>>) target(%arg5 : memref<1024xi32, #tpu.memory_space<vmem>>) target_semaphore(%run_scoped3A_123 : memref<!tpu.dma_semaphore, #tpu.memory_space<semaphore_mem>>)
      %dma_wait3A_130 = arith.constant 0 : i32
      %dma_wait3A_131 = tpu.memref_slice %arg3[%add3A, %run_scoped3A_68, %dma_wait3A_130] : memref<32x5x1024xi32, #tpu.memory_space<hbm>> -> memref<1x1x1024xi32, #tpu.memory_space<hbm>>
      %dma_wait3A_132 = tpu.memref_squeeze %dma_wait3A_131 : memref<1x1x1024xi32, #tpu.memory_space<hbm>> -> memref<1024xi32, #tpu.memory_space<hbm>>
      %dma_wait3A_133 = arith.constant 0 : i32
      %dma_wait3A_134 = tpu.memref_slice %arg3[%add3A, %run_scoped3A_68, %dma_wait3A_133] : memref<32x5x1024xi32, #tpu.memory_space<hbm>> -> memref<1x1x1024xi32, #tpu.memory_space<hbm>>
      %dma_wait3A_135 = tpu.memref_squeeze %dma_wait3A_134 : memref<1x1x1024xi32, #tpu.memory_space<hbm>> -> memref<1024xi32, #tpu.memory_space<hbm>>
      tpu.wait_dma2 semaphore(%run_scoped3A_123 : memref<!tpu.dma_semaphore, #tpu.memory_space<semaphore_mem>>) src(%dma_wait3A_135 : memref<1024xi32, #tpu.memory_space<hbm>>) dst(%arg5 : memref<1024xi32, #tpu.memory_space<vmem>>)
      tpu.yield
    }) : () -> ()
    %dma_wait3A_69 = arith.constant 0 : i32
    %dma_wait3A_70 = arith.constant 0 : i32
    %dma_wait3A_71 = tpu.memref_slice %arg2[%dma_wait3A_69, %dma_wait3A_70] : memref<10000x32xf32, #tpu.memory_space<hbm>> -> memref<10000x32xf32, #tpu.memory_space<hbm>>
    tpu.wait_indirect_dma semaphore(%arg10 : memref<!tpu.dma_semaphore, #tpu.memory_space<semaphore_mem>>) src(%dma_wait3A_71 : memref<10000x32xf32, #tpu.memory_space<hbm>>) dst(%arg8 : memref<1024x32xf32, #tpu.memory_space<vmem>>)
    %dma_wait3A_72 = arith.constant 2 : i32
    %dma_wait3A_73 = arith.constant 0 : i32
    %dma_wait3A_74 = arith.constant 0 : i32
    %dma_wait3A_75 = tpu.memref_slice %arg4[%add3A, %dma_wait3A_72, %dma_wait3A_73, %dma_wait3A_74] : memref<32x5x1024x32xf32, #tpu.memory_space<hbm>> -> memref<1x1x1024x32xf32, #tpu.memory_space<hbm>>
    %dma_wait3A_76 = tpu.memref_squeeze %dma_wait3A_75 : memref<1x1x1024x32xf32, #tpu.memory_space<hbm>> -> memref<1024x32xf32, #tpu.memory_space<hbm>>
    %dma_wait3A_77 = arith.constant 0 : i32
    %dma_wait3A_78 = arith.constant 0 : i32
    %dma_wait3A_79 = tpu.memref_slice %arg4[%add3A, %dma_wait3A_72, %dma_wait3A_77, %dma_wait3A_78] : memref<32x5x1024x32xf32, #tpu.memory_space<hbm>> -> memref<1x1x1024x32xf32, #tpu.memory_space<hbm>>
    %dma_wait3A_80 = tpu.memref_squeeze %dma_wait3A_79 : memref<1x1x1024x32xf32, #tpu.memory_space<hbm>> -> memref<1024x32xf32, #tpu.memory_space<hbm>>
    tpu.wait_dma2 semaphore(%arg11 : memref<!tpu.dma_semaphore, #tpu.memory_space<semaphore_mem>>) src(%arg7 : memref<1024x32xf32, #tpu.memory_space<vmem>>) dst(%dma_wait3A_80 : memref<1024x32xf32, #tpu.memory_space<hbm>>)
    %dma_start3A_81 = arith.constant 0 : i32
    %dma_start3A_82 = arith.constant 0 : i32
    %dma_start3A_83 = tpu.memref_slice %arg2[%dma_start3A_81, %dma_start3A_82] : memref<10000x32xf32, #tpu.memory_space<hbm>> -> memref<10000x32xf32, #tpu.memory_space<hbm>>
    tpu.enqueue_indirect_dma source(%dma_start3A_83 : memref<10000x32xf32, #tpu.memory_space<hbm>>) target(%arg7 : memref<1024x32xf32, #tpu.memory_space<vmem>>) offsets(%arg5 : memref<1024xi32, #tpu.memory_space<vmem>>) semaphore(%arg9 : memref<!tpu.dma_semaphore, #tpu.memory_space<semaphore_mem>>)
    %dma_start3A_84 = arith.constant 3 : i32
    %dma_start3A_85 = arith.constant 0 : i32
    %dma_start3A_86 = arith.constant 0 : i32
    %dma_start3A_87 = tpu.memref_slice %arg4[%add3A, %dma_start3A_84, %dma_start3A_85, %dma_start3A_86] : memref<32x5x1024x32xf32, #tpu.memory_space<hbm>> -> memref<1x1x1024x32xf32, #tpu.memory_space<hbm>>
    %dma_start3A_88 = tpu.memref_squeeze %dma_start3A_87 : memref<1x1x1024x32xf32, #tpu.memory_space<hbm>> -> memref<1024x32xf32, #tpu.memory_space<hbm>>
    %dma_start3A_89 = arith.constant 0 : i32
    %dma_start3A_90 = arith.constant 0 : i32
    %dma_start3A_91 = tpu.memref_slice %arg4[%add3A, %dma_start3A_84, %dma_start3A_89, %dma_start3A_90] : memref<32x5x1024x32xf32, #tpu.memory_space<hbm>> -> memref<1x1x1024x32xf32, #tpu.memory_space<hbm>>
    %dma_start3A_92 = tpu.memref_squeeze %dma_start3A_91 : memref<1x1x1024x32xf32, #tpu.memory_space<hbm>> -> memref<1024x32xf32, #tpu.memory_space<hbm>>
    tpu.enqueue_dma source(%arg8 : memref<1024x32xf32, #tpu.memory_space<vmem>>) target(%dma_start3A_92 : memref<1024x32xf32, #tpu.memory_space<hbm>>) target_semaphore(%arg12 : memref<!tpu.dma_semaphore, #tpu.memory_space<semaphore_mem>>)
    %dma_wait3A_93 = arith.constant 0 : i32
    %dma_wait3A_94 = arith.constant 0 : i32
    %dma_wait3A_95 = tpu.memref_slice %arg2[%dma_wait3A_93, %dma_wait3A_94] : memref<10000x32xf32, #tpu.memory_space<hbm>> -> memref<10000x32xf32, #tpu.memory_space<hbm>>
    tpu.wait_indirect_dma semaphore(%arg9 : memref<!tpu.dma_semaphore, #tpu.memory_space<semaphore_mem>>) src(%dma_wait3A_95 : memref<10000x32xf32, #tpu.memory_space<hbm>>) dst(%arg7 : memref<1024x32xf32, #tpu.memory_space<vmem>>)
    %dma_start3A_96 = arith.constant 4 : i32
    %dma_start3A_97 = arith.constant 0 : i32
    %dma_start3A_98 = arith.constant 0 : i32
    %dma_start3A_99 = tpu.memref_slice %arg4[%add3A, %dma_start3A_96, %dma_start3A_97, %dma_start3A_98] : memref<32x5x1024x32xf32, #tpu.memory_space<hbm>> -> memref<1x1x1024x32xf32, #tpu.memory_space<hbm>>
    %dma_start3A_100 = tpu.memref_squeeze %dma_start3A_99 : memref<1x1x1024x32xf32, #tpu.memory_space<hbm>> -> memref<1024x32xf32, #tpu.memory_space<hbm>>
    %dma_start3A_101 = arith.constant 0 : i32
    %dma_start3A_102 = arith.constant 0 : i32
    %dma_start3A_103 = tpu.memref_slice %arg4[%add3A, %dma_start3A_96, %dma_start3A_101, %dma_start3A_102] : memref<32x5x1024x32xf32, #tpu.memory_space<hbm>> -> memref<1x1x1024x32xf32, #tpu.memory_space<hbm>>
    %dma_start3A_104 = tpu.memref_squeeze %dma_start3A_103 : memref<1x1x1024x32xf32, #tpu.memory_space<hbm>> -> memref<1024x32xf32, #tpu.memory_space<hbm>>
    tpu.enqueue_dma source(%arg7 : memref<1024x32xf32, #tpu.memory_space<vmem>>) target(%dma_start3A_104 : memref<1024x32xf32, #tpu.memory_space<hbm>>) target_semaphore(%arg11 : memref<!tpu.dma_semaphore, #tpu.memory_space<semaphore_mem>>)
    %dma_wait3A_105 = arith.constant 4 : i32
    %dma_wait3A_106 = arith.constant 0 : i32
    %dma_wait3A_107 = arith.constant 0 : i32
    %dma_wait3A_108 = tpu.memref_slice %arg4[%add3A, %dma_wait3A_105, %dma_wait3A_106, %dma_wait3A_107] : memref<32x5x1024x32xf32, #tpu.memory_space<hbm>> -> memref<1x1x1024x32xf32, #tpu.memory_space<hbm>>
    %dma_wait3A_109 = tpu.memref_squeeze %dma_wait3A_108 : memref<1x1x1024x32xf32, #tpu.memory_space<hbm>> -> memref<1024x32xf32, #tpu.memory_space<hbm>>
    %dma_wait3A_110 = arith.constant 0 : i32
    %dma_wait3A_111 = arith.constant 0 : i32
    %dma_wait3A_112 = tpu.memref_slice %arg4[%add3A, %dma_wait3A_105, %dma_wait3A_110, %dma_wait3A_111] : memref<32x5x1024x32xf32, #tpu.memory_space<hbm>> -> memref<1x1x1024x32xf32, #tpu.memory_space<hbm>>
    %dma_wait3A_113 = tpu.memref_squeeze %dma_wait3A_112 : memref<1x1x1024x32xf32, #tpu.memory_space<hbm>> -> memref<1024x32xf32, #tpu.memory_space<hbm>>
    tpu.wait_dma2 semaphore(%arg11 : memref<!tpu.dma_semaphore, #tpu.memory_space<semaphore_mem>>) src(%arg7 : memref<1024x32xf32, #tpu.memory_space<vmem>>) dst(%dma_wait3A_113 : memref<1024x32xf32, #tpu.memory_space<hbm>>)
    %dma_wait3A_114 = arith.constant 3 : i32
    %dma_wait3A_115 = arith.constant 0 : i32
    %dma_wait3A_116 = arith.constant 0 : i32
    %dma_wait3A_117 = tpu.memref_slice %arg4[%add3A, %dma_wait3A_114, %dma_wait3A_115, %dma_wait3A_116] : memref<32x5x1024x32xf32, #tpu.memory_space<hbm>> -> memref<1x1x1024x32xf32, #tpu.memory_space<hbm>>
    %dma_wait3A_118 = tpu.memref_squeeze %dma_wait3A_117 : memref<1x1x1024x32xf32, #tpu.memory_space<hbm>> -> memref<1024x32xf32, #tpu.memory_space<hbm>>
    %dma_wait3A_119 = arith.constant 0 : i32
    %dma_wait3A_120 = arith.constant 0 : i32
    %dma_wait3A_121 = tpu.memref_slice %arg4[%add3A, %dma_wait3A_114, %dma_wait3A_119, %dma_wait3A_120] : memref<32x5x1024x32xf32, #tpu.memory_space<hbm>> -> memref<1x1x1024x32xf32, #tpu.memory_space<hbm>>
    %dma_wait3A_122 = tpu.memref_squeeze %dma_wait3A_121 : memref<1x1x1024x32xf32, #tpu.memory_space<hbm>> -> memref<1024x32xf32, #tpu.memory_space<hbm>>
    tpu.wait_dma2 semaphore(%arg12 : memref<!tpu.dma_semaphore, #tpu.memory_space<semaphore_mem>>) src(%arg8 : memref<1024x32xf32, #tpu.memory_space<vmem>>) dst(%dma_wait3A_122 : memref<1024x32xf32, #tpu.memory_space<hbm>>)
    return
  }
}

#map = affine_map<(d0, d1) -> (0, 0)>
#map1 = affine_map<(d0, d1) -> (0, 0, 0)>
#map2 = affine_map<(d0, d1) -> (0, 0, 0, 0)>
module attributes {stable_mosaic.version = 14 : i64} {
  func.func @gather(%arg0: i32, %arg1: i32, %arg2: memref<10000x32xf32, #tpu.memory_space<hbm>>, %arg3: memref<32x5x640xi32, #tpu.memory_space<hbm>>, %arg4: memref<32x5x640x32xf32, #tpu.memory_space<hbm>>, %arg5: memref<640xi32, #tpu.memory_space<vmem>>, %arg6: memref<640xi32, #tpu.memory_space<vmem>>, %arg7: memref<640x32xf32, #tpu.memory_space<vmem>>, %arg8: memref<640x32xf32, #tpu.memory_space<vmem>>, %arg9: memref<!tpu.dma_semaphore, #tpu.memory_space<semaphore_mem>>, %arg10: memref<!tpu.dma_semaphore, #tpu.memory_space<semaphore_mem>>, %arg11: memref<!tpu.dma_semaphore, #tpu.memory_space<semaphore_mem>>, %arg12: memref<!tpu.dma_semaphore, #tpu.memory_space<semaphore_mem>>) attributes {dimension_semantics = [#tpu.dimension_semantics<core_parallel>, #tpu.dimension_semantics<subcore_parallel>], iteration_bounds = array<i64: 2, 16>, scalar_prefetch = 0 : i64, scratch_operands = 8 : i64, tpu.core_type = #tpu.core_type<sc_vector_subcore>, window_params = [{transform_indices = #map}, {transform_indices = #map1}, {transform_indices = #map2}]} {
    %mul3A = arith.constant 2 : i32
    %mul3A_0 = arith.muli %arg1, %mul3A : i32
    %add3A = arith.addi %mul3A_0, %arg0 : i32
    %run_scoped3A = arith.constant 0 : i32
    "tpu.region"() ({
      %run_scoped3A_123 = tpu.sem_alloc : memref<!tpu.dma_semaphore, #tpu.memory_space<semaphore_mem>>
      %dma_start3A_124 = arith.constant 0 : i32
      %dma_start3A_125 = tpu.memref_slice %arg3[%add3A, %run_scoped3A, %dma_start3A_124] : memref<32x5x640xi32, #tpu.memory_space<hbm>> -> memref<1x1x640xi32, #tpu.memory_space<hbm>>
      %dma_start3A_126 = tpu.memref_squeeze %dma_start3A_125 : memref<1x1x640xi32, #tpu.memory_space<hbm>> -> memref<640xi32, #tpu.memory_space<hbm>>
      %dma_start3A_127 = arith.constant 0 : i32
      %dma_start3A_128 = tpu.memref_slice %arg3[%add3A, %run_scoped3A, %dma_start3A_127] : memref<32x5x640xi32, #tpu.memory_space<hbm>> -> memref<1x1x640xi32, #tpu.memory_space<hbm>>
      %dma_start3A_129 = tpu.memref_squeeze %dma_start3A_128 : memref<1x1x640xi32, #tpu.memory_space<hbm>> -> memref<640xi32, #tpu.memory_space<hbm>>
      tpu.enqueue_dma source(%dma_start3A_129 : memref<640xi32, #tpu.memory_space<hbm>>) target(%arg5 : memref<640xi32, #tpu.memory_space<vmem>>) target_semaphore(%run_scoped3A_123 : memref<!tpu.dma_semaphore, #tpu.memory_space<semaphore_mem>>)
      %dma_wait3A_130 = arith.constant 0 : i32
      %dma_wait3A_131 = tpu.memref_slice %arg3[%add3A, %run_scoped3A, %dma_wait3A_130] : memref<32x5x640xi32, #tpu.memory_space<hbm>> -> memref<1x1x640xi32, #tpu.memory_space<hbm>>
      %dma_wait3A_132 = tpu.memref_squeeze %dma_wait3A_131 : memref<1x1x640xi32, #tpu.memory_space<hbm>> -> memref<640xi32, #tpu.memory_space<hbm>>
      %dma_wait3A_133 = arith.constant 0 : i32
      %dma_wait3A_134 = tpu.memref_slice %arg3[%add3A, %run_scoped3A, %dma_wait3A_133] : memref<32x5x640xi32, #tpu.memory_space<hbm>> -> memref<1x1x640xi32, #tpu.memory_space<hbm>>
      %dma_wait3A_135 = tpu.memref_squeeze %dma_wait3A_134 : memref<1x1x640xi32, #tpu.memory_space<hbm>> -> memref<640xi32, #tpu.memory_space<hbm>>
      tpu.wait_dma2 semaphore(%run_scoped3A_123 : memref<!tpu.dma_semaphore, #tpu.memory_space<semaphore_mem>>) src(%dma_wait3A_135 : memref<640xi32, #tpu.memory_space<hbm>>) dst(%arg5 : memref<640xi32, #tpu.memory_space<vmem>>)
      tpu.yield
    }) : () -> ()
    %dma_start3A = arith.constant 0 : i32
    %dma_start3A_1 = arith.constant 0 : i32
    %dma_start3A_2 = tpu.memref_slice %arg2[%dma_start3A, %dma_start3A_1] : memref<10000x32xf32, #tpu.memory_space<hbm>> -> memref<10000x32xf32, #tpu.memory_space<hbm>>
    tpu.enqueue_indirect_dma source(%dma_start3A_2 : memref<10000x32xf32, #tpu.memory_space<hbm>>) target(%arg7 : memref<640x32xf32, #tpu.memory_space<vmem>>) offsets(%arg5 : memref<640xi32, #tpu.memory_space<vmem>>) semaphore(%arg9 : memref<!tpu.dma_semaphore, #tpu.memory_space<semaphore_mem>>)
    %run_scoped3A_3 = arith.constant 1 : i32
    "tpu.region"() ({
      %run_scoped3A_123 = tpu.sem_alloc : memref<!tpu.dma_semaphore, #tpu.memory_space<semaphore_mem>>
      %dma_start3A_124 = arith.constant 0 : i32
      %dma_start3A_125 = tpu.memref_slice %arg3[%add3A, %run_scoped3A_3, %dma_start3A_124] : memref<32x5x640xi32, #tpu.memory_space<hbm>> -> memref<1x1x640xi32, #tpu.memory_space<hbm>>
      %dma_start3A_126 = tpu.memref_squeeze %dma_start3A_125 : memref<1x1x640xi32, #tpu.memory_space<hbm>> -> memref<640xi32, #tpu.memory_space<hbm>>
      %dma_start3A_127 = arith.constant 0 : i32
      %dma_start3A_128 = tpu.memref_slice %arg3[%add3A, %run_scoped3A_3, %dma_start3A_127] : memref<32x5x640xi32, #tpu.memory_space<hbm>> -> memref<1x1x640xi32, #tpu.memory_space<hbm>>
      %dma_start3A_129 = tpu.memref_squeeze %dma_start3A_128 : memref<1x1x640xi32, #tpu.memory_space<hbm>> -> memref<640xi32, #tpu.memory_space<hbm>>
      tpu.enqueue_dma source(%dma_start3A_129 : memref<640xi32, #tpu.memory_space<hbm>>) target(%arg6 : memref<640xi32, #tpu.memory_space<vmem>>) target_semaphore(%run_scoped3A_123 : memref<!tpu.dma_semaphore, #tpu.memory_space<semaphore_mem>>)
      %dma_wait3A_130 = arith.constant 0 : i32
      %dma_wait3A_131 = tpu.memref_slice %arg3[%add3A, %run_scoped3A_3, %dma_wait3A_130] : memref<32x5x640xi32, #tpu.memory_space<hbm>> -> memref<1x1x640xi32, #tpu.memory_space<hbm>>
      %dma_wait3A_132 = tpu.memref_squeeze %dma_wait3A_131 : memref<1x1x640xi32, #tpu.memory_space<hbm>> -> memref<640xi32, #tpu.memory_space<hbm>>
      %dma_wait3A_133 = arith.constant 0 : i32
      %dma_wait3A_134 = tpu.memref_slice %arg3[%add3A, %run_scoped3A_3, %dma_wait3A_133] : memref<32x5x640xi32, #tpu.memory_space<hbm>> -> memref<1x1x640xi32, #tpu.memory_space<hbm>>
      %dma_wait3A_135 = tpu.memref_squeeze %dma_wait3A_134 : memref<1x1x640xi32, #tpu.memory_space<hbm>> -> memref<640xi32, #tpu.memory_space<hbm>>
      tpu.wait_dma2 semaphore(%run_scoped3A_123 : memref<!tpu.dma_semaphore, #tpu.memory_space<semaphore_mem>>) src(%dma_wait3A_135 : memref<640xi32, #tpu.memory_space<hbm>>) dst(%arg6 : memref<640xi32, #tpu.memory_space<vmem>>)
      tpu.yield
    }) : () -> ()
    %dma_wait3A = arith.constant 0 : i32
    %dma_wait3A_4 = arith.constant 0 : i32
    %dma_wait3A_5 = tpu.memref_slice %arg2[%dma_wait3A, %dma_wait3A_4] : memref<10000x32xf32, #tpu.memory_space<hbm>> -> memref<10000x32xf32, #tpu.memory_space<hbm>>
    tpu.wait_indirect_dma semaphore(%arg9 : memref<!tpu.dma_semaphore, #tpu.memory_space<semaphore_mem>>) src(%dma_wait3A_5 : memref<10000x32xf32, #tpu.memory_space<hbm>>) dst(%arg7 : memref<640x32xf32, #tpu.memory_space<vmem>>)
    %dma_start3A_6 = arith.constant 0 : i32
    %dma_start3A_7 = arith.constant 0 : i32
    %dma_start3A_8 = tpu.memref_slice %arg2[%dma_start3A_6, %dma_start3A_7] : memref<10000x32xf32, #tpu.memory_space<hbm>> -> memref<10000x32xf32, #tpu.memory_space<hbm>>
    tpu.enqueue_indirect_dma source(%dma_start3A_8 : memref<10000x32xf32, #tpu.memory_space<hbm>>) target(%arg8 : memref<640x32xf32, #tpu.memory_space<vmem>>) offsets(%arg6 : memref<640xi32, #tpu.memory_space<vmem>>) semaphore(%arg10 : memref<!tpu.dma_semaphore, #tpu.memory_space<semaphore_mem>>)
    %dma_start3A_9 = arith.constant 0 : i32
    %dma_start3A_10 = arith.constant 0 : i32
    %dma_start3A_11 = arith.constant 0 : i32
    %dma_start3A_12 = tpu.memref_slice %arg4[%add3A, %dma_start3A_9, %dma_start3A_10, %dma_start3A_11] : memref<32x5x640x32xf32, #tpu.memory_space<hbm>> -> memref<1x1x640x32xf32, #tpu.memory_space<hbm>>
    %dma_start3A_13 = tpu.memref_squeeze %dma_start3A_12 : memref<1x1x640x32xf32, #tpu.memory_space<hbm>> -> memref<640x32xf32, #tpu.memory_space<hbm>>
    %dma_start3A_14 = arith.constant 0 : i32
    %dma_start3A_15 = arith.constant 0 : i32
    %dma_start3A_16 = tpu.memref_slice %arg4[%add3A, %dma_start3A_9, %dma_start3A_14, %dma_start3A_15] : memref<32x5x640x32xf32, #tpu.memory_space<hbm>> -> memref<1x1x640x32xf32, #tpu.memory_space<hbm>>
    %dma_start3A_17 = tpu.memref_squeeze %dma_start3A_16 : memref<1x1x640x32xf32, #tpu.memory_space<hbm>> -> memref<640x32xf32, #tpu.memory_space<hbm>>
    tpu.enqueue_dma source(%arg7 : memref<640x32xf32, #tpu.memory_space<vmem>>) target(%dma_start3A_17 : memref<640x32xf32, #tpu.memory_space<hbm>>) target_semaphore(%arg11 : memref<!tpu.dma_semaphore, #tpu.memory_space<semaphore_mem>>)
    %run_scoped3A_18 = arith.constant 2 : i32
    "tpu.region"() ({
      %run_scoped3A_123 = tpu.sem_alloc : memref<!tpu.dma_semaphore, #tpu.memory_space<semaphore_mem>>
      %dma_start3A_124 = arith.constant 0 : i32
      %dma_start3A_125 = tpu.memref_slice %arg3[%add3A, %run_scoped3A_18, %dma_start3A_124] : memref<32x5x640xi32, #tpu.memory_space<hbm>> -> memref<1x1x640xi32, #tpu.memory_space<hbm>>
      %dma_start3A_126 = tpu.memref_squeeze %dma_start3A_125 : memref<1x1x640xi32, #tpu.memory_space<hbm>> -> memref<640xi32, #tpu.memory_space<hbm>>
      %dma_start3A_127 = arith.constant 0 : i32
      %dma_start3A_128 = tpu.memref_slice %arg3[%add3A, %run_scoped3A_18, %dma_start3A_127] : memref<32x5x640xi32, #tpu.memory_space<hbm>> -> memref<1x1x640xi32, #tpu.memory_space<hbm>>
      %dma_start3A_129 = tpu.memref_squeeze %dma_start3A_128 : memref<1x1x640xi32, #tpu.memory_space<hbm>> -> memref<640xi32, #tpu.memory_space<hbm>>
      tpu.enqueue_dma source(%dma_start3A_129 : memref<640xi32, #tpu.memory_space<hbm>>) target(%arg5 : memref<640xi32, #tpu.memory_space<vmem>>) target_semaphore(%run_scoped3A_123 : memref<!tpu.dma_semaphore, #tpu.memory_space<semaphore_mem>>)
      %dma_wait3A_130 = arith.constant 0 : i32
      %dma_wait3A_131 = tpu.memref_slice %arg3[%add3A, %run_scoped3A_18, %dma_wait3A_130] : memref<32x5x640xi32, #tpu.memory_space<hbm>> -> memref<1x1x640xi32, #tpu.memory_space<hbm>>
      %dma_wait3A_132 = tpu.memref_squeeze %dma_wait3A_131 : memref<1x1x640xi32, #tpu.memory_space<hbm>> -> memref<640xi32, #tpu.memory_space<hbm>>
      %dma_wait3A_133 = arith.constant 0 : i32
      %dma_wait3A_134 = tpu.memref_slice %arg3[%add3A, %run_scoped3A_18, %dma_wait3A_133] : memref<32x5x640xi32, #tpu.memory_space<hbm>> -> memref<1x1x640xi32, #tpu.memory_space<hbm>>
      %dma_wait3A_135 = tpu.memref_squeeze %dma_wait3A_134 : memref<1x1x640xi32, #tpu.memory_space<hbm>> -> memref<640xi32, #tpu.memory_space<hbm>>
      tpu.wait_dma2 semaphore(%run_scoped3A_123 : memref<!tpu.dma_semaphore, #tpu.memory_space<semaphore_mem>>) src(%dma_wait3A_135 : memref<640xi32, #tpu.memory_space<hbm>>) dst(%arg5 : memref<640xi32, #tpu.memory_space<vmem>>)
      tpu.yield
    }) : () -> ()
    %dma_wait3A_19 = arith.constant 0 : i32
    %dma_wait3A_20 = arith.constant 0 : i32
    %dma_wait3A_21 = tpu.memref_slice %arg2[%dma_wait3A_19, %dma_wait3A_20] : memref<10000x32xf32, #tpu.memory_space<hbm>> -> memref<10000x32xf32, #tpu.memory_space<hbm>>
    tpu.wait_indirect_dma semaphore(%arg10 : memref<!tpu.dma_semaphore, #tpu.memory_space<semaphore_mem>>) src(%dma_wait3A_21 : memref<10000x32xf32, #tpu.memory_space<hbm>>) dst(%arg8 : memref<640x32xf32, #tpu.memory_space<vmem>>)
    %dma_wait3A_22 = arith.constant 0 : i32
    %dma_wait3A_23 = arith.constant 0 : i32
    %dma_wait3A_24 = arith.constant 0 : i32
    %dma_wait3A_25 = tpu.memref_slice %arg4[%add3A, %dma_wait3A_22, %dma_wait3A_23, %dma_wait3A_24] : memref<32x5x640x32xf32, #tpu.memory_space<hbm>> -> memref<1x1x640x32xf32, #tpu.memory_space<hbm>>
    %dma_wait3A_26 = tpu.memref_squeeze %dma_wait3A_25 : memref<1x1x640x32xf32, #tpu.memory_space<hbm>> -> memref<640x32xf32, #tpu.memory_space<hbm>>
    %dma_wait3A_27 = arith.constant 0 : i32
    %dma_wait3A_28 = arith.constant 0 : i32
    %dma_wait3A_29 = tpu.memref_slice %arg4[%add3A, %dma_wait3A_22, %dma_wait3A_27, %dma_wait3A_28] : memref<32x5x640x32xf32, #tpu.memory_space<hbm>> -> memref<1x1x640x32xf32, #tpu.memory_space<hbm>>
    %dma_wait3A_30 = tpu.memref_squeeze %dma_wait3A_29 : memref<1x1x640x32xf32, #tpu.memory_space<hbm>> -> memref<640x32xf32, #tpu.memory_space<hbm>>
    tpu.wait_dma2 semaphore(%arg11 : memref<!tpu.dma_semaphore, #tpu.memory_space<semaphore_mem>>) src(%arg7 : memref<640x32xf32, #tpu.memory_space<vmem>>) dst(%dma_wait3A_30 : memref<640x32xf32, #tpu.memory_space<hbm>>)
    %dma_start3A_31 = arith.constant 0 : i32
    %dma_start3A_32 = arith.constant 0 : i32
    %dma_start3A_33 = tpu.memref_slice %arg2[%dma_start3A_31, %dma_start3A_32] : memref<10000x32xf32, #tpu.memory_space<hbm>> -> memref<10000x32xf32, #tpu.memory_space<hbm>>
    tpu.enqueue_indirect_dma source(%dma_start3A_33 : memref<10000x32xf32, #tpu.memory_space<hbm>>) target(%arg7 : memref<640x32xf32, #tpu.memory_space<vmem>>) offsets(%arg5 : memref<640xi32, #tpu.memory_space<vmem>>) semaphore(%arg9 : memref<!tpu.dma_semaphore, #tpu.memory_space<semaphore_mem>>)
    %dma_start3A_34 = arith.constant 1 : i32
    %dma_start3A_35 = arith.constant 0 : i32
    %dma_start3A_36 = arith.constant 0 : i32
    %dma_start3A_37 = tpu.memref_slice %arg4[%add3A, %dma_start3A_34, %dma_start3A_35, %dma_start3A_36] : memref<32x5x640x32xf32, #tpu.memory_space<hbm>> -> memref<1x1x640x32xf32, #tpu.memory_space<hbm>>
    %dma_start3A_38 = tpu.memref_squeeze %dma_start3A_37 : memref<1x1x640x32xf32, #tpu.memory_space<hbm>> -> memref<640x32xf32, #tpu.memory_space<hbm>>
    %dma_start3A_39 = arith.constant 0 : i32
    %dma_start3A_40 = arith.constant 0 : i32
    %dma_start3A_41 = tpu.memref_slice %arg4[%add3A, %dma_start3A_34, %dma_start3A_39, %dma_start3A_40] : memref<32x5x640x32xf32, #tpu.memory_space<hbm>> -> memref<1x1x640x32xf32, #tpu.memory_space<hbm>>
    %dma_start3A_42 = tpu.memref_squeeze %dma_start3A_41 : memref<1x1x640x32xf32, #tpu.memory_space<hbm>> -> memref<640x32xf32, #tpu.memory_space<hbm>>
    tpu.enqueue_dma source(%arg8 : memref<640x32xf32, #tpu.memory_space<vmem>>) target(%dma_start3A_42 : memref<640x32xf32, #tpu.memory_space<hbm>>) target_semaphore(%arg12 : memref<!tpu.dma_semaphore, #tpu.memory_space<semaphore_mem>>)
    %run_scoped3A_43 = arith.constant 3 : i32
    "tpu.region"() ({
      %run_scoped3A_123 = tpu.sem_alloc : memref<!tpu.dma_semaphore, #tpu.memory_space<semaphore_mem>>
      %dma_start3A_124 = arith.constant 0 : i32
      %dma_start3A_125 = tpu.memref_slice %arg3[%add3A, %run_scoped3A_43, %dma_start3A_124] : memref<32x5x640xi32, #tpu.memory_space<hbm>> -> memref<1x1x640xi32, #tpu.memory_space<hbm>>
      %dma_start3A_126 = tpu.memref_squeeze %dma_start3A_125 : memref<1x1x640xi32, #tpu.memory_space<hbm>> -> memref<640xi32, #tpu.memory_space<hbm>>
      %dma_start3A_127 = arith.constant 0 : i32
      %dma_start3A_128 = tpu.memref_slice %arg3[%add3A, %run_scoped3A_43, %dma_start3A_127] : memref<32x5x640xi32, #tpu.memory_space<hbm>> -> memref<1x1x640xi32, #tpu.memory_space<hbm>>
      %dma_start3A_129 = tpu.memref_squeeze %dma_start3A_128 : memref<1x1x640xi32, #tpu.memory_space<hbm>> -> memref<640xi32, #tpu.memory_space<hbm>>
      tpu.enqueue_dma source(%dma_start3A_129 : memref<640xi32, #tpu.memory_space<hbm>>) target(%arg6 : memref<640xi32, #tpu.memory_space<vmem>>) target_semaphore(%run_scoped3A_123 : memref<!tpu.dma_semaphore, #tpu.memory_space<semaphore_mem>>)
      %dma_wait3A_130 = arith.constant 0 : i32
      %dma_wait3A_131 = tpu.memref_slice %arg3[%add3A, %run_scoped3A_43, %dma_wait3A_130] : memref<32x5x640xi32, #tpu.memory_space<hbm>> -> memref<1x1x640xi32, #tpu.memory_space<hbm>>
      %dma_wait3A_132 = tpu.memref_squeeze %dma_wait3A_131 : memref<1x1x640xi32, #tpu.memory_space<hbm>> -> memref<640xi32, #tpu.memory_space<hbm>>
      %dma_wait3A_133 = arith.constant 0 : i32
      %dma_wait3A_134 = tpu.memref_slice %arg3[%add3A, %run_scoped3A_43, %dma_wait3A_133] : memref<32x5x640xi32, #tpu.memory_space<hbm>> -> memref<1x1x640xi32, #tpu.memory_space<hbm>>
      %dma_wait3A_135 = tpu.memref_squeeze %dma_wait3A_134 : memref<1x1x640xi32, #tpu.memory_space<hbm>> -> memref<640xi32, #tpu.memory_space<hbm>>
      tpu.wait_dma2 semaphore(%run_scoped3A_123 : memref<!tpu.dma_semaphore, #tpu.memory_space<semaphore_mem>>) src(%dma_wait3A_135 : memref<640xi32, #tpu.memory_space<hbm>>) dst(%arg6 : memref<640xi32, #tpu.memory_space<vmem>>)
      tpu.yield
    }) : () -> ()
    %dma_wait3A_44 = arith.constant 0 : i32
    %dma_wait3A_45 = arith.constant 0 : i32
    %dma_wait3A_46 = tpu.memref_slice %arg2[%dma_wait3A_44, %dma_wait3A_45] : memref<10000x32xf32, #tpu.memory_space<hbm>> -> memref<10000x32xf32, #tpu.memory_space<hbm>>
    tpu.wait_indirect_dma semaphore(%arg9 : memref<!tpu.dma_semaphore, #tpu.memory_space<semaphore_mem>>) src(%dma_wait3A_46 : memref<10000x32xf32, #tpu.memory_space<hbm>>) dst(%arg7 : memref<640x32xf32, #tpu.memory_space<vmem>>)
    %dma_wait3A_47 = arith.constant 1 : i32
    %dma_wait3A_48 = arith.constant 0 : i32
    %dma_wait3A_49 = arith.constant 0 : i32
    %dma_wait3A_50 = tpu.memref_slice %arg4[%add3A, %dma_wait3A_47, %dma_wait3A_48, %dma_wait3A_49] : memref<32x5x640x32xf32, #tpu.memory_space<hbm>> -> memref<1x1x640x32xf32, #tpu.memory_space<hbm>>
    %dma_wait3A_51 = tpu.memref_squeeze %dma_wait3A_50 : memref<1x1x640x32xf32, #tpu.memory_space<hbm>> -> memref<640x32xf32, #tpu.memory_space<hbm>>
    %dma_wait3A_52 = arith.constant 0 : i32
    %dma_wait3A_53 = arith.constant 0 : i32
    %dma_wait3A_54 = tpu.memref_slice %arg4[%add3A, %dma_wait3A_47, %dma_wait3A_52, %dma_wait3A_53] : memref<32x5x640x32xf32, #tpu.memory_space<hbm>> -> memref<1x1x640x32xf32, #tpu.memory_space<hbm>>
    %dma_wait3A_55 = tpu.memref_squeeze %dma_wait3A_54 : memref<1x1x640x32xf32, #tpu.memory_space<hbm>> -> memref<640x32xf32, #tpu.memory_space<hbm>>
    tpu.wait_dma2 semaphore(%arg12 : memref<!tpu.dma_semaphore, #tpu.memory_space<semaphore_mem>>) src(%arg8 : memref<640x32xf32, #tpu.memory_space<vmem>>) dst(%dma_wait3A_55 : memref<640x32xf32, #tpu.memory_space<hbm>>)
    %dma_start3A_56 = arith.constant 0 : i32
    %dma_start3A_57 = arith.constant 0 : i32
    %dma_start3A_58 = tpu.memref_slice %arg2[%dma_start3A_56, %dma_start3A_57] : memref<10000x32xf32, #tpu.memory_space<hbm>> -> memref<10000x32xf32, #tpu.memory_space<hbm>>
    tpu.enqueue_indirect_dma source(%dma_start3A_58 : memref<10000x32xf32, #tpu.memory_space<hbm>>) target(%arg8 : memref<640x32xf32, #tpu.memory_space<vmem>>) offsets(%arg6 : memref<640xi32, #tpu.memory_space<vmem>>) semaphore(%arg10 : memref<!tpu.dma_semaphore, #tpu.memory_space<semaphore_mem>>)
    %dma_start3A_59 = arith.constant 2 : i32
    %dma_start3A_60 = arith.constant 0 : i32
    %dma_start3A_61 = arith.constant 0 : i32
    %dma_start3A_62 = tpu.memref_slice %arg4[%add3A, %dma_start3A_59, %dma_start3A_60, %dma_start3A_61] : memref<32x5x640x32xf32, #tpu.memory_space<hbm>> -> memref<1x1x640x32xf32, #tpu.memory_space<hbm>>
    %dma_start3A_63 = tpu.memref_squeeze %dma_start3A_62 : memref<1x1x640x32xf32, #tpu.memory_space<hbm>> -> memref<640x32xf32, #tpu.memory_space<hbm>>
    %dma_start3A_64 = arith.constant 0 : i32
    %dma_start3A_65 = arith.constant 0 : i32
    %dma_start3A_66 = tpu.memref_slice %arg4[%add3A, %dma_start3A_59, %dma_start3A_64, %dma_start3A_65] : memref<32x5x640x32xf32, #tpu.memory_space<hbm>> -> memref<1x1x640x32xf32, #tpu.memory_space<hbm>>
    %dma_start3A_67 = tpu.memref_squeeze %dma_start3A_66 : memref<1x1x640x32xf32, #tpu.memory_space<hbm>> -> memref<640x32xf32, #tpu.memory_space<hbm>>
    tpu.enqueue_dma source(%arg7 : memref<640x32xf32, #tpu.memory_space<vmem>>) target(%dma_start3A_67 : memref<640x32xf32, #tpu.memory_space<hbm>>) target_semaphore(%arg11 : memref<!tpu.dma_semaphore, #tpu.memory_space<semaphore_mem>>)
    %run_scoped3A_68 = arith.constant 4 : i32
    "tpu.region"() ({
      %run_scoped3A_123 = tpu.sem_alloc : memref<!tpu.dma_semaphore, #tpu.memory_space<semaphore_mem>>
      %dma_start3A_124 = arith.constant 0 : i32
      %dma_start3A_125 = tpu.memref_slice %arg3[%add3A, %run_scoped3A_68, %dma_start3A_124] : memref<32x5x640xi32, #tpu.memory_space<hbm>> -> memref<1x1x640xi32, #tpu.memory_space<hbm>>
      %dma_start3A_126 = tpu.memref_squeeze %dma_start3A_125 : memref<1x1x640xi32, #tpu.memory_space<hbm>> -> memref<640xi32, #tpu.memory_space<hbm>>
      %dma_start3A_127 = arith.constant 0 : i32
      %dma_start3A_128 = tpu.memref_slice %arg3[%add3A, %run_scoped3A_68, %dma_start3A_127] : memref<32x5x640xi32, #tpu.memory_space<hbm>> -> memref<1x1x640xi32, #tpu.memory_space<hbm>>
      %dma_start3A_129 = tpu.memref_squeeze %dma_start3A_128 : memref<1x1x640xi32, #tpu.memory_space<hbm>> -> memref<640xi32, #tpu.memory_space<hbm>>
      tpu.enqueue_dma source(%dma_start3A_129 : memref<640xi32, #tpu.memory_space<hbm>>) target(%arg5 : memref<640xi32, #tpu.memory_space<vmem>>) target_semaphore(%run_scoped3A_123 : memref<!tpu.dma_semaphore, #tpu.memory_space<semaphore_mem>>)
      %dma_wait3A_130 = arith.constant 0 : i32
      %dma_wait3A_131 = tpu.memref_slice %arg3[%add3A, %run_scoped3A_68, %dma_wait3A_130] : memref<32x5x640xi32, #tpu.memory_space<hbm>> -> memref<1x1x640xi32, #tpu.memory_space<hbm>>
      %dma_wait3A_132 = tpu.memref_squeeze %dma_wait3A_131 : memref<1x1x640xi32, #tpu.memory_space<hbm>> -> memref<640xi32, #tpu.memory_space<hbm>>
      %dma_wait3A_133 = arith.constant 0 : i32
      %dma_wait3A_134 = tpu.memref_slice %arg3[%add3A, %run_scoped3A_68, %dma_wait3A_133] : memref<32x5x640xi32, #tpu.memory_space<hbm>> -> memref<1x1x640xi32, #tpu.memory_space<hbm>>
      %dma_wait3A_135 = tpu.memref_squeeze %dma_wait3A_134 : memref<1x1x640xi32, #tpu.memory_space<hbm>> -> memref<640xi32, #tpu.memory_space<hbm>>
      tpu.wait_dma2 semaphore(%run_scoped3A_123 : memref<!tpu.dma_semaphore, #tpu.memory_space<semaphore_mem>>) src(%dma_wait3A_135 : memref<640xi32, #tpu.memory_space<hbm>>) dst(%arg5 : memref<640xi32, #tpu.memory_space<vmem>>)
      tpu.yield
    }) : () -> ()
    %dma_wait3A_69 = arith.constant 0 : i32
    %dma_wait3A_70 = arith.constant 0 : i32
    %dma_wait3A_71 = tpu.memref_slice %arg2[%dma_wait3A_69, %dma_wait3A_70] : memref<10000x32xf32, #tpu.memory_space<hbm>> -> memref<10000x32xf32, #tpu.memory_space<hbm>>
    tpu.wait_indirect_dma semaphore(%arg10 : memref<!tpu.dma_semaphore, #tpu.memory_space<semaphore_mem>>) src(%dma_wait3A_71 : memref<10000x32xf32, #tpu.memory_space<hbm>>) dst(%arg8 : memref<640x32xf32, #tpu.memory_space<vmem>>)
    %dma_wait3A_72 = arith.constant 2 : i32
    %dma_wait3A_73 = arith.constant 0 : i32
    %dma_wait3A_74 = arith.constant 0 : i32
    %dma_wait3A_75 = tpu.memref_slice %arg4[%add3A, %dma_wait3A_72, %dma_wait3A_73, %dma_wait3A_74] : memref<32x5x640x32xf32, #tpu.memory_space<hbm>> -> memref<1x1x640x32xf32, #tpu.memory_space<hbm>>
    %dma_wait3A_76 = tpu.memref_squeeze %dma_wait3A_75 : memref<1x1x640x32xf32, #tpu.memory_space<hbm>> -> memref<640x32xf32, #tpu.memory_space<hbm>>
    %dma_wait3A_77 = arith.constant 0 : i32
    %dma_wait3A_78 = arith.constant 0 : i32
    %dma_wait3A_79 = tpu.memref_slice %arg4[%add3A, %dma_wait3A_72, %dma_wait3A_77, %dma_wait3A_78] : memref<32x5x640x32xf32, #tpu.memory_space<hbm>> -> memref<1x1x640x32xf32, #tpu.memory_space<hbm>>
    %dma_wait3A_80 = tpu.memref_squeeze %dma_wait3A_79 : memref<1x1x640x32xf32, #tpu.memory_space<hbm>> -> memref<640x32xf32, #tpu.memory_space<hbm>>
    tpu.wait_dma2 semaphore(%arg11 : memref<!tpu.dma_semaphore, #tpu.memory_space<semaphore_mem>>) src(%arg7 : memref<640x32xf32, #tpu.memory_space<vmem>>) dst(%dma_wait3A_80 : memref<640x32xf32, #tpu.memory_space<hbm>>)
    %dma_start3A_81 = arith.constant 0 : i32
    %dma_start3A_82 = arith.constant 0 : i32
    %dma_start3A_83 = tpu.memref_slice %arg2[%dma_start3A_81, %dma_start3A_82] : memref<10000x32xf32, #tpu.memory_space<hbm>> -> memref<10000x32xf32, #tpu.memory_space<hbm>>
    tpu.enqueue_indirect_dma source(%dma_start3A_83 : memref<10000x32xf32, #tpu.memory_space<hbm>>) target(%arg7 : memref<640x32xf32, #tpu.memory_space<vmem>>) offsets(%arg5 : memref<640xi32, #tpu.memory_space<vmem>>) semaphore(%arg9 : memref<!tpu.dma_semaphore, #tpu.memory_space<semaphore_mem>>)
    %dma_start3A_84 = arith.constant 3 : i32
    %dma_start3A_85 = arith.constant 0 : i32
    %dma_start3A_86 = arith.constant 0 : i32
    %dma_start3A_87 = tpu.memref_slice %arg4[%add3A, %dma_start3A_84, %dma_start3A_85, %dma_start3A_86] : memref<32x5x640x32xf32, #tpu.memory_space<hbm>> -> memref<1x1x640x32xf32, #tpu.memory_space<hbm>>
    %dma_start3A_88 = tpu.memref_squeeze %dma_start3A_87 : memref<1x1x640x32xf32, #tpu.memory_space<hbm>> -> memref<640x32xf32, #tpu.memory_space<hbm>>
    %dma_start3A_89 = arith.constant 0 : i32
    %dma_start3A_90 = arith.constant 0 : i32
    %dma_start3A_91 = tpu.memref_slice %arg4[%add3A, %dma_start3A_84, %dma_start3A_89, %dma_start3A_90] : memref<32x5x640x32xf32, #tpu.memory_space<hbm>> -> memref<1x1x640x32xf32, #tpu.memory_space<hbm>>
    %dma_start3A_92 = tpu.memref_squeeze %dma_start3A_91 : memref<1x1x640x32xf32, #tpu.memory_space<hbm>> -> memref<640x32xf32, #tpu.memory_space<hbm>>
    tpu.enqueue_dma source(%arg8 : memref<640x32xf32, #tpu.memory_space<vmem>>) target(%dma_start3A_92 : memref<640x32xf32, #tpu.memory_space<hbm>>) target_semaphore(%arg12 : memref<!tpu.dma_semaphore, #tpu.memory_space<semaphore_mem>>)
    %dma_wait3A_93 = arith.constant 0 : i32
    %dma_wait3A_94 = arith.constant 0 : i32
    %dma_wait3A_95 = tpu.memref_slice %arg2[%dma_wait3A_93, %dma_wait3A_94] : memref<10000x32xf32, #tpu.memory_space<hbm>> -> memref<10000x32xf32, #tpu.memory_space<hbm>>
    tpu.wait_indirect_dma semaphore(%arg9 : memref<!tpu.dma_semaphore, #tpu.memory_space<semaphore_mem>>) src(%dma_wait3A_95 : memref<10000x32xf32, #tpu.memory_space<hbm>>) dst(%arg7 : memref<640x32xf32, #tpu.memory_space<vmem>>)
    %dma_start3A_96 = arith.constant 4 : i32
    %dma_start3A_97 = arith.constant 0 : i32
    %dma_start3A_98 = arith.constant 0 : i32
    %dma_start3A_99 = tpu.memref_slice %arg4[%add3A, %dma_start3A_96, %dma_start3A_97, %dma_start3A_98] : memref<32x5x640x32xf32, #tpu.memory_space<hbm>> -> memref<1x1x640x32xf32, #tpu.memory_space<hbm>>
    %dma_start3A_100 = tpu.memref_squeeze %dma_start3A_99 : memref<1x1x640x32xf32, #tpu.memory_space<hbm>> -> memref<640x32xf32, #tpu.memory_space<hbm>>
    %dma_start3A_101 = arith.constant 0 : i32
    %dma_start3A_102 = arith.constant 0 : i32
    %dma_start3A_103 = tpu.memref_slice %arg4[%add3A, %dma_start3A_96, %dma_start3A_101, %dma_start3A_102] : memref<32x5x640x32xf32, #tpu.memory_space<hbm>> -> memref<1x1x640x32xf32, #tpu.memory_space<hbm>>
    %dma_start3A_104 = tpu.memref_squeeze %dma_start3A_103 : memref<1x1x640x32xf32, #tpu.memory_space<hbm>> -> memref<640x32xf32, #tpu.memory_space<hbm>>
    tpu.enqueue_dma source(%arg7 : memref<640x32xf32, #tpu.memory_space<vmem>>) target(%dma_start3A_104 : memref<640x32xf32, #tpu.memory_space<hbm>>) target_semaphore(%arg11 : memref<!tpu.dma_semaphore, #tpu.memory_space<semaphore_mem>>)
    %dma_wait3A_105 = arith.constant 4 : i32
    %dma_wait3A_106 = arith.constant 0 : i32
    %dma_wait3A_107 = arith.constant 0 : i32
    %dma_wait3A_108 = tpu.memref_slice %arg4[%add3A, %dma_wait3A_105, %dma_wait3A_106, %dma_wait3A_107] : memref<32x5x640x32xf32, #tpu.memory_space<hbm>> -> memref<1x1x640x32xf32, #tpu.memory_space<hbm>>
    %dma_wait3A_109 = tpu.memref_squeeze %dma_wait3A_108 : memref<1x1x640x32xf32, #tpu.memory_space<hbm>> -> memref<640x32xf32, #tpu.memory_space<hbm>>
    %dma_wait3A_110 = arith.constant 0 : i32
    %dma_wait3A_111 = arith.constant 0 : i32
    %dma_wait3A_112 = tpu.memref_slice %arg4[%add3A, %dma_wait3A_105, %dma_wait3A_110, %dma_wait3A_111] : memref<32x5x640x32xf32, #tpu.memory_space<hbm>> -> memref<1x1x640x32xf32, #tpu.memory_space<hbm>>
    %dma_wait3A_113 = tpu.memref_squeeze %dma_wait3A_112 : memref<1x1x640x32xf32, #tpu.memory_space<hbm>> -> memref<640x32xf32, #tpu.memory_space<hbm>>
    tpu.wait_dma2 semaphore(%arg11 : memref<!tpu.dma_semaphore, #tpu.memory_space<semaphore_mem>>) src(%arg7 : memref<640x32xf32, #tpu.memory_space<vmem>>) dst(%dma_wait3A_113 : memref<640x32xf32, #tpu.memory_space<hbm>>)
    %dma_wait3A_114 = arith.constant 3 : i32
    %dma_wait3A_115 = arith.constant 0 : i32
    %dma_wait3A_116 = arith.constant 0 : i32
    %dma_wait3A_117 = tpu.memref_slice %arg4[%add3A, %dma_wait3A_114, %dma_wait3A_115, %dma_wait3A_116] : memref<32x5x640x32xf32, #tpu.memory_space<hbm>> -> memref<1x1x640x32xf32, #tpu.memory_space<hbm>>
    %dma_wait3A_118 = tpu.memref_squeeze %dma_wait3A_117 : memref<1x1x640x32xf32, #tpu.memory_space<hbm>> -> memref<640x32xf32, #tpu.memory_space<hbm>>
    %dma_wait3A_119 = arith.constant 0 : i32
    %dma_wait3A_120 = arith.constant 0 : i32
    %dma_wait3A_121 = tpu.memref_slice %arg4[%add3A, %dma_wait3A_114, %dma_wait3A_119, %dma_wait3A_120] : memref<32x5x640x32xf32, #tpu.memory_space<hbm>> -> memref<1x1x640x32xf32, #tpu.memory_space<hbm>>
    %dma_wait3A_122 = tpu.memref_squeeze %dma_wait3A_121 : memref<1x1x640x32xf32, #tpu.memory_space<hbm>> -> memref<640x32xf32, #tpu.memory_space<hbm>>
    tpu.wait_dma2 semaphore(%arg12 : memref<!tpu.dma_semaphore, #tpu.memory_space<semaphore_mem>>) src(%arg8 : memref<640x32xf32, #tpu.memory_space<vmem>>) dst(%dma_wait3A_122 : memref<640x32xf32, #tpu.memory_space<hbm>>)
    return
  }
}

module attributes {stable_mosaic.version = 14 : i64} {
  func.func @_embed_body(%arg0: memref<10000x128xf32, #tpu.memory_space<vmem>>, %arg1: memref<128x32xf32, #tpu.memory_space<vmem>>, %arg2: memref<1x32xf32, #tpu.memory_space<vmem>>, %arg3: memref<10000x32xf32, #tpu.memory_space<vmem>>) attributes {dimension_semantics = [], scalar_prefetch = 0 : i64, scratch_operands = 0 : i64, tpu.core_type = #tpu.core_type<tc>} {
    %get3A = arith.constant 0 : index
    %get3A_0 = arith.constant 0 : index
    %get3A_1 = vector.load %arg0[%get3A, %get3A_0] : memref<10000x128xf32, #tpu.memory_space<vmem>>, vector<10000x128xf32>
    %get3A_2 = arith.constant 0 : index
    %get3A_3 = arith.constant 0 : index
    %get3A_4 = vector.load %arg1[%get3A_2, %get3A_3] : memref<128x32xf32, #tpu.memory_space<vmem>>, vector<128x32xf32>
    %dot_general3A = arith.constant dense<0.000000e+00> : vector<10000x32xf32>
    %dot_general3A_5 = tpu.matmul %get3A_1, %get3A_4, %dot_general3A {dimension_numbers = #tpu.dot_dimension_numbers<[1], [0], [0], [1], [0, 0, 1, 1], [], []>, transpose_lhs_hint = false} : vector<10000x128xf32>, vector<128x32xf32>, vector<10000x32xf32> -> vector<10000x32xf32>
    %get3A_6 = arith.constant 0 : index
    %get3A_7 = arith.constant 0 : index
    %get3A_8 = vector.load %arg2[%get3A_6, %get3A_7] : memref<1x32xf32, #tpu.memory_space<vmem>>, vector<1x32xf32>
    %add3A = vector.broadcast %get3A_8 : vector<1x32xf32> to vector<10000x32xf32>
    %add3A_9 = arith.addf %dot_general3A_5, %add3A : vector<10000x32xf32>
    %swap3A = arith.constant 0 : index
    %swap3A_10 = arith.constant 0 : index
    %swap3A_11 = vector.load %arg3[%swap3A, %swap3A_10] : memref<10000x32xf32, #tpu.memory_space<vmem>>, vector<10000x32xf32>
    tpu.vector_store %arg3[%swap3A, %swap3A_10], %add3A_9 {strides = array<i32>} : memref<10000x32xf32, #tpu.memory_space<vmem>>, vector<10000x32xf32>,
    return
  }
}

module attributes {stable_mosaic.version = 14 : i64} {
  func.func @_msg_body(%arg0: i32, %arg1: memref<2048x1xf32, #tpu.memory_space<vmem>>, %arg2: memref<2048x32xf32, #tpu.memory_space<vmem>>, %arg3: memref<1x32xf32, #tpu.memory_space<vmem>>, %arg4: memref<1x32xf32, #tpu.memory_space<vmem>>, %arg5: memref<32x1024xf32, #tpu.memory_space<vmem>>, %arg6: memref<1x1024xf32, #tpu.memory_space<vmem>>, %arg7: memref<32x1024xf32, #tpu.memory_space<vmem>>, %arg8: memref<2048x32xf32, #tpu.memory_space<vmem>>) attributes {dimension_semantics = [#tpu.dimension_semantics<arbitrary>], iteration_bounds = array<i64: 80>, scalar_prefetch = 0 : i64, scratch_operands = 0 : i64, tpu.core_type = #tpu.core_type<tc>, window_params = [{transform_indices = @transform_0, window_bounds = array<i64: 2048, 1>}, {transform_indices = @transform_1, window_bounds = array<i64: 2048, 32>}, {pipeline_mode = #tpu.pipeline_mode<synchronous>, transform_indices = @transform_2, window_bounds = array<i64: 1, 32>}, {pipeline_mode = #tpu.pipeline_mode<synchronous>, transform_indices = @transform_3, window_bounds = array<i64: 1, 32>}, {pipeline_mode = #tpu.pipeline_mode<synchronous>, transform_indices = @transform_4, window_bounds = array<i64: 32, 1024>}, {pipeline_mode = #tpu.pipeline_mode<synchronous>, transform_indices = @transform_5, window_bounds = array<i64: 1, 1024>}, {pipeline_mode = #tpu.pipeline_mode<synchronous>, transform_indices = @transform_6, window_bounds = array<i64: 32, 1024>}, {transform_indices = @transform_7, window_bounds = array<i64: 2048, 32>}]} {
    %get3A = arith.constant 0 : index
    %get3A_0 = arith.constant 0 : index
    %get3A_1 = vector.load %arg1[%get3A, %get3A_0] : memref<2048x1xf32, #tpu.memory_space<vmem>>, vector<2048x1xf32>
    %get3A_2 = arith.constant 0 : index
    %get3A_3 = arith.constant 0 : index
    %get3A_4 = vector.load %arg3[%get3A_2, %get3A_3] : memref<1x32xf32, #tpu.memory_space<vmem>>, vector<1x32xf32>
    %mul3A = vector.broadcast %get3A_1 : vector<2048x1xf32> to vector<2048x32xf32>
    %mul3A_5 = vector.broadcast %get3A_4 : vector<1x32xf32> to vector<2048x32xf32>
    %mul3A_6 = arith.mulf %mul3A, %mul3A_5 : vector<2048x32xf32>
    %get3A_7 = arith.constant 0 : index
    %get3A_8 = arith.constant 0 : index
    %get3A_9 = vector.load %arg4[%get3A_7, %get3A_8] : memref<1x32xf32, #tpu.memory_space<vmem>>, vector<1x32xf32>
    %add3A = vector.broadcast %get3A_9 : vector<1x32xf32> to vector<2048x32xf32>
    %add3A_10 = arith.addf %mul3A_6, %add3A : vector<2048x32xf32>
    %max3A = arith.constant 0.000000e+00 : f32
    %max3A_11 = vector.broadcast %max3A : f32 to vector<2048x32xf32>
    %max3A_12 = arith.maximumf %add3A_10, %max3A_11 : vector<2048x32xf32>
    %get3A_13 = arith.constant 0 : index
    %get3A_14 = arith.constant 0 : index
    %get3A_15 = vector.load %arg5[%get3A_13, %get3A_14] : memref<32x1024xf32, #tpu.memory_space<vmem>>, vector<32x1024xf32>
    %dot_general3A = arith.constant dense<0.000000e+00> : vector<2048x1024xf32>
    %dot_general3A_16 = tpu.matmul %max3A_12, %get3A_15, %dot_general3A {dimension_numbers = #tpu.dot_dimension_numbers<[1], [0], [0], [1], [0, 0, 1, 1], [], []>, transpose_lhs_hint = false} : vector<2048x32xf32>, vector<32x1024xf32>, vector<2048x1024xf32> -> vector<2048x1024xf32>
    %get3A_17 = arith.constant 0 : index
    %get3A_18 = arith.constant 0 : index
    %get3A_19 = vector.load %arg6[%get3A_17, %get3A_18] : memref<1x1024xf32, #tpu.memory_space<vmem>>, vector<1x1024xf32>
    %add3A_20 = vector.broadcast %get3A_19 : vector<1x1024xf32> to vector<2048x1024xf32>
    %add3A_21 = arith.addf %dot_general3A_16, %add3A_20 : vector<2048x1024xf32>
    %convert_element_type3A = arith.truncf %add3A_21 : vector<2048x1024xf32> to vector<2048x1024xbf16>
    %convert_element_type3A_22 = arith.extf %convert_element_type3A : vector<2048x1024xbf16> to vector<2048x1024xf32>
    %get3A_23 = arith.constant 0 : index
    %get3A_24 = arith.constant 0 : index
    %get3A_25 = vector.load %arg2[%get3A_23, %get3A_24] : memref<2048x32xf32, #tpu.memory_space<vmem>>, vector<2048x32xf32>
    %get3A_26 = arith.constant 0 : index
    %get3A_27 = arith.constant 0 : index
    %get3A_28 = vector.load %arg7[%get3A_26, %get3A_27] : memref<32x1024xf32, #tpu.memory_space<vmem>>, vector<32x1024xf32>
    %dot_general3A_29 = arith.constant dense<0.000000e+00> : vector<2048x1024xf32>
    %dot_general3A_30 = tpu.matmul %get3A_25, %get3A_28, %dot_general3A_29 {dimension_numbers = #tpu.dot_dimension_numbers<[1], [0], [0], [1], [0, 0, 1, 1], [], []>, transpose_lhs_hint = false} : vector<2048x32xf32>, vector<32x1024xf32>, vector<2048x1024xf32> -> vector<2048x1024xf32>
    %mul3A_31 = arith.mulf %dot_general3A_30, %convert_element_type3A_22 : vector<2048x1024xf32>
    %slice3A = vector.extract_strided_slice %mul3A_31 {offsets = [0, 0], sizes = [2048, 512], strides = [1, 1]} : vector<2048x1024xf32> to vector<2048x512xf32>
    %slice3A_32 = vector.extract_strided_slice %mul3A_31 {offsets = [0, 512], sizes = [2048, 512], strides = [1, 1]} : vector<2048x1024xf32> to vector<2048x512xf32>
    %add3A_33 = arith.addf %slice3A, %slice3A_32 : vector<2048x512xf32>
    %slice3A_34 = vector.extract_strided_slice %add3A_33 {offsets = [0, 0], sizes = [2048, 256], strides = [1, 1]} : vector<2048x512xf32> to vector<2048x256xf32>
    %slice3A_35 = vector.extract_strided_slice %add3A_33 {offsets = [0, 256], sizes = [2048, 256], strides = [1, 1]} : vector<2048x512xf32> to vector<2048x256xf32>
    %add3A_36 = arith.addf %slice3A_34, %slice3A_35 : vector<2048x256xf32>
    %slice3A_37 = vector.extract_strided_slice %add3A_36 {offsets = [0, 0], sizes = [2048, 128], strides = [1, 1]} : vector<2048x256xf32> to vector<2048x128xf32>
    %slice3A_38 = vector.extract_strided_slice %add3A_36 {offsets = [0, 128], sizes = [2048, 128], strides = [1, 1]} : vector<2048x256xf32> to vector<2048x128xf32>
    %add3A_39 = arith.addf %slice3A_37, %slice3A_38 : vector<2048x128xf32>
    %slice3A_40 = vector.extract_strided_slice %add3A_39 {offsets = [0, 0], sizes = [2048, 64], strides = [1, 1]} : vector<2048x128xf32> to vector<2048x64xf32>
    %slice3A_41 = vector.extract_strided_slice %add3A_39 {offsets = [0, 64], sizes = [2048, 64], strides = [1, 1]} : vector<2048x128xf32> to vector<2048x64xf32>
    %add3A_42 = arith.addf %slice3A_40, %slice3A_41 : vector<2048x64xf32>
    %slice3A_43 = vector.extract_strided_slice %add3A_42 {offsets = [0, 0], sizes = [2048, 32], strides = [1, 1]} : vector<2048x64xf32> to vector<2048x32xf32>
    %slice3A_44 = vector.extract_strided_slice %add3A_42 {offsets = [0, 32], sizes = [2048, 32], strides = [1, 1]} : vector<2048x64xf32> to vector<2048x32xf32>
    %add3A_45 = arith.addf %slice3A_43, %slice3A_44 : vector<2048x32xf32>
    %swap3A = arith.constant 0 : index
    %swap3A_46 = arith.constant 0 : index
    %swap3A_47 = vector.load %arg8[%swap3A, %swap3A_46] : memref<2048x32xf32, #tpu.memory_space<vmem>>, vector<2048x32xf32>
    tpu.vector_store %arg8[%swap3A, %swap3A_46], %add3A_45 {strides = array<i32>} : memref<2048x32xf32, #tpu.memory_space<vmem>>, vector<2048x32xf32>,
    return
  }
  func.func @transform_0(%arg0: i32) -> (i32, i32) {
    %c0_i32 = arith.constant 0 : i32
    %c0_i32_0 = arith.constant 0 : i32
    return %arg0, %c0_i32 : i32, i32
  }
  func.func @transform_1(%arg0: i32) -> (i32, i32) {
    %c0_i32 = arith.constant 0 : i32
    %c0_i32_0 = arith.constant 0 : i32
    return %arg0, %c0_i32 : i32, i32
  }
  func.func @transform_2(%arg0: i32) -> (i32, i32) {
    %c0_i32 = arith.constant 0 : i32
    %c0_i32_0 = arith.constant 0 : i32
    %c0_i32_1 = arith.constant 0 : i32
    return %c0_i32, %c0_i32_0 : i32, i32
  }
  func.func @transform_3(%arg0: i32) -> (i32, i32) {
    %c0_i32 = arith.constant 0 : i32
    %c0_i32_0 = arith.constant 0 : i32
    %c0_i32_1 = arith.constant 0 : i32
    return %c0_i32, %c0_i32_0 : i32, i32
  }
  func.func @transform_4(%arg0: i32) -> (i32, i32) {
    %c0_i32 = arith.constant 0 : i32
    %c0_i32_0 = arith.constant 0 : i32
    %c0_i32_1 = arith.constant 0 : i32
    return %c0_i32, %c0_i32_0 : i32, i32
  }
  func.func @transform_5(%arg0: i32) -> (i32, i32) {
    %c0_i32 = arith.constant 0 : i32
    %c0_i32_0 = arith.constant 0 : i32
    %c0_i32_1 = arith.constant 0 : i32
    return %c0_i32, %c0_i32_0 : i32, i32
  }
  func.func @transform_6(%arg0: i32) -> (i32, i32) {
    %c0_i32 = arith.constant 0 : i32
    %c0_i32_0 = arith.constant 0 : i32
    %c0_i32_1 = arith.constant 0 : i32
    return %c0_i32, %c0_i32_0 : i32, i32
  }
  func.func @transform_7(%arg0: i32) -> (i32, i32) {
    %c0_i32 = arith.constant 0 : i32
    %c0_i32_0 = arith.constant 0 : i32
    return %arg0, %c0_i32 : i32, i32
  }
}

module attributes {stable_mosaic.version = 14 : i64} {
  func.func @_update_body(%arg0: memref<10000x32xf32, #tpu.memory_space<vmem>>, %arg1: memref<2x10240x32xf32, #tpu.memory_space<vmem>>, %arg2: memref<32x32xf32, #tpu.memory_space<vmem>>, %arg3: memref<1x32xf32, #tpu.memory_space<vmem>>, %arg4: memref<1x32xf32, #tpu.memory_space<vmem>>, %arg5: memref<1x32xf32, #tpu.memory_space<vmem>>, %arg6: memref<10000x32xf32, #tpu.memory_space<vmem>>) attributes {dimension_semantics = [], scalar_prefetch = 0 : i64, scratch_operands = 0 : i64, tpu.core_type = #tpu.core_type<tc>} {
    %get3A = arith.constant 0 : index
    %get3A_0 = arith.constant 0 : index
    %get3A_1 = arith.constant 0 : index
    %get3A_2 = vector.load %arg1[%get3A, %get3A_0, %get3A_1] : memref<2x10240x32xf32, #tpu.memory_space<vmem>>, vector<1x10000x32xf32>
    %get3A_3 = vector.shape_cast %get3A_2 : vector<1x10000x32xf32> to vector<10000x32xf32>
    %get3A_4 = arith.constant 1 : index
    %get3A_5 = arith.constant 0 : index
    %get3A_6 = arith.constant 0 : index
    %get3A_7 = vector.load %arg1[%get3A_4, %get3A_5, %get3A_6] : memref<2x10240x32xf32, #tpu.memory_space<vmem>>, vector<1x10000x32xf32>
    %get3A_8 = vector.shape_cast %get3A_7 : vector<1x10000x32xf32> to vector<10000x32xf32>
    %add3A = arith.addf %get3A_3, %get3A_8 : vector<10000x32xf32>
    %get3A_9 = arith.constant 0 : index
    %get3A_10 = arith.constant 0 : index
    %get3A_11 = vector.load %arg0[%get3A_9, %get3A_10] : memref<10000x32xf32, #tpu.memory_space<vmem>>, vector<10000x32xf32>
    %get3A_12 = arith.constant 0 : index
    %get3A_13 = arith.constant 0 : index
    %get3A_14 = vector.load %arg2[%get3A_12, %get3A_13] : memref<32x32xf32, #tpu.memory_space<vmem>>, vector<32x32xf32>
    %dot_general3A = arith.constant dense<0.000000e+00> : vector<10000x32xf32>
    %dot_general3A_15 = tpu.matmul %get3A_11, %get3A_14, %dot_general3A {dimension_numbers = #tpu.dot_dimension_numbers<[1], [0], [0], [1], [0, 0, 1, 1], [], []>, transpose_lhs_hint = false} : vector<10000x32xf32>, vector<32x32xf32>, vector<10000x32xf32> -> vector<10000x32xf32>
    %add3A_16 = arith.addf %add3A, %dot_general3A_15 : vector<10000x32xf32>
    %get3A_17 = arith.constant 0 : index
    %get3A_18 = arith.constant 0 : index
    %get3A_19 = vector.load %arg3[%get3A_17, %get3A_18] : memref<1x32xf32, #tpu.memory_space<vmem>>, vector<1x32xf32>
    %add3A_20 = vector.broadcast %get3A_19 : vector<1x32xf32> to vector<10000x32xf32>
    %add3A_21 = arith.addf %add3A_16, %add3A_20 : vector<10000x32xf32>
    %reduce_sum3A = arith.constant dense<0.000000e+00> : vector<32xf32>
    %reduce_sum3A_22 = vector.multi_reduction <add>, %add3A_21, %reduce_sum3A [0] : vector<10000x32xf32> to vector<32xf32>
    %broadcast_in_dim3A = vector.shape_cast %reduce_sum3A_22 : vector<32xf32> to vector<1x32xf32>
    %div3A = arith.constant 1.000000e+04 : f32
    %div3A_23 = vector.broadcast %div3A : f32 to vector<1x32xf32>
    %div3A_24 = arith.divf %broadcast_in_dim3A, %div3A_23 : vector<1x32xf32>
    %sub3A = vector.broadcast %div3A_24 : vector<1x32xf32> to vector<10000x32xf32>
    %sub3A_25 = arith.subf %add3A_21, %sub3A : vector<10000x32xf32>
    %integer_pow3A = arith.mulf %sub3A_25, %sub3A_25 : vector<10000x32xf32>
    %reduce_sum3A_26 = arith.constant dense<0.000000e+00> : vector<32xf32>
    %reduce_sum3A_27 = vector.multi_reduction <add>, %integer_pow3A, %reduce_sum3A_26 [0] : vector<10000x32xf32> to vector<32xf32>
    %broadcast_in_dim3A_28 = vector.shape_cast %reduce_sum3A_27 : vector<32xf32> to vector<1x32xf32>
    %div3A_29 = arith.constant 1.000000e+04 : f32
    %div3A_30 = vector.broadcast %div3A_29 : f32 to vector<1x32xf32>
    %div3A_31 = arith.divf %broadcast_in_dim3A_28, %div3A_30 : vector<1x32xf32>
    %sub3A_32 = vector.broadcast %div3A_24 : vector<1x32xf32> to vector<10000x32xf32>
    %sub3A_33 = arith.subf %add3A_21, %sub3A_32 : vector<10000x32xf32>
    %add3A_34 = arith.constant 9.99999974E-6 : f32
    %add3A_35 = vector.broadcast %add3A_34 : f32 to vector<1x32xf32>
    %add3A_36 = arith.addf %div3A_31, %add3A_35 : vector<1x32xf32>
    %sqrt3A = math.sqrt %add3A_36 : vector<1x32xf32>
    %div3A_37 = vector.broadcast %sqrt3A : vector<1x32xf32> to vector<10000x32xf32>
    %div3A_38 = arith.divf %sub3A_33, %div3A_37 : vector<10000x32xf32>
    %get3A_39 = arith.constant 0 : index
    %get3A_40 = arith.constant 0 : index
    %get3A_41 = vector.load %arg4[%get3A_39, %get3A_40] : memref<1x32xf32, #tpu.memory_space<vmem>>, vector<1x32xf32>
    %mul3A = vector.broadcast %get3A_41 : vector<1x32xf32> to vector<10000x32xf32>
    %mul3A_42 = arith.mulf %div3A_38, %mul3A : vector<10000x32xf32>
    %get3A_43 = arith.constant 0 : index
    %get3A_44 = arith.constant 0 : index
    %get3A_45 = vector.load %arg5[%get3A_43, %get3A_44] : memref<1x32xf32, #tpu.memory_space<vmem>>, vector<1x32xf32>
    %add3A_46 = vector.broadcast %get3A_45 : vector<1x32xf32> to vector<10000x32xf32>
    %add3A_47 = arith.addf %mul3A_42, %add3A_46 : vector<10000x32xf32>
    %max3A = arith.constant 0.000000e+00 : f32
    %max3A_48 = vector.broadcast %max3A : f32 to vector<10000x32xf32>
    %max3A_49 = arith.maximumf %add3A_47, %max3A_48 : vector<10000x32xf32>
    %swap3A = arith.constant 0 : index
    %swap3A_50 = arith.constant 0 : index
    %swap3A_51 = vector.load %arg6[%swap3A, %swap3A_50] : memref<10000x32xf32, #tpu.memory_space<vmem>>, vector<10000x32xf32>
    tpu.vector_store %arg6[%swap3A, %swap3A_50], %max3A_49 {strides = array<i32>} : memref<10000x32xf32, #tpu.memory_space<vmem>>, vector<10000x32xf32>,
    return
  }
}

module attributes {stable_mosaic.version = 14 : i64} {
  func.func @_pair_body(%arg0: i32, %arg1: memref<2000x32xf32, #tpu.memory_space<vmem>>, %arg2: memref<2000x32xf32, #tpu.memory_space<vmem>>, %arg3: memref<2000x16xf32, #tpu.memory_space<vmem>>, %arg4: memref<80x64xf32, #tpu.memory_space<vmem>>, %arg5: memref<1x64xf32, #tpu.memory_space<vmem>>, %arg6: memref<64x32xf32, #tpu.memory_space<vmem>>, %arg7: memref<1x32xf32, #tpu.memory_space<vmem>>, %arg8: memref<32x1xf32, #tpu.memory_space<vmem>>, %arg9: memref<1x1xf32, #tpu.memory_space<vmem>>, %arg10: memref<2000x1xf32, #tpu.memory_space<vmem>>) attributes {dimension_semantics = [#tpu.dimension_semantics<arbitrary>], iteration_bounds = array<i64: 25>, scalar_prefetch = 0 : i64, scratch_operands = 0 : i64, tpu.core_type = #tpu.core_type<tc>, window_params = [{transform_indices = @transform_0, window_bounds = array<i64: 2000, 32>}, {transform_indices = @transform_1, window_bounds = array<i64: 2000, 32>}, {transform_indices = @transform_2, window_bounds = array<i64: 2000, 16>}, {pipeline_mode = #tpu.pipeline_mode<synchronous>, transform_indices = @transform_3, window_bounds = array<i64: 80, 64>}, {pipeline_mode = #tpu.pipeline_mode<synchronous>, transform_indices = @transform_4, window_bounds = array<i64: 1, 64>}, {pipeline_mode = #tpu.pipeline_mode<synchronous>, transform_indices = @transform_5, window_bounds = array<i64: 64, 32>}, {pipeline_mode = #tpu.pipeline_mode<synchronous>, transform_indices = @transform_6, window_bounds = array<i64: 1, 32>}, {pipeline_mode = #tpu.pipeline_mode<synchronous>, transform_indices = @transform_7, window_bounds = array<i64: 32, 1>}, {pipeline_mode = #tpu.pipeline_mode<synchronous>, transform_indices = @transform_8, window_bounds = array<i64: 1, 1>}, {transform_indices = @transform_9, window_bounds = array<i64: 2000, 1>}]} {
    %get3A = arith.constant 0 : index
    %get3A_0 = arith.constant 0 : index
    %get3A_1 = vector.load %arg1[%get3A, %get3A_0] : memref<2000x32xf32, #tpu.memory_space<vmem>>, vector<2000x32xf32>
    %get3A_2 = arith.constant 0 : index
    %get3A_3 = arith.constant 0 : index
    %get3A_4 = vector.load %arg2[%get3A_2, %get3A_3] : memref<2000x32xf32, #tpu.memory_space<vmem>>, vector<2000x32xf32>
    %get3A_5 = arith.constant 0 : index
    %get3A_6 = arith.constant 0 : index
    %get3A_7 = vector.load %arg3[%get3A_5, %get3A_6] : memref<2000x16xf32, #tpu.memory_space<vmem>>, vector<2000x16xf32>
    %concatenate3A = tpu.concatenate %get3A_1, %get3A_4, %get3A_7 in 1 : vector<2000x32xf32>, vector<2000x32xf32>, vector<2000x16xf32> -> vector<2000x80xf32>
    %get3A_8 = arith.constant 0 : index
    %get3A_9 = arith.constant 0 : index
    %get3A_10 = vector.load %arg4[%get3A_8, %get3A_9] : memref<80x64xf32, #tpu.memory_space<vmem>>, vector<80x64xf32>
    %dot_general3A = arith.constant dense<0.000000e+00> : vector<2000x64xf32>
    %dot_general3A_11 = tpu.matmul %concatenate3A, %get3A_10, %dot_general3A {dimension_numbers = #tpu.dot_dimension_numbers<[1], [0], [0], [1], [0, 0, 1, 1], [], []>, transpose_lhs_hint = false} : vector<2000x80xf32>, vector<80x64xf32>, vector<2000x64xf32> -> vector<2000x64xf32>
    %get3A_12 = arith.constant 0 : index
    %get3A_13 = arith.constant 0 : index
    %get3A_14 = vector.load %arg5[%get3A_12, %get3A_13] : memref<1x64xf32, #tpu.memory_space<vmem>>, vector<1x64xf32>
    %add3A = vector.broadcast %get3A_14 : vector<1x64xf32> to vector<2000x64xf32>
    %add3A_15 = arith.addf %dot_general3A_11, %add3A : vector<2000x64xf32>
    %max3A = arith.constant 0.000000e+00 : f32
    %max3A_16 = vector.broadcast %max3A : f32 to vector<2000x64xf32>
    %max3A_17 = arith.maximumf %add3A_15, %max3A_16 : vector<2000x64xf32>
    %get3A_18 = arith.constant 0 : index
    %get3A_19 = arith.constant 0 : index
    %get3A_20 = vector.load %arg6[%get3A_18, %get3A_19] : memref<64x32xf32, #tpu.memory_space<vmem>>, vector<64x32xf32>
    %dot_general3A_21 = arith.constant dense<0.000000e+00> : vector<2000x32xf32>
    %dot_general3A_22 = tpu.matmul %max3A_17, %get3A_20, %dot_general3A_21 {dimension_numbers = #tpu.dot_dimension_numbers<[1], [0], [0], [1], [0, 0, 1, 1], [], []>, transpose_lhs_hint = false} : vector<2000x64xf32>, vector<64x32xf32>, vector<2000x32xf32> -> vector<2000x32xf32>
    %get3A_23 = arith.constant 0 : index
    %get3A_24 = arith.constant 0 : index
    %get3A_25 = vector.load %arg7[%get3A_23, %get3A_24] : memref<1x32xf32, #tpu.memory_space<vmem>>, vector<1x32xf32>
    %add3A_26 = vector.broadcast %get3A_25 : vector<1x32xf32> to vector<2000x32xf32>
    %add3A_27 = arith.addf %dot_general3A_22, %add3A_26 : vector<2000x32xf32>
    %max3A_28 = arith.constant 0.000000e+00 : f32
    %max3A_29 = vector.broadcast %max3A_28 : f32 to vector<2000x32xf32>
    %max3A_30 = arith.maximumf %add3A_27, %max3A_29 : vector<2000x32xf32>
    %get3A_31 = arith.constant 0 : index
    %get3A_32 = arith.constant 0 : index
    %get3A_33 = vector.load %arg8[%get3A_31, %get3A_32] : memref<32x1xf32, #tpu.memory_space<vmem>>, vector<32x1xf32>
    %dot_general3A_34 = arith.constant dense<0.000000e+00> : vector<2000x1xf32>
    %dot_general3A_35 = tpu.matmul %max3A_30, %get3A_33, %dot_general3A_34 {dimension_numbers = #tpu.dot_dimension_numbers<[1], [0], [0], [1], [0, 0, 1, 1], [], []>, transpose_lhs_hint = false} : vector<2000x32xf32>, vector<32x1xf32>, vector<2000x1xf32> -> vector<2000x1xf32>
    %get3A_36 = arith.constant 0 : index
    %get3A_37 = arith.constant 0 : index
    %get3A_38 = vector.load %arg9[%get3A_36, %get3A_37] : memref<1x1xf32, #tpu.memory_space<vmem>>, vector<1x1xf32>
    %add3A_39 = vector.broadcast %get3A_38 : vector<1x1xf32> to vector<2000x1xf32>
    %add3A_40 = arith.addf %dot_general3A_35, %add3A_39 : vector<2000x1xf32>
    %swap3A = arith.constant 0 : index
    %swap3A_41 = arith.constant 0 : index
    %swap3A_42 = vector.load %arg10[%swap3A, %swap3A_41] : memref<2000x1xf32, #tpu.memory_space<vmem>>, vector<2000x1xf32>
    tpu.vector_store %arg10[%swap3A, %swap3A_41], %add3A_40 {strides = array<i32>} : memref<2000x1xf32, #tpu.memory_space<vmem>>, vector<2000x1xf32>,
    return
  }
  func.func @transform_0(%arg0: i32) -> (i32, i32) {
    %c0_i32 = arith.constant 0 : i32
    %c0_i32_0 = arith.constant 0 : i32
    return %arg0, %c0_i32 : i32, i32
  }
  func.func @transform_1(%arg0: i32) -> (i32, i32) {
    %c0_i32 = arith.constant 0 : i32
    %c0_i32_0 = arith.constant 0 : i32
    return %arg0, %c0_i32 : i32, i32
  }
  func.func @transform_2(%arg0: i32) -> (i32, i32) {
    %c0_i32 = arith.constant 0 : i32
    %c0_i32_0 = arith.constant 0 : i32
    return %arg0, %c0_i32 : i32, i32
  }
  func.func @transform_3(%arg0: i32) -> (i32, i32) {
    %c0_i32 = arith.constant 0 : i32
    %c0_i32_0 = arith.constant 0 : i32
    %c0_i32_1 = arith.constant 0 : i32
    return %c0_i32, %c0_i32_0 : i32, i32
  }
  func.func @transform_4(%arg0: i32) -> (i32, i32) {
    %c0_i32 = arith.constant 0 : i32
    %c0_i32_0 = arith.constant 0 : i32
    %c0_i32_1 = arith.constant 0 : i32
    return %c0_i32, %c0_i32_0 : i32, i32
  }
  func.func @transform_5(%arg0: i32) -> (i32, i32) {
    %c0_i32 = arith.constant 0 : i32
    %c0_i32_0 = arith.constant 0 : i32
    %c0_i32_1 = arith.constant 0 : i32
    return %c0_i32, %c0_i32_0 : i32, i32
  }
  func.func @transform_6(%arg0: i32) -> (i32, i32) {
    %c0_i32 = arith.constant 0 : i32
    %c0_i32_0 = arith.constant 0 : i32
    %c0_i32_1 = arith.constant 0 : i32
    return %c0_i32, %c0_i32_0 : i32, i32
  }
  func.func @transform_7(%arg0: i32) -> (i32, i32) {
    %c0_i32 = arith.constant 0 : i32
    %c0_i32_0 = arith.constant 0 : i32
    %c0_i32_1 = arith.constant 0 : i32
    return %c0_i32, %c0_i32_0 : i32, i32
  }
  func.func @transform_8(%arg0: i32) -> (i32, i32) {
    %c0_i32 = arith.constant 0 : i32
    %c0_i32_0 = arith.constant 0 : i32
    %c0_i32_1 = arith.constant 0 : i32
    return %c0_i32, %c0_i32_0 : i32, i32
  }
  func.func @transform_9(%arg0: i32) -> (i32, i32) {
    %c0_i32 = arith.constant 0 : i32
    %c0_i32_0 = arith.constant 0 : i32
    return %arg0, %c0_i32 : i32, i32
  }
}

</mosaic_0001>

<sc_bundles>
// kernel: kernel.17.cloned.1.call-start
scs
__scs_entry_jumppad:
0x0: {  	(pc) =	sbr.rel $0x88, $3  }
0x1: {  	(tag) =	ssettag $0x0;
	lr =	simm.s32 $0x1  }
0x2: {  	[smem:$0x3F8C] =	sst lr;
	_ =	strace $0xD0000000  }
0x3: {  	_ = 	snop  }
0x4: {  	_ = 	snop  }
0x5: {  	_ = 	snop  }
0x6: {  	_ = 	snop  }
0x7: {  	_ = 	snop  }
__scs_overlays_trampoline_lowered:
0x8: {  	[smem:$0x3F9B] =	sst s0  }
0x9: {  	[smem:$0x3F9C] =	sst s1  }
0xa: {  	[smem:$0x3F9D] =	sst s2  }
0xb: {  	[smem:$0x3F9E] =	sst s3  }
0xc: {  	[smem:$0x3F9F] =	sst s4  }
0xd: {  	[smem:$0x3FA0] =	sst s5  }
0xe: {  	[smem:$0x3FA1] =	sst s6  }
0xf: {  	[smem:$0x3FA2] =	sst s7  }
0x10: {  	[smem:$0x3FA3] =	sst s8  }
0x11: {  	[smem:$0x3FA4] =	sst s9;
	s0 =	simm.s32 @!p0 $0x0  }
0x12: {  	s1 =	sld [smem:$0x3F8A];
	s0 =	simm.s32 @p0 $0x1  }
0x13: {  	[smem:$0x3FA5] =	sst s0;
	s0 =	simm.s32 @!p1 $0x0  }
0x14: {  	s2 =	sld [smem:$0x3F89];
	s0 =	simm.s32 @p1 $0x1  }
0x15: {  	[smem:$0x3FA6] =	sst s0;
	s0 =	simm.s32 @!p2 $0x0  }
0x16: {  	s3 =	sld [smem:$0x3FDB];
	s0 =	simm.s32 @p2 $0x1  }
0x17: {  	s4 =	simm.s32 $0x1BF5;
	[smem:$0x3FA8] =	sst s0  }
0x18: {  	s0 =	sld [smem:$0x3F8B];
	_ =	swait.ge [sflag:s4], $0x0  }
0x19: {  	s7 =	sld [smem:$0x3F8C]  }
0x1a: {  	s8 =	sadd.s32 $0xFFFFE003, lr  }
0x1b: {  	s9 =	sadd.s32 $0xFFFFFEF7, lr;
	s5 =	simm.s32 $0xFFFFFFFF;
	p2 =	slt.u32 s8, $0xFFFFF086  }
0x1c: {  	p1 =	slt.u32 s9, $0xF7A;
	s5 =	simm.s32 @!p2 $0x0  }
0x1d: {  	s5 =	simm.s32 @p1 $0x1;
	p0 =	seq.s32 s7, s2  }
0x1e: {  	s7 =	smul.u32 @!p0 $0xF7A, s2;
	p2 =	seq.s32 @!p0 s5, $0x0  }
0x1f: {  	s9 =	smul.u32 $0xF7A, s1;
	s8 =	simm.s32 @!p0 $0x1BF5;
	p2 =	por !p2, p0  }
0x20: {  	[sflag:s8] =	ssyncset.s32 @!p0 $0xFFFFF086;
	s6 =	sadd.s32 @!p0 s3, s7;
	s7 =	simm.s32 @!p0 $0x108  }
0x21: {  	s3 =	sadd.s32 s3, s9;
	s6 =	sadd.s32 @!p0 $0x88, s6;
	s7 =	simm.s32 @p2 $0x1082  }
0x22: {  	[simem:s7], [sflag:s8] =	dma.local @!p0 [hbm:s6], $0xF7A  }
0x23: {  	s9 =	sor.u32 $0xD0000000, s2;
	s6 =	simm.s32 $0x108;
	_ =	swait.ge @!p0 [sflag:s8], $0x0  }
0x24: {  	s3 =	sadd.s32 $0x88, s3;
	s6 =	simm.s32 @!p1 $0x1082;
	[sflag:s4] =	ssyncset.s32 $0xFFFFF086  }
0x25: {  	[simem:s6], [sflag:s4] =	dma.local [hbm:s3], $0xF7A  }
0x26: {  	[smem:$0x3F8C] =	sst s1;
	(tag) =	ssettag s2;
	_ =	strace s9  }
0x27: {  	s1 =	sld [smem:$0x3F9C]  }
0x28: {  	s2 =	sld [smem:$0x3F9D]  }
0x29: {  	s4 =	sld [smem:$0x3F9F]  }
0x2a: {  	p0 =	seq.s32 s5, $0x0;
	s5 =	sld [smem:$0x3FA0]  }
0x2b: {  	s6 =	sld [smem:$0x3FA1]  }
0x2c: {  	s7 =	sld [smem:$0x3FA2]  }
0x2d: {  	s3 =	simm.s32 $0x108;
	s8 =	sld [smem:$0x3FA3]  }
0x2e: {  	s3 =	simm.s32 @!p0 $0x1082;
	s9 =	sld [smem:$0x3FA4]  }
0x2f: {  	lr =	sadd.s32 s0, s3;
	s0 =	sld [smem:$0x3F9B]  }
0x30: {  	s3 =	sld [smem:$0x3F9E]  }
0x31: {  	[smem:$0x3FA7] =	sst s10  }
0x32: {  	s10 =	sld [smem:$0x3FA5];
	_ =	sdelay $0x3  }
0x33: {  	p0 =	seq.s32 s10, $0x1;
	s10 =	sld [smem:$0x3FA7];
	_ =	sdelay $0x3  }
0x34: {  	[smem:$0x3FA7] =	sst s10  }
0x35: {  	s10 =	sld [smem:$0x3FA6];
	_ =	sdelay $0x3  }
0x36: {  	p1 =	seq.s32 s10, $0x1;
	s10 =	sld [smem:$0x3FA7];
	_ =	sdelay $0x3  }
0x37: {  	[smem:$0x3FA7] =	sst s10  }
0x38: {  	s10 =	sld [smem:$0x3FA8]  }
0x39: {  	_ = 	snop;
	(pc) =	sbr.ind lr, $3  }
0x3a: {  	_ = 	snop  }
0x3b: {  	_ = 	snop  }
0x3c: {  	p2 =	seq.s32 s10, $0x1;
	s10 =	sld [smem:$0x3FA7]  }
0x3d: {  	_ =	shalt  }
0x3e: {  	_ =	shalt  }
0x3f: {  	_ =	shalt  }
0x40: {  	_ =	shalt  }
0x41: {  	_ =	shalt  }
0x42: {  	_ =	shalt  }
0x43: {  	_ =	shalt  }
0x44: {  	_ =	shalt  }
0x45: {  	_ =	shalt  }
0x46: {  	_ =	shalt  }
0x47: {  	_ =	shalt  }
0x48: {  	_ =	shalt  }
0x49: {  	_ =	shalt  }
0x4a: {  	_ =	shalt  }
0x4b: {  	_ =	shalt  }
0x4c: {  	_ =	shalt  }
0x4d: {  	_ =	shalt  }
0x4e: {  	_ =	shalt  }
0x4f: {  	_ =	shalt  }
0x50: {  	_ =	shalt  }
0x51: {  	_ =	shalt  }
0x52: {  	_ =	shalt  }
0x53: {  	_ =	shalt  }
0x54: {  	_ =	shalt  }
0x55: {  	_ =	shalt  }
0x56: {  	_ =	shalt  }
0x57: {  	_ =	shalt  }
0x58: {  	_ =	shalt  }
0x59: {  	_ =	shalt  }
0x5a: {  	_ =	shalt  }
0x5b: {  	_ =	shalt  }
0x5c: {  	_ =	shalt  }
0x5d: {  	_ =	shalt  }
0x5e: {  	_ =	shalt  }
0x5f: {  	_ =	shalt  }
0x60: {  	_ =	shalt  }
0x61: {  	_ =	shalt  }
0x62: {  	_ =	shalt  }
0x63: {  	_ =	shalt  }
0x64: {  	_ =	shalt  }
0x65: {  	_ =	shalt  }
0x66: {  	_ =	shalt  }
0x67: {  	_ =	shalt  }
0x68: {  	_ =	shalt  }
0x69: {  	_ =	shalt  }
0x6a: {  	_ =	shalt  }
0x6b: {  	_ =	shalt  }
0x6c: {  	_ =	shalt  }
0x6d: {  	_ =	shalt  }
0x6e: {  	_ =	shalt  }
0x6f: {  	_ =	shalt  }
0x70: {  	_ =	shalt  }
0x71: {  	_ =	shalt  }
0x72: {  	_ =	shalt  }
0x73: {  	_ =	shalt  }
0x74: {  	_ =	shalt  }
0x75: {  	_ =	shalt  }
0x76: {  	_ =	shalt  }
0x77: {  	_ =	shalt  }
0x78: {  	_ =	shalt  }
0x79: {  	_ =	shalt  }
0x7a: {  	_ =	shalt  }
0x7b: {  	_ =	shalt  }
0x7c: {  	_ =	shalt  }
0x7d: {  	_ =	shalt  }
0x7e: {  	_ =	shalt  }
0x7f: {  	_ =	shalt  }
0x80: {  	_ =	shalt  }
0x81: {  	_ =	shalt  }
0x82: {  	_ =	shalt  }
0x83: {  	_ =	shalt  }
0x84: {  	_ =	shalt  }
0x85: {  	_ =	shalt  }
0x86: {  	_ =	shalt  }
0x87: {  	_ =	shalt  }
.Lfunc_end0:
.L_simem_size_0:
called_computation_lowered:
.L_overlay_start_0:
0x88: {  	s2 =	sld [smem:$0x3FD9]  }
0x89: {  	s3 =	sld [smem:$0x3FFE];
	_ =	sdelay $0x1  }
0x8a: {  	s1 =	srdreg.scid  }
0x8b: {  	s0 =	sand.u32 $0x1, s1  }
0x8c: {  	s16 =	sshll.u32 s0, $0xA;
	s2 =	sadd.s32 s3, s2  }
0x8d: {  	s2 =	sadd.s32 s2, s16  }
0x8e: {  	[smem:$0x3FB3] =	sst s2  }
0x8f: {  	_ = 	snop  }
0x90: {  	(tm) =	ssettm $0x1  }
0x91: {  	s17 =	sld [smem:$0x3FFB];
	_ =	sdelay $0x3  }
0x92: {  	_ =	strace s17  }
0x93: {  	s2 =	sld [smem:$0x3FFC];
	_ =	sdelay $0x3  }
0x94: {  	_ =	strace s2  }
0x95: {  	s2 =	sld [smem:$0x3FFD];
	_ =	sdelay $0x3  }
0x96: {  	_ =	strace s2  }
0x97: {  	_ =	strace $0x8FFFFFFF  }
0x98: {  	s18 =	sld [smem:$0x3FDB];
	_ =	sdelay $0x1  }
0x99: {  	s19 =	simm.s32 $_scs_section_size  }
0x9a: {  	s4 =	simm.s32 $_size__tile_overlayer_lowered;
	s5 =	simm.s32 $_tile_overlayer_lowered  }
0x9b: {  	s22 =	simm.s32 $0x1BFF;
	s21 =	sshll.u32 s5, $0x1;
	s2 =	sadd.s32 s19, s18  }
0x9c: {  	s6 =	simm.s32 $0x0;
	s20 =	sshll.u32 s4, $0x1;
	s4 =	sadd.s32 s21, s2  }
0x9d: {  	[timem:s6], [sflag:s22] =	dma.local [hbm:s4], s20  }
0x9e: {  	_ =	swait.ge [sflag:s22], s20  }
0x9f: {  	s3 =	ssub.s32 $0x0, s20;
	[sflag:s22] =	ssyncset.done $0x0  }
0xa0: {  	[sflag:s22] =	ssyncadd.s32 s3;
	_ =	sdelay $0x1  }
0xa1: {  	s23 =	simm.s32 $0x1B8B  }
0xa2: {  	_ =	swait.ge [sflag:s23], $0x1  }
0xa3: {  	[sflag:s23] =	ssyncset.done $0x0  }
0xa4: {  	s25 =	simm.s32 $0x1B8E;
	s24 =	sld [smem:$0x3FFE];
	[sflag:s23] =	ssyncadd.s32 $0xFFFFFFFF  }
0xa5: {  	s26 =	simm.s32 $execute0_lowered;
	[smem:$0x3FD2] =	sst s25  }
0xa6: {  	s4 =	sshll.u32 s26, $0x1;
	_ =	strace $0x80000046;
	[dreg:$0x1] =	wrdreg $0xFFFFFFFF  }
0xa7: {  	s28 =	simm.s32 $_size_execute0_lowered;
	s2 =	sadd.s32 s2, s4;
	[dreg:$0x0] =	wrdreg $0x0  }
0xa8: {  	s4 =	sshll.u32 s28, $0x1;
	[dreg:$0x2] =	wrdreg s2  }
0xa9: {  	[dreg:$0x3] =	wrdreg s4  }
0xaa: {  	[dreg:$0x4] =	wrdreg $0xC0  }
0xab: {  	_ =	task [dreg:s6], $0x5FFFF  }
0xac: {  	[dreg:$0x1] =	wrdreg $0xFFFFFFFF  }
0xad: {  	[dreg:$0x0] =	wrdreg $0x60  }
0xae: {  	[dreg:$0x2] =	wrdreg s24  }
0xaf: {  	[dreg:$0x3] =	wrdreg $0x9  }
0xb0: {  	_ =	task.clear_ibuf [dreg:s6], $0x4FFFF;
	_ =	strace $0x90000046  }
0xb1: {  	s29 =	simm.s32 $0x9;
	_ =	strace $0x80000048  }
0xb2: {  	_ =	swait.ge [sflag:s29], $0x1  }
0xb3: {  	[sflag:s29] =	ssyncadd.s32 $0xFFFFFFFF  }
0xb4: {  	_ =	strace $0x90000048  }
0xb5: {  	_ =	sfence  }
0xb6: {  	s30 =	sld [smem:$0x0];
	_ =	sdelay $0x2  }
0xb7: {  	s31 =	sshll.u32 s1, $0xD;
	s1 =	sshrl.u32 s1, $0x2  }
0xb8: {  	s3 =	sand.u32 $0x4000, s31;
	s1 =	sadd.s32 s1, s30  }
0xb9: {  	s0 =	sor.u32 s3, s0;
	s1 =	sshll.u32 s1, $0x11  }
0xba: {  	s0 =	sor.u32 s1, s0  }
0xbb: {  	s0 =	sadd.s32 $0x8F2B, s0  }
0xbc: {  	[sflag:s0] =	ssyncadd.remote.s32 $0x1  }
0xbd: {  	_ =	sfence.sel $0xFFFF  }
0xbe: {  	[dreg:$0x0] =	wrdreg $0xFFFFFFFF;
	(pc) =	sbr.abs _section_cstart, $3  }
0xbf: {  	[dreg:$0x1] =	wrdreg $0xFFFFFFFF  }
0xc0: {  	_ =	task.clear_ibuf [dreg:s6], $0x2FFFF;
	_ =	strace $0x9FFFFFFF  }
0xc1: {  	(tm) =	ssettm $0x7FFFFFFF  }
tec
execute0_lowered:
.L_overlay_start_1:
0x0: {  	(tag) =	ssettag $0x1  }
0x1: {  	s1 =	srdreg.scid;
	s0 =	stileid.u32  }
0x2: {  	s21 =	sand.u32 $0x1, s1;
	s30 =	sshll.u32 s0, $0x1  }
0x3: {  	s9 =	sor.u32 s21, s30  }
0x4: {  	s3 =	smul.u32 $0x1400, s9;
	_ =	sdelay $0x1  }
0x5: {  	s10 =	rddreg [dreg:$0x0];
	s2 =	simm.s32 $0x0;
	s3 =	sshrl.u32 s3, $0x3  }
0x6: {  	s4 =	simm.s32 $0x5;
	[smem:$0x7FF] =	sst s2;
	s19 =	sadd.s32 s3, s10  }
0x7: {  	s1 =	rddreg [dreg:$0x1];
	_ =	strace $0x80000047;
	s3 =	sadd.s32 $0x36200, s19  }
0x8: {  	[tilespmem:s2], [sflag:$0x5] =	stream.linear.gather [hbm4b:s3+s2], $0x400, $0x38;
	[tilespmem:$0x10800] =	vst v63  }
0x9: {  	_ =	swait.ge [sflag:s4], $0x400  }
0xa: {  	s6 =	simm.s32 $0x400;
	[sflag:s4] =	ssyncset.done $0x0  }
0xb: {  	s7 =	simm.s32 $0x800;
	s5 =	sadd.s32 $0x2C400, s10;
	[sflag:s4] =	ssyncadd.s32 $0xFFFFFC00  }
0xc: {  	[tilespmem:s7], [sflag:$0x1] =	stream.indirect.gather [hbm4b:s5+s6], $0x20, s2, s6, $0xb8;
	[tilespmem:$0x10800] =	vst v63  }
0xd: {  	s8 =	sadd.s32 $0x36280, s19  }
0xe: {  	[tilespmem:s6], [sflag:$0x5] =	stream.linear.gather [hbm4b:s8+s2], $0x400, $0x38;
	[tilespmem:$0x10800] =	vst v63  }
0xf: {  	_ =	swait.ge [sflag:s4], $0x400  }
0x10: {  	[sflag:s4] =	ssyncset.done $0x0  }
0x11: {  	s11 =	smul.u32 $0x28000, s9;
	s9 =	simm.s32 $0x1;
	[sflag:s4] =	ssyncadd.s32 $0xFFFFFC00  }
0x12: {  	_ =	swait.ge [sflag:s9], $0x8000  }
0x13: {  	s11 =	sshrl.u32 s11, $0x3;
	[sflag:s9] =	ssyncset.done $0x0  }
0x14: {  	s22 =	sadd.s32 s11, s10;
	s10 =	simm.s32 $0x8800;
	[sflag:s9] =	ssyncadd.s32 $0xFFFF8000  }
0x15: {  	[tilespmem:s10], [sflag:$0x2] =	stream.indirect.gather [hbm4b:s5+s6], $0x20, s6, s6, $0xb8;
	[tilespmem:$0x10800] =	vst v63  }
0x16: {  	s11 =	sadd.s32 $0x3B200, s22  }
0x17: {  	[hbm4b:s11+s2] =	stream.linear.scatter [tilespmem:s7], [sflag:$0x3], $0x8000, $0x38;
	[tilespmem:$0x10800] =	vst v63  }
0x18: {  	s12 =	sadd.s32 $0x36300, s19  }
0x19: {  	[tilespmem:s2], [sflag:$0x5] =	stream.linear.gather [hbm4b:s12+s2], $0x400, $0x38;
	[tilespmem:$0x10800] =	vst v63  }
0x1a: {  	_ =	swait.ge [sflag:s4], $0x400  }
0x1b: {  	[sflag:s4] =	ssyncset.done $0x0  }
0x1c: {  	s13 =	simm.s32 $0x2;
	[sflag:s4] =	ssyncadd.s32 $0xFFFFFC00  }
0x1d: {  	_ =	swait.ge [sflag:s13], $0x8000  }
0x1e: {  	[sflag:s13] =	ssyncset.done $0x0  }
0x1f: {  	s14 =	simm.s32 $0x3;
	[sflag:s13] =	ssyncadd.s32 $0xFFFF8000  }
0x20: {  	_ =	swait.ge [sflag:s14], $0x8000  }
0x21: {  	[sflag:s14] =	ssyncset.done $0x0  }
0x22: {  	[sflag:s14] =	ssyncadd.s32 $0xFFFF8000  }
0x23: {  	[tilespmem:s7], [sflag:$0x1] =	stream.indirect.gather [hbm4b:s5+s6], $0x20, s2, s6, $0xb8;
	[tilespmem:$0x10800] =	vst v63  }
0x24: {  	s15 =	sadd.s32 $0x3C200, s22  }
0x25: {  	[hbm4b:s15+s2] =	stream.linear.scatter [tilespmem:s10], [sflag:$0x4], $0x8000, $0x38;
	[tilespmem:$0x10800] =	vst v63  }
0x26: {  	s16 =	sadd.s32 $0x36380, s19  }
0x27: {  	[tilespmem:s6], [sflag:$0x5] =	stream.linear.gather [hbm4b:s16+s2], $0x400, $0x38;
	[tilespmem:$0x10800] =	vst v63  }
0x28: {  	_ =	swait.ge [sflag:s4], $0x400  }
0x29: {  	[sflag:s4] =	ssyncset.done $0x0  }
0x2a: {  	[sflag:s4] =	ssyncadd.s32 $0xFFFFFC00  }
0x2b: {  	_ =	swait.ge [sflag:s9], $0x8000  }
0x2c: {  	[sflag:s9] =	ssyncset.done $0x0  }
0x2d: {  	s17 =	simm.s32 $0x4;
	[sflag:s9] =	ssyncadd.s32 $0xFFFF8000  }
0x2e: {  	_ =	swait.ge [sflag:s17], $0x8000  }
0x2f: {  	[sflag:s17] =	ssyncset.done $0x0  }
0x30: {  	[sflag:s17] =	ssyncadd.s32 $0xFFFF8000  }
0x31: {  	[tilespmem:s10], [sflag:$0x2] =	stream.indirect.gather [hbm4b:s5+s6], $0x20, s6, s6, $0xb8;
	[tilespmem:$0x10800] =	vst v63  }
0x32: {  	s18 =	sadd.s32 $0x3D200, s22  }
0x33: {  	[hbm4b:s18+s2] =	stream.linear.scatter [tilespmem:s7], [sflag:$0x3], $0x8000, $0x38;
	[tilespmem:$0x10800] =	vst v63  }
0x34: {  	s19 =	sadd.s32 $0x36400, s19  }
0x35: {  	[tilespmem:s2], [sflag:$0x5] =	stream.linear.gather [hbm4b:s19+s2], $0x400, $0x38;
	[tilespmem:$0x10800] =	vst v63  }
0x36: {  	_ =	swait.ge [sflag:s4], $0x400  }
0x37: {  	[sflag:s4] =	ssyncset.done $0x0  }
0x38: {  	[sflag:s4] =	ssyncadd.s32 $0xFFFFFC00  }
0x39: {  	_ =	swait.ge [sflag:s13], $0x8000  }
0x3a: {  	[sflag:s13] =	ssyncset.done $0x0  }
0x3b: {  	[sflag:s13] =	ssyncadd.s32 $0xFFFF8000  }
0x3c: {  	_ =	swait.ge [sflag:s14], $0x8000  }
0x3d: {  	[sflag:s14] =	ssyncset.done $0x0  }
0x3e: {  	s23 =	ssub.s32 $0x2, s21;
	[sflag:s14] =	ssyncadd.s32 $0xFFFF8000  }
0x3f: {  	[tilespmem:s7], [sflag:$0x1] =	stream.indirect.gather [hbm4b:s5+s6], $0x20, s2, s6, $0xb8;
	[tilespmem:$0x10800] =	vst v63  }
0x40: {  	s31 =	sshrl.u32 s23, $0x1;
	s20 =	sadd.s32 $0x3E200, s22  }
0x41: {  	[hbm4b:s20+s2] =	stream.linear.scatter [tilespmem:s10], [sflag:$0x4], $0x8000, $0x38;
	[tilespmem:$0x10800] =	vst v63  }
0x42: {  	s21 =	sadd.s32 $0x3F200, s22;
	s22 =	ssub.s32 s23, s31;
	_ =	swait.ge [sflag:s9], $0x8000  }
0x43: {  	s22 =	smax.u32 s22, $0x1;
	[sflag:s9] =	ssyncset.done $0x0  }
0x44: {  	p0 =	sne.s32 s22, $0x1;
	[sflag:s9] =	ssyncadd.s32 $0xFFFF8000  }
0x45: {  	[hbm4b:s21+s2] =	stream.linear.scatter [tilespmem:s7], [sflag:$0x3], $0x8000, $0x38;
	[tilespmem:$0x10800] =	vst v63  }
.Ltmp0:
0x46: {  	_ =	swait.ge [sflag:s14], $0x8000;
	(pc) =	sbr.rel @!p0 .LBB2_2-.Ltmp0, $4  }
0x47: {  	[sflag:s14] =	ssyncset.done $0x0  }
0x48: {  	[sflag:s14] =	ssyncadd.s32 $0xFFFF8000  }
0x49: {  	_ =	swait.ge [sflag:s17], $0x8000  }
0x4a: {  	s22 =	sadd.s32 $0xFFFFFFFF, s22;
	[sflag:s17] =	ssyncset.done $0x0  }
.LBB2_1:
0x4b: {  	p0 =	sne.s32 s22, $0x1;
	s22 =	sadd.s32 $0xFFFFFFFF, s22;
	[sflag:s17] =	ssyncadd.s32 $0xFFFF8000  }
0x4c: {  	[tilespmem:s2], [sflag:$0x5] =	stream.linear.gather [hbm4b:s3+s2], $0x400, $0x38;
	[tilespmem:$0x10800] =	vst v63  }
0x4d: {  	_ =	swait.ge [sflag:s4], $0x400  }
0x4e: {  	[sflag:s4] =	ssyncset.done $0x0  }
0x4f: {  	[sflag:s4] =	ssyncadd.s32 $0xFFFFFC00  }
0x50: {  	[tilespmem:s7], [sflag:$0x1] =	stream.indirect.gather [hbm4b:s5+s6], $0x20, s2, s6, $0xb8;
	[tilespmem:$0x10800] =	vst v63  }
0x51: {  	_ = 	snop  }
0x52: {  	[tilespmem:s6], [sflag:$0x5] =	stream.linear.gather [hbm4b:s8+s2], $0x400, $0x38;
	[tilespmem:$0x10800] =	vst v63  }
0x53: {  	_ =	swait.ge [sflag:s4], $0x400  }
0x54: {  	[sflag:s4] =	ssyncset.done $0x0  }
0x55: {  	[sflag:s4] =	ssyncadd.s32 $0xFFFFFC00  }
0x56: {  	_ =	swait.ge [sflag:s9], $0x8000  }
0x57: {  	[sflag:s9] =	ssyncset.done $0x0  }
0x58: {  	[sflag:s9] =	ssyncadd.s32 $0xFFFF8000  }
0x59: {  	[tilespmem:s10], [sflag:$0x2] =	stream.indirect.gather [hbm4b:s5+s6], $0x20, s6, s6, $0xb8;
	[tilespmem:$0x10800] =	vst v63  }
0x5a: {  	_ = 	snop  }
0x5b: {  	[hbm4b:s11+s2] =	stream.linear.scatter [tilespmem:s7], [sflag:$0x3], $0x8000, $0x38;
	[tilespmem:$0x10800] =	vst v63  }
0x5c: {  	_ = 	snop  }
0x5d: {  	[tilespmem:s2], [sflag:$0x5] =	stream.linear.gather [hbm4b:s12+s2], $0x400, $0x38;
	[tilespmem:$0x10800] =	vst v63  }
0x5e: {  	_ =	swait.ge [sflag:s4], $0x400  }
0x5f: {  	[sflag:s4] =	ssyncset.done $0x0  }
0x60: {  	[sflag:s4] =	ssyncadd.s32 $0xFFFFFC00  }
0x61: {  	_ =	swait.ge [sflag:s13], $0x8000  }
0x62: {  	[sflag:s13] =	ssyncset.done $0x0  }
0x63: {  	[sflag:s13] =	ssyncadd.s32 $0xFFFF8000  }
0x64: {  	_ =	swait.ge [sflag:s14], $0x8000  }
0x65: {  	[sflag:s14] =	ssyncset.done $0x0  }
0x66: {  	[sflag:s14] =	ssyncadd.s32 $0xFFFF8000  }
0x67: {  	[tilespmem:s7], [sflag:$0x1] =	stream.indirect.gather [hbm4b:s5+s6], $0x20, s2, s6, $0xb8;
	[tilespmem:$0x10800] =	vst v63  }
0x68: {  	_ = 	snop  }
0x69: {  	[hbm4b:s15+s2] =	stream.linear.scatter [tilespmem:s10], [sflag:$0x4], $0x8000, $0x38;
	[tilespmem:$0x10800] =	vst v63  }
0x6a: {  	_ = 	snop  }
0x6b: {  	[tilespmem:s6], [sflag:$0x5] =	stream.linear.gather [hbm4b:s16+s2], $0x400, $0x38;
	[tilespmem:$0x10800] =	vst v63  }
0x6c: {  	_ =	swait.ge [sflag:s4], $0x400  }
0x6d: {  	[sflag:s4] =	ssyncset.done $0x0  }
0x6e: {  	[sflag:s4] =	ssyncadd.s32 $0xFFFFFC00  }
0x6f: {  	_ =	swait.ge [sflag:s9], $0x8000  }
0x70: {  	[sflag:s9] =	ssyncset.done $0x0  }
0x71: {  	[sflag:s9] =	ssyncadd.s32 $0xFFFF8000  }
0x72: {  	_ =	swait.ge [sflag:s17], $0x8000  }
0x73: {  	[sflag:s17] =	ssyncset.done $0x0  }
0x74: {  	[sflag:s17] =	ssyncadd.s32 $0xFFFF8000  }
0x75: {  	[tilespmem:s10], [sflag:$0x2] =	stream.indirect.gather [hbm4b:s5+s6], $0x20, s6, s6, $0xb8;
	[tilespmem:$0x10800] =	vst v63  }
0x76: {  	_ = 	snop  }
0x77: {  	[hbm4b:s18+s2] =	stream.linear.scatter [tilespmem:s7], [sflag:$0x3], $0x8000, $0x38;
	[tilespmem:$0x10800] =	vst v63  }
0x78: {  	_ = 	snop  }
0x79: {  	[tilespmem:s2], [sflag:$0x5] =	stream.linear.gather [hbm4b:s19+s2], $0x400, $0x38;
	[tilespmem:$0x10800] =	vst v63  }
0x7a: {  	_ =	swait.ge [sflag:s4], $0x400  }
0x7b: {  	[sflag:s4] =	ssyncset.done $0x0  }
0x7c: {  	[sflag:s4] =	ssyncadd.s32 $0xFFFFFC00  }
0x7d: {  	_ =	swait.ge [sflag:s13], $0x8000  }
0x7e: {  	[sflag:s13] =	ssyncset.done $0x0  }
0x7f: {  	[sflag:s13] =	ssyncadd.s32 $0xFFFF8000  }
0x80: {  	_ =	swait.ge [sflag:s14], $0x8000  }
0x81: {  	[sflag:s14] =	ssyncset.done $0x0  }
0x82: {  	[sflag:s14] =	ssyncadd.s32 $0xFFFF8000  }
0x83: {  	[tilespmem:s7], [sflag:$0x1] =	stream.indirect.gather [hbm4b:s5+s6], $0x20, s2, s6, $0xb8;
	[tilespmem:$0x10800] =	vst v63  }
0x84: {  	_ = 	snop  }
0x85: {  	[hbm4b:s20+s2] =	stream.linear.scatter [tilespmem:s10], [sflag:$0x4], $0x8000, $0x38;
	[tilespmem:$0x10800] =	vst v63  }
0x86: {  	_ =	swait.ge [sflag:s9], $0x8000  }
0x87: {  	[sflag:s9] =	ssyncset.done $0x0  }
0x88: {  	[sflag:s9] =	ssyncadd.s32 $0xFFFF8000  }
0x89: {  	[hbm4b:s21+s2] =	stream.linear.scatter [tilespmem:s7], [sflag:$0x3], $0x8000, $0x38;
	[tilespmem:$0x10800] =	vst v63  }
.Ltmp1:
0x8a: {  	_ =	swait.ge [sflag:s14], $0x8000;
	(pc) =	sbr.rel @p0 .LBB2_1-.Ltmp1, $4  }
0x8b: {  	[sflag:s14] =	ssyncset.done $0x0  }
0x8c: {  	[sflag:s14] =	ssyncadd.s32 $0xFFFF8000  }
0x8d: {  	_ =	swait.ge [sflag:s17], $0x8000  }
0x8e: {  	[sflag:s17] =	ssyncset.done $0x0  }
.LBB2_2:
0x8f: {  	[sflag:s17] =	ssyncadd.s32 $0xFFFF8000  }
0x90: {  	_ =	sfence.sel $0x180000  }
0x91: {  	[bflag:$0x0] =	sbarrier.arrive $0xFFFF  }
0x92: {  	p0 =	sne.s32 s0, $0x0;
	_ =	strace $0x90000047  }
0x93: {  	s0 =	sadd.s32 @!p0 $0x100000, s1;
	[bflag:$0x2] =	sbarrier.arrive $0xFFFF  }
0x94: {  	[sflag:s0] =	ssyncadd.tile.s32 @!p0 $0x1;
	_ =	shalt  }
.Lfunc_end2:
_tile_overlayer_lowered:
.L_overlay_start_2:
0x95: {  	(tag) =	ssettag $0x2  }
0x96: {  	s0 =	rddreg [dreg:$0x0];
	s2 =	stileid.u32  }
0x97: {  	s1 =	rddreg [dreg:$0x1];
	p0 =	sne.s32 s2, $0x0  }
0x98: {  	s3 =	rddreg [dreg:$0x2];
	[bflag:$0x3] =	sbarrier.arrive $0xFFFF;
	s2 =	simm.s32 @!p0 $0x1C05  }
0x99: {  	[timem:s3], [sflag:s2] =	dma.local @!p0 [hbm:s0], s1  }
0x9a: {  	s0 =	simm.s32 @!p0 $0x5  }
0x9b: {  	_ =	swait.ge @!p0 [sflag:s0], s1  }
0x9c: {  	s1 =	ssub.s32 @!p0 $0x0, s1;
	[sflag:s0] =	ssyncset.done @!p0 $0x0  }
0x9d: {  	[sflag:s0] =	ssyncadd.s32 @!p0 s1  }
0x9e: {  	[bflag:$0x3] =	sbarrier.arrive $0xFFFF  }
0x9f: {  	_ =	shalt  }

// kernel: kernel.20.cloned.1.call-start
scs
__scs_entry_jumppad:
0x0: {  	(pc) =	sbr.rel $0x88, $3  }
0x1: {  	(tag) =	ssettag $0x0;
	lr =	simm.s32 $0x1  }
0x2: {  	[smem:$0x3F8C] =	sst lr;
	_ =	strace $0xD0000000  }
0x3: {  	_ = 	snop  }
0x4: {  	_ = 	snop  }
0x5: {  	_ = 	snop  }
0x6: {  	_ = 	snop  }
0x7: {  	_ = 	snop  }
__scs_overlays_trampoline_lowered:
0x8: {  	[smem:$0x3F9B] =	sst s0  }
0x9: {  	[smem:$0x3F9C] =	sst s1  }
0xa: {  	[smem:$0x3F9D] =	sst s2  }
0xb: {  	[smem:$0x3F9E] =	sst s3  }
0xc: {  	[smem:$0x3F9F] =	sst s4  }
0xd: {  	[smem:$0x3FA0] =	sst s5  }
0xe: {  	[smem:$0x3FA1] =	sst s6  }
0xf: {  	[smem:$0x3FA2] =	sst s7  }
0x10: {  	[smem:$0x3FA3] =	sst s8  }
0x11: {  	[smem:$0x3FA4] =	sst s9;
	s0 =	simm.s32 @!p0 $0x0  }
0x12: {  	s1 =	sld [smem:$0x3F8A];
	s0 =	simm.s32 @p0 $0x1  }
0x13: {  	[smem:$0x3FA5] =	sst s0;
	s0 =	simm.s32 @!p1 $0x0  }
0x14: {  	s2 =	sld [smem:$0x3F89];
	s0 =	simm.s32 @p1 $0x1  }
0x15: {  	[smem:$0x3FA6] =	sst s0;
	s0 =	simm.s32 @!p2 $0x0  }
0x16: {  	s3 =	sld [smem:$0x3FDB];
	s0 =	simm.s32 @p2 $0x1  }
0x17: {  	s4 =	simm.s32 $0x1BF5;
	[smem:$0x3FA8] =	sst s0  }
0x18: {  	s0 =	sld [smem:$0x3F8B];
	_ =	swait.ge [sflag:s4], $0x0  }
0x19: {  	s7 =	sld [smem:$0x3F8C]  }
0x1a: {  	s8 =	sadd.s32 $0xFFFFE003, lr  }
0x1b: {  	s9 =	sadd.s32 $0xFFFFFEF7, lr;
	s5 =	simm.s32 $0xFFFFFFFF;
	p2 =	slt.u32 s8, $0xFFFFF086  }
0x1c: {  	p1 =	slt.u32 s9, $0xF7A;
	s5 =	simm.s32 @!p2 $0x0  }
0x1d: {  	s5 =	simm.s32 @p1 $0x1;
	p0 =	seq.s32 s7, s2  }
0x1e: {  	s7 =	smul.u32 @!p0 $0xF7A, s2;
	p2 =	seq.s32 @!p0 s5, $0x0  }
0x1f: {  	s9 =	smul.u32 $0xF7A, s1;
	s8 =	simm.s32 @!p0 $0x1BF5;
	p2 =	por !p2, p0  }
0x20: {  	[sflag:s8] =	ssyncset.s32 @!p0 $0xFFFFF086;
	s6 =	sadd.s32 @!p0 s3, s7;
	s7 =	simm.s32 @!p0 $0x108  }
0x21: {  	s3 =	sadd.s32 s3, s9;
	s6 =	sadd.s32 @!p0 $0x88, s6;
	s7 =	simm.s32 @p2 $0x1082  }
0x22: {  	[simem:s7], [sflag:s8] =	dma.local @!p0 [hbm:s6], $0xF7A  }
0x23: {  	s9 =	sor.u32 $0xD0000000, s2;
	s6 =	simm.s32 $0x108;
	_ =	swait.ge @!p0 [sflag:s8], $0x0  }
0x24: {  	s3 =	sadd.s32 $0x88, s3;
	s6 =	simm.s32 @!p1 $0x1082;
	[sflag:s4] =	ssyncset.s32 $0xFFFFF086  }
0x25: {  	[simem:s6], [sflag:s4] =	dma.local [hbm:s3], $0xF7A  }
0x26: {  	[smem:$0x3F8C] =	sst s1;
	(tag) =	ssettag s2;
	_ =	strace s9  }
0x27: {  	s1 =	sld [smem:$0x3F9C]  }
0x28: {  	s2 =	sld [smem:$0x3F9D]  }
0x29: {  	s4 =	sld [smem:$0x3F9F]  }
0x2a: {  	p0 =	seq.s32 s5, $0x0;
	s5 =	sld [smem:$0x3FA0]  }
0x2b: {  	s6 =	sld [smem:$0x3FA1]  }
0x2c: {  	s7 =	sld [smem:$0x3FA2]  }
0x2d: {  	s3 =	simm.s32 $0x108;
	s8 =	sld [smem:$0x3FA3]  }
0x2e: {  	s3 =	simm.s32 @!p0 $0x1082;
	s9 =	sld [smem:$0x3FA4]  }
0x2f: {  	lr =	sadd.s32 s0, s3;
	s0 =	sld [smem:$0x3F9B]  }
0x30: {  	s3 =	sld [smem:$0x3F9E]  }
0x31: {  	[smem:$0x3FA7] =	sst s10  }
0x32: {  	s10 =	sld [smem:$0x3FA5];
	_ =	sdelay $0x3  }
0x33: {  	p0 =	seq.s32 s10, $0x1;
	s10 =	sld [smem:$0x3FA7];
	_ =	sdelay $0x3  }
0x34: {  	[smem:$0x3FA7] =	sst s10  }
0x35: {  	s10 =	sld [smem:$0x3FA6];
	_ =	sdelay $0x3  }
0x36: {  	p1 =	seq.s32 s10, $0x1;
	s10 =	sld [smem:$0x3FA7];
	_ =	sdelay $0x3  }
0x37: {  	[smem:$0x3FA7] =	sst s10  }
0x38: {  	s10 =	sld [smem:$0x3FA8]  }
0x39: {  	_ = 	snop;
	(pc) =	sbr.ind lr, $3  }
0x3a: {  	_ = 	snop  }
0x3b: {  	_ = 	snop  }
0x3c: {  	p2 =	seq.s32 s10, $0x1;
	s10 =	sld [smem:$0x3FA7]  }
0x3d: {  	_ =	shalt  }
0x3e: {  	_ =	shalt  }
0x3f: {  	_ =	shalt  }
0x40: {  	_ =	shalt  }
0x41: {  	_ =	shalt  }
0x42: {  	_ =	shalt  }
0x43: {  	_ =	shalt  }
0x44: {  	_ =	shalt  }
0x45: {  	_ =	shalt  }
0x46: {  	_ =	shalt  }
0x47: {  	_ =	shalt  }
0x48: {  	_ =	shalt  }
0x49: {  	_ =	shalt  }
0x4a: {  	_ =	shalt  }
0x4b: {  	_ =	shalt  }
0x4c: {  	_ =	shalt  }
0x4d: {  	_ =	shalt  }
0x4e: {  	_ =	shalt  }
0x4f: {  	_ =	shalt  }
0x50: {  	_ =	shalt  }
0x51: {  	_ =	shalt  }
0x52: {  	_ =	shalt  }
0x53: {  	_ =	shalt  }
0x54: {  	_ =	shalt  }
0x55: {  	_ =	shalt  }
0x56: {  	_ =	shalt  }
0x57: {  	_ =	shalt  }
0x58: {  	_ =	shalt  }
0x59: {  	_ =	shalt  }
0x5a: {  	_ =	shalt  }
0x5b: {  	_ =	shalt  }
0x5c: {  	_ =	shalt  }
0x5d: {  	_ =	shalt  }
0x5e: {  	_ =	shalt  }
0x5f: {  	_ =	shalt  }
0x60: {  	_ =	shalt  }
0x61: {  	_ =	shalt  }
0x62: {  	_ =	shalt  }
0x63: {  	_ =	shalt  }
0x64: {  	_ =	shalt  }
0x65: {  	_ =	shalt  }
0x66: {  	_ =	shalt  }
0x67: {  	_ =	shalt  }
0x68: {  	_ =	shalt  }
0x69: {  	_ =	shalt  }
0x6a: {  	_ =	shalt  }
0x6b: {  	_ =	shalt  }
0x6c: {  	_ =	shalt  }
0x6d: {  	_ =	shalt  }
0x6e: {  	_ =	shalt  }
0x6f: {  	_ =	shalt  }
0x70: {  	_ =	shalt  }
0x71: {  	_ =	shalt  }
0x72: {  	_ =	shalt  }
0x73: {  	_ =	shalt  }
0x74: {  	_ =	shalt  }
0x75: {  	_ =	shalt  }
0x76: {  	_ =	shalt  }
0x77: {  	_ =	shalt  }
0x78: {  	_ =	shalt  }
0x79: {  	_ =	shalt  }
0x7a: {  	_ =	shalt  }
0x7b: {  	_ =	shalt  }
0x7c: {  	_ =	shalt  }
0x7d: {  	_ =	shalt  }
0x7e: {  	_ =	shalt  }
0x7f: {  	_ =	shalt  }
0x80: {  	_ =	shalt  }
0x81: {  	_ =	shalt  }
0x82: {  	_ =	shalt  }
0x83: {  	_ =	shalt  }
0x84: {  	_ =	shalt  }
0x85: {  	_ =	shalt  }
0x86: {  	_ =	shalt  }
0x87: {  	_ =	shalt  }
.Lfunc_end0:
.L_simem_size_0:
called_computation.1_lowered:
.L_overlay_start_0:
0x88: {  	s2 =	sld [smem:$0x3FD9]  }
0x89: {  	s3 =	sld [smem:$0x3FFE];
	_ =	sdelay $0x1  }
0x8a: {  	s1 =	srdreg.scid  }
0x8b: {  	s0 =	sand.u32 $0x1, s1  }
0x8c: {  	s17 =	sshll.u32 s0, $0xA;
	s2 =	sadd.s32 s3, s2  }
0x8d: {  	s2 =	sadd.s32 s2, s17  }
0x8e: {  	[smem:$0x3FB3] =	sst s2  }
0x8f: {  	_ = 	snop  }
0x90: {  	s2 =	sld [smem:$0x3FD0];
	(tm) =	ssettm $0x1  }
0x91: {  	s18 =	sld [smem:$0x3FFB];
	_ =	sdelay $0x3  }
0x92: {  	_ =	strace s18  }
0x93: {  	s3 =	sld [smem:$0x3FFC];
	_ =	sdelay $0x3  }
0x94: {  	_ =	strace s3  }
0x95: {  	s3 =	sld [smem:$0x3FFD];
	_ =	sdelay $0x3  }
0x96: {  	_ =	strace s3  }
0x97: {  	_ =	strace $0x8FFFFFFF  }
0x98: {  	s19 =	sld [smem:$0x3FDB];
	_ =	sdelay $0x1  }
0x99: {  	s4 =	simm.s32 $_scs_section_size  }
0x9a: {  	s5 =	simm.s32 $_size__tile_overlayer_lowered;
	s6 =	simm.s32 $_tile_overlayer_lowered  }
0x9b: {  	s22 =	simm.s32 $0x1BFF;
	s21 =	sshll.u32 s6, $0x1;
	s3 =	sadd.s32 s4, s19  }
0x9c: {  	s7 =	simm.s32 $0x0;
	s20 =	sshll.u32 s5, $0x1;
	s5 =	sadd.s32 s21, s3  }
0x9d: {  	[timem:s7], [sflag:s22] =	dma.local [hbm:s5], s20  }
0x9e: {  	_ =	swait.ge [sflag:s22], s20  }
0x9f: {  	s4 =	ssub.s32 $0x0, s20;
	[sflag:s22] =	ssyncset.done $0x0  }
0xa0: {  	[sflag:s22] =	ssyncadd.s32 s4;
	_ =	sdelay $0x1  }
0xa1: {  	s23 =	simm.s32 $0x1B8B  }
0xa2: {  	_ =	swait.ge [sflag:s23], $0x1  }
0xa3: {  	[sflag:s23] =	ssyncset.done $0x0  }
0xa4: {  	s25 =	simm.s32 $0x1B8E;
	s24 =	sld [smem:$0x3FFE];
	[sflag:s23] =	ssyncadd.s32 $0xFFFFFFFF  }
0xa5: {  	s26 =	simm.s32 $execute0_lowered;
	[smem:$0x3FD2] =	sst s25  }
0xa6: {  	s5 =	sshll.u32 s26, $0x1;
	_ =	strace $0x80000049;
	[dreg:$0x1] =	wrdreg $0xFFFFFFFF  }
0xa7: {  	s28 =	simm.s32 $_size_execute0_lowered;
	s3 =	sadd.s32 s3, s5;
	[dreg:$0x0] =	wrdreg $0x0  }
0xa8: {  	s5 =	sshll.u32 s28, $0x1;
	[dreg:$0x2] =	wrdreg s3  }
0xa9: {  	[dreg:$0x3] =	wrdreg s5  }
0xaa: {  	[dreg:$0x4] =	wrdreg $0xC0  }
0xab: {  	_ =	task [dreg:s7], $0x5FFFF  }
0xac: {  	[dreg:$0x1] =	wrdreg $0xFFFFFFFF  }
0xad: {  	[dreg:$0x0] =	wrdreg $0x60  }
0xae: {  	[dreg:$0x2] =	wrdreg s24  }
0xaf: {  	[dreg:$0x3] =	wrdreg s2  }
0xb0: {  	[dreg:$0x4] =	wrdreg $0x108000  }
0xb1: {  	[dreg:$0x5] =	wrdreg $0x9  }
0xb2: {  	_ =	task.clear_ibuf [dreg:s7], $0x6FFFF;
	_ =	strace $0x90000049  }
0xb3: {  	s29 =	simm.s32 $0x9;
	_ =	strace $0x8000004B  }
0xb4: {  	_ =	swait.ge [sflag:s29], $0x1  }
0xb5: {  	[sflag:s29] =	ssyncadd.s32 $0xFFFFFFFF  }
0xb6: {  	_ =	strace $0x9000004B  }
0xb7: {  	_ =	sfence  }
0xb8: {  	s30 =	sld [smem:$0x0];
	_ =	sdelay $0x2  }
0xb9: {  	s31 =	sshll.u32 s1, $0xD;
	s1 =	sshrl.u32 s1, $0x2  }
0xba: {  	s3 =	sand.u32 $0x4000, s31;
	s1 =	sadd.s32 s1, s30  }
0xbb: {  	s0 =	sor.u32 s3, s0;
	s1 =	sshll.u32 s1, $0x11  }
0xbc: {  	s0 =	sor.u32 s1, s0  }
0xbd: {  	s0 =	sadd.s32 $0x8F2B, s0  }
0xbe: {  	[sflag:s0] =	ssyncadd.remote.s32 $0x1  }
0xbf: {  	_ =	sfence.sel $0xFFFF  }
0xc0: {  	[dreg:$0x0] =	wrdreg $0xFFFFFFFF;
	(pc) =	sbr.abs _section_cstart, $3  }
0xc1: {  	[dreg:$0x1] =	wrdreg $0xFFFFFFFF  }
0xc2: {  	_ =	task.clear_ibuf [dreg:s7], $0x2FFFF;
	_ =	strace $0x9FFFFFFF  }
0xc3: {  	(tm) =	ssettm $0x7FFFFFFF  }
tec
execute0_lowered:
.L_overlay_start_1:
0x0: {  	(tag) =	ssettag $0x1  }
0x1: {  	s1 =	srdreg.scid;
	s0 =	stileid.u32  }
0x2: {  	s23 =	rddreg [dreg:$0x0];
	s24 =	sand.u32 $0x1, s1;
	s30 =	sshll.u32 s0, $0x1  }
0x3: {  	s2 =	rddreg [dreg:$0x1];
	s1 =	sor.u32 s24, s30  }
0x4: {  	s3 =	rddreg [dreg:$0x2];
	s4 =	simm.s32 $0x0;
	s6 =	smul.u32 $0x1400, s1  }
0x5: {  	[smem:$0x7FF] =	sst s4;
	s5 =	smul.u32 $0x28000, s1  }
0x6: {  	s25 =	smul.u32 $0x5000, s0;
	s1 =	rddreg [dreg:$0x3];
	s6 =	sshrl.u32 s6, $0x3  }
0x7: {  	_ =	strace $0x8000004A;
	s5 =	sshrl.u32 s5, $0x3;
	s21 =	sadd.s32 s6, s23  }
0x8: {  	s22 =	sadd.s32 s5, s23;
	s5 =	simm.s32 $0x3;
	s6 =	sadd.s32 $0xDB200, s21  }
0x9: {  	[tilespmem:s4], [sflag:$0x3] =	stream.linear.gather [hbm4b:s6+s4], $0x400, $0x38;
	[tilespmem:$0x15800] =	vst v63  }
0xa: {  	s8 =	simm.s32 $0x800;
	s9 =	sshll.u32 s0, $0x6;
	_ =	swait.ge [sflag:s5], $0x400  }
0xb: {  	s9 =	sor.u32 $0x1C03, s9;
	s10 =	sadd.s32 s25, s3;
	[sflag:s5] =	ssyncset.done $0x0  }
0xc: {  	s10 =	sshrl.u32 s10, $0x3;
	s7 =	sadd.s32 $0x3B200, s22;
	[sflag:s5] =	ssyncadd.s32 $0xFFFFFC00  }
0xd: {  	[tilespmem:s8], [sflag:$0x1] =	stream.linear.gather [hbm4b:s7+s4], $0x8000, $0x38;
	[tilespmem:$0x15800] =	vst v63  }
0xe: {  	[spmem:s10], [sflag:s9] =	dma.local [hbm:s2], $0xA00  }
0xf: {  	_ =	swait.ge [sflag:s5], $0xA00  }
0x10: {  	[sflag:s5] =	ssyncset.done $0x0  }
0x11: {  	[sflag:s5] =	ssyncadd.s32 $0xFFFFF600  }
0x12: {  	s12 =	simm.s32 $0x400;
	s11 =	sadd.s32 $0xDB280, s21;
	[bflag:$0x0] =	sbarrier.arrive $0xFFFF  }
0x13: {  	[tilespmem:s12], [sflag:$0x3] =	stream.linear.gather [hbm4b:s11+s4], $0x400, $0x38;
	[tilespmem:$0x15800] =	vst v63  }
0x14: {  	_ =	swait.ge [sflag:s5], $0x400  }
0x15: {  	s14 =	simm.s32 $0x8800;
	[sflag:s5] =	ssyncset.done $0x0  }
0x16: {  	s15 =	simm.s32 $0x1;
	s13 =	sadd.s32 $0x3C200, s22;
	[sflag:s5] =	ssyncadd.s32 $0xFFFFFC00  }
0x17: {  	[tilespmem:s14], [sflag:$0x2] =	stream.linear.gather [hbm4b:s13+s4], $0x8000, $0x38;
	[tilespmem:$0x15800] =	vst v63  }
0x18: {  	_ =	swait.ge [sflag:s15], $0x8000  }
0x19: {  	[sflag:s15] =	ssyncset.done $0x0  }
0x1a: {  	[sflag:s15] =	ssyncadd.s32 $0xFFFF8000  }
0x1b: {  	[spmem:s3] =	stream.indirect.scatter.add.f32 [tilespmem:s8], [sflag:$0x3], $0x20, s4, s12, $0xb8;
	[tilespmem:$0x15800] =	vst v63  }
0x1c: {  	_ =	swait.ge [sflag:s5], $0x8000  }
0x1d: {  	[sflag:s5] =	ssyncset.done $0x0  }
0x1e: {  	s16 =	sadd.s32 $0xDB300, s21;
	[sflag:s5] =	ssyncadd.s32 $0xFFFF8000  }
0x1f: {  	[tilespmem:s4], [sflag:$0x3] =	stream.linear.gather [hbm4b:s16+s4], $0x400, $0x38;
	[tilespmem:$0x15800] =	vst v63  }
0x20: {  	_ =	swait.ge [sflag:s5], $0x400  }
0x21: {  	[sflag:s5] =	ssyncset.done $0x0  }
0x22: {  	s18 =	simm.s32 $0x2;
	s17 =	sadd.s32 $0x3D200, s22;
	[sflag:s5] =	ssyncadd.s32 $0xFFFFFC00  }
0x23: {  	[tilespmem:s8], [sflag:$0x1] =	stream.linear.gather [hbm4b:s17+s4], $0x8000, $0x38;
	[tilespmem:$0x15800] =	vst v63  }
0x24: {  	_ =	swait.ge [sflag:s18], $0x8000  }
0x25: {  	[sflag:s18] =	ssyncset.done $0x0  }
0x26: {  	[sflag:s18] =	ssyncadd.s32 $0xFFFF8000  }
0x27: {  	[spmem:s3] =	stream.indirect.scatter.add.f32 [tilespmem:s14], [sflag:$0x3], $0x20, s12, s12, $0xb8;
	[tilespmem:$0x15800] =	vst v63  }
0x28: {  	_ =	swait.ge [sflag:s5], $0x8000  }
0x29: {  	[sflag:s5] =	ssyncset.done $0x0  }
0x2a: {  	s19 =	sadd.s32 $0xDB380, s21;
	[sflag:s5] =	ssyncadd.s32 $0xFFFF8000  }
0x2b: {  	[tilespmem:s12], [sflag:$0x3] =	stream.linear.gather [hbm4b:s19+s4], $0x400, $0x38;
	[tilespmem:$0x15800] =	vst v63  }
0x2c: {  	_ =	swait.ge [sflag:s5], $0x400  }
0x2d: {  	[sflag:s5] =	ssyncset.done $0x0  }
0x2e: {  	s20 =	sadd.s32 $0x3E200, s22;
	[sflag:s5] =	ssyncadd.s32 $0xFFFFFC00  }
0x2f: {  	[tilespmem:s14], [sflag:$0x2] =	stream.linear.gather [hbm4b:s20+s4], $0x8000, $0x38;
	[tilespmem:$0x15800] =	vst v63  }
0x30: {  	_ =	swait.ge [sflag:s15], $0x8000  }
0x31: {  	[sflag:s15] =	ssyncset.done $0x0  }
0x32: {  	[sflag:s15] =	ssyncadd.s32 $0xFFFF8000  }
0x33: {  	[spmem:s3] =	stream.indirect.scatter.add.f32 [tilespmem:s8], [sflag:$0x3], $0x20, s4, s12, $0xb8;
	[tilespmem:$0x15800] =	vst v63  }
0x34: {  	_ =	swait.ge [sflag:s5], $0x8000  }
0x35: {  	[sflag:s5] =	ssyncset.done $0x0  }
0x36: {  	s21 =	sadd.s32 $0xDB400, s21;
	[sflag:s5] =	ssyncadd.s32 $0xFFFF8000  }
0x37: {  	[tilespmem:s4], [sflag:$0x3] =	stream.linear.gather [hbm4b:s21+s4], $0x400, $0x38;
	[tilespmem:$0x15800] =	vst v63  }
0x38: {  	_ =	swait.ge [sflag:s5], $0x400  }
0x39: {  	[sflag:s5] =	ssyncset.done $0x0  }
0x3a: {  	s22 =	sadd.s32 $0x3F200, s22;
	[sflag:s5] =	ssyncadd.s32 $0xFFFFFC00  }
0x3b: {  	[tilespmem:s8], [sflag:$0x1] =	stream.linear.gather [hbm4b:s22+s4], $0x8000, $0x38;
	[tilespmem:$0x15800] =	vst v63  }
0x3c: {  	_ =	swait.ge [sflag:s18], $0x8000  }
0x3d: {  	[sflag:s18] =	ssyncset.done $0x0  }
0x3e: {  	[sflag:s18] =	ssyncadd.s32 $0xFFFF8000  }
0x3f: {  	[spmem:s3] =	stream.indirect.scatter.add.f32 [tilespmem:s14], [sflag:$0x3], $0x20, s12, s12, $0xb8;
	[tilespmem:$0x15800] =	vst v63  }
0x40: {  	_ =	swait.ge [sflag:s5], $0x8000  }
0x41: {  	[sflag:s5] =	ssyncset.done $0x0  }
0x42: {  	[sflag:s5] =	ssyncadd.s32 $0xFFFF8000  }
0x43: {  	s26 =	smul.u32 $0x50000, s24;
	s24 =	ssub.s32 $0x2, s24;
	_ =	swait.ge [sflag:s15], $0x8000  }
0x44: {  	s31 =	sshrl.u32 s24, $0x1;
	[sflag:s15] =	ssyncset.done $0x0  }
0x45: {  	s24 =	ssub.s32 s24, s31;
	[sflag:s15] =	ssyncadd.s32 $0xFFFF8000  }
0x46: {  	[spmem:s3] =	stream.indirect.scatter.add.f32 [tilespmem:s8], [sflag:$0x3], $0x20, s4, s12, $0xb8;
	[tilespmem:$0x15800] =	vst v63  }
0x47: {  	s25 =	sadd.s32 s25, s26;
	s24 =	smax.u32 s24, $0x1;
	_ =	swait.ge [sflag:s5], $0x8000  }
0x48: {  	s25 =	sshrl.u32 s25, $0x3;
	p0 =	sne.s32 s24, $0x1;
	[sflag:s5] =	ssyncset.done $0x0  }
.Ltmp0:
0x49: {  	s23 =	sadd.s32 s25, s23;
	[sflag:s5] =	ssyncadd.s32 $0xFFFF8000;
	(pc) =	sbr.rel @!p0 .LBB2_2-.Ltmp0, $4  }
0x4a: {  	s23 =	sadd.s32 $0xE0200, s23;
	[bflag:$0x0] =	sbarrier.arrive $0xFFFF  }
0x4b: {  	[hbm:s23], [sflag:s9] =	dma.local [spmem:s10], $0xA00  }
0x4c: {  	_ =	swait.ge [sflag:s5], $0xA00  }
0x4d: {  	s24 =	sadd.s32 $0xFFFFFFFF, s24;
	[sflag:s5] =	ssyncset.done $0x0  }
.LBB2_1:
0x4e: {  	p0 =	sne.s32 s24, $0x1;
	s24 =	sadd.s32 $0xFFFFFFFF, s24;
	[sflag:s5] =	ssyncadd.s32 $0xFFFFF600  }
0x4f: {  	[tilespmem:s4], [sflag:$0x3] =	stream.linear.gather [hbm4b:s6+s4], $0x400, $0x38;
	[tilespmem:$0x15800] =	vst v63  }
0x50: {  	_ =	swait.ge [sflag:s5], $0x400  }
0x51: {  	[sflag:s5] =	ssyncset.done $0x0  }
0x52: {  	[sflag:s5] =	ssyncadd.s32 $0xFFFFFC00  }
0x53: {  	[tilespmem:s8], [sflag:$0x1] =	stream.linear.gather [hbm4b:s7+s4], $0x8000, $0x38;
	[tilespmem:$0x15800] =	vst v63  }
0x54: {  	[spmem:s10], [sflag:s9] =	dma.local [hbm:s2], $0xA00  }
0x55: {  	_ =	swait.ge [sflag:s5], $0xA00  }
0x56: {  	[sflag:s5] =	ssyncset.done $0x0  }
0x57: {  	[sflag:s5] =	ssyncadd.s32 $0xFFFFF600  }
0x58: {  	[bflag:$0x0] =	sbarrier.arrive $0xFFFF  }
0x59: {  	[tilespmem:s12], [sflag:$0x3] =	stream.linear.gather [hbm4b:s11+s4], $0x400, $0x38;
	[tilespmem:$0x15800] =	vst v63  }
0x5a: {  	_ =	swait.ge [sflag:s5], $0x400  }
0x5b: {  	[sflag:s5] =	ssyncset.done $0x0  }
0x5c: {  	[sflag:s5] =	ssyncadd.s32 $0xFFFFFC00  }
0x5d: {  	[tilespmem:s14], [sflag:$0x2] =	stream.linear.gather [hbm4b:s13+s4], $0x8000, $0x38;
	[tilespmem:$0x15800] =	vst v63  }
0x5e: {  	_ =	swait.ge [sflag:s15], $0x8000  }
0x5f: {  	[sflag:s15] =	ssyncset.done $0x0  }
0x60: {  	[sflag:s15] =	ssyncadd.s32 $0xFFFF8000  }
0x61: {  	[spmem:s3] =	stream.indirect.scatter.add.f32 [tilespmem:s8], [sflag:$0x3], $0x20, s4, s12, $0xb8;
	[tilespmem:$0x15800] =	vst v63  }
0x62: {  	_ =	swait.ge [sflag:s5], $0x8000  }
0x63: {  	[sflag:s5] =	ssyncset.done $0x0  }
0x64: {  	[sflag:s5] =	ssyncadd.s32 $0xFFFF8000  }
0x65: {  	[tilespmem:s4], [sflag:$0x3] =	stream.linear.gather [hbm4b:s16+s4], $0x400, $0x38;
	[tilespmem:$0x15800] =	vst v63  }
0x66: {  	_ =	swait.ge [sflag:s5], $0x400  }
0x67: {  	[sflag:s5] =	ssyncset.done $0x0  }
0x68: {  	[sflag:s5] =	ssyncadd.s32 $0xFFFFFC00  }
0x69: {  	[tilespmem:s8], [sflag:$0x1] =	stream.linear.gather [hbm4b:s17+s4], $0x8000, $0x38;
	[tilespmem:$0x15800] =	vst v63  }
0x6a: {  	_ =	swait.ge [sflag:s18], $0x8000  }
0x6b: {  	[sflag:s18] =	ssyncset.done $0x0  }
0x6c: {  	[sflag:s18] =	ssyncadd.s32 $0xFFFF8000  }
0x6d: {  	[spmem:s3] =	stream.indirect.scatter.add.f32 [tilespmem:s14], [sflag:$0x3], $0x20, s12, s12, $0xb8;
	[tilespmem:$0x15800] =	vst v63  }
0x6e: {  	_ =	swait.ge [sflag:s5], $0x8000  }
0x6f: {  	[sflag:s5] =	ssyncset.done $0x0  }
0x70: {  	[sflag:s5] =	ssyncadd.s32 $0xFFFF8000  }
0x71: {  	[tilespmem:s12], [sflag:$0x3] =	stream.linear.gather [hbm4b:s19+s4], $0x400, $0x38;
	[tilespmem:$0x15800] =	vst v63  }
0x72: {  	_ =	swait.ge [sflag:s5], $0x400  }
0x73: {  	[sflag:s5] =	ssyncset.done $0x0  }
0x74: {  	[sflag:s5] =	ssyncadd.s32 $0xFFFFFC00  }
0x75: {  	[tilespmem:s14], [sflag:$0x2] =	stream.linear.gather [hbm4b:s20+s4], $0x8000, $0x38;
	[tilespmem:$0x15800] =	vst v63  }
0x76: {  	_ =	swait.ge [sflag:s15], $0x8000  }
0x77: {  	[sflag:s15] =	ssyncset.done $0x0  }
0x78: {  	[sflag:s15] =	ssyncadd.s32 $0xFFFF8000  }
0x79: {  	[spmem:s3] =	stream.indirect.scatter.add.f32 [tilespmem:s8], [sflag:$0x3], $0x20, s4, s12, $0xb8;
	[tilespmem:$0x15800] =	vst v63  }
0x7a: {  	_ =	swait.ge [sflag:s5], $0x8000  }
0x7b: {  	[sflag:s5] =	ssyncset.done $0x0  }
0x7c: {  	[sflag:s5] =	ssyncadd.s32 $0xFFFF8000  }
0x7d: {  	[tilespmem:s4], [sflag:$0x3] =	stream.linear.gather [hbm4b:s21+s4], $0x400, $0x38;
	[tilespmem:$0x15800] =	vst v63  }
0x7e: {  	_ =	swait.ge [sflag:s5], $0x400  }
0x7f: {  	[sflag:s5] =	ssyncset.done $0x0  }
0x80: {  	[sflag:s5] =	ssyncadd.s32 $0xFFFFFC00  }
0x81: {  	[tilespmem:s8], [sflag:$0x1] =	stream.linear.gather [hbm4b:s22+s4], $0x8000, $0x38;
	[tilespmem:$0x15800] =	vst v63  }
0x82: {  	_ =	swait.ge [sflag:s18], $0x8000  }
0x83: {  	[sflag:s18] =	ssyncset.done $0x0  }
0x84: {  	[sflag:s18] =	ssyncadd.s32 $0xFFFF8000  }
0x85: {  	[spmem:s3] =	stream.indirect.scatter.add.f32 [tilespmem:s14], [sflag:$0x3], $0x20, s12, s12, $0xb8;
	[tilespmem:$0x15800] =	vst v63  }
0x86: {  	_ =	swait.ge [sflag:s5], $0x8000  }
0x87: {  	[sflag:s5] =	ssyncset.done $0x0  }
0x88: {  	[sflag:s5] =	ssyncadd.s32 $0xFFFF8000  }
0x89: {  	_ =	swait.ge [sflag:s15], $0x8000  }
0x8a: {  	[sflag:s15] =	ssyncset.done $0x0  }
0x8b: {  	[sflag:s15] =	ssyncadd.s32 $0xFFFF8000  }
0x8c: {  	[spmem:s3] =	stream.indirect.scatter.add.f32 [tilespmem:s8], [sflag:$0x3], $0x20, s4, s12, $0xb8;
	[tilespmem:$0x15800] =	vst v63  }
0x8d: {  	_ =	swait.ge [sflag:s5], $0x8000  }
0x8e: {  	[sflag:s5] =	ssyncset.done $0x0  }
.Ltmp1:
0x8f: {  	[sflag:s5] =	ssyncadd.s32 $0xFFFF8000;
	(pc) =	sbr.rel @p0 .LBB2_1-.Ltmp1, $4  }
0x90: {  	[bflag:$0x0] =	sbarrier.arrive $0xFFFF  }
0x91: {  	[hbm:s23], [sflag:s9] =	dma.local [spmem:s10], $0xA00  }
0x92: {  	_ =	swait.ge [sflag:s5], $0xA00  }
0x93: {  	[sflag:s5] =	ssyncset.done $0x0  }
.LBB2_2:
0x94: {  	[sflag:s5] =	ssyncadd.s32 $0xFFFFF600  }
0x95: {  	_ =	sfence.sel $0x180000  }
0x96: {  	[bflag:$0x0] =	sbarrier.arrive $0xFFFF  }
0x97: {  	p0 =	sne.s32 s0, $0x0;
	_ =	strace $0x9000004A  }
0x98: {  	s0 =	sadd.s32 @!p0 $0x100000, s1;
	[bflag:$0x2] =	sbarrier.arrive $0xFFFF  }
0x99: {  	[sflag:s0] =	ssyncadd.tile.s32 @!p0 $0x1;
	_ =	shalt  }
.Lfunc_end2:
_tile_overlayer_lowered:
.L_overlay_start_2:
0x9a: {  	(tag) =	ssettag $0x2  }
0x9b: {  	s0 =	rddreg [dreg:$0x0];
	s2 =	stileid.u32  }
0x9c: {  	s1 =	rddreg [dreg:$0x1];
	p0 =	sne.s32 s2, $0x0  }
0x9d: {  	s3 =	rddreg [dreg:$0x2];
	[bflag:$0x3] =	sbarrier.arrive $0xFFFF;
	s2 =	simm.s32 @!p0 $0x1C03  }
0x9e: {  	[timem:s3], [sflag:s2] =	dma.local @!p0 [hbm:s0], s1  }
0x9f: {  	s0 =	simm.s32 @!p0 $0x3  }
0xa0: {  	_ =	swait.ge @!p0 [sflag:s0], s1  }
0xa1: {  	s1 =	ssub.s32 @!p0 $0x0, s1;
	[sflag:s0] =	ssyncset.done @!p0 $0x0  }
0xa2: {  	[sflag:s0] =	ssyncadd.s32 @!p0 s1  }
0xa3: {  	[bflag:$0x3] =	sbarrier.arrive $0xFFFF  }
0xa4: {  	_ =	shalt  }

// kernel: kernel.23.cloned.1.call-start
scs
__scs_entry_jumppad:
0x0: {  	(pc) =	sbr.rel $0x88, $3  }
0x1: {  	(tag) =	ssettag $0x0;
	lr =	simm.s32 $0x1  }
0x2: {  	[smem:$0x3F8C] =	sst lr;
	_ =	strace $0xD0000000  }
0x3: {  	_ = 	snop  }
0x4: {  	_ = 	snop  }
0x5: {  	_ = 	snop  }
0x6: {  	_ = 	snop  }
0x7: {  	_ = 	snop  }
__scs_overlays_trampoline_lowered:
0x8: {  	[smem:$0x3F9B] =	sst s0  }
0x9: {  	[smem:$0x3F9C] =	sst s1  }
0xa: {  	[smem:$0x3F9D] =	sst s2  }
0xb: {  	[smem:$0x3F9E] =	sst s3  }
0xc: {  	[smem:$0x3F9F] =	sst s4  }
0xd: {  	[smem:$0x3FA0] =	sst s5  }
0xe: {  	[smem:$0x3FA1] =	sst s6  }
0xf: {  	[smem:$0x3FA2] =	sst s7  }
0x10: {  	[smem:$0x3FA3] =	sst s8  }
0x11: {  	[smem:$0x3FA4] =	sst s9;
	s0 =	simm.s32 @!p0 $0x0  }
0x12: {  	s1 =	sld [smem:$0x3F8A];
	s0 =	simm.s32 @p0 $0x1  }
0x13: {  	[smem:$0x3FA5] =	sst s0;
	s0 =	simm.s32 @!p1 $0x0  }
0x14: {  	s2 =	sld [smem:$0x3F89];
	s0 =	simm.s32 @p1 $0x1  }
0x15: {  	[smem:$0x3FA6] =	sst s0;
	s0 =	simm.s32 @!p2 $0x0  }
0x16: {  	s3 =	sld [smem:$0x3FDB];
	s0 =	simm.s32 @p2 $0x1  }
0x17: {  	s4 =	simm.s32 $0x1BF5;
	[smem:$0x3FA8] =	sst s0  }
0x18: {  	s0 =	sld [smem:$0x3F8B];
	_ =	swait.ge [sflag:s4], $0x0  }
0x19: {  	s7 =	sld [smem:$0x3F8C]  }
0x1a: {  	s8 =	sadd.s32 $0xFFFFE003, lr  }
0x1b: {  	s9 =	sadd.s32 $0xFFFFFEF7, lr;
	s5 =	simm.s32 $0xFFFFFFFF;
	p2 =	slt.u32 s8, $0xFFFFF086  }
0x1c: {  	p1 =	slt.u32 s9, $0xF7A;
	s5 =	simm.s32 @!p2 $0x0  }
0x1d: {  	s5 =	simm.s32 @p1 $0x1;
	p0 =	seq.s32 s7, s2  }
0x1e: {  	s7 =	smul.u32 @!p0 $0xF7A, s2;
	p2 =	seq.s32 @!p0 s5, $0x0  }
0x1f: {  	s9 =	smul.u32 $0xF7A, s1;
	s8 =	simm.s32 @!p0 $0x1BF5;
	p2 =	por !p2, p0  }
0x20: {  	[sflag:s8] =	ssyncset.s32 @!p0 $0xFFFFF086;
	s6 =	sadd.s32 @!p0 s3, s7;
	s7 =	simm.s32 @!p0 $0x108  }
0x21: {  	s3 =	sadd.s32 s3, s9;
	s6 =	sadd.s32 @!p0 $0x88, s6;
	s7 =	simm.s32 @p2 $0x1082  }
0x22: {  	[simem:s7], [sflag:s8] =	dma.local @!p0 [hbm:s6], $0xF7A  }
0x23: {  	s9 =	sor.u32 $0xD0000000, s2;
	s6 =	simm.s32 $0x108;
	_ =	swait.ge @!p0 [sflag:s8], $0x0  }
0x24: {  	s3 =	sadd.s32 $0x88, s3;
	s6 =	simm.s32 @!p1 $0x1082;
	[sflag:s4] =	ssyncset.s32 $0xFFFFF086  }
0x25: {  	[simem:s6], [sflag:s4] =	dma.local [hbm:s3], $0xF7A  }
0x26: {  	[smem:$0x3F8C] =	sst s1;
	(tag) =	ssettag s2;
	_ =	strace s9  }
0x27: {  	s1 =	sld [smem:$0x3F9C]  }
0x28: {  	s2 =	sld [smem:$0x3F9D]  }
0x29: {  	s4 =	sld [smem:$0x3F9F]  }
0x2a: {  	p0 =	seq.s32 s5, $0x0;
	s5 =	sld [smem:$0x3FA0]  }
0x2b: {  	s6 =	sld [smem:$0x3FA1]  }
0x2c: {  	s7 =	sld [smem:$0x3FA2]  }
0x2d: {  	s3 =	simm.s32 $0x108;
	s8 =	sld [smem:$0x3FA3]  }
0x2e: {  	s3 =	simm.s32 @!p0 $0x1082;
	s9 =	sld [smem:$0x3FA4]  }
0x2f: {  	lr =	sadd.s32 s0, s3;
	s0 =	sld [smem:$0x3F9B]  }
0x30: {  	s3 =	sld [smem:$0x3F9E]  }
0x31: {  	[smem:$0x3FA7] =	sst s10  }
0x32: {  	s10 =	sld [smem:$0x3FA5];
	_ =	sdelay $0x3  }
0x33: {  	p0 =	seq.s32 s10, $0x1;
	s10 =	sld [smem:$0x3FA7];
	_ =	sdelay $0x3  }
0x34: {  	[smem:$0x3FA7] =	sst s10  }
0x35: {  	s10 =	sld [smem:$0x3FA6];
	_ =	sdelay $0x3  }
0x36: {  	p1 =	seq.s32 s10, $0x1;
	s10 =	sld [smem:$0x3FA7];
	_ =	sdelay $0x3  }
0x37: {  	[smem:$0x3FA7] =	sst s10  }
0x38: {  	s10 =	sld [smem:$0x3FA8]  }
0x39: {  	_ = 	snop;
	(pc) =	sbr.ind lr, $3  }
0x3a: {  	_ = 	snop  }
0x3b: {  	_ = 	snop  }
0x3c: {  	p2 =	seq.s32 s10, $0x1;
	s10 =	sld [smem:$0x3FA7]  }
0x3d: {  	_ =	shalt  }
0x3e: {  	_ =	shalt  }
0x3f: {  	_ =	shalt  }
0x40: {  	_ =	shalt  }
0x41: {  	_ =	shalt  }
0x42: {  	_ =	shalt  }
0x43: {  	_ =	shalt  }
0x44: {  	_ =	shalt  }
0x45: {  	_ =	shalt  }
0x46: {  	_ =	shalt  }
0x47: {  	_ =	shalt  }
0x48: {  	_ =	shalt  }
0x49: {  	_ =	shalt  }
0x4a: {  	_ =	shalt  }
0x4b: {  	_ =	shalt  }
0x4c: {  	_ =	shalt  }
0x4d: {  	_ =	shalt  }
0x4e: {  	_ =	shalt  }
0x4f: {  	_ =	shalt  }
0x50: {  	_ =	shalt  }
0x51: {  	_ =	shalt  }
0x52: {  	_ =	shalt  }
0x53: {  	_ =	shalt  }
0x54: {  	_ =	shalt  }
0x55: {  	_ =	shalt  }
0x56: {  	_ =	shalt  }
0x57: {  	_ =	shalt  }
0x58: {  	_ =	shalt  }
0x59: {  	_ =	shalt  }
0x5a: {  	_ =	shalt  }
0x5b: {  	_ =	shalt  }
0x5c: {  	_ =	shalt  }
0x5d: {  	_ =	shalt  }
0x5e: {  	_ =	shalt  }
0x5f: {  	_ =	shalt  }
0x60: {  	_ =	shalt  }
0x61: {  	_ =	shalt  }
0x62: {  	_ =	shalt  }
0x63: {  	_ =	shalt  }
0x64: {  	_ =	shalt  }
0x65: {  	_ =	shalt  }
0x66: {  	_ =	shalt  }
0x67: {  	_ =	shalt  }
0x68: {  	_ =	shalt  }
0x69: {  	_ =	shalt  }
0x6a: {  	_ =	shalt  }
0x6b: {  	_ =	shalt  }
0x6c: {  	_ =	shalt  }
0x6d: {  	_ =	shalt  }
0x6e: {  	_ =	shalt  }
0x6f: {  	_ =	shalt  }
0x70: {  	_ =	shalt  }
0x71: {  	_ =	shalt  }
0x72: {  	_ =	shalt  }
0x73: {  	_ =	shalt  }
0x74: {  	_ =	shalt  }
0x75: {  	_ =	shalt  }
0x76: {  	_ =	shalt  }
0x77: {  	_ =	shalt  }
0x78: {  	_ =	shalt  }
0x79: {  	_ =	shalt  }
0x7a: {  	_ =	shalt  }
0x7b: {  	_ =	shalt  }
0x7c: {  	_ =	shalt  }
0x7d: {  	_ =	shalt  }
0x7e: {  	_ =	shalt  }
0x7f: {  	_ =	shalt  }
0x80: {  	_ =	shalt  }
0x81: {  	_ =	shalt  }
0x82: {  	_ =	shalt  }
0x83: {  	_ =	shalt  }
0x84: {  	_ =	shalt  }
0x85: {  	_ =	shalt  }
0x86: {  	_ =	shalt  }
0x87: {  	_ =	shalt  }
.Lfunc_end0:
.L_simem_size_0:
called_computation.2_lowered:
.L_overlay_start_0:
0x88: {  	s2 =	sld [smem:$0x3FD9]  }
0x89: {  	s3 =	sld [smem:$0x3FFE];
	_ =	sdelay $0x1  }
0x8a: {  	s1 =	srdreg.scid  }
0x8b: {  	s0 =	sand.u32 $0x1, s1  }
0x8c: {  	s16 =	sshll.u32 s0, $0xA;
	s2 =	sadd.s32 s3, s2  }
0x8d: {  	s2 =	sadd.s32 s2, s16  }
0x8e: {  	[smem:$0x3FB3] =	sst s2  }
0x8f: {  	_ = 	snop  }
0x90: {  	(tm) =	ssettm $0x1  }
0x91: {  	s17 =	sld [smem:$0x3FFB];
	_ =	sdelay $0x3  }
0x92: {  	_ =	strace s17  }
0x93: {  	s2 =	sld [smem:$0x3FFC];
	_ =	sdelay $0x3  }
0x94: {  	_ =	strace s2  }
0x95: {  	s2 =	sld [smem:$0x3FFD];
	_ =	sdelay $0x3  }
0x96: {  	_ =	strace s2  }
0x97: {  	_ =	strace $0x8FFFFFFF  }
0x98: {  	s18 =	sld [smem:$0x3FDB];
	_ =	sdelay $0x1  }
0x99: {  	s19 =	simm.s32 $_scs_section_size  }
0x9a: {  	s4 =	simm.s32 $_size__tile_overlayer_lowered;
	s5 =	simm.s32 $_tile_overlayer_lowered  }
0x9b: {  	s22 =	simm.s32 $0x1BFF;
	s21 =	sshll.u32 s5, $0x1;
	s2 =	sadd.s32 s19, s18  }
0x9c: {  	s6 =	simm.s32 $0x0;
	s20 =	sshll.u32 s4, $0x1;
	s4 =	sadd.s32 s21, s2  }
0x9d: {  	[timem:s6], [sflag:s22] =	dma.local [hbm:s4], s20  }
0x9e: {  	_ =	swait.ge [sflag:s22], s20  }
0x9f: {  	s3 =	ssub.s32 $0x0, s20;
	[sflag:s22] =	ssyncset.done $0x0  }
0xa0: {  	[sflag:s22] =	ssyncadd.s32 s3;
	_ =	sdelay $0x1  }
0xa1: {  	s23 =	simm.s32 $0x1B8B  }
0xa2: {  	_ =	swait.ge [sflag:s23], $0x1  }
0xa3: {  	[sflag:s23] =	ssyncset.done $0x0  }
0xa4: {  	s25 =	simm.s32 $0x1B8E;
	s24 =	sld [smem:$0x3FFE];
	[sflag:s23] =	ssyncadd.s32 $0xFFFFFFFF  }
0xa5: {  	s26 =	simm.s32 $execute0_lowered;
	[smem:$0x3FD2] =	sst s25  }
0xa6: {  	s4 =	sshll.u32 s26, $0x1;
	_ =	strace $0x8000004C;
	[dreg:$0x1] =	wrdreg $0xFFFFFFFF  }
0xa7: {  	s28 =	simm.s32 $_size_execute0_lowered;
	s2 =	sadd.s32 s2, s4;
	[dreg:$0x0] =	wrdreg $0x0  }
0xa8: {  	s4 =	sshll.u32 s28, $0x1;
	[dreg:$0x2] =	wrdreg s2  }
0xa9: {  	[dreg:$0x3] =	wrdreg s4  }
0xaa: {  	[dreg:$0x4] =	wrdreg $0xC0  }
0xab: {  	_ =	task [dreg:s6], $0x5FFFF  }
0xac: {  	[dreg:$0x1] =	wrdreg $0xFFFFFFFF  }
0xad: {  	[dreg:$0x0] =	wrdreg $0x60  }
0xae: {  	[dreg:$0x2] =	wrdreg s24  }
0xaf: {  	[dreg:$0x3] =	wrdreg $0x9  }
0xb0: {  	_ =	task.clear_ibuf [dreg:s6], $0x4FFFF;
	_ =	strace $0x9000004C  }
0xb1: {  	s29 =	simm.s32 $0x9;
	_ =	strace $0x8000004E  }
0xb2: {  	_ =	swait.ge [sflag:s29], $0x1  }
0xb3: {  	[sflag:s29] =	ssyncadd.s32 $0xFFFFFFFF  }
0xb4: {  	_ =	strace $0x9000004E  }
0xb5: {  	_ =	sfence  }
0xb6: {  	s30 =	sld [smem:$0x0];
	_ =	sdelay $0x2  }
0xb7: {  	s31 =	sshll.u32 s1, $0xD;
	s1 =	sshrl.u32 s1, $0x2  }
0xb8: {  	s3 =	sand.u32 $0x4000, s31;
	s1 =	sadd.s32 s1, s30  }
0xb9: {  	s0 =	sor.u32 s3, s0;
	s1 =	sshll.u32 s1, $0x11  }
0xba: {  	s0 =	sor.u32 s1, s0  }
0xbb: {  	s0 =	sadd.s32 $0x8F2B, s0  }
0xbc: {  	[sflag:s0] =	ssyncadd.remote.s32 $0x1  }
0xbd: {  	_ =	sfence.sel $0xFFFF  }
0xbe: {  	[dreg:$0x0] =	wrdreg $0xFFFFFFFF;
	(pc) =	sbr.abs _section_cstart, $3  }
0xbf: {  	[dreg:$0x1] =	wrdreg $0xFFFFFFFF  }
0xc0: {  	_ =	task.clear_ibuf [dreg:s6], $0x2FFFF;
	_ =	strace $0x9FFFFFFF  }
0xc1: {  	(tm) =	ssettm $0x7FFFFFFF  }
tec
execute0_lowered:
.L_overlay_start_1:
0x0: {  	(tag) =	ssettag $0x1  }
0x1: {  	s1 =	srdreg.scid;
	s0 =	stileid.u32  }
0x2: {  	s21 =	sand.u32 $0x1, s1;
	s30 =	sshll.u32 s0, $0x1  }
0x3: {  	s9 =	sor.u32 s21, s30  }
0x4: {  	s3 =	smul.u32 $0x1400, s9;
	_ =	sdelay $0x1  }
0x5: {  	s10 =	rddreg [dreg:$0x0];
	s2 =	simm.s32 $0x0;
	s3 =	sshrl.u32 s3, $0x3  }
0x6: {  	s4 =	simm.s32 $0x5;
	[smem:$0x7FF] =	sst s2;
	s19 =	sadd.s32 s3, s10  }
0x7: {  	s1 =	rddreg [dreg:$0x1];
	_ =	strace $0x8000004D;
	s3 =	sadd.s32 $0x36200, s19  }
0x8: {  	[tilespmem:s2], [sflag:$0x5] =	stream.linear.gather [hbm4b:s3+s2], $0x400, $0x38;
	[tilespmem:$0x10800] =	vst v63  }
0x9: {  	_ =	swait.ge [sflag:s4], $0x400  }
0xa: {  	s6 =	simm.s32 $0x400;
	[sflag:s4] =	ssyncset.done $0x0  }
0xb: {  	s7 =	simm.s32 $0x800;
	s5 =	sadd.s32 $0x3B200, s10;
	[sflag:s4] =	ssyncadd.s32 $0xFFFFFC00  }
0xc: {  	[tilespmem:s7], [sflag:$0x1] =	stream.indirect.gather [hbm4b:s5+s6], $0x20, s2, s6, $0xb8;
	[tilespmem:$0x10800] =	vst v63  }
0xd: {  	s8 =	sadd.s32 $0x36280, s19  }
0xe: {  	[tilespmem:s6], [sflag:$0x5] =	stream.linear.gather [hbm4b:s8+s2], $0x400, $0x38;
	[tilespmem:$0x10800] =	vst v63  }
0xf: {  	_ =	swait.ge [sflag:s4], $0x400  }
0x10: {  	[sflag:s4] =	ssyncset.done $0x0  }
0x11: {  	s11 =	smul.u32 $0x28000, s9;
	s9 =	simm.s32 $0x1;
	[sflag:s4] =	ssyncadd.s32 $0xFFFFFC00  }
0x12: {  	_ =	swait.ge [sflag:s9], $0x8000  }
0x13: {  	s11 =	sshrl.u32 s11, $0x3;
	[sflag:s9] =	ssyncset.done $0x0  }
0x14: {  	s22 =	sadd.s32 s11, s10;
	s10 =	simm.s32 $0x8800;
	[sflag:s9] =	ssyncadd.s32 $0xFFFF8000  }
0x15: {  	[tilespmem:s10], [sflag:$0x2] =	stream.indirect.gather [hbm4b:s5+s6], $0x20, s6, s6, $0xb8;
	[tilespmem:$0x10800] =	vst v63  }
0x16: {  	s11 =	sadd.s32 $0xE0200, s22  }
0x17: {  	[hbm4b:s11+s2] =	stream.linear.scatter [tilespmem:s7], [sflag:$0x3], $0x8000, $0x38;
	[tilespmem:$0x10800] =	vst v63  }
0x18: {  	s12 =	sadd.s32 $0x36300, s19  }
0x19: {  	[tilespmem:s2], [sflag:$0x5] =	stream.linear.gather [hbm4b:s12+s2], $0x400, $0x38;
	[tilespmem:$0x10800] =	vst v63  }
0x1a: {  	_ =	swait.ge [sflag:s4], $0x400  }
0x1b: {  	[sflag:s4] =	ssyncset.done $0x0  }
0x1c: {  	s13 =	simm.s32 $0x2;
	[sflag:s4] =	ssyncadd.s32 $0xFFFFFC00  }
0x1d: {  	_ =	swait.ge [sflag:s13], $0x8000  }
0x1e: {  	[sflag:s13] =	ssyncset.done $0x0  }
0x1f: {  	s14 =	simm.s32 $0x3;
	[sflag:s13] =	ssyncadd.s32 $0xFFFF8000  }
0x20: {  	_ =	swait.ge [sflag:s14], $0x8000  }
0x21: {  	[sflag:s14] =	ssyncset.done $0x0  }
0x22: {  	[sflag:s14] =	ssyncadd.s32 $0xFFFF8000  }
0x23: {  	[tilespmem:s7], [sflag:$0x1] =	stream.indirect.gather [hbm4b:s5+s6], $0x20, s2, s6, $0xb8;
	[tilespmem:$0x10800] =	vst v63  }
0x24: {  	s15 =	sadd.s32 $0xE1200, s22  }
0x25: {  	[hbm4b:s15+s2] =	stream.linear.scatter [tilespmem:s10], [sflag:$0x4], $0x8000, $0x38;
	[tilespmem:$0x10800] =	vst v63  }
0x26: {  	s16 =	sadd.s32 $0x36380, s19  }
0x27: {  	[tilespmem:s6], [sflag:$0x5] =	stream.linear.gather [hbm4b:s16+s2], $0x400, $0x38;
	[tilespmem:$0x10800] =	vst v63  }
0x28: {  	_ =	swait.ge [sflag:s4], $0x400  }
0x29: {  	[sflag:s4] =	ssyncset.done $0x0  }
0x2a: {  	[sflag:s4] =	ssyncadd.s32 $0xFFFFFC00  }
0x2b: {  	_ =	swait.ge [sflag:s9], $0x8000  }
0x2c: {  	[sflag:s9] =	ssyncset.done $0x0  }
0x2d: {  	s17 =	simm.s32 $0x4;
	[sflag:s9] =	ssyncadd.s32 $0xFFFF8000  }
0x2e: {  	_ =	swait.ge [sflag:s17], $0x8000  }
0x2f: {  	[sflag:s17] =	ssyncset.done $0x0  }
0x30: {  	[sflag:s17] =	ssyncadd.s32 $0xFFFF8000  }
0x31: {  	[tilespmem:s10], [sflag:$0x2] =	stream.indirect.gather [hbm4b:s5+s6], $0x20, s6, s6, $0xb8;
	[tilespmem:$0x10800] =	vst v63  }
0x32: {  	s18 =	sadd.s32 $0xE2200, s22  }
0x33: {  	[hbm4b:s18+s2] =	stream.linear.scatter [tilespmem:s7], [sflag:$0x3], $0x8000, $0x38;
	[tilespmem:$0x10800] =	vst v63  }
0x34: {  	s19 =	sadd.s32 $0x36400, s19  }
0x35: {  	[tilespmem:s2], [sflag:$0x5] =	stream.linear.gather [hbm4b:s19+s2], $0x400, $0x38;
	[tilespmem:$0x10800] =	vst v63  }
0x36: {  	_ =	swait.ge [sflag:s4], $0x400  }
0x37: {  	[sflag:s4] =	ssyncset.done $0x0  }
0x38: {  	[sflag:s4] =	ssyncadd.s32 $0xFFFFFC00  }
0x39: {  	_ =	swait.ge [sflag:s13], $0x8000  }
0x3a: {  	[sflag:s13] =	ssyncset.done $0x0  }
0x3b: {  	[sflag:s13] =	ssyncadd.s32 $0xFFFF8000  }
0x3c: {  	_ =	swait.ge [sflag:s14], $0x8000  }
0x3d: {  	[sflag:s14] =	ssyncset.done $0x0  }
0x3e: {  	s23 =	ssub.s32 $0x2, s21;
	[sflag:s14] =	ssyncadd.s32 $0xFFFF8000  }
0x3f: {  	[tilespmem:s7], [sflag:$0x1] =	stream.indirect.gather [hbm4b:s5+s6], $0x20, s2, s6, $0xb8;
	[tilespmem:$0x10800] =	vst v63  }
0x40: {  	s31 =	sshrl.u32 s23, $0x1;
	s20 =	sadd.s32 $0xE3200, s22  }
0x41: {  	[hbm4b:s20+s2] =	stream.linear.scatter [tilespmem:s10], [sflag:$0x4], $0x8000, $0x38;
	[tilespmem:$0x10800] =	vst v63  }
0x42: {  	s21 =	sadd.s32 $0xE4200, s22;
	s22 =	ssub.s32 s23, s31;
	_ =	swait.ge [sflag:s9], $0x8000  }
0x43: {  	s22 =	smax.u32 s22, $0x1;
	[sflag:s9] =	ssyncset.done $0x0  }
0x44: {  	p0 =	sne.s32 s22, $0x1;
	[sflag:s9] =	ssyncadd.s32 $0xFFFF8000  }
0x45: {  	[hbm4b:s21+s2] =	stream.linear.scatter [tilespmem:s7], [sflag:$0x3], $0x8000, $0x38;
	[tilespmem:$0x10800] =	vst v63  }
.Ltmp0:
0x46: {  	_ =	swait.ge [sflag:s14], $0x8000;
	(pc) =	sbr.rel @!p0 .LBB2_2-.Ltmp0, $4  }
0x47: {  	[sflag:s14] =	ssyncset.done $0x0  }
0x48: {  	[sflag:s14] =	ssyncadd.s32 $0xFFFF8000  }
0x49: {  	_ =	swait.ge [sflag:s17], $0x8000  }
0x4a: {  	s22 =	sadd.s32 $0xFFFFFFFF, s22;
	[sflag:s17] =	ssyncset.done $0x0  }
.LBB2_1:
0x4b: {  	p0 =	sne.s32 s22, $0x1;
	s22 =	sadd.s32 $0xFFFFFFFF, s22;
	[sflag:s17] =	ssyncadd.s32 $0xFFFF8000  }
0x4c: {  	[tilespmem:s2], [sflag:$0x5] =	stream.linear.gather [hbm4b:s3+s2], $0x400, $0x38;
	[tilespmem:$0x10800] =	vst v63  }
0x4d: {  	_ =	swait.ge [sflag:s4], $0x400  }
0x4e: {  	[sflag:s4] =	ssyncset.done $0x0  }
0x4f: {  	[sflag:s4] =	ssyncadd.s32 $0xFFFFFC00  }
0x50: {  	[tilespmem:s7], [sflag:$0x1] =	stream.indirect.gather [hbm4b:s5+s6], $0x20, s2, s6, $0xb8;
	[tilespmem:$0x10800] =	vst v63  }
0x51: {  	_ = 	snop  }
0x52: {  	[tilespmem:s6], [sflag:$0x5] =	stream.linear.gather [hbm4b:s8+s2], $0x400, $0x38;
	[tilespmem:$0x10800] =	vst v63  }
0x53: {  	_ =	swait.ge [sflag:s4], $0x400  }
0x54: {  	[sflag:s4] =	ssyncset.done $0x0  }
0x55: {  	[sflag:s4] =	ssyncadd.s32 $0xFFFFFC00  }
0x56: {  	_ =	swait.ge [sflag:s9], $0x8000  }
0x57: {  	[sflag:s9] =	ssyncset.done $0x0  }
0x58: {  	[sflag:s9] =	ssyncadd.s32 $0xFFFF8000  }
0x59: {  	[tilespmem:s10], [sflag:$0x2] =	stream.indirect.gather [hbm4b:s5+s6], $0x20, s6, s6, $0xb8;
	[tilespmem:$0x10800] =	vst v63  }
0x5a: {  	_ = 	snop  }
0x5b: {  	[hbm4b:s11+s2] =	stream.linear.scatter [tilespmem:s7], [sflag:$0x3], $0x8000, $0x38;
	[tilespmem:$0x10800] =	vst v63  }
0x5c: {  	_ = 	snop  }
0x5d: {  	[tilespmem:s2], [sflag:$0x5] =	stream.linear.gather [hbm4b:s12+s2], $0x400, $0x38;
	[tilespmem:$0x10800] =	vst v63  }
0x5e: {  	_ =	swait.ge [sflag:s4], $0x400  }
0x5f: {  	[sflag:s4] =	ssyncset.done $0x0  }
0x60: {  	[sflag:s4] =	ssyncadd.s32 $0xFFFFFC00  }
0x61: {  	_ =	swait.ge [sflag:s13], $0x8000  }
0x62: {  	[sflag:s13] =	ssyncset.done $0x0  }
0x63: {  	[sflag:s13] =	ssyncadd.s32 $0xFFFF8000  }
0x64: {  	_ =	swait.ge [sflag:s14], $0x8000  }
0x65: {  	[sflag:s14] =	ssyncset.done $0x0  }
0x66: {  	[sflag:s14] =	ssyncadd.s32 $0xFFFF8000  }
0x67: {  	[tilespmem:s7], [sflag:$0x1] =	stream.indirect.gather [hbm4b:s5+s6], $0x20, s2, s6, $0xb8;
	[tilespmem:$0x10800] =	vst v63  }
0x68: {  	_ = 	snop  }
0x69: {  	[hbm4b:s15+s2] =	stream.linear.scatter [tilespmem:s10], [sflag:$0x4], $0x8000, $0x38;
	[tilespmem:$0x10800] =	vst v63  }
0x6a: {  	_ = 	snop  }
0x6b: {  	[tilespmem:s6], [sflag:$0x5] =	stream.linear.gather [hbm4b:s16+s2], $0x400, $0x38;
	[tilespmem:$0x10800] =	vst v63  }
0x6c: {  	_ =	swait.ge [sflag:s4], $0x400  }
0x6d: {  	[sflag:s4] =	ssyncset.done $0x0  }
0x6e: {  	[sflag:s4] =	ssyncadd.s32 $0xFFFFFC00  }
0x6f: {  	_ =	swait.ge [sflag:s9], $0x8000  }
0x70: {  	[sflag:s9] =	ssyncset.done $0x0  }
0x71: {  	[sflag:s9] =	ssyncadd.s32 $0xFFFF8000  }
0x72: {  	_ =	swait.ge [sflag:s17], $0x8000  }
0x73: {  	[sflag:s17] =	ssyncset.done $0x0  }
0x74: {  	[sflag:s17] =	ssyncadd.s32 $0xFFFF8000  }
0x75: {  	[tilespmem:s10], [sflag:$0x2] =	stream.indirect.gather [hbm4b:s5+s6], $0x20, s6, s6, $0xb8;
	[tilespmem:$0x10800] =	vst v63  }
0x76: {  	_ = 	snop  }
0x77: {  	[hbm4b:s18+s2] =	stream.linear.scatter [tilespmem:s7], [sflag:$0x3], $0x8000, $0x38;
	[tilespmem:$0x10800] =	vst v63  }
0x78: {  	_ = 	snop  }
0x79: {  	[tilespmem:s2], [sflag:$0x5] =	stream.linear.gather [hbm4b:s19+s2], $0x400, $0x38;
	[tilespmem:$0x10800] =	vst v63  }
0x7a: {  	_ =	swait.ge [sflag:s4], $0x400  }
0x7b: {  	[sflag:s4] =	ssyncset.done $0x0  }
0x7c: {  	[sflag:s4] =	ssyncadd.s32 $0xFFFFFC00  }
0x7d: {  	_ =	swait.ge [sflag:s13], $0x8000  }
0x7e: {  	[sflag:s13] =	ssyncset.done $0x0  }
0x7f: {  	[sflag:s13] =	ssyncadd.s32 $0xFFFF8000  }
0x80: {  	_ =	swait.ge [sflag:s14], $0x8000  }
0x81: {  	[sflag:s14] =	ssyncset.done $0x0  }
0x82: {  	[sflag:s14] =	ssyncadd.s32 $0xFFFF8000  }
0x83: {  	[tilespmem:s7], [sflag:$0x1] =	stream.indirect.gather [hbm4b:s5+s6], $0x20, s2, s6, $0xb8;
	[tilespmem:$0x10800] =	vst v63  }
0x84: {  	_ = 	snop  }
0x85: {  	[hbm4b:s20+s2] =	stream.linear.scatter [tilespmem:s10], [sflag:$0x4], $0x8000, $0x38;
	[tilespmem:$0x10800] =	vst v63  }
0x86: {  	_ =	swait.ge [sflag:s9], $0x8000  }
0x87: {  	[sflag:s9] =	ssyncset.done $0x0  }
0x88: {  	[sflag:s9] =	ssyncadd.s32 $0xFFFF8000  }
0x89: {  	[hbm4b:s21+s2] =	stream.linear.scatter [tilespmem:s7], [sflag:$0x3], $0x8000, $0x38;
	[tilespmem:$0x10800] =	vst v63  }
.Ltmp1:
0x8a: {  	_ =	swait.ge [sflag:s14], $0x8000;
	(pc) =	sbr.rel @p0 .LBB2_1-.Ltmp1, $4  }
0x8b: {  	[sflag:s14] =	ssyncset.done $0x0  }
0x8c: {  	[sflag:s14] =	ssyncadd.s32 $0xFFFF8000  }
0x8d: {  	_ =	swait.ge [sflag:s17], $0x8000  }
0x8e: {  	[sflag:s17] =	ssyncset.done $0x0  }
.LBB2_2:
0x8f: {  	[sflag:s17] =	ssyncadd.s32 $0xFFFF8000  }
0x90: {  	_ =	sfence.sel $0x180000  }
0x91: {  	[bflag:$0x0] =	sbarrier.arrive $0xFFFF  }
0x92: {  	p0 =	sne.s32 s0, $0x0;
	_ =	strace $0x9000004D  }
0x93: {  	s0 =	sadd.s32 @!p0 $0x100000, s1;
	[bflag:$0x2] =	sbarrier.arrive $0xFFFF  }
0x94: {  	[sflag:s0] =	ssyncadd.tile.s32 @!p0 $0x1;
	_ =	shalt  }
.Lfunc_end2:
_tile_overlayer_lowered:
.L_overlay_start_2:
0x95: {  	(tag) =	ssettag $0x2  }
0x96: {  	s0 =	rddreg [dreg:$0x0];
	s2 =	stileid.u32  }
0x97: {  	s1 =	rddreg [dreg:$0x1];
	p0 =	sne.s32 s2, $0x0  }
0x98: {  	s3 =	rddreg [dreg:$0x2];
	[bflag:$0x3] =	sbarrier.arrive $0xFFFF;
	s2 =	simm.s32 @!p0 $0x1C05  }
0x99: {  	[timem:s3], [sflag:s2] =	dma.local @!p0 [hbm:s0], s1  }
0x9a: {  	s0 =	simm.s32 @!p0 $0x5  }
0x9b: {  	_ =	swait.ge @!p0 [sflag:s0], s1  }
0x9c: {  	s1 =	ssub.s32 @!p0 $0x0, s1;
	[sflag:s0] =	ssyncset.done @!p0 $0x0  }
0x9d: {  	[sflag:s0] =	ssyncadd.s32 @!p0 s1  }
0x9e: {  	[bflag:$0x3] =	sbarrier.arrive $0xFFFF  }
0x9f: {  	_ =	shalt  }

// kernel: kernel.26.cloned.1.call-start
scs
__scs_entry_jumppad:
0x0: {  	(pc) =	sbr.rel $0x88, $3  }
0x1: {  	(tag) =	ssettag $0x0;
	lr =	simm.s32 $0x1  }
0x2: {  	[smem:$0x3F8C] =	sst lr;
	_ =	strace $0xD0000000  }
0x3: {  	_ = 	snop  }
0x4: {  	_ = 	snop  }
0x5: {  	_ = 	snop  }
0x6: {  	_ = 	snop  }
0x7: {  	_ = 	snop  }
__scs_overlays_trampoline_lowered:
0x8: {  	[smem:$0x3F9B] =	sst s0  }
0x9: {  	[smem:$0x3F9C] =	sst s1  }
0xa: {  	[smem:$0x3F9D] =	sst s2  }
0xb: {  	[smem:$0x3F9E] =	sst s3  }
0xc: {  	[smem:$0x3F9F] =	sst s4  }
0xd: {  	[smem:$0x3FA0] =	sst s5  }
0xe: {  	[smem:$0x3FA1] =	sst s6  }
0xf: {  	[smem:$0x3FA2] =	sst s7  }
0x10: {  	[smem:$0x3FA3] =	sst s8  }
0x11: {  	[smem:$0x3FA4] =	sst s9;
	s0 =	simm.s32 @!p0 $0x0  }
0x12: {  	s1 =	sld [smem:$0x3F8A];
	s0 =	simm.s32 @p0 $0x1  }
0x13: {  	[smem:$0x3FA5] =	sst s0;
	s0 =	simm.s32 @!p1 $0x0  }
0x14: {  	s2 =	sld [smem:$0x3F89];
	s0 =	simm.s32 @p1 $0x1  }
0x15: {  	[smem:$0x3FA6] =	sst s0;
	s0 =	simm.s32 @!p2 $0x0  }
0x16: {  	s3 =	sld [smem:$0x3FDB];
	s0 =	simm.s32 @p2 $0x1  }
0x17: {  	s4 =	simm.s32 $0x1BF5;
	[smem:$0x3FA8] =	sst s0  }
0x18: {  	s0 =	sld [smem:$0x3F8B];
	_ =	swait.ge [sflag:s4], $0x0  }
0x19: {  	s7 =	sld [smem:$0x3F8C]  }
0x1a: {  	s8 =	sadd.s32 $0xFFFFE003, lr  }
0x1b: {  	s9 =	sadd.s32 $0xFFFFFEF7, lr;
	s5 =	simm.s32 $0xFFFFFFFF;
	p2 =	slt.u32 s8, $0xFFFFF086  }
0x1c: {  	p1 =	slt.u32 s9, $0xF7A;
	s5 =	simm.s32 @!p2 $0x0  }
0x1d: {  	s5 =	simm.s32 @p1 $0x1;
	p0 =	seq.s32 s7, s2  }
0x1e: {  	s7 =	smul.u32 @!p0 $0xF7A, s2;
	p2 =	seq.s32 @!p0 s5, $0x0  }
0x1f: {  	s9 =	smul.u32 $0xF7A, s1;
	s8 =	simm.s32 @!p0 $0x1BF5;
	p2 =	por !p2, p0  }
0x20: {  	[sflag:s8] =	ssyncset.s32 @!p0 $0xFFFFF086;
	s6 =	sadd.s32 @!p0 s3, s7;
	s7 =	simm.s32 @!p0 $0x108  }
0x21: {  	s3 =	sadd.s32 s3, s9;
	s6 =	sadd.s32 @!p0 $0x88, s6;
	s7 =	simm.s32 @p2 $0x1082  }
0x22: {  	[simem:s7], [sflag:s8] =	dma.local @!p0 [hbm:s6], $0xF7A  }
0x23: {  	s9 =	sor.u32 $0xD0000000, s2;
	s6 =	simm.s32 $0x108;
	_ =	swait.ge @!p0 [sflag:s8], $0x0  }
0x24: {  	s3 =	sadd.s32 $0x88, s3;
	s6 =	simm.s32 @!p1 $0x1082;
	[sflag:s4] =	ssyncset.s32 $0xFFFFF086  }
0x25: {  	[simem:s6], [sflag:s4] =	dma.local [hbm:s3], $0xF7A  }
0x26: {  	[smem:$0x3F8C] =	sst s1;
	(tag) =	ssettag s2;
	_ =	strace s9  }
0x27: {  	s1 =	sld [smem:$0x3F9C]  }
0x28: {  	s2 =	sld [smem:$0x3F9D]  }
0x29: {  	s4 =	sld [smem:$0x3F9F]  }
0x2a: {  	p0 =	seq.s32 s5, $0x0;
	s5 =	sld [smem:$0x3FA0]  }
0x2b: {  	s6 =	sld [smem:$0x3FA1]  }
0x2c: {  	s7 =	sld [smem:$0x3FA2]  }
0x2d: {  	s3 =	simm.s32 $0x108;
	s8 =	sld [smem:$0x3FA3]  }
0x2e: {  	s3 =	simm.s32 @!p0 $0x1082;
	s9 =	sld [smem:$0x3FA4]  }
0x2f: {  	lr =	sadd.s32 s0, s3;
	s0 =	sld [smem:$0x3F9B]  }
0x30: {  	s3 =	sld [smem:$0x3F9E]  }
0x31: {  	[smem:$0x3FA7] =	sst s10  }
0x32: {  	s10 =	sld [smem:$0x3FA5];
	_ =	sdelay $0x3  }
0x33: {  	p0 =	seq.s32 s10, $0x1;
	s10 =	sld [smem:$0x3FA7];
	_ =	sdelay $0x3  }
0x34: {  	[smem:$0x3FA7] =	sst s10  }
0x35: {  	s10 =	sld [smem:$0x3FA6];
	_ =	sdelay $0x3  }
0x36: {  	p1 =	seq.s32 s10, $0x1;
	s10 =	sld [smem:$0x3FA7];
	_ =	sdelay $0x3  }
0x37: {  	[smem:$0x3FA7] =	sst s10  }
0x38: {  	s10 =	sld [smem:$0x3FA8]  }
0x39: {  	_ = 	snop;
	(pc) =	sbr.ind lr, $3  }
0x3a: {  	_ = 	snop  }
0x3b: {  	_ = 	snop  }
0x3c: {  	p2 =	seq.s32 s10, $0x1;
	s10 =	sld [smem:$0x3FA7]  }
0x3d: {  	_ =	shalt  }
0x3e: {  	_ =	shalt  }
0x3f: {  	_ =	shalt  }
0x40: {  	_ =	shalt  }
0x41: {  	_ =	shalt  }
0x42: {  	_ =	shalt  }
0x43: {  	_ =	shalt  }
0x44: {  	_ =	shalt  }
0x45: {  	_ =	shalt  }
0x46: {  	_ =	shalt  }
0x47: {  	_ =	shalt  }
0x48: {  	_ =	shalt  }
0x49: {  	_ =	shalt  }
0x4a: {  	_ =	shalt  }
0x4b: {  	_ =	shalt  }
0x4c: {  	_ =	shalt  }
0x4d: {  	_ =	shalt  }
0x4e: {  	_ =	shalt  }
0x4f: {  	_ =	shalt  }
0x50: {  	_ =	shalt  }
0x51: {  	_ =	shalt  }
0x52: {  	_ =	shalt  }
0x53: {  	_ =	shalt  }
0x54: {  	_ =	shalt  }
0x55: {  	_ =	shalt  }
0x56: {  	_ =	shalt  }
0x57: {  	_ =	shalt  }
0x58: {  	_ =	shalt  }
0x59: {  	_ =	shalt  }
0x5a: {  	_ =	shalt  }
0x5b: {  	_ =	shalt  }
0x5c: {  	_ =	shalt  }
0x5d: {  	_ =	shalt  }
0x5e: {  	_ =	shalt  }
0x5f: {  	_ =	shalt  }
0x60: {  	_ =	shalt  }
0x61: {  	_ =	shalt  }
0x62: {  	_ =	shalt  }
0x63: {  	_ =	shalt  }
0x64: {  	_ =	shalt  }
0x65: {  	_ =	shalt  }
0x66: {  	_ =	shalt  }
0x67: {  	_ =	shalt  }
0x68: {  	_ =	shalt  }
0x69: {  	_ =	shalt  }
0x6a: {  	_ =	shalt  }
0x6b: {  	_ =	shalt  }
0x6c: {  	_ =	shalt  }
0x6d: {  	_ =	shalt  }
0x6e: {  	_ =	shalt  }
0x6f: {  	_ =	shalt  }
0x70: {  	_ =	shalt  }
0x71: {  	_ =	shalt  }
0x72: {  	_ =	shalt  }
0x73: {  	_ =	shalt  }
0x74: {  	_ =	shalt  }
0x75: {  	_ =	shalt  }
0x76: {  	_ =	shalt  }
0x77: {  	_ =	shalt  }
0x78: {  	_ =	shalt  }
0x79: {  	_ =	shalt  }
0x7a: {  	_ =	shalt  }
0x7b: {  	_ =	shalt  }
0x7c: {  	_ =	shalt  }
0x7d: {  	_ =	shalt  }
0x7e: {  	_ =	shalt  }
0x7f: {  	_ =	shalt  }
0x80: {  	_ =	shalt  }
0x81: {  	_ =	shalt  }
0x82: {  	_ =	shalt  }
0x83: {  	_ =	shalt  }
0x84: {  	_ =	shalt  }
0x85: {  	_ =	shalt  }
0x86: {  	_ =	shalt  }
0x87: {  	_ =	shalt  }
.Lfunc_end0:
.L_simem_size_0:
called_computation.3_lowered:
.L_overlay_start_0:
0x88: {  	s2 =	sld [smem:$0x3FD9]  }
0x89: {  	s3 =	sld [smem:$0x3FFE];
	_ =	sdelay $0x1  }
0x8a: {  	s1 =	srdreg.scid  }
0x8b: {  	s0 =	sand.u32 $0x1, s1  }
0x8c: {  	s17 =	sshll.u32 s0, $0xA;
	s2 =	sadd.s32 s3, s2  }
0x8d: {  	s2 =	sadd.s32 s2, s17  }
0x8e: {  	[smem:$0x3FB3] =	sst s2  }
0x8f: {  	_ = 	snop  }
0x90: {  	s2 =	sld [smem:$0x3FD0];
	(tm) =	ssettm $0x1  }
0x91: {  	s18 =	sld [smem:$0x3FFB];
	_ =	sdelay $0x3  }
0x92: {  	_ =	strace s18  }
0x93: {  	s3 =	sld [smem:$0x3FFC];
	_ =	sdelay $0x3  }
0x94: {  	_ =	strace s3  }
0x95: {  	s3 =	sld [smem:$0x3FFD];
	_ =	sdelay $0x3  }
0x96: {  	_ =	strace s3  }
0x97: {  	_ =	strace $0x8FFFFFFF  }
0x98: {  	s19 =	sld [smem:$0x3FDB];
	_ =	sdelay $0x1  }
0x99: {  	s4 =	simm.s32 $_scs_section_size  }
0x9a: {  	s5 =	simm.s32 $_size__tile_overlayer_lowered;
	s6 =	simm.s32 $_tile_overlayer_lowered  }
0x9b: {  	s22 =	simm.s32 $0x1BFF;
	s21 =	sshll.u32 s6, $0x1;
	s3 =	sadd.s32 s4, s19  }
0x9c: {  	s7 =	simm.s32 $0x0;
	s20 =	sshll.u32 s5, $0x1;
	s5 =	sadd.s32 s21, s3  }
0x9d: {  	[timem:s7], [sflag:s22] =	dma.local [hbm:s5], s20  }
0x9e: {  	_ =	swait.ge [sflag:s22], s20  }
0x9f: {  	s4 =	ssub.s32 $0x0, s20;
	[sflag:s22] =	ssyncset.done $0x0  }
0xa0: {  	[sflag:s22] =	ssyncadd.s32 s4;
	_ =	sdelay $0x1  }
0xa1: {  	s23 =	simm.s32 $0x1B8B  }
0xa2: {  	_ =	swait.ge [sflag:s23], $0x1  }
0xa3: {  	[sflag:s23] =	ssyncset.done $0x0  }
0xa4: {  	s25 =	simm.s32 $0x1B8E;
	s24 =	sld [smem:$0x3FFE];
	[sflag:s23] =	ssyncadd.s32 $0xFFFFFFFF  }
0xa5: {  	s26 =	simm.s32 $execute0_lowered;
	[smem:$0x3FD2] =	sst s25  }
0xa6: {  	s5 =	sshll.u32 s26, $0x1;
	_ =	strace $0x8000004F;
	[dreg:$0x1] =	wrdreg $0xFFFFFFFF  }
0xa7: {  	s28 =	simm.s32 $_size_execute0_lowered;
	s3 =	sadd.s32 s3, s5;
	[dreg:$0x0] =	wrdreg $0x0  }
0xa8: {  	s5 =	sshll.u32 s28, $0x1;
	[dreg:$0x2] =	wrdreg s3  }
0xa9: {  	[dreg:$0x3] =	wrdreg s5  }
0xaa: {  	[dreg:$0x4] =	wrdreg $0xC0  }
0xab: {  	_ =	task [dreg:s7], $0x5FFFF  }
0xac: {  	[dreg:$0x1] =	wrdreg $0xFFFFFFFF  }
0xad: {  	[dreg:$0x0] =	wrdreg $0x60  }
0xae: {  	[dreg:$0x2] =	wrdreg s24  }
0xaf: {  	[dreg:$0x3] =	wrdreg s2  }
0xb0: {  	[dreg:$0x4] =	wrdreg $0x108000  }
0xb1: {  	[dreg:$0x5] =	wrdreg $0x9  }
0xb2: {  	_ =	task.clear_ibuf [dreg:s7], $0x6FFFF;
	_ =	strace $0x9000004F  }
0xb3: {  	s29 =	simm.s32 $0x9;
	_ =	strace $0x80000051  }
0xb4: {  	_ =	swait.ge [sflag:s29], $0x1  }
0xb5: {  	[sflag:s29] =	ssyncadd.s32 $0xFFFFFFFF  }
0xb6: {  	_ =	strace $0x90000051  }
0xb7: {  	_ =	sfence  }
0xb8: {  	s30 =	sld [smem:$0x0];
	_ =	sdelay $0x2  }
0xb9: {  	s31 =	sshll.u32 s1, $0xD;
	s1 =	sshrl.u32 s1, $0x2  }
0xba: {  	s3 =	sand.u32 $0x4000, s31;
	s1 =	sadd.s32 s1, s30  }
0xbb: {  	s0 =	sor.u32 s3, s0;
	s1 =	sshll.u32 s1, $0x11  }
0xbc: {  	s0 =	sor.u32 s1, s0  }
0xbd: {  	s0 =	sadd.s32 $0x8F2B, s0  }
0xbe: {  	[sflag:s0] =	ssyncadd.remote.s32 $0x1  }
0xbf: {  	_ =	sfence.sel $0xFFFF  }
0xc0: {  	[dreg:$0x0] =	wrdreg $0xFFFFFFFF;
	(pc) =	sbr.abs _section_cstart, $3  }
0xc1: {  	[dreg:$0x1] =	wrdreg $0xFFFFFFFF  }
0xc2: {  	_ =	task.clear_ibuf [dreg:s7], $0x2FFFF;
	_ =	strace $0x9FFFFFFF  }
0xc3: {  	(tm) =	ssettm $0x7FFFFFFF  }
tec
execute0_lowered:
.L_overlay_start_1:
0x0: {  	(tag) =	ssettag $0x1  }
0x1: {  	s1 =	srdreg.scid;
	s0 =	stileid.u32  }
0x2: {  	s23 =	rddreg [dreg:$0x0];
	s24 =	sand.u32 $0x1, s1;
	s30 =	sshll.u32 s0, $0x1  }
0x3: {  	s2 =	rddreg [dreg:$0x1];
	s1 =	sor.u32 s24, s30  }
0x4: {  	s3 =	rddreg [dreg:$0x2];
	s4 =	simm.s32 $0x0;
	s6 =	smul.u32 $0x1400, s1  }
0x5: {  	[smem:$0x7FF] =	sst s4;
	s5 =	smul.u32 $0x28000, s1  }
0x6: {  	s25 =	smul.u32 $0x5000, s0;
	s1 =	rddreg [dreg:$0x3];
	s6 =	sshrl.u32 s6, $0x3  }
0x7: {  	_ =	strace $0x80000050;
	s5 =	sshrl.u32 s5, $0x3;
	s21 =	sadd.s32 s6, s23  }
0x8: {  	s22 =	sadd.s32 s5, s23;
	s5 =	simm.s32 $0x3;
	s6 =	sadd.s32 $0xDB200, s21  }
0x9: {  	[tilespmem:s4], [sflag:$0x3] =	stream.linear.gather [hbm4b:s6+s4], $0x400, $0x38;
	[tilespmem:$0x15800] =	vst v63  }
0xa: {  	s8 =	simm.s32 $0x800;
	s9 =	sshll.u32 s0, $0x6;
	_ =	swait.ge [sflag:s5], $0x400  }
0xb: {  	s9 =	sor.u32 $0x1C03, s9;
	s10 =	sadd.s32 s25, s3;
	[sflag:s5] =	ssyncset.done $0x0  }
0xc: {  	s10 =	sshrl.u32 s10, $0x3;
	s7 =	sadd.s32 $0x3B200, s22;
	[sflag:s5] =	ssyncadd.s32 $0xFFFFFC00  }
0xd: {  	[tilespmem:s8], [sflag:$0x1] =	stream.linear.gather [hbm4b:s7+s4], $0x8000, $0x38;
	[tilespmem:$0x15800] =	vst v63  }
0xe: {  	[spmem:s10], [sflag:s9] =	dma.local [hbm:s2], $0xA00  }
0xf: {  	_ =	swait.ge [sflag:s5], $0xA00  }
0x10: {  	[sflag:s5] =	ssyncset.done $0x0  }
0x11: {  	[sflag:s5] =	ssyncadd.s32 $0xFFFFF600  }
0x12: {  	s12 =	simm.s32 $0x400;
	s11 =	sadd.s32 $0xDB280, s21;
	[bflag:$0x0] =	sbarrier.arrive $0xFFFF  }
0x13: {  	[tilespmem:s12], [sflag:$0x3] =	stream.linear.gather [hbm4b:s11+s4], $0x400, $0x38;
	[tilespmem:$0x15800] =	vst v63  }
0x14: {  	_ =	swait.ge [sflag:s5], $0x400  }
0x15: {  	s14 =	simm.s32 $0x8800;
	[sflag:s5] =	ssyncset.done $0x0  }
0x16: {  	s15 =	simm.s32 $0x1;
	s13 =	sadd.s32 $0x3C200, s22;
	[sflag:s5] =	ssyncadd.s32 $0xFFFFFC00  }
0x17: {  	[tilespmem:s14], [sflag:$0x2] =	stream.linear.gather [hbm4b:s13+s4], $0x8000, $0x38;
	[tilespmem:$0x15800] =	vst v63  }
0x18: {  	_ =	swait.ge [sflag:s15], $0x8000  }
0x19: {  	[sflag:s15] =	ssyncset.done $0x0  }
0x1a: {  	[sflag:s15] =	ssyncadd.s32 $0xFFFF8000  }
0x1b: {  	[spmem:s3] =	stream.indirect.scatter.add.f32 [tilespmem:s8], [sflag:$0x3], $0x20, s4, s12, $0xb8;
	[tilespmem:$0x15800] =	vst v63  }
0x1c: {  	_ =	swait.ge [sflag:s5], $0x8000  }
0x1d: {  	[sflag:s5] =	ssyncset.done $0x0  }
0x1e: {  	s16 =	sadd.s32 $0xDB300, s21;
	[sflag:s5] =	ssyncadd.s32 $0xFFFF8000  }
0x1f: {  	[tilespmem:s4], [sflag:$0x3] =	stream.linear.gather [hbm4b:s16+s4], $0x400, $0x38;
	[tilespmem:$0x15800] =	vst v63  }
0x20: {  	_ =	swait.ge [sflag:s5], $0x400  }
0x21: {  	[sflag:s5] =	ssyncset.done $0x0  }
0x22: {  	s18 =	simm.s32 $0x2;
	s17 =	sadd.s32 $0x3D200, s22;
	[sflag:s5] =	ssyncadd.s32 $0xFFFFFC00  }
0x23: {  	[tilespmem:s8], [sflag:$0x1] =	stream.linear.gather [hbm4b:s17+s4], $0x8000, $0x38;
	[tilespmem:$0x15800] =	vst v63  }
0x24: {  	_ =	swait.ge [sflag:s18], $0x8000  }
0x25: {  	[sflag:s18] =	ssyncset.done $0x0  }
0x26: {  	[sflag:s18] =	ssyncadd.s32 $0xFFFF8000  }
0x27: {  	[spmem:s3] =	stream.indirect.scatter.add.f32 [tilespmem:s14], [sflag:$0x3], $0x20, s12, s12, $0xb8;
	[tilespmem:$0x15800] =	vst v63  }
0x28: {  	_ =	swait.ge [sflag:s5], $0x8000  }
0x29: {  	[sflag:s5] =	ssyncset.done $0x0  }
0x2a: {  	s19 =	sadd.s32 $0xDB380, s21;
	[sflag:s5] =	ssyncadd.s32 $0xFFFF8000  }
0x2b: {  	[tilespmem:s12], [sflag:$0x3] =	stream.linear.gather [hbm4b:s19+s4], $0x400, $0x38;
	[tilespmem:$0x15800] =	vst v63  }
0x2c: {  	_ =	swait.ge [sflag:s5], $0x400  }
0x2d: {  	[sflag:s5] =	ssyncset.done $0x0  }
0x2e: {  	s20 =	sadd.s32 $0x3E200, s22;
	[sflag:s5] =	ssyncadd.s32 $0xFFFFFC00  }
0x2f: {  	[tilespmem:s14], [sflag:$0x2] =	stream.linear.gather [hbm4b:s20+s4], $0x8000, $0x38;
	[tilespmem:$0x15800] =	vst v63  }
0x30: {  	_ =	swait.ge [sflag:s15], $0x8000  }
0x31: {  	[sflag:s15] =	ssyncset.done $0x0  }
0x32: {  	[sflag:s15] =	ssyncadd.s32 $0xFFFF8000  }
0x33: {  	[spmem:s3] =	stream.indirect.scatter.add.f32 [tilespmem:s8], [sflag:$0x3], $0x20, s4, s12, $0xb8;
	[tilespmem:$0x15800] =	vst v63  }
0x34: {  	_ =	swait.ge [sflag:s5], $0x8000  }
0x35: {  	[sflag:s5] =	ssyncset.done $0x0  }
0x36: {  	s21 =	sadd.s32 $0xDB400, s21;
	[sflag:s5] =	ssyncadd.s32 $0xFFFF8000  }
0x37: {  	[tilespmem:s4], [sflag:$0x3] =	stream.linear.gather [hbm4b:s21+s4], $0x400, $0x38;
	[tilespmem:$0x15800] =	vst v63  }
0x38: {  	_ =	swait.ge [sflag:s5], $0x400  }
0x39: {  	[sflag:s5] =	ssyncset.done $0x0  }
0x3a: {  	s22 =	sadd.s32 $0x3F200, s22;
	[sflag:s5] =	ssyncadd.s32 $0xFFFFFC00  }
0x3b: {  	[tilespmem:s8], [sflag:$0x1] =	stream.linear.gather [hbm4b:s22+s4], $0x8000, $0x38;
	[tilespmem:$0x15800] =	vst v63  }
0x3c: {  	_ =	swait.ge [sflag:s18], $0x8000  }
0x3d: {  	[sflag:s18] =	ssyncset.done $0x0  }
0x3e: {  	[sflag:s18] =	ssyncadd.s32 $0xFFFF8000  }
0x3f: {  	[spmem:s3] =	stream.indirect.scatter.add.f32 [tilespmem:s14], [sflag:$0x3], $0x20, s12, s12, $0xb8;
	[tilespmem:$0x15800] =	vst v63  }
0x40: {  	_ =	swait.ge [sflag:s5], $0x8000  }
0x41: {  	[sflag:s5] =	ssyncset.done $0x0  }
0x42: {  	[sflag:s5] =	ssyncadd.s32 $0xFFFF8000  }
0x43: {  	s26 =	smul.u32 $0x50000, s24;
	s24 =	ssub.s32 $0x2, s24;
	_ =	swait.ge [sflag:s15], $0x8000  }
0x44: {  	s31 =	sshrl.u32 s24, $0x1;
	[sflag:s15] =	ssyncset.done $0x0  }
0x45: {  	s24 =	ssub.s32 s24, s31;
	[sflag:s15] =	ssyncadd.s32 $0xFFFF8000  }
0x46: {  	[spmem:s3] =	stream.indirect.scatter.add.f32 [tilespmem:s8], [sflag:$0x3], $0x20, s4, s12, $0xb8;
	[tilespmem:$0x15800] =	vst v63  }
0x47: {  	s25 =	sadd.s32 s25, s26;
	s24 =	smax.u32 s24, $0x1;
	_ =	swait.ge [sflag:s5], $0x8000  }
0x48: {  	s25 =	sshrl.u32 s25, $0x3;
	p0 =	sne.s32 s24, $0x1;
	[sflag:s5] =	ssyncset.done $0x0  }
.Ltmp0:
0x49: {  	s23 =	sadd.s32 s25, s23;
	[sflag:s5] =	ssyncadd.s32 $0xFFFF8000;
	(pc) =	sbr.rel @!p0 .LBB2_2-.Ltmp0, $4  }
0x4a: {  	s23 =	sadd.s32 $0xE0200, s23;
	[bflag:$0x0] =	sbarrier.arrive $0xFFFF  }
0x4b: {  	[hbm:s23], [sflag:s9] =	dma.local [spmem:s10], $0xA00  }
0x4c: {  	_ =	swait.ge [sflag:s5], $0xA00  }
0x4d: {  	s24 =	sadd.s32 $0xFFFFFFFF, s24;
	[sflag:s5] =	ssyncset.done $0x0  }
.LBB2_1:
0x4e: {  	p0 =	sne.s32 s24, $0x1;
	s24 =	sadd.s32 $0xFFFFFFFF, s24;
	[sflag:s5] =	ssyncadd.s32 $0xFFFFF600  }
0x4f: {  	[tilespmem:s4], [sflag:$0x3] =	stream.linear.gather [hbm4b:s6+s4], $0x400, $0x38;
	[tilespmem:$0x15800] =	vst v63  }
0x50: {  	_ =	swait.ge [sflag:s5], $0x400  }
0x51: {  	[sflag:s5] =	ssyncset.done $0x0  }
0x52: {  	[sflag:s5] =	ssyncadd.s32 $0xFFFFFC00  }
0x53: {  	[tilespmem:s8], [sflag:$0x1] =	stream.linear.gather [hbm4b:s7+s4], $0x8000, $0x38;
	[tilespmem:$0x15800] =	vst v63  }
0x54: {  	[spmem:s10], [sflag:s9] =	dma.local [hbm:s2], $0xA00  }
0x55: {  	_ =	swait.ge [sflag:s5], $0xA00  }
0x56: {  	[sflag:s5] =	ssyncset.done $0x0  }
0x57: {  	[sflag:s5] =	ssyncadd.s32 $0xFFFFF600  }
0x58: {  	[bflag:$0x0] =	sbarrier.arrive $0xFFFF  }
0x59: {  	[tilespmem:s12], [sflag:$0x3] =	stream.linear.gather [hbm4b:s11+s4], $0x400, $0x38;
	[tilespmem:$0x15800] =	vst v63  }
0x5a: {  	_ =	swait.ge [sflag:s5], $0x400  }
0x5b: {  	[sflag:s5] =	ssyncset.done $0x0  }
0x5c: {  	[sflag:s5] =	ssyncadd.s32 $0xFFFFFC00  }
0x5d: {  	[tilespmem:s14], [sflag:$0x2] =	stream.linear.gather [hbm4b:s13+s4], $0x8000, $0x38;
	[tilespmem:$0x15800] =	vst v63  }
0x5e: {  	_ =	swait.ge [sflag:s15], $0x8000  }
0x5f: {  	[sflag:s15] =	ssyncset.done $0x0  }
0x60: {  	[sflag:s15] =	ssyncadd.s32 $0xFFFF8000  }
0x61: {  	[spmem:s3] =	stream.indirect.scatter.add.f32 [tilespmem:s8], [sflag:$0x3], $0x20, s4, s12, $0xb8;
	[tilespmem:$0x15800] =	vst v63  }
0x62: {  	_ =	swait.ge [sflag:s5], $0x8000  }
0x63: {  	[sflag:s5] =	ssyncset.done $0x0  }
0x64: {  	[sflag:s5] =	ssyncadd.s32 $0xFFFF8000  }
0x65: {  	[tilespmem:s4], [sflag:$0x3] =	stream.linear.gather [hbm4b:s16+s4], $0x400, $0x38;
	[tilespmem:$0x15800] =	vst v63  }
0x66: {  	_ =	swait.ge [sflag:s5], $0x400  }
0x67: {  	[sflag:s5] =	ssyncset.done $0x0  }
0x68: {  	[sflag:s5] =	ssyncadd.s32 $0xFFFFFC00  }
0x69: {  	[tilespmem:s8], [sflag:$0x1] =	stream.linear.gather [hbm4b:s17+s4], $0x8000, $0x38;
	[tilespmem:$0x15800] =	vst v63  }
0x6a: {  	_ =	swait.ge [sflag:s18], $0x8000  }
0x6b: {  	[sflag:s18] =	ssyncset.done $0x0  }
0x6c: {  	[sflag:s18] =	ssyncadd.s32 $0xFFFF8000  }
0x6d: {  	[spmem:s3] =	stream.indirect.scatter.add.f32 [tilespmem:s14], [sflag:$0x3], $0x20, s12, s12, $0xb8;
	[tilespmem:$0x15800] =	vst v63  }
0x6e: {  	_ =	swait.ge [sflag:s5], $0x8000  }
0x6f: {  	[sflag:s5] =	ssyncset.done $0x0  }
0x70: {  	[sflag:s5] =	ssyncadd.s32 $0xFFFF8000  }
0x71: {  	[tilespmem:s12], [sflag:$0x3] =	stream.linear.gather [hbm4b:s19+s4], $0x400, $0x38;
	[tilespmem:$0x15800] =	vst v63  }
0x72: {  	_ =	swait.ge [sflag:s5], $0x400  }
0x73: {  	[sflag:s5] =	ssyncset.done $0x0  }
0x74: {  	[sflag:s5] =	ssyncadd.s32 $0xFFFFFC00  }
0x75: {  	[tilespmem:s14], [sflag:$0x2] =	stream.linear.gather [hbm4b:s20+s4], $0x8000, $0x38;
	[tilespmem:$0x15800] =	vst v63  }
0x76: {  	_ =	swait.ge [sflag:s15], $0x8000  }
0x77: {  	[sflag:s15] =	ssyncset.done $0x0  }
0x78: {  	[sflag:s15] =	ssyncadd.s32 $0xFFFF8000  }
0x79: {  	[spmem:s3] =	stream.indirect.scatter.add.f32 [tilespmem:s8], [sflag:$0x3], $0x20, s4, s12, $0xb8;
	[tilespmem:$0x15800] =	vst v63  }
0x7a: {  	_ =	swait.ge [sflag:s5], $0x8000  }
0x7b: {  	[sflag:s5] =	ssyncset.done $0x0  }
0x7c: {  	[sflag:s5] =	ssyncadd.s32 $0xFFFF8000  }
0x7d: {  	[tilespmem:s4], [sflag:$0x3] =	stream.linear.gather [hbm4b:s21+s4], $0x400, $0x38;
	[tilespmem:$0x15800] =	vst v63  }
0x7e: {  	_ =	swait.ge [sflag:s5], $0x400  }
0x7f: {  	[sflag:s5] =	ssyncset.done $0x0  }
0x80: {  	[sflag:s5] =	ssyncadd.s32 $0xFFFFFC00  }
0x81: {  	[tilespmem:s8], [sflag:$0x1] =	stream.linear.gather [hbm4b:s22+s4], $0x8000, $0x38;
	[tilespmem:$0x15800] =	vst v63  }
0x82: {  	_ =	swait.ge [sflag:s18], $0x8000  }
0x83: {  	[sflag:s18] =	ssyncset.done $0x0  }
0x84: {  	[sflag:s18] =	ssyncadd.s32 $0xFFFF8000  }
0x85: {  	[spmem:s3] =	stream.indirect.scatter.add.f32 [tilespmem:s14], [sflag:$0x3], $0x20, s12, s12, $0xb8;
	[tilespmem:$0x15800] =	vst v63  }
0x86: {  	_ =	swait.ge [sflag:s5], $0x8000  }
0x87: {  	[sflag:s5] =	ssyncset.done $0x0  }
0x88: {  	[sflag:s5] =	ssyncadd.s32 $0xFFFF8000  }
0x89: {  	_ =	swait.ge [sflag:s15], $0x8000  }
0x8a: {  	[sflag:s15] =	ssyncset.done $0x0  }
0x8b: {  	[sflag:s15] =	ssyncadd.s32 $0xFFFF8000  }
0x8c: {  	[spmem:s3] =	stream.indirect.scatter.add.f32 [tilespmem:s8], [sflag:$0x3], $0x20, s4, s12, $0xb8;
	[tilespmem:$0x15800] =	vst v63  }
0x8d: {  	_ =	swait.ge [sflag:s5], $0x8000  }
0x8e: {  	[sflag:s5] =	ssyncset.done $0x0  }
.Ltmp1:
0x8f: {  	[sflag:s5] =	ssyncadd.s32 $0xFFFF8000;
	(pc) =	sbr.rel @p0 .LBB2_1-.Ltmp1, $4  }
0x90: {  	[bflag:$0x0] =	sbarrier.arrive $0xFFFF  }
0x91: {  	[hbm:s23], [sflag:s9] =	dma.local [spmem:s10], $0xA00  }
0x92: {  	_ =	swait.ge [sflag:s5], $0xA00  }
0x93: {  	[sflag:s5] =	ssyncset.done $0x0  }
.LBB2_2:
0x94: {  	[sflag:s5] =	ssyncadd.s32 $0xFFFFF600  }
0x95: {  	_ =	sfence.sel $0x180000  }
0x96: {  	[bflag:$0x0] =	sbarrier.arrive $0xFFFF  }
0x97: {  	p0 =	sne.s32 s0, $0x0;
	_ =	strace $0x90000050  }
0x98: {  	s0 =	sadd.s32 @!p0 $0x100000, s1;
	[bflag:$0x2] =	sbarrier.arrive $0xFFFF  }
0x99: {  	[sflag:s0] =	ssyncadd.tile.s32 @!p0 $0x1;
	_ =	shalt  }
.Lfunc_end2:
_tile_overlayer_lowered:
.L_overlay_start_2:
0x9a: {  	(tag) =	ssettag $0x2  }
0x9b: {  	s0 =	rddreg [dreg:$0x0];
	s2 =	stileid.u32  }
0x9c: {  	s1 =	rddreg [dreg:$0x1];
	p0 =	sne.s32 s2, $0x0  }
0x9d: {  	s3 =	rddreg [dreg:$0x2];
	[bflag:$0x3] =	sbarrier.arrive $0xFFFF;
	s2 =	simm.s32 @!p0 $0x1C03  }
0x9e: {  	[timem:s3], [sflag:s2] =	dma.local @!p0 [hbm:s0], s1  }
0x9f: {  	s0 =	simm.s32 @!p0 $0x3  }
0xa0: {  	_ =	swait.ge @!p0 [sflag:s0], s1  }
0xa1: {  	s1 =	ssub.s32 @!p0 $0x0, s1;
	[sflag:s0] =	ssyncset.done @!p0 $0x0  }
0xa2: {  	[sflag:s0] =	ssyncadd.s32 @!p0 s1  }
0xa3: {  	[bflag:$0x3] =	sbarrier.arrive $0xFFFF  }
0xa4: {  	_ =	shalt  }

// kernel: kernel.29.cloned.1.call-start
scs
__scs_entry_jumppad:
0x0: {  	(pc) =	sbr.rel $0x88, $3  }
0x1: {  	(tag) =	ssettag $0x0;
	lr =	simm.s32 $0x1  }
0x2: {  	[smem:$0x3F8C] =	sst lr;
	_ =	strace $0xD0000000  }
0x3: {  	_ = 	snop  }
0x4: {  	_ = 	snop  }
0x5: {  	_ = 	snop  }
0x6: {  	_ = 	snop  }
0x7: {  	_ = 	snop  }
__scs_overlays_trampoline_lowered:
0x8: {  	[smem:$0x3F9B] =	sst s0  }
0x9: {  	[smem:$0x3F9C] =	sst s1  }
0xa: {  	[smem:$0x3F9D] =	sst s2  }
0xb: {  	[smem:$0x3F9E] =	sst s3  }
0xc: {  	[smem:$0x3F9F] =	sst s4  }
0xd: {  	[smem:$0x3FA0] =	sst s5  }
0xe: {  	[smem:$0x3FA1] =	sst s6  }
0xf: {  	[smem:$0x3FA2] =	sst s7  }
0x10: {  	[smem:$0x3FA3] =	sst s8  }
0x11: {  	[smem:$0x3FA4] =	sst s9;
	s0 =	simm.s32 @!p0 $0x0  }
0x12: {  	s1 =	sld [smem:$0x3F8A];
	s0 =	simm.s32 @p0 $0x1  }
0x13: {  	[smem:$0x3FA5] =	sst s0;
	s0 =	simm.s32 @!p1 $0x0  }
0x14: {  	s2 =	sld [smem:$0x3F89];
	s0 =	simm.s32 @p1 $0x1  }
0x15: {  	[smem:$0x3FA6] =	sst s0;
	s0 =	simm.s32 @!p2 $0x0  }
0x16: {  	s3 =	sld [smem:$0x3FDB];
	s0 =	simm.s32 @p2 $0x1  }
0x17: {  	s4 =	simm.s32 $0x1BF5;
	[smem:$0x3FA8] =	sst s0  }
0x18: {  	s0 =	sld [smem:$0x3F8B];
	_ =	swait.ge [sflag:s4], $0x0  }
0x19: {  	s7 =	sld [smem:$0x3F8C]  }
0x1a: {  	s8 =	sadd.s32 $0xFFFFE003, lr  }
0x1b: {  	s9 =	sadd.s32 $0xFFFFFEF7, lr;
	s5 =	simm.s32 $0xFFFFFFFF;
	p2 =	slt.u32 s8, $0xFFFFF086  }
0x1c: {  	p1 =	slt.u32 s9, $0xF7A;
	s5 =	simm.s32 @!p2 $0x0  }
0x1d: {  	s5 =	simm.s32 @p1 $0x1;
	p0 =	seq.s32 s7, s2  }
0x1e: {  	s7 =	smul.u32 @!p0 $0xF7A, s2;
	p2 =	seq.s32 @!p0 s5, $0x0  }
0x1f: {  	s9 =	smul.u32 $0xF7A, s1;
	s8 =	simm.s32 @!p0 $0x1BF5;
	p2 =	por !p2, p0  }
0x20: {  	[sflag:s8] =	ssyncset.s32 @!p0 $0xFFFFF086;
	s6 =	sadd.s32 @!p0 s3, s7;
	s7 =	simm.s32 @!p0 $0x108  }
0x21: {  	s3 =	sadd.s32 s3, s9;
	s6 =	sadd.s32 @!p0 $0x88, s6;
	s7 =	simm.s32 @p2 $0x1082  }
0x22: {  	[simem:s7], [sflag:s8] =	dma.local @!p0 [hbm:s6], $0xF7A  }
0x23: {  	s9 =	sor.u32 $0xD0000000, s2;
	s6 =	simm.s32 $0x108;
	_ =	swait.ge @!p0 [sflag:s8], $0x0  }
0x24: {  	s3 =	sadd.s32 $0x88, s3;
	s6 =	simm.s32 @!p1 $0x1082;
	[sflag:s4] =	ssyncset.s32 $0xFFFFF086  }
0x25: {  	[simem:s6], [sflag:s4] =	dma.local [hbm:s3], $0xF7A  }
0x26: {  	[smem:$0x3F8C] =	sst s1;
	(tag) =	ssettag s2;
	_ =	strace s9  }
0x27: {  	s1 =	sld [smem:$0x3F9C]  }
0x28: {  	s2 =	sld [smem:$0x3F9D]  }
0x29: {  	s4 =	sld [smem:$0x3F9F]  }
0x2a: {  	p0 =	seq.s32 s5, $0x0;
	s5 =	sld [smem:$0x3FA0]  }
0x2b: {  	s6 =	sld [smem:$0x3FA1]  }
0x2c: {  	s7 =	sld [smem:$0x3FA2]  }
0x2d: {  	s3 =	simm.s32 $0x108;
	s8 =	sld [smem:$0x3FA3]  }
0x2e: {  	s3 =	simm.s32 @!p0 $0x1082;
	s9 =	sld [smem:$0x3FA4]  }
0x2f: {  	lr =	sadd.s32 s0, s3;
	s0 =	sld [smem:$0x3F9B]  }
0x30: {  	s3 =	sld [smem:$0x3F9E]  }
0x31: {  	[smem:$0x3FA7] =	sst s10  }
0x32: {  	s10 =	sld [smem:$0x3FA5];
	_ =	sdelay $0x3  }
0x33: {  	p0 =	seq.s32 s10, $0x1;
	s10 =	sld [smem:$0x3FA7];
	_ =	sdelay $0x3  }
0x34: {  	[smem:$0x3FA7] =	sst s10  }
0x35: {  	s10 =	sld [smem:$0x3FA6];
	_ =	sdelay $0x3  }
0x36: {  	p1 =	seq.s32 s10, $0x1;
	s10 =	sld [smem:$0x3FA7];
	_ =	sdelay $0x3  }
0x37: {  	[smem:$0x3FA7] =	sst s10  }
0x38: {  	s10 =	sld [smem:$0x3FA8]  }
0x39: {  	_ = 	snop;
	(pc) =	sbr.ind lr, $3  }
0x3a: {  	_ = 	snop  }
0x3b: {  	_ = 	snop  }
0x3c: {  	p2 =	seq.s32 s10, $0x1;
	s10 =	sld [smem:$0x3FA7]  }
0x3d: {  	_ =	shalt  }
0x3e: {  	_ =	shalt  }
0x3f: {  	_ =	shalt  }
0x40: {  	_ =	shalt  }
0x41: {  	_ =	shalt  }
0x42: {  	_ =	shalt  }
0x43: {  	_ =	shalt  }
0x44: {  	_ =	shalt  }
0x45: {  	_ =	shalt  }
0x46: {  	_ =	shalt  }
0x47: {  	_ =	shalt  }
0x48: {  	_ =	shalt  }
0x49: {  	_ =	shalt  }
0x4a: {  	_ =	shalt  }
0x4b: {  	_ =	shalt  }
0x4c: {  	_ =	shalt  }
0x4d: {  	_ =	shalt  }
0x4e: {  	_ =	shalt  }
0x4f: {  	_ =	shalt  }
0x50: {  	_ =	shalt  }
0x51: {  	_ =	shalt  }
0x52: {  	_ =	shalt  }
0x53: {  	_ =	shalt  }
0x54: {  	_ =	shalt  }
0x55: {  	_ =	shalt  }
0x56: {  	_ =	shalt  }
0x57: {  	_ =	shalt  }
0x58: {  	_ =	shalt  }
0x59: {  	_ =	shalt  }
0x5a: {  	_ =	shalt  }
0x5b: {  	_ =	shalt  }
0x5c: {  	_ =	shalt  }
0x5d: {  	_ =	shalt  }
0x5e: {  	_ =	shalt  }
0x5f: {  	_ =	shalt  }
0x60: {  	_ =	shalt  }
0x61: {  	_ =	shalt  }
0x62: {  	_ =	shalt  }
0x63: {  	_ =	shalt  }
0x64: {  	_ =	shalt  }
0x65: {  	_ =	shalt  }
0x66: {  	_ =	shalt  }
0x67: {  	_ =	shalt  }
0x68: {  	_ =	shalt  }
0x69: {  	_ =	shalt  }
0x6a: {  	_ =	shalt  }
0x6b: {  	_ =	shalt  }
0x6c: {  	_ =	shalt  }
0x6d: {  	_ =	shalt  }
0x6e: {  	_ =	shalt  }
0x6f: {  	_ =	shalt  }
0x70: {  	_ =	shalt  }
0x71: {  	_ =	shalt  }
0x72: {  	_ =	shalt  }
0x73: {  	_ =	shalt  }
0x74: {  	_ =	shalt  }
0x75: {  	_ =	shalt  }
0x76: {  	_ =	shalt  }
0x77: {  	_ =	shalt  }
0x78: {  	_ =	shalt  }
0x79: {  	_ =	shalt  }
0x7a: {  	_ =	shalt  }
0x7b: {  	_ =	shalt  }
0x7c: {  	_ =	shalt  }
0x7d: {  	_ =	shalt  }
0x7e: {  	_ =	shalt  }
0x7f: {  	_ =	shalt  }
0x80: {  	_ =	shalt  }
0x81: {  	_ =	shalt  }
0x82: {  	_ =	shalt  }
0x83: {  	_ =	shalt  }
0x84: {  	_ =	shalt  }
0x85: {  	_ =	shalt  }
0x86: {  	_ =	shalt  }
0x87: {  	_ =	shalt  }
.Lfunc_end0:
.L_simem_size_0:
called_computation.4_lowered:
.L_overlay_start_0:
0x88: {  	s2 =	sld [smem:$0x3FD9]  }
0x89: {  	s3 =	sld [smem:$0x3FFE];
	_ =	sdelay $0x1  }
0x8a: {  	s1 =	srdreg.scid  }
0x8b: {  	s0 =	sand.u32 $0x1, s1  }
0x8c: {  	s16 =	sshll.u32 s0, $0xA;
	s2 =	sadd.s32 s3, s2  }
0x8d: {  	s2 =	sadd.s32 s2, s16  }
0x8e: {  	[smem:$0x3FB3] =	sst s2  }
0x8f: {  	_ = 	snop  }
0x90: {  	(tm) =	ssettm $0x1  }
0x91: {  	s17 =	sld [smem:$0x3FFB];
	_ =	sdelay $0x3  }
0x92: {  	_ =	strace s17  }
0x93: {  	s2 =	sld [smem:$0x3FFC];
	_ =	sdelay $0x3  }
0x94: {  	_ =	strace s2  }
0x95: {  	s2 =	sld [smem:$0x3FFD];
	_ =	sdelay $0x3  }
0x96: {  	_ =	strace s2  }
0x97: {  	_ =	strace $0x8FFFFFFF  }
0x98: {  	s18 =	sld [smem:$0x3FDB];
	_ =	sdelay $0x1  }
0x99: {  	s19 =	simm.s32 $_scs_section_size  }
0x9a: {  	s4 =	simm.s32 $_size__tile_overlayer_lowered;
	s5 =	simm.s32 $_tile_overlayer_lowered  }
0x9b: {  	s22 =	simm.s32 $0x1BFF;
	s21 =	sshll.u32 s5, $0x1;
	s2 =	sadd.s32 s19, s18  }
0x9c: {  	s6 =	simm.s32 $0x0;
	s20 =	sshll.u32 s4, $0x1;
	s4 =	sadd.s32 s21, s2  }
0x9d: {  	[timem:s6], [sflag:s22] =	dma.local [hbm:s4], s20  }
0x9e: {  	_ =	swait.ge [sflag:s22], s20  }
0x9f: {  	s3 =	ssub.s32 $0x0, s20;
	[sflag:s22] =	ssyncset.done $0x0  }
0xa0: {  	[sflag:s22] =	ssyncadd.s32 s3;
	_ =	sdelay $0x1  }
0xa1: {  	s23 =	simm.s32 $0x1B8B  }
0xa2: {  	_ =	swait.ge [sflag:s23], $0x1  }
0xa3: {  	[sflag:s23] =	ssyncset.done $0x0  }
0xa4: {  	s25 =	simm.s32 $0x1B8E;
	s24 =	sld [smem:$0x3FFE];
	[sflag:s23] =	ssyncadd.s32 $0xFFFFFFFF  }
0xa5: {  	s26 =	simm.s32 $execute0_lowered;
	[smem:$0x3FD2] =	sst s25  }
0xa6: {  	s4 =	sshll.u32 s26, $0x1;
	_ =	strace $0x80000052;
	[dreg:$0x1] =	wrdreg $0xFFFFFFFF  }
0xa7: {  	s28 =	simm.s32 $_size_execute0_lowered;
	s2 =	sadd.s32 s2, s4;
	[dreg:$0x0] =	wrdreg $0x0  }
0xa8: {  	s4 =	sshll.u32 s28, $0x1;
	[dreg:$0x2] =	wrdreg s2  }
0xa9: {  	[dreg:$0x3] =	wrdreg s4  }
0xaa: {  	[dreg:$0x4] =	wrdreg $0xC0  }
0xab: {  	_ =	task [dreg:s6], $0x5FFFF  }
0xac: {  	[dreg:$0x1] =	wrdreg $0xFFFFFFFF  }
0xad: {  	[dreg:$0x0] =	wrdreg $0x60  }
0xae: {  	[dreg:$0x2] =	wrdreg s24  }
0xaf: {  	[dreg:$0x3] =	wrdreg $0x9  }
0xb0: {  	_ =	task.clear_ibuf [dreg:s6], $0x4FFFF;
	_ =	strace $0x90000052  }
0xb1: {  	s29 =	simm.s32 $0x9;
	_ =	strace $0x80000054  }
0xb2: {  	_ =	swait.ge [sflag:s29], $0x1  }
0xb3: {  	[sflag:s29] =	ssyncadd.s32 $0xFFFFFFFF  }
0xb4: {  	_ =	strace $0x90000054  }
0xb5: {  	_ =	sfence  }
0xb6: {  	s30 =	sld [smem:$0x0];
	_ =	sdelay $0x2  }
0xb7: {  	s31 =	sshll.u32 s1, $0xD;
	s1 =	sshrl.u32 s1, $0x2  }
0xb8: {  	s3 =	sand.u32 $0x4000, s31;
	s1 =	sadd.s32 s1, s30  }
0xb9: {  	s0 =	sor.u32 s3, s0;
	s1 =	sshll.u32 s1, $0x11  }
0xba: {  	s0 =	sor.u32 s1, s0  }
0xbb: {  	s0 =	sadd.s32 $0x8F2B, s0  }
0xbc: {  	[sflag:s0] =	ssyncadd.remote.s32 $0x1  }
0xbd: {  	_ =	sfence.sel $0xFFFF  }
0xbe: {  	[dreg:$0x0] =	wrdreg $0xFFFFFFFF;
	(pc) =	sbr.abs _section_cstart, $3  }
0xbf: {  	[dreg:$0x1] =	wrdreg $0xFFFFFFFF  }
0xc0: {  	_ =	task.clear_ibuf [dreg:s6], $0x2FFFF;
	_ =	strace $0x9FFFFFFF  }
0xc1: {  	(tm) =	ssettm $0x7FFFFFFF  }
tec
execute0_lowered:
.L_overlay_start_1:
0x0: {  	(tag) =	ssettag $0x1  }
0x1: {  	s1 =	srdreg.scid;
	s0 =	stileid.u32  }
0x2: {  	s21 =	sand.u32 $0x1, s1;
	s30 =	sshll.u32 s0, $0x1  }
0x3: {  	s9 =	sor.u32 s21, s30  }
0x4: {  	s3 =	smul.u32 $0x1400, s9;
	_ =	sdelay $0x1  }
0x5: {  	s10 =	rddreg [dreg:$0x0];
	s2 =	simm.s32 $0x0;
	s3 =	sshrl.u32 s3, $0x3  }
0x6: {  	s4 =	simm.s32 $0x5;
	[smem:$0x7FF] =	sst s2;
	s19 =	sadd.s32 s3, s10  }
0x7: {  	s1 =	rddreg [dreg:$0x1];
	_ =	strace $0x80000053;
	s3 =	sadd.s32 $0x36200, s19  }
0x8: {  	[tilespmem:s2], [sflag:$0x5] =	stream.linear.gather [hbm4b:s3+s2], $0x400, $0x38;
	[tilespmem:$0x10800] =	vst v63  }
0x9: {  	_ =	swait.ge [sflag:s4], $0x400  }
0xa: {  	s6 =	simm.s32 $0x400;
	[sflag:s4] =	ssyncset.done $0x0  }
0xb: {  	s7 =	simm.s32 $0x800;
	s5 =	sadd.s32 $0x3B200, s10;
	[sflag:s4] =	ssyncadd.s32 $0xFFFFFC00  }
0xc: {  	[tilespmem:s7], [sflag:$0x1] =	stream.indirect.gather [hbm4b:s5+s6], $0x20, s2, s6, $0xb8;
	[tilespmem:$0x10800] =	vst v63  }
0xd: {  	s8 =	sadd.s32 $0x36280, s19  }
0xe: {  	[tilespmem:s6], [sflag:$0x5] =	stream.linear.gather [hbm4b:s8+s2], $0x400, $0x38;
	[tilespmem:$0x10800] =	vst v63  }
0xf: {  	_ =	swait.ge [sflag:s4], $0x400  }
0x10: {  	[sflag:s4] =	ssyncset.done $0x0  }
0x11: {  	s11 =	smul.u32 $0x28000, s9;
	s9 =	simm.s32 $0x1;
	[sflag:s4] =	ssyncadd.s32 $0xFFFFFC00  }
0x12: {  	_ =	swait.ge [sflag:s9], $0x8000  }
0x13: {  	s11 =	sshrl.u32 s11, $0x3;
	[sflag:s9] =	ssyncset.done $0x0  }
0x14: {  	s22 =	sadd.s32 s11, s10;
	s10 =	simm.s32 $0x8800;
	[sflag:s9] =	ssyncadd.s32 $0xFFFF8000  }
0x15: {  	[tilespmem:s10], [sflag:$0x2] =	stream.indirect.gather [hbm4b:s5+s6], $0x20, s6, s6, $0xb8;
	[tilespmem:$0x10800] =	vst v63  }
0x16: {  	s11 =	sadd.s32 $0xE0200, s22  }
0x17: {  	[hbm4b:s11+s2] =	stream.linear.scatter [tilespmem:s7], [sflag:$0x3], $0x8000, $0x38;
	[tilespmem:$0x10800] =	vst v63  }
0x18: {  	s12 =	sadd.s32 $0x36300, s19  }
0x19: {  	[tilespmem:s2], [sflag:$0x5] =	stream.linear.gather [hbm4b:s12+s2], $0x400, $0x38;
	[tilespmem:$0x10800] =	vst v63  }
0x1a: {  	_ =	swait.ge [sflag:s4], $0x400  }
0x1b: {  	[sflag:s4] =	ssyncset.done $0x0  }
0x1c: {  	s13 =	simm.s32 $0x2;
	[sflag:s4] =	ssyncadd.s32 $0xFFFFFC00  }
0x1d: {  	_ =	swait.ge [sflag:s13], $0x8000  }
0x1e: {  	[sflag:s13] =	ssyncset.done $0x0  }
0x1f: {  	s14 =	simm.s32 $0x3;
	[sflag:s13] =	ssyncadd.s32 $0xFFFF8000  }
0x20: {  	_ =	swait.ge [sflag:s14], $0x8000  }
0x21: {  	[sflag:s14] =	ssyncset.done $0x0  }
0x22: {  	[sflag:s14] =	ssyncadd.s32 $0xFFFF8000  }
0x23: {  	[tilespmem:s7], [sflag:$0x1] =	stream.indirect.gather [hbm4b:s5+s6], $0x20, s2, s6, $0xb8;
	[tilespmem:$0x10800] =	vst v63  }
0x24: {  	s15 =	sadd.s32 $0xE1200, s22  }
0x25: {  	[hbm4b:s15+s2] =	stream.linear.scatter [tilespmem:s10], [sflag:$0x4], $0x8000, $0x38;
	[tilespmem:$0x10800] =	vst v63  }
0x26: {  	s16 =	sadd.s32 $0x36380, s19  }
0x27: {  	[tilespmem:s6], [sflag:$0x5] =	stream.linear.gather [hbm4b:s16+s2], $0x400, $0x38;
	[tilespmem:$0x10800] =	vst v63  }
0x28: {  	_ =	swait.ge [sflag:s4], $0x400  }
0x29: {  	[sflag:s4] =	ssyncset.done $0x0  }
0x2a: {  	[sflag:s4] =	ssyncadd.s32 $0xFFFFFC00  }
0x2b: {  	_ =	swait.ge [sflag:s9], $0x8000  }
0x2c: {  	[sflag:s9] =	ssyncset.done $0x0  }
0x2d: {  	s17 =	simm.s32 $0x4;
	[sflag:s9] =	ssyncadd.s32 $0xFFFF8000  }
0x2e: {  	_ =	swait.ge [sflag:s17], $0x8000  }
0x2f: {  	[sflag:s17] =	ssyncset.done $0x0  }
0x30: {  	[sflag:s17] =	ssyncadd.s32 $0xFFFF8000  }
0x31: {  	[tilespmem:s10], [sflag:$0x2] =	stream.indirect.gather [hbm4b:s5+s6], $0x20, s6, s6, $0xb8;
	[tilespmem:$0x10800] =	vst v63  }
0x32: {  	s18 =	sadd.s32 $0xE2200, s22  }
0x33: {  	[hbm4b:s18+s2] =	stream.linear.scatter [tilespmem:s7], [sflag:$0x3], $0x8000, $0x38;
	[tilespmem:$0x10800] =	vst v63  }
0x34: {  	s19 =	sadd.s32 $0x36400, s19  }
0x35: {  	[tilespmem:s2], [sflag:$0x5] =	stream.linear.gather [hbm4b:s19+s2], $0x400, $0x38;
	[tilespmem:$0x10800] =	vst v63  }
0x36: {  	_ =	swait.ge [sflag:s4], $0x400  }
0x37: {  	[sflag:s4] =	ssyncset.done $0x0  }
0x38: {  	[sflag:s4] =	ssyncadd.s32 $0xFFFFFC00  }
0x39: {  	_ =	swait.ge [sflag:s13], $0x8000  }
0x3a: {  	[sflag:s13] =	ssyncset.done $0x0  }
0x3b: {  	[sflag:s13] =	ssyncadd.s32 $0xFFFF8000  }
0x3c: {  	_ =	swait.ge [sflag:s14], $0x8000  }
0x3d: {  	[sflag:s14] =	ssyncset.done $0x0  }
0x3e: {  	s23 =	ssub.s32 $0x2, s21;
	[sflag:s14] =	ssyncadd.s32 $0xFFFF8000  }
0x3f: {  	[tilespmem:s7], [sflag:$0x1] =	stream.indirect.gather [hbm4b:s5+s6], $0x20, s2, s6, $0xb8;
	[tilespmem:$0x10800] =	vst v63  }
0x40: {  	s31 =	sshrl.u32 s23, $0x1;
	s20 =	sadd.s32 $0xE3200, s22  }
0x41: {  	[hbm4b:s20+s2] =	stream.linear.scatter [tilespmem:s10], [sflag:$0x4], $0x8000, $0x38;
	[tilespmem:$0x10800] =	vst v63  }
0x42: {  	s21 =	sadd.s32 $0xE4200, s22;
	s22 =	ssub.s32 s23, s31;
	_ =	swait.ge [sflag:s9], $0x8000  }
0x43: {  	s22 =	smax.u32 s22, $0x1;
	[sflag:s9] =	ssyncset.done $0x0  }
0x44: {  	p0 =	sne.s32 s22, $0x1;
	[sflag:s9] =	ssyncadd.s32 $0xFFFF8000  }
0x45: {  	[hbm4b:s21+s2] =	stream.linear.scatter [tilespmem:s7], [sflag:$0x3], $0x8000, $0x38;
	[tilespmem:$0x10800] =	vst v63  }
.Ltmp0:
0x46: {  	_ =	swait.ge [sflag:s14], $0x8000;
	(pc) =	sbr.rel @!p0 .LBB2_2-.Ltmp0, $4  }
0x47: {  	[sflag:s14] =	ssyncset.done $0x0  }
0x48: {  	[sflag:s14] =	ssyncadd.s32 $0xFFFF8000  }
0x49: {  	_ =	swait.ge [sflag:s17], $0x8000  }
0x4a: {  	s22 =	sadd.s32 $0xFFFFFFFF, s22;
	[sflag:s17] =	ssyncset.done $0x0  }
.LBB2_1:
0x4b: {  	p0 =	sne.s32 s22, $0x1;
	s22 =	sadd.s32 $0xFFFFFFFF, s22;
	[sflag:s17] =	ssyncadd.s32 $0xFFFF8000  }
0x4c: {  	[tilespmem:s2], [sflag:$0x5] =	stream.linear.gather [hbm4b:s3+s2], $0x400, $0x38;
	[tilespmem:$0x10800] =	vst v63  }
0x4d: {  	_ =	swait.ge [sflag:s4], $0x400  }
0x4e: {  	[sflag:s4] =	ssyncset.done $0x0  }
0x4f: {  	[sflag:s4] =	ssyncadd.s32 $0xFFFFFC00  }
0x50: {  	[tilespmem:s7], [sflag:$0x1] =	stream.indirect.gather [hbm4b:s5+s6], $0x20, s2, s6, $0xb8;
	[tilespmem:$0x10800] =	vst v63  }
0x51: {  	_ = 	snop  }
0x52: {  	[tilespmem:s6], [sflag:$0x5] =	stream.linear.gather [hbm4b:s8+s2], $0x400, $0x38;
	[tilespmem:$0x10800] =	vst v63  }
0x53: {  	_ =	swait.ge [sflag:s4], $0x400  }
0x54: {  	[sflag:s4] =	ssyncset.done $0x0  }
0x55: {  	[sflag:s4] =	ssyncadd.s32 $0xFFFFFC00  }
0x56: {  	_ =	swait.ge [sflag:s9], $0x8000  }
0x57: {  	[sflag:s9] =	ssyncset.done $0x0  }
0x58: {  	[sflag:s9] =	ssyncadd.s32 $0xFFFF8000  }
0x59: {  	[tilespmem:s10], [sflag:$0x2] =	stream.indirect.gather [hbm4b:s5+s6], $0x20, s6, s6, $0xb8;
	[tilespmem:$0x10800] =	vst v63  }
0x5a: {  	_ = 	snop  }
0x5b: {  	[hbm4b:s11+s2] =	stream.linear.scatter [tilespmem:s7], [sflag:$0x3], $0x8000, $0x38;
	[tilespmem:$0x10800] =	vst v63  }
0x5c: {  	_ = 	snop  }
0x5d: {  	[tilespmem:s2], [sflag:$0x5] =	stream.linear.gather [hbm4b:s12+s2], $0x400, $0x38;
	[tilespmem:$0x10800] =	vst v63  }
0x5e: {  	_ =	swait.ge [sflag:s4], $0x400  }
0x5f: {  	[sflag:s4] =	ssyncset.done $0x0  }
0x60: {  	[sflag:s4] =	ssyncadd.s32 $0xFFFFFC00  }
0x61: {  	_ =	swait.ge [sflag:s13], $0x8000  }
0x62: {  	[sflag:s13] =	ssyncset.done $0x0  }
0x63: {  	[sflag:s13] =	ssyncadd.s32 $0xFFFF8000  }
0x64: {  	_ =	swait.ge [sflag:s14], $0x8000  }
0x65: {  	[sflag:s14] =	ssyncset.done $0x0  }
0x66: {  	[sflag:s14] =	ssyncadd.s32 $0xFFFF8000  }
0x67: {  	[tilespmem:s7], [sflag:$0x1] =	stream.indirect.gather [hbm4b:s5+s6], $0x20, s2, s6, $0xb8;
	[tilespmem:$0x10800] =	vst v63  }
0x68: {  	_ = 	snop  }
0x69: {  	[hbm4b:s15+s2] =	stream.linear.scatter [tilespmem:s10], [sflag:$0x4], $0x8000, $0x38;
	[tilespmem:$0x10800] =	vst v63  }
0x6a: {  	_ = 	snop  }
0x6b: {  	[tilespmem:s6], [sflag:$0x5] =	stream.linear.gather [hbm4b:s16+s2], $0x400, $0x38;
	[tilespmem:$0x10800] =	vst v63  }
0x6c: {  	_ =	swait.ge [sflag:s4], $0x400  }
0x6d: {  	[sflag:s4] =	ssyncset.done $0x0  }
0x6e: {  	[sflag:s4] =	ssyncadd.s32 $0xFFFFFC00  }
0x6f: {  	_ =	swait.ge [sflag:s9], $0x8000  }
0x70: {  	[sflag:s9] =	ssyncset.done $0x0  }
0x71: {  	[sflag:s9] =	ssyncadd.s32 $0xFFFF8000  }
0x72: {  	_ =	swait.ge [sflag:s17], $0x8000  }
0x73: {  	[sflag:s17] =	ssyncset.done $0x0  }
0x74: {  	[sflag:s17] =	ssyncadd.s32 $0xFFFF8000  }
0x75: {  	[tilespmem:s10], [sflag:$0x2] =	stream.indirect.gather [hbm4b:s5+s6], $0x20, s6, s6, $0xb8;
	[tilespmem:$0x10800] =	vst v63  }
0x76: {  	_ = 	snop  }
0x77: {  	[hbm4b:s18+s2] =	stream.linear.scatter [tilespmem:s7], [sflag:$0x3], $0x8000, $0x38;
	[tilespmem:$0x10800] =	vst v63  }
0x78: {  	_ = 	snop  }
0x79: {  	[tilespmem:s2], [sflag:$0x5] =	stream.linear.gather [hbm4b:s19+s2], $0x400, $0x38;
	[tilespmem:$0x10800] =	vst v63  }
0x7a: {  	_ =	swait.ge [sflag:s4], $0x400  }
0x7b: {  	[sflag:s4] =	ssyncset.done $0x0  }
0x7c: {  	[sflag:s4] =	ssyncadd.s32 $0xFFFFFC00  }
0x7d: {  	_ =	swait.ge [sflag:s13], $0x8000  }
0x7e: {  	[sflag:s13] =	ssyncset.done $0x0  }
0x7f: {  	[sflag:s13] =	ssyncadd.s32 $0xFFFF8000  }
0x80: {  	_ =	swait.ge [sflag:s14], $0x8000  }
0x81: {  	[sflag:s14] =	ssyncset.done $0x0  }
0x82: {  	[sflag:s14] =	ssyncadd.s32 $0xFFFF8000  }
0x83: {  	[tilespmem:s7], [sflag:$0x1] =	stream.indirect.gather [hbm4b:s5+s6], $0x20, s2, s6, $0xb8;
	[tilespmem:$0x10800] =	vst v63  }
0x84: {  	_ = 	snop  }
0x85: {  	[hbm4b:s20+s2] =	stream.linear.scatter [tilespmem:s10], [sflag:$0x4], $0x8000, $0x38;
	[tilespmem:$0x10800] =	vst v63  }
0x86: {  	_ =	swait.ge [sflag:s9], $0x8000  }
0x87: {  	[sflag:s9] =	ssyncset.done $0x0  }
0x88: {  	[sflag:s9] =	ssyncadd.s32 $0xFFFF8000  }
0x89: {  	[hbm4b:s21+s2] =	stream.linear.scatter [tilespmem:s7], [sflag:$0x3], $0x8000, $0x38;
	[tilespmem:$0x10800] =	vst v63  }
.Ltmp1:
0x8a: {  	_ =	swait.ge [sflag:s14], $0x8000;
	(pc) =	sbr.rel @p0 .LBB2_1-.Ltmp1, $4  }
0x8b: {  	[sflag:s14] =	ssyncset.done $0x0  }
0x8c: {  	[sflag:s14] =	ssyncadd.s32 $0xFFFF8000  }
0x8d: {  	_ =	swait.ge [sflag:s17], $0x8000  }
0x8e: {  	[sflag:s17] =	ssyncset.done $0x0  }
.LBB2_2:
0x8f: {  	[sflag:s17] =	ssyncadd.s32 $0xFFFF8000  }
0x90: {  	_ =	sfence.sel $0x180000  }
0x91: {  	[bflag:$0x0] =	sbarrier.arrive $0xFFFF  }
0x92: {  	p0 =	sne.s32 s0, $0x0;
	_ =	strace $0x90000053  }
0x93: {  	s0 =	sadd.s32 @!p0 $0x100000, s1;
	[bflag:$0x2] =	sbarrier.arrive $0xFFFF  }
0x94: {  	[sflag:s0] =	ssyncadd.tile.s32 @!p0 $0x1;
	_ =	shalt  }
.Lfunc_end2:
_tile_overlayer_lowered:
.L_overlay_start_2:
0x95: {  	(tag) =	ssettag $0x2  }
0x96: {  	s0 =	rddreg [dreg:$0x0];
	s2 =	stileid.u32  }
0x97: {  	s1 =	rddreg [dreg:$0x1];
	p0 =	sne.s32 s2, $0x0  }
0x98: {  	s3 =	rddreg [dreg:$0x2];
	[bflag:$0x3] =	sbarrier.arrive $0xFFFF;
	s2 =	simm.s32 @!p0 $0x1C05  }
0x99: {  	[timem:s3], [sflag:s2] =	dma.local @!p0 [hbm:s0], s1  }
0x9a: {  	s0 =	simm.s32 @!p0 $0x5  }
0x9b: {  	_ =	swait.ge @!p0 [sflag:s0], s1  }
0x9c: {  	s1 =	ssub.s32 @!p0 $0x0, s1;
	[sflag:s0] =	ssyncset.done @!p0 $0x0  }
0x9d: {  	[sflag:s0] =	ssyncadd.s32 @!p0 s1  }
0x9e: {  	[bflag:$0x3] =	sbarrier.arrive $0xFFFF  }
0x9f: {  	_ =	shalt  }

// kernel: kernel.32.cloned.1.call-start
scs
__scs_entry_jumppad:
0x0: {  	(pc) =	sbr.rel $0x88, $3  }
0x1: {  	(tag) =	ssettag $0x0;
	lr =	simm.s32 $0x1  }
0x2: {  	[smem:$0x3F8C] =	sst lr;
	_ =	strace $0xD0000000  }
0x3: {  	_ = 	snop  }
0x4: {  	_ = 	snop  }
0x5: {  	_ = 	snop  }
0x6: {  	_ = 	snop  }
0x7: {  	_ = 	snop  }
__scs_overlays_trampoline_lowered:
0x8: {  	[smem:$0x3F9B] =	sst s0  }
0x9: {  	[smem:$0x3F9C] =	sst s1  }
0xa: {  	[smem:$0x3F9D] =	sst s2  }
0xb: {  	[smem:$0x3F9E] =	sst s3  }
0xc: {  	[smem:$0x3F9F] =	sst s4  }
0xd: {  	[smem:$0x3FA0] =	sst s5  }
0xe: {  	[smem:$0x3FA1] =	sst s6  }
0xf: {  	[smem:$0x3FA2] =	sst s7  }
0x10: {  	[smem:$0x3FA3] =	sst s8  }
0x11: {  	[smem:$0x3FA4] =	sst s9;
	s0 =	simm.s32 @!p0 $0x0  }
0x12: {  	s1 =	sld [smem:$0x3F8A];
	s0 =	simm.s32 @p0 $0x1  }
0x13: {  	[smem:$0x3FA5] =	sst s0;
	s0 =	simm.s32 @!p1 $0x0  }
0x14: {  	s2 =	sld [smem:$0x3F89];
	s0 =	simm.s32 @p1 $0x1  }
0x15: {  	[smem:$0x3FA6] =	sst s0;
	s0 =	simm.s32 @!p2 $0x0  }
0x16: {  	s3 =	sld [smem:$0x3FDB];
	s0 =	simm.s32 @p2 $0x1  }
0x17: {  	s4 =	simm.s32 $0x1BF5;
	[smem:$0x3FA8] =	sst s0  }
0x18: {  	s0 =	sld [smem:$0x3F8B];
	_ =	swait.ge [sflag:s4], $0x0  }
0x19: {  	s7 =	sld [smem:$0x3F8C]  }
0x1a: {  	s8 =	sadd.s32 $0xFFFFE003, lr  }
0x1b: {  	s9 =	sadd.s32 $0xFFFFFEF7, lr;
	s5 =	simm.s32 $0xFFFFFFFF;
	p2 =	slt.u32 s8, $0xFFFFF086  }
0x1c: {  	p1 =	slt.u32 s9, $0xF7A;
	s5 =	simm.s32 @!p2 $0x0  }
0x1d: {  	s5 =	simm.s32 @p1 $0x1;
	p0 =	seq.s32 s7, s2  }
0x1e: {  	s7 =	smul.u32 @!p0 $0xF7A, s2;
	p2 =	seq.s32 @!p0 s5, $0x0  }
0x1f: {  	s9 =	smul.u32 $0xF7A, s1;
	s8 =	simm.s32 @!p0 $0x1BF5;
	p2 =	por !p2, p0  }
0x20: {  	[sflag:s8] =	ssyncset.s32 @!p0 $0xFFFFF086;
	s6 =	sadd.s32 @!p0 s3, s7;
	s7 =	simm.s32 @!p0 $0x108  }
0x21: {  	s3 =	sadd.s32 s3, s9;
	s6 =	sadd.s32 @!p0 $0x88, s6;
	s7 =	simm.s32 @p2 $0x1082  }
0x22: {  	[simem:s7], [sflag:s8] =	dma.local @!p0 [hbm:s6], $0xF7A  }
0x23: {  	s9 =	sor.u32 $0xD0000000, s2;
	s6 =	simm.s32 $0x108;
	_ =	swait.ge @!p0 [sflag:s8], $0x0  }
0x24: {  	s3 =	sadd.s32 $0x88, s3;
	s6 =	simm.s32 @!p1 $0x1082;
	[sflag:s4] =	ssyncset.s32 $0xFFFFF086  }
0x25: {  	[simem:s6], [sflag:s4] =	dma.local [hbm:s3], $0xF7A  }
0x26: {  	[smem:$0x3F8C] =	sst s1;
	(tag) =	ssettag s2;
	_ =	strace s9  }
0x27: {  	s1 =	sld [smem:$0x3F9C]  }
0x28: {  	s2 =	sld [smem:$0x3F9D]  }
0x29: {  	s4 =	sld [smem:$0x3F9F]  }
0x2a: {  	p0 =	seq.s32 s5, $0x0;
	s5 =	sld [smem:$0x3FA0]  }
0x2b: {  	s6 =	sld [smem:$0x3FA1]  }
0x2c: {  	s7 =	sld [smem:$0x3FA2]  }
0x2d: {  	s3 =	simm.s32 $0x108;
	s8 =	sld [smem:$0x3FA3]  }
0x2e: {  	s3 =	simm.s32 @!p0 $0x1082;
	s9 =	sld [smem:$0x3FA4]  }
0x2f: {  	lr =	sadd.s32 s0, s3;
	s0 =	sld [smem:$0x3F9B]  }
0x30: {  	s3 =	sld [smem:$0x3F9E]  }
0x31: {  	[smem:$0x3FA7] =	sst s10  }
0x32: {  	s10 =	sld [smem:$0x3FA5];
	_ =	sdelay $0x3  }
0x33: {  	p0 =	seq.s32 s10, $0x1;
	s10 =	sld [smem:$0x3FA7];
	_ =	sdelay $0x3  }
0x34: {  	[smem:$0x3FA7] =	sst s10  }
0x35: {  	s10 =	sld [smem:$0x3FA6];
	_ =	sdelay $0x3  }
0x36: {  	p1 =	seq.s32 s10, $0x1;
	s10 =	sld [smem:$0x3FA7];
	_ =	sdelay $0x3  }
0x37: {  	[smem:$0x3FA7] =	sst s10  }
0x38: {  	s10 =	sld [smem:$0x3FA8]  }
0x39: {  	_ = 	snop;
	(pc) =	sbr.ind lr, $3  }
0x3a: {  	_ = 	snop  }
0x3b: {  	_ = 	snop  }
0x3c: {  	p2 =	seq.s32 s10, $0x1;
	s10 =	sld [smem:$0x3FA7]  }
0x3d: {  	_ =	shalt  }
0x3e: {  	_ =	shalt  }
0x3f: {  	_ =	shalt  }
0x40: {  	_ =	shalt  }
0x41: {  	_ =	shalt  }
0x42: {  	_ =	shalt  }
0x43: {  	_ =	shalt  }
0x44: {  	_ =	shalt  }
0x45: {  	_ =	shalt  }
0x46: {  	_ =	shalt  }
0x47: {  	_ =	shalt  }
0x48: {  	_ =	shalt  }
0x49: {  	_ =	shalt  }
0x4a: {  	_ =	shalt  }
0x4b: {  	_ =	shalt  }
0x4c: {  	_ =	shalt  }
0x4d: {  	_ =	shalt  }
0x4e: {  	_ =	shalt  }
0x4f: {  	_ =	shalt  }
0x50: {  	_ =	shalt  }
0x51: {  	_ =	shalt  }
0x52: {  	_ =	shalt  }
0x53: {  	_ =	shalt  }
0x54: {  	_ =	shalt  }
0x55: {  	_ =	shalt  }
0x56: {  	_ =	shalt  }
0x57: {  	_ =	shalt  }
0x58: {  	_ =	shalt  }
0x59: {  	_ =	shalt  }
0x5a: {  	_ =	shalt  }
0x5b: {  	_ =	shalt  }
0x5c: {  	_ =	shalt  }
0x5d: {  	_ =	shalt  }
0x5e: {  	_ =	shalt  }
0x5f: {  	_ =	shalt  }
0x60: {  	_ =	shalt  }
0x61: {  	_ =	shalt  }
0x62: {  	_ =	shalt  }
0x63: {  	_ =	shalt  }
0x64: {  	_ =	shalt  }
0x65: {  	_ =	shalt  }
0x66: {  	_ =	shalt  }
0x67: {  	_ =	shalt  }
0x68: {  	_ =	shalt  }
0x69: {  	_ =	shalt  }
0x6a: {  	_ =	shalt  }
0x6b: {  	_ =	shalt  }
0x6c: {  	_ =	shalt  }
0x6d: {  	_ =	shalt  }
0x6e: {  	_ =	shalt  }
0x6f: {  	_ =	shalt  }
0x70: {  	_ =	shalt  }
0x71: {  	_ =	shalt  }
0x72: {  	_ =	shalt  }
0x73: {  	_ =	shalt  }
0x74: {  	_ =	shalt  }
0x75: {  	_ =	shalt  }
0x76: {  	_ =	shalt  }
0x77: {  	_ =	shalt  }
0x78: {  	_ =	shalt  }
0x79: {  	_ =	shalt  }
0x7a: {  	_ =	shalt  }
0x7b: {  	_ =	shalt  }
0x7c: {  	_ =	shalt  }
0x7d: {  	_ =	shalt  }
0x7e: {  	_ =	shalt  }
0x7f: {  	_ =	shalt  }
0x80: {  	_ =	shalt  }
0x81: {  	_ =	shalt  }
0x82: {  	_ =	shalt  }
0x83: {  	_ =	shalt  }
0x84: {  	_ =	shalt  }
0x85: {  	_ =	shalt  }
0x86: {  	_ =	shalt  }
0x87: {  	_ =	shalt  }
.Lfunc_end0:
.L_simem_size_0:
called_computation.5_lowered:
.L_overlay_start_0:
0x88: {  	s2 =	sld [smem:$0x3FD9]  }
0x89: {  	s3 =	sld [smem:$0x3FFE];
	_ =	sdelay $0x1  }
0x8a: {  	s1 =	srdreg.scid  }
0x8b: {  	s0 =	sand.u32 $0x1, s1  }
0x8c: {  	s17 =	sshll.u32 s0, $0xA;
	s2 =	sadd.s32 s3, s2  }
0x8d: {  	s2 =	sadd.s32 s2, s17  }
0x8e: {  	[smem:$0x3FB3] =	sst s2  }
0x8f: {  	_ = 	snop  }
0x90: {  	s2 =	sld [smem:$0x3FD0];
	(tm) =	ssettm $0x1  }
0x91: {  	s18 =	sld [smem:$0x3FFB];
	_ =	sdelay $0x3  }
0x92: {  	_ =	strace s18  }
0x93: {  	s3 =	sld [smem:$0x3FFC];
	_ =	sdelay $0x3  }
0x94: {  	_ =	strace s3  }
0x95: {  	s3 =	sld [smem:$0x3FFD];
	_ =	sdelay $0x3  }
0x96: {  	_ =	strace s3  }
0x97: {  	_ =	strace $0x8FFFFFFF  }
0x98: {  	s19 =	sld [smem:$0x3FDB];
	_ =	sdelay $0x1  }
0x99: {  	s4 =	simm.s32 $_scs_section_size  }
0x9a: {  	s5 =	simm.s32 $_size__tile_overlayer_lowered;
	s6 =	simm.s32 $_tile_overlayer_lowered  }
0x9b: {  	s22 =	simm.s32 $0x1BFF;
	s21 =	sshll.u32 s6, $0x1;
	s3 =	sadd.s32 s4, s19  }
0x9c: {  	s7 =	simm.s32 $0x0;
	s20 =	sshll.u32 s5, $0x1;
	s5 =	sadd.s32 s21, s3  }
0x9d: {  	[timem:s7], [sflag:s22] =	dma.local [hbm:s5], s20  }
0x9e: {  	_ =	swait.ge [sflag:s22], s20  }
0x9f: {  	s4 =	ssub.s32 $0x0, s20;
	[sflag:s22] =	ssyncset.done $0x0  }
0xa0: {  	[sflag:s22] =	ssyncadd.s32 s4;
	_ =	sdelay $0x1  }
0xa1: {  	s23 =	simm.s32 $0x1B8B  }
0xa2: {  	_ =	swait.ge [sflag:s23], $0x1  }
0xa3: {  	[sflag:s23] =	ssyncset.done $0x0  }
0xa4: {  	s25 =	simm.s32 $0x1B8E;
	s24 =	sld [smem:$0x3FFE];
	[sflag:s23] =	ssyncadd.s32 $0xFFFFFFFF  }
0xa5: {  	s26 =	simm.s32 $execute0_lowered;
	[smem:$0x3FD2] =	sst s25  }
0xa6: {  	s5 =	sshll.u32 s26, $0x1;
	_ =	strace $0x80000055;
	[dreg:$0x1] =	wrdreg $0xFFFFFFFF  }
0xa7: {  	s28 =	simm.s32 $_size_execute0_lowered;
	s3 =	sadd.s32 s3, s5;
	[dreg:$0x0] =	wrdreg $0x0  }
0xa8: {  	s5 =	sshll.u32 s28, $0x1;
	[dreg:$0x2] =	wrdreg s3  }
0xa9: {  	[dreg:$0x3] =	wrdreg s5  }
0xaa: {  	[dreg:$0x4] =	wrdreg $0xC0  }
0xab: {  	_ =	task [dreg:s7], $0x5FFFF  }
0xac: {  	[dreg:$0x1] =	wrdreg $0xFFFFFFFF  }
0xad: {  	[dreg:$0x0] =	wrdreg $0x60  }
0xae: {  	[dreg:$0x2] =	wrdreg s24  }
0xaf: {  	[dreg:$0x3] =	wrdreg s2  }
0xb0: {  	[dreg:$0x4] =	wrdreg $0x108000  }
0xb1: {  	[dreg:$0x5] =	wrdreg $0x9  }
0xb2: {  	_ =	task.clear_ibuf [dreg:s7], $0x6FFFF;
	_ =	strace $0x90000055  }
0xb3: {  	s29 =	simm.s32 $0x9;
	_ =	strace $0x80000057  }
0xb4: {  	_ =	swait.ge [sflag:s29], $0x1  }
0xb5: {  	[sflag:s29] =	ssyncadd.s32 $0xFFFFFFFF  }
0xb6: {  	_ =	strace $0x90000057  }
0xb7: {  	_ =	sfence  }
0xb8: {  	s30 =	sld [smem:$0x0];
	_ =	sdelay $0x2  }
0xb9: {  	s31 =	sshll.u32 s1, $0xD;
	s1 =	sshrl.u32 s1, $0x2  }
0xba: {  	s3 =	sand.u32 $0x4000, s31;
	s1 =	sadd.s32 s1, s30  }
0xbb: {  	s0 =	sor.u32 s3, s0;
	s1 =	sshll.u32 s1, $0x11  }
0xbc: {  	s0 =	sor.u32 s1, s0  }
0xbd: {  	s0 =	sadd.s32 $0x8F2B, s0  }
0xbe: {  	[sflag:s0] =	ssyncadd.remote.s32 $0x1  }
0xbf: {  	_ =	sfence.sel $0xFFFF  }
0xc0: {  	[dreg:$0x0] =	wrdreg $0xFFFFFFFF;
	(pc) =	sbr.abs _section_cstart, $3  }
0xc1: {  	[dreg:$0x1] =	wrdreg $0xFFFFFFFF  }
0xc2: {  	_ =	task.clear_ibuf [dreg:s7], $0x2FFFF;
	_ =	strace $0x9FFFFFFF  }
0xc3: {  	(tm) =	ssettm $0x7FFFFFFF  }
tec
execute0_lowered:
.L_overlay_start_1:
0x0: {  	(tag) =	ssettag $0x1  }
0x1: {  	s1 =	srdreg.scid;
	s0 =	stileid.u32  }
0x2: {  	s23 =	rddreg [dreg:$0x0];
	s24 =	sand.u32 $0x1, s1;
	s30 =	sshll.u32 s0, $0x1  }
0x3: {  	s2 =	rddreg [dreg:$0x1];
	s1 =	sor.u32 s24, s30  }
0x4: {  	s3 =	rddreg [dreg:$0x2];
	s4 =	simm.s32 $0x0;
	s6 =	smul.u32 $0x1400, s1  }
0x5: {  	[smem:$0x7FF] =	sst s4;
	s5 =	smul.u32 $0x28000, s1  }
0x6: {  	s25 =	smul.u32 $0x5000, s0;
	s1 =	rddreg [dreg:$0x3];
	s6 =	sshrl.u32 s6, $0x3  }
0x7: {  	_ =	strace $0x80000056;
	s5 =	sshrl.u32 s5, $0x3;
	s21 =	sadd.s32 s6, s23  }
0x8: {  	s22 =	sadd.s32 s5, s23;
	s5 =	simm.s32 $0x3;
	s6 =	sadd.s32 $0xDB200, s21  }
0x9: {  	[tilespmem:s4], [sflag:$0x3] =	stream.linear.gather [hbm4b:s6+s4], $0x400, $0x38;
	[tilespmem:$0x15800] =	vst v63  }
0xa: {  	s8 =	simm.s32 $0x800;
	s9 =	sshll.u32 s0, $0x6;
	_ =	swait.ge [sflag:s5], $0x400  }
0xb: {  	s9 =	sor.u32 $0x1C03, s9;
	s10 =	sadd.s32 s25, s3;
	[sflag:s5] =	ssyncset.done $0x0  }
0xc: {  	s10 =	sshrl.u32 s10, $0x3;
	s7 =	sadd.s32 $0x2D400, s22;
	[sflag:s5] =	ssyncadd.s32 $0xFFFFFC00  }
0xd: {  	[tilespmem:s8], [sflag:$0x1] =	stream.linear.gather [hbm4b:s7+s4], $0x8000, $0x38;
	[tilespmem:$0x15800] =	vst v63  }
0xe: {  	[spmem:s10], [sflag:s9] =	dma.local [hbm:s2], $0xA00  }
0xf: {  	_ =	swait.ge [sflag:s5], $0xA00  }
0x10: {  	[sflag:s5] =	ssyncset.done $0x0  }
0x11: {  	[sflag:s5] =	ssyncadd.s32 $0xFFFFF600  }
0x12: {  	s12 =	simm.s32 $0x400;
	s11 =	sadd.s32 $0xDB280, s21;
	[bflag:$0x0] =	sbarrier.arrive $0xFFFF  }
0x13: {  	[tilespmem:s12], [sflag:$0x3] =	stream.linear.gather [hbm4b:s11+s4], $0x400, $0x38;
	[tilespmem:$0x15800] =	vst v63  }
0x14: {  	_ =	swait.ge [sflag:s5], $0x400  }
0x15: {  	s14 =	simm.s32 $0x8800;
	[sflag:s5] =	ssyncset.done $0x0  }
0x16: {  	s15 =	simm.s32 $0x1;
	s13 =	sadd.s32 $0x2E400, s22;
	[sflag:s5] =	ssyncadd.s32 $0xFFFFFC00  }
0x17: {  	[tilespmem:s14], [sflag:$0x2] =	stream.linear.gather [hbm4b:s13+s4], $0x8000, $0x38;
	[tilespmem:$0x15800] =	vst v63  }
0x18: {  	_ =	swait.ge [sflag:s15], $0x8000  }
0x19: {  	[sflag:s15] =	ssyncset.done $0x0  }
0x1a: {  	[sflag:s15] =	ssyncadd.s32 $0xFFFF8000  }
0x1b: {  	[spmem:s3] =	stream.indirect.scatter.add.f32 [tilespmem:s8], [sflag:$0x3], $0x20, s4, s12, $0xb8;
	[tilespmem:$0x15800] =	vst v63  }
0x1c: {  	_ =	swait.ge [sflag:s5], $0x8000  }
0x1d: {  	[sflag:s5] =	ssyncset.done $0x0  }
0x1e: {  	s16 =	sadd.s32 $0xDB300, s21;
	[sflag:s5] =	ssyncadd.s32 $0xFFFF8000  }
0x1f: {  	[tilespmem:s4], [sflag:$0x3] =	stream.linear.gather [hbm4b:s16+s4], $0x400, $0x38;
	[tilespmem:$0x15800] =	vst v63  }
0x20: {  	_ =	swait.ge [sflag:s5], $0x400  }
0x21: {  	[sflag:s5] =	ssyncset.done $0x0  }
0x22: {  	s18 =	simm.s32 $0x2;
	s17 =	sadd.s32 $0x2F400, s22;
	[sflag:s5] =	ssyncadd.s32 $0xFFFFFC00  }
0x23: {  	[tilespmem:s8], [sflag:$0x1] =	stream.linear.gather [hbm4b:s17+s4], $0x8000, $0x38;
	[tilespmem:$0x15800] =	vst v63  }
0x24: {  	_ =	swait.ge [sflag:s18], $0x8000  }
0x25: {  	[sflag:s18] =	ssyncset.done $0x0  }
0x26: {  	[sflag:s18] =	ssyncadd.s32 $0xFFFF8000  }
0x27: {  	[spmem:s3] =	stream.indirect.scatter.add.f32 [tilespmem:s14], [sflag:$0x3], $0x20, s12, s12, $0xb8;
	[tilespmem:$0x15800] =	vst v63  }
0x28: {  	_ =	swait.ge [sflag:s5], $0x8000  }
0x29: {  	[sflag:s5] =	ssyncset.done $0x0  }
0x2a: {  	s19 =	sadd.s32 $0xDB380, s21;
	[sflag:s5] =	ssyncadd.s32 $0xFFFF8000  }
0x2b: {  	[tilespmem:s12], [sflag:$0x3] =	stream.linear.gather [hbm4b:s19+s4], $0x400, $0x38;
	[tilespmem:$0x15800] =	vst v63  }
0x2c: {  	_ =	swait.ge [sflag:s5], $0x400  }
0x2d: {  	[sflag:s5] =	ssyncset.done $0x0  }
0x2e: {  	s20 =	sadd.s32 $0x30400, s22;
	[sflag:s5] =	ssyncadd.s32 $0xFFFFFC00  }
0x2f: {  	[tilespmem:s14], [sflag:$0x2] =	stream.linear.gather [hbm4b:s20+s4], $0x8000, $0x38;
	[tilespmem:$0x15800] =	vst v63  }
0x30: {  	_ =	swait.ge [sflag:s15], $0x8000  }
0x31: {  	[sflag:s15] =	ssyncset.done $0x0  }
0x32: {  	[sflag:s15] =	ssyncadd.s32 $0xFFFF8000  }
0x33: {  	[spmem:s3] =	stream.indirect.scatter.add.f32 [tilespmem:s8], [sflag:$0x3], $0x20, s4, s12, $0xb8;
	[tilespmem:$0x15800] =	vst v63  }
0x34: {  	_ =	swait.ge [sflag:s5], $0x8000  }
0x35: {  	[sflag:s5] =	ssyncset.done $0x0  }
0x36: {  	s21 =	sadd.s32 $0xDB400, s21;
	[sflag:s5] =	ssyncadd.s32 $0xFFFF8000  }
0x37: {  	[tilespmem:s4], [sflag:$0x3] =	stream.linear.gather [hbm4b:s21+s4], $0x400, $0x38;
	[tilespmem:$0x15800] =	vst v63  }
0x38: {  	_ =	swait.ge [sflag:s5], $0x400  }
0x39: {  	[sflag:s5] =	ssyncset.done $0x0  }
0x3a: {  	s22 =	sadd.s32 $0x31400, s22;
	[sflag:s5] =	ssyncadd.s32 $0xFFFFFC00  }
0x3b: {  	[tilespmem:s8], [sflag:$0x1] =	stream.linear.gather [hbm4b:s22+s4], $0x8000, $0x38;
	[tilespmem:$0x15800] =	vst v63  }
0x3c: {  	_ =	swait.ge [sflag:s18], $0x8000  }
0x3d: {  	[sflag:s18] =	ssyncset.done $0x0  }
0x3e: {  	[sflag:s18] =	ssyncadd.s32 $0xFFFF8000  }
0x3f: {  	[spmem:s3] =	stream.indirect.scatter.add.f32 [tilespmem:s14], [sflag:$0x3], $0x20, s12, s12, $0xb8;
	[tilespmem:$0x15800] =	vst v63  }
0x40: {  	_ =	swait.ge [sflag:s5], $0x8000  }
0x41: {  	[sflag:s5] =	ssyncset.done $0x0  }
0x42: {  	[sflag:s5] =	ssyncadd.s32 $0xFFFF8000  }
0x43: {  	s26 =	smul.u32 $0x50000, s24;
	s24 =	ssub.s32 $0x2, s24;
	_ =	swait.ge [sflag:s15], $0x8000  }
0x44: {  	s31 =	sshrl.u32 s24, $0x1;
	[sflag:s15] =	ssyncset.done $0x0  }
0x45: {  	s24 =	ssub.s32 s24, s31;
	[sflag:s15] =	ssyncadd.s32 $0xFFFF8000  }
0x46: {  	[spmem:s3] =	stream.indirect.scatter.add.f32 [tilespmem:s8], [sflag:$0x3], $0x20, s4, s12, $0xb8;
	[tilespmem:$0x15800] =	vst v63  }
0x47: {  	s25 =	sadd.s32 s25, s26;
	s24 =	smax.u32 s24, $0x1;
	_ =	swait.ge [sflag:s5], $0x8000  }
0x48: {  	s25 =	sshrl.u32 s25, $0x3;
	p0 =	sne.s32 s24, $0x1;
	[sflag:s5] =	ssyncset.done $0x0  }
.Ltmp0:
0x49: {  	s23 =	sadd.s32 s25, s23;
	[sflag:s5] =	ssyncadd.s32 $0xFFFF8000;
	(pc) =	sbr.rel @!p0 .LBB2_2-.Ltmp0, $4  }
0x4a: {  	s23 =	sadd.s32 $0xE0200, s23;
	[bflag:$0x0] =	sbarrier.arrive $0xFFFF  }
0x4b: {  	[hbm:s23], [sflag:s9] =	dma.local [spmem:s10], $0xA00  }
0x4c: {  	_ =	swait.ge [sflag:s5], $0xA00  }
0x4d: {  	s24 =	sadd.s32 $0xFFFFFFFF, s24;
	[sflag:s5] =	ssyncset.done $0x0  }
.LBB2_1:
0x4e: {  	p0 =	sne.s32 s24, $0x1;
	s24 =	sadd.s32 $0xFFFFFFFF, s24;
	[sflag:s5] =	ssyncadd.s32 $0xFFFFF600  }
0x4f: {  	[tilespmem:s4], [sflag:$0x3] =	stream.linear.gather [hbm4b:s6+s4], $0x400, $0x38;
	[tilespmem:$0x15800] =	vst v63  }
0x50: {  	_ =	swait.ge [sflag:s5], $0x400  }
0x51: {  	[sflag:s5] =	ssyncset.done $0x0  }
0x52: {  	[sflag:s5] =	ssyncadd.s32 $0xFFFFFC00  }
0x53: {  	[tilespmem:s8], [sflag:$0x1] =	stream.linear.gather [hbm4b:s7+s4], $0x8000, $0x38;
	[tilespmem:$0x15800] =	vst v63  }
0x54: {  	[spmem:s10], [sflag:s9] =	dma.local [hbm:s2], $0xA00  }
0x55: {  	_ =	swait.ge [sflag:s5], $0xA00  }
0x56: {  	[sflag:s5] =	ssyncset.done $0x0  }
0x57: {  	[sflag:s5] =	ssyncadd.s32 $0xFFFFF600  }
0x58: {  	[bflag:$0x0] =	sbarrier.arrive $0xFFFF  }
0x59: {  	[tilespmem:s12], [sflag:$0x3] =	stream.linear.gather [hbm4b:s11+s4], $0x400, $0x38;
	[tilespmem:$0x15800] =	vst v63  }
0x5a: {  	_ =	swait.ge [sflag:s5], $0x400  }
0x5b: {  	[sflag:s5] =	ssyncset.done $0x0  }
0x5c: {  	[sflag:s5] =	ssyncadd.s32 $0xFFFFFC00  }
0x5d: {  	[tilespmem:s14], [sflag:$0x2] =	stream.linear.gather [hbm4b:s13+s4], $0x8000, $0x38;
	[tilespmem:$0x15800] =	vst v63  }
0x5e: {  	_ =	swait.ge [sflag:s15], $0x8000  }
0x5f: {  	[sflag:s15] =	ssyncset.done $0x0  }
0x60: {  	[sflag:s15] =	ssyncadd.s32 $0xFFFF8000  }
0x61: {  	[spmem:s3] =	stream.indirect.scatter.add.f32 [tilespmem:s8], [sflag:$0x3], $0x20, s4, s12, $0xb8;
	[tilespmem:$0x15800] =	vst v63  }
0x62: {  	_ =	swait.ge [sflag:s5], $0x8000  }
0x63: {  	[sflag:s5] =	ssyncset.done $0x0  }
0x64: {  	[sflag:s5] =	ssyncadd.s32 $0xFFFF8000  }
0x65: {  	[tilespmem:s4], [sflag:$0x3] =	stream.linear.gather [hbm4b:s16+s4], $0x400, $0x38;
	[tilespmem:$0x15800] =	vst v63  }
0x66: {  	_ =	swait.ge [sflag:s5], $0x400  }
0x67: {  	[sflag:s5] =	ssyncset.done $0x0  }
0x68: {  	[sflag:s5] =	ssyncadd.s32 $0xFFFFFC00  }
0x69: {  	[tilespmem:s8], [sflag:$0x1] =	stream.linear.gather [hbm4b:s17+s4], $0x8000, $0x38;
	[tilespmem:$0x15800] =	vst v63  }
0x6a: {  	_ =	swait.ge [sflag:s18], $0x8000  }
0x6b: {  	[sflag:s18] =	ssyncset.done $0x0  }
0x6c: {  	[sflag:s18] =	ssyncadd.s32 $0xFFFF8000  }
0x6d: {  	[spmem:s3] =	stream.indirect.scatter.add.f32 [tilespmem:s14], [sflag:$0x3], $0x20, s12, s12, $0xb8;
	[tilespmem:$0x15800] =	vst v63  }
0x6e: {  	_ =	swait.ge [sflag:s5], $0x8000  }
0x6f: {  	[sflag:s5] =	ssyncset.done $0x0  }
0x70: {  	[sflag:s5] =	ssyncadd.s32 $0xFFFF8000  }
0x71: {  	[tilespmem:s12], [sflag:$0x3] =	stream.linear.gather [hbm4b:s19+s4], $0x400, $0x38;
	[tilespmem:$0x15800] =	vst v63  }
0x72: {  	_ =	swait.ge [sflag:s5], $0x400  }
0x73: {  	[sflag:s5] =	ssyncset.done $0x0  }
0x74: {  	[sflag:s5] =	ssyncadd.s32 $0xFFFFFC00  }
0x75: {  	[tilespmem:s14], [sflag:$0x2] =	stream.linear.gather [hbm4b:s20+s4], $0x8000, $0x38;
	[tilespmem:$0x15800] =	vst v63  }
0x76: {  	_ =	swait.ge [sflag:s15], $0x8000  }
0x77: {  	[sflag:s15] =	ssyncset.done $0x0  }
0x78: {  	[sflag:s15] =	ssyncadd.s32 $0xFFFF8000  }
0x79: {  	[spmem:s3] =	stream.indirect.scatter.add.f32 [tilespmem:s8], [sflag:$0x3], $0x20, s4, s12, $0xb8;
	[tilespmem:$0x15800] =	vst v63  }
0x7a: {  	_ =	swait.ge [sflag:s5], $0x8000  }
0x7b: {  	[sflag:s5] =	ssyncset.done $0x0  }
0x7c: {  	[sflag:s5] =	ssyncadd.s32 $0xFFFF8000  }
0x7d: {  	[tilespmem:s4], [sflag:$0x3] =	stream.linear.gather [hbm4b:s21+s4], $0x400, $0x38;
	[tilespmem:$0x15800] =	vst v63  }
0x7e: {  	_ =	swait.ge [sflag:s5], $0x400  }
0x7f: {  	[sflag:s5] =	ssyncset.done $0x0  }
0x80: {  	[sflag:s5] =	ssyncadd.s32 $0xFFFFFC00  }
0x81: {  	[tilespmem:s8], [sflag:$0x1] =	stream.linear.gather [hbm4b:s22+s4], $0x8000, $0x38;
	[tilespmem:$0x15800] =	vst v63  }
0x82: {  	_ =	swait.ge [sflag:s18], $0x8000  }
0x83: {  	[sflag:s18] =	ssyncset.done $0x0  }
0x84: {  	[sflag:s18] =	ssyncadd.s32 $0xFFFF8000  }
0x85: {  	[spmem:s3] =	stream.indirect.scatter.add.f32 [tilespmem:s14], [sflag:$0x3], $0x20, s12, s12, $0xb8;
	[tilespmem:$0x15800] =	vst v63  }
0x86: {  	_ =	swait.ge [sflag:s5], $0x8000  }
0x87: {  	[sflag:s5] =	ssyncset.done $0x0  }
0x88: {  	[sflag:s5] =	ssyncadd.s32 $0xFFFF8000  }
0x89: {  	_ =	swait.ge [sflag:s15], $0x8000  }
0x8a: {  	[sflag:s15] =	ssyncset.done $0x0  }
0x8b: {  	[sflag:s15] =	ssyncadd.s32 $0xFFFF8000  }
0x8c: {  	[spmem:s3] =	stream.indirect.scatter.add.f32 [tilespmem:s8], [sflag:$0x3], $0x20, s4, s12, $0xb8;
	[tilespmem:$0x15800] =	vst v63  }
0x8d: {  	_ =	swait.ge [sflag:s5], $0x8000  }
0x8e: {  	[sflag:s5] =	ssyncset.done $0x0  }
.Ltmp1:
0x8f: {  	[sflag:s5] =	ssyncadd.s32 $0xFFFF8000;
	(pc) =	sbr.rel @p0 .LBB2_1-.Ltmp1, $4  }
0x90: {  	[bflag:$0x0] =	sbarrier.arrive $0xFFFF  }
0x91: {  	[hbm:s23], [sflag:s9] =	dma.local [spmem:s10], $0xA00  }
0x92: {  	_ =	swait.ge [sflag:s5], $0xA00  }
0x93: {  	[sflag:s5] =	ssyncset.done $0x0  }
.LBB2_2:
0x94: {  	[sflag:s5] =	ssyncadd.s32 $0xFFFFF600  }
0x95: {  	_ =	sfence.sel $0x180000  }
0x96: {  	[bflag:$0x0] =	sbarrier.arrive $0xFFFF  }
0x97: {  	p0 =	sne.s32 s0, $0x0;
	_ =	strace $0x90000056  }
0x98: {  	s0 =	sadd.s32 @!p0 $0x100000, s1;
	[bflag:$0x2] =	sbarrier.arrive $0xFFFF  }
0x99: {  	[sflag:s0] =	ssyncadd.tile.s32 @!p0 $0x1;
	_ =	shalt  }
.Lfunc_end2:
_tile_overlayer_lowered:
.L_overlay_start_2:
0x9a: {  	(tag) =	ssettag $0x2  }
0x9b: {  	s0 =	rddreg [dreg:$0x0];
	s2 =	stileid.u32  }
0x9c: {  	s1 =	rddreg [dreg:$0x1];
	p0 =	sne.s32 s2, $0x0  }
0x9d: {  	s3 =	rddreg [dreg:$0x2];
	[bflag:$0x3] =	sbarrier.arrive $0xFFFF;
	s2 =	simm.s32 @!p0 $0x1C03  }
0x9e: {  	[timem:s3], [sflag:s2] =	dma.local @!p0 [hbm:s0], s1  }
0x9f: {  	s0 =	simm.s32 @!p0 $0x3  }
0xa0: {  	_ =	swait.ge @!p0 [sflag:s0], s1  }
0xa1: {  	s1 =	ssub.s32 @!p0 $0x0, s1;
	[sflag:s0] =	ssyncset.done @!p0 $0x0  }
0xa2: {  	[sflag:s0] =	ssyncadd.s32 @!p0 s1  }
0xa3: {  	[bflag:$0x3] =	sbarrier.arrive $0xFFFF  }
0xa4: {  	_ =	shalt  }

// kernel: kernel.35.cloned.1.call-start
scs
__scs_entry_jumppad:
0x0: {  	(pc) =	sbr.rel $0x88, $3  }
0x1: {  	(tag) =	ssettag $0x0;
	lr =	simm.s32 $0x1  }
0x2: {  	[smem:$0x3F8C] =	sst lr;
	_ =	strace $0xD0000000  }
0x3: {  	_ = 	snop  }
0x4: {  	_ = 	snop  }
0x5: {  	_ = 	snop  }
0x6: {  	_ = 	snop  }
0x7: {  	_ = 	snop  }
__scs_overlays_trampoline_lowered:
0x8: {  	[smem:$0x3F9B] =	sst s0  }
0x9: {  	[smem:$0x3F9C] =	sst s1  }
0xa: {  	[smem:$0x3F9D] =	sst s2  }
0xb: {  	[smem:$0x3F9E] =	sst s3  }
0xc: {  	[smem:$0x3F9F] =	sst s4  }
0xd: {  	[smem:$0x3FA0] =	sst s5  }
0xe: {  	[smem:$0x3FA1] =	sst s6  }
0xf: {  	[smem:$0x3FA2] =	sst s7  }
0x10: {  	[smem:$0x3FA3] =	sst s8  }
0x11: {  	[smem:$0x3FA4] =	sst s9;
	s0 =	simm.s32 @!p0 $0x0  }
0x12: {  	s1 =	sld [smem:$0x3F8A];
	s0 =	simm.s32 @p0 $0x1  }
0x13: {  	[smem:$0x3FA5] =	sst s0;
	s0 =	simm.s32 @!p1 $0x0  }
0x14: {  	s2 =	sld [smem:$0x3F89];
	s0 =	simm.s32 @p1 $0x1  }
0x15: {  	[smem:$0x3FA6] =	sst s0;
	s0 =	simm.s32 @!p2 $0x0  }
0x16: {  	s3 =	sld [smem:$0x3FDB];
	s0 =	simm.s32 @p2 $0x1  }
0x17: {  	s4 =	simm.s32 $0x1BF5;
	[smem:$0x3FA8] =	sst s0  }
0x18: {  	s0 =	sld [smem:$0x3F8B];
	_ =	swait.ge [sflag:s4], $0x0  }
0x19: {  	s7 =	sld [smem:$0x3F8C]  }
0x1a: {  	s8 =	sadd.s32 $0xFFFFE003, lr  }
0x1b: {  	s9 =	sadd.s32 $0xFFFFFEF7, lr;
	s5 =	simm.s32 $0xFFFFFFFF;
	p2 =	slt.u32 s8, $0xFFFFF086  }
0x1c: {  	p1 =	slt.u32 s9, $0xF7A;
	s5 =	simm.s32 @!p2 $0x0  }
0x1d: {  	s5 =	simm.s32 @p1 $0x1;
	p0 =	seq.s32 s7, s2  }
0x1e: {  	s7 =	smul.u32 @!p0 $0xF7A, s2;
	p2 =	seq.s32 @!p0 s5, $0x0  }
0x1f: {  	s9 =	smul.u32 $0xF7A, s1;
	s8 =	simm.s32 @!p0 $0x1BF5;
	p2 =	por !p2, p0  }
0x20: {  	[sflag:s8] =	ssyncset.s32 @!p0 $0xFFFFF086;
	s6 =	sadd.s32 @!p0 s3, s7;
	s7 =	simm.s32 @!p0 $0x108  }
0x21: {  	s3 =	sadd.s32 s3, s9;
	s6 =	sadd.s32 @!p0 $0x88, s6;
	s7 =	simm.s32 @p2 $0x1082  }
0x22: {  	[simem:s7], [sflag:s8] =	dma.local @!p0 [hbm:s6], $0xF7A  }
0x23: {  	s9 =	sor.u32 $0xD0000000, s2;
	s6 =	simm.s32 $0x108;
	_ =	swait.ge @!p0 [sflag:s8], $0x0  }
0x24: {  	s3 =	sadd.s32 $0x88, s3;
	s6 =	simm.s32 @!p1 $0x1082;
	[sflag:s4] =	ssyncset.s32 $0xFFFFF086  }
0x25: {  	[simem:s6], [sflag:s4] =	dma.local [hbm:s3], $0xF7A  }
0x26: {  	[smem:$0x3F8C] =	sst s1;
	(tag) =	ssettag s2;
	_ =	strace s9  }
0x27: {  	s1 =	sld [smem:$0x3F9C]  }
0x28: {  	s2 =	sld [smem:$0x3F9D]  }
0x29: {  	s4 =	sld [smem:$0x3F9F]  }
0x2a: {  	p0 =	seq.s32 s5, $0x0;
	s5 =	sld [smem:$0x3FA0]  }
0x2b: {  	s6 =	sld [smem:$0x3FA1]  }
0x2c: {  	s7 =	sld [smem:$0x3FA2]  }
0x2d: {  	s3 =	simm.s32 $0x108;
	s8 =	sld [smem:$0x3FA3]  }
0x2e: {  	s3 =	simm.s32 @!p0 $0x1082;
	s9 =	sld [smem:$0x3FA4]  }
0x2f: {  	lr =	sadd.s32 s0, s3;
	s0 =	sld [smem:$0x3F9B]  }
0x30: {  	s3 =	sld [smem:$0x3F9E]  }
0x31: {  	[smem:$0x3FA7] =	sst s10  }
0x32: {  	s10 =	sld [smem:$0x3FA5];
	_ =	sdelay $0x3  }
0x33: {  	p0 =	seq.s32 s10, $0x1;
	s10 =	sld [smem:$0x3FA7];
	_ =	sdelay $0x3  }
0x34: {  	[smem:$0x3FA7] =	sst s10  }
0x35: {  	s10 =	sld [smem:$0x3FA6];
	_ =	sdelay $0x3  }
0x36: {  	p1 =	seq.s32 s10, $0x1;
	s10 =	sld [smem:$0x3FA7];
	_ =	sdelay $0x3  }
0x37: {  	[smem:$0x3FA7] =	sst s10  }
0x38: {  	s10 =	sld [smem:$0x3FA8]  }
0x39: {  	_ = 	snop;
	(pc) =	sbr.ind lr, $3  }
0x3a: {  	_ = 	snop  }
0x3b: {  	_ = 	snop  }
0x3c: {  	p2 =	seq.s32 s10, $0x1;
	s10 =	sld [smem:$0x3FA7]  }
0x3d: {  	_ =	shalt  }
0x3e: {  	_ =	shalt  }
0x3f: {  	_ =	shalt  }
0x40: {  	_ =	shalt  }
0x41: {  	_ =	shalt  }
0x42: {  	_ =	shalt  }
0x43: {  	_ =	shalt  }
0x44: {  	_ =	shalt  }
0x45: {  	_ =	shalt  }
0x46: {  	_ =	shalt  }
0x47: {  	_ =	shalt  }
0x48: {  	_ =	shalt  }
0x49: {  	_ =	shalt  }
0x4a: {  	_ =	shalt  }
0x4b: {  	_ =	shalt  }
0x4c: {  	_ =	shalt  }
0x4d: {  	_ =	shalt  }
0x4e: {  	_ =	shalt  }
0x4f: {  	_ =	shalt  }
0x50: {  	_ =	shalt  }
0x51: {  	_ =	shalt  }
0x52: {  	_ =	shalt  }
0x53: {  	_ =	shalt  }
0x54: {  	_ =	shalt  }
0x55: {  	_ =	shalt  }
0x56: {  	_ =	shalt  }
0x57: {  	_ =	shalt  }
0x58: {  	_ =	shalt  }
0x59: {  	_ =	shalt  }
0x5a: {  	_ =	shalt  }
0x5b: {  	_ =	shalt  }
0x5c: {  	_ =	shalt  }
0x5d: {  	_ =	shalt  }
0x5e: {  	_ =	shalt  }
0x5f: {  	_ =	shalt  }
0x60: {  	_ =	shalt  }
0x61: {  	_ =	shalt  }
0x62: {  	_ =	shalt  }
0x63: {  	_ =	shalt  }
0x64: {  	_ =	shalt  }
0x65: {  	_ =	shalt  }
0x66: {  	_ =	shalt  }
0x67: {  	_ =	shalt  }
0x68: {  	_ =	shalt  }
0x69: {  	_ =	shalt  }
0x6a: {  	_ =	shalt  }
0x6b: {  	_ =	shalt  }
0x6c: {  	_ =	shalt  }
0x6d: {  	_ =	shalt  }
0x6e: {  	_ =	shalt  }
0x6f: {  	_ =	shalt  }
0x70: {  	_ =	shalt  }
0x71: {  	_ =	shalt  }
0x72: {  	_ =	shalt  }
0x73: {  	_ =	shalt  }
0x74: {  	_ =	shalt  }
0x75: {  	_ =	shalt  }
0x76: {  	_ =	shalt  }
0x77: {  	_ =	shalt  }
0x78: {  	_ =	shalt  }
0x79: {  	_ =	shalt  }
0x7a: {  	_ =	shalt  }
0x7b: {  	_ =	shalt  }
0x7c: {  	_ =	shalt  }
0x7d: {  	_ =	shalt  }
0x7e: {  	_ =	shalt  }
0x7f: {  	_ =	shalt  }
0x80: {  	_ =	shalt  }
0x81: {  	_ =	shalt  }
0x82: {  	_ =	shalt  }
0x83: {  	_ =	shalt  }
0x84: {  	_ =	shalt  }
0x85: {  	_ =	shalt  }
0x86: {  	_ =	shalt  }
0x87: {  	_ =	shalt  }
.Lfunc_end0:
.L_simem_size_0:
called_computation.6_lowered:
.L_overlay_start_0:
0x88: {  	s2 =	sld [smem:$0x3FD9]  }
0x89: {  	s3 =	sld [smem:$0x3FFE];
	_ =	sdelay $0x1  }
0x8a: {  	s1 =	srdreg.scid  }
0x8b: {  	s0 =	sand.u32 $0x1, s1  }
0x8c: {  	s16 =	sshll.u32 s0, $0xA;
	s2 =	sadd.s32 s3, s2  }
0x8d: {  	s2 =	sadd.s32 s2, s16  }
0x8e: {  	[smem:$0x3FB3] =	sst s2  }
0x8f: {  	_ = 	snop  }
0x90: {  	(tm) =	ssettm $0x1  }
0x91: {  	s17 =	sld [smem:$0x3FFB];
	_ =	sdelay $0x3  }
0x92: {  	_ =	strace s17  }
0x93: {  	s2 =	sld [smem:$0x3FFC];
	_ =	sdelay $0x3  }
0x94: {  	_ =	strace s2  }
0x95: {  	s2 =	sld [smem:$0x3FFD];
	_ =	sdelay $0x3  }
0x96: {  	_ =	strace s2  }
0x97: {  	_ =	strace $0x8FFFFFFF  }
0x98: {  	s18 =	sld [smem:$0x3FDB];
	_ =	sdelay $0x1  }
0x99: {  	s19 =	simm.s32 $_scs_section_size  }
0x9a: {  	s4 =	simm.s32 $_size__tile_overlayer_lowered;
	s5 =	simm.s32 $_tile_overlayer_lowered  }
0x9b: {  	s22 =	simm.s32 $0x1BFF;
	s21 =	sshll.u32 s5, $0x1;
	s2 =	sadd.s32 s19, s18  }
0x9c: {  	s6 =	simm.s32 $0x0;
	s20 =	sshll.u32 s4, $0x1;
	s4 =	sadd.s32 s21, s2  }
0x9d: {  	[timem:s6], [sflag:s22] =	dma.local [hbm:s4], s20  }
0x9e: {  	_ =	swait.ge [sflag:s22], s20  }
0x9f: {  	s3 =	ssub.s32 $0x0, s20;
	[sflag:s22] =	ssyncset.done $0x0  }
0xa0: {  	[sflag:s22] =	ssyncadd.s32 s3;
	_ =	sdelay $0x1  }
0xa1: {  	s23 =	simm.s32 $0x1B8B  }
0xa2: {  	_ =	swait.ge [sflag:s23], $0x1  }
0xa3: {  	[sflag:s23] =	ssyncset.done $0x0  }
0xa4: {  	s25 =	simm.s32 $0x1B8E;
	s24 =	sld [smem:$0x3FFE];
	[sflag:s23] =	ssyncadd.s32 $0xFFFFFFFF  }
0xa5: {  	s26 =	simm.s32 $execute0_lowered;
	[smem:$0x3FD2] =	sst s25  }
0xa6: {  	s4 =	sshll.u32 s26, $0x1;
	_ =	strace $0x80000058;
	[dreg:$0x1] =	wrdreg $0xFFFFFFFF  }
0xa7: {  	s28 =	simm.s32 $_size_execute0_lowered;
	s2 =	sadd.s32 s2, s4;
	[dreg:$0x0] =	wrdreg $0x0  }
0xa8: {  	s4 =	sshll.u32 s28, $0x1;
	[dreg:$0x2] =	wrdreg s2  }
0xa9: {  	[dreg:$0x3] =	wrdreg s4  }
0xaa: {  	[dreg:$0x4] =	wrdreg $0xC0  }
0xab: {  	_ =	task [dreg:s6], $0x5FFFF  }
0xac: {  	[dreg:$0x1] =	wrdreg $0xFFFFFFFF  }
0xad: {  	[dreg:$0x0] =	wrdreg $0x60  }
0xae: {  	[dreg:$0x2] =	wrdreg s24  }
0xaf: {  	[dreg:$0x3] =	wrdreg $0x9  }
0xb0: {  	_ =	task.clear_ibuf [dreg:s6], $0x4FFFF;
	_ =	strace $0x90000058  }
0xb1: {  	s29 =	simm.s32 $0x9;
	_ =	strace $0x8000005A  }
0xb2: {  	_ =	swait.ge [sflag:s29], $0x1  }
0xb3: {  	[sflag:s29] =	ssyncadd.s32 $0xFFFFFFFF  }
0xb4: {  	_ =	strace $0x9000005A  }
0xb5: {  	_ =	sfence  }
0xb6: {  	s30 =	sld [smem:$0x0];
	_ =	sdelay $0x2  }
0xb7: {  	s31 =	sshll.u32 s1, $0xD;
	s1 =	sshrl.u32 s1, $0x2  }
0xb8: {  	s3 =	sand.u32 $0x4000, s31;
	s1 =	sadd.s32 s1, s30  }
0xb9: {  	s0 =	sor.u32 s3, s0;
	s1 =	sshll.u32 s1, $0x11  }
0xba: {  	s0 =	sor.u32 s1, s0  }
0xbb: {  	s0 =	sadd.s32 $0x8F2B, s0  }
0xbc: {  	[sflag:s0] =	ssyncadd.remote.s32 $0x1  }
0xbd: {  	_ =	sfence.sel $0xFFFF  }
0xbe: {  	[dreg:$0x0] =	wrdreg $0xFFFFFFFF;
	(pc) =	sbr.abs _section_cstart, $3  }
0xbf: {  	[dreg:$0x1] =	wrdreg $0xFFFFFFFF  }
0xc0: {  	_ =	task.clear_ibuf [dreg:s6], $0x2FFFF;
	_ =	strace $0x9FFFFFFF  }
0xc1: {  	(tm) =	ssettm $0x7FFFFFFF  }
tec
execute0_lowered:
.L_overlay_start_1:
0x0: {  	(tag) =	ssettag $0x1  }
0x1: {  	s1 =	srdreg.scid;
	s0 =	stileid.u32  }
0x2: {  	s21 =	sand.u32 $0x1, s1;
	s30 =	sshll.u32 s0, $0x1  }
0x3: {  	s9 =	sor.u32 s21, s30  }
0x4: {  	s3 =	smul.u32 $0xC80, s9;
	_ =	sdelay $0x1  }
0x5: {  	s10 =	rddreg [dreg:$0x0];
	s2 =	simm.s32 $0x0;
	s3 =	sshrl.u32 s3, $0x3  }
0x6: {  	s4 =	simm.s32 $0x5;
	[smem:$0x7FF] =	sst s2;
	s19 =	sadd.s32 s3, s10  }
0x7: {  	s1 =	rddreg [dreg:$0x1];
	_ =	strace $0x80000059;
	s3 =	sadd.s32 $0xCD400, s19  }
0x8: {  	[tilespmem:s2], [sflag:$0x5] =	stream.linear.gather [hbm4b:s3+s2], $0x280, $0x38;
	[tilespmem:$0xA500] =	vst v63  }
0x9: {  	_ =	swait.ge [sflag:s4], $0x280  }
0xa: {  	s6 =	simm.s32 $0x280;
	[sflag:s4] =	ssyncset.done $0x0  }
0xb: {  	s7 =	simm.s32 $0x500;
	s5 =	sadd.s32 $0x5200, s10;
	[sflag:s4] =	ssyncadd.s32 $0xFFFFFD80  }
0xc: {  	[tilespmem:s7], [sflag:$0x1] =	stream.indirect.gather [hbm4b:s5+s6], $0x20, s2, s6, $0xb8;
	[tilespmem:$0xA500] =	vst v63  }
0xd: {  	s8 =	sadd.s32 $0xCD450, s19  }
0xe: {  	[tilespmem:s6], [sflag:$0x5] =	stream.linear.gather [hbm4b:s8+s2], $0x280, $0x38;
	[tilespmem:$0xA500] =	vst v63  }
0xf: {  	_ =	swait.ge [sflag:s4], $0x280  }
0x10: {  	[sflag:s4] =	ssyncset.done $0x0  }
0x11: {  	s11 =	smul.u32 $0x19000, s9;
	s9 =	simm.s32 $0x1;
	[sflag:s4] =	ssyncadd.s32 $0xFFFFFD80  }
0x12: {  	_ =	swait.ge [sflag:s9], $0x5000  }
0x13: {  	s11 =	sshrl.u32 s11, $0x3;
	[sflag:s9] =	ssyncset.done $0x0  }
0x14: {  	s22 =	sadd.s32 s11, s10;
	s10 =	simm.s32 $0x5500;
	[sflag:s9] =	ssyncadd.s32 $0xFFFFB000  }
0x15: {  	[tilespmem:s10], [sflag:$0x2] =	stream.indirect.gather [hbm4b:s5+s6], $0x20, s6, s6, $0xb8;
	[tilespmem:$0xA500] =	vst v63  }
0x16: {  	s11 =	sadd.s32 $0xF000, s22  }
0x17: {  	[hbm4b:s11+s2] =	stream.linear.scatter [tilespmem:s7], [sflag:$0x3], $0x5000, $0x38;
	[tilespmem:$0xA500] =	vst v63  }
0x18: {  	s12 =	sadd.s32 $0xCD4A0, s19  }
0x19: {  	[tilespmem:s2], [sflag:$0x5] =	stream.linear.gather [hbm4b:s12+s2], $0x280, $0x38;
	[tilespmem:$0xA500] =	vst v63  }
0x1a: {  	_ =	swait.ge [sflag:s4], $0x280  }
0x1b: {  	[sflag:s4] =	ssyncset.done $0x0  }
0x1c: {  	s13 =	simm.s32 $0x2;
	[sflag:s4] =	ssyncadd.s32 $0xFFFFFD80  }
0x1d: {  	_ =	swait.ge [sflag:s13], $0x5000  }
0x1e: {  	[sflag:s13] =	ssyncset.done $0x0  }
0x1f: {  	s14 =	simm.s32 $0x3;
	[sflag:s13] =	ssyncadd.s32 $0xFFFFB000  }
0x20: {  	_ =	swait.ge [sflag:s14], $0x5000  }
0x21: {  	[sflag:s14] =	ssyncset.done $0x0  }
0x22: {  	[sflag:s14] =	ssyncadd.s32 $0xFFFFB000  }
0x23: {  	[tilespmem:s7], [sflag:$0x1] =	stream.indirect.gather [hbm4b:s5+s6], $0x20, s2, s6, $0xb8;
	[tilespmem:$0xA500] =	vst v63  }
0x24: {  	s15 =	sadd.s32 $0xFA00, s22  }
0x25: {  	[hbm4b:s15+s2] =	stream.linear.scatter [tilespmem:s10], [sflag:$0x4], $0x5000, $0x38;
	[tilespmem:$0xA500] =	vst v63  }
0x26: {  	s16 =	sadd.s32 $0xCD4F0, s19  }
0x27: {  	[tilespmem:s6], [sflag:$0x5] =	stream.linear.gather [hbm4b:s16+s2], $0x280, $0x38;
	[tilespmem:$0xA500] =	vst v63  }
0x28: {  	_ =	swait.ge [sflag:s4], $0x280  }
0x29: {  	[sflag:s4] =	ssyncset.done $0x0  }
0x2a: {  	[sflag:s4] =	ssyncadd.s32 $0xFFFFFD80  }
0x2b: {  	_ =	swait.ge [sflag:s9], $0x5000  }
0x2c: {  	[sflag:s9] =	ssyncset.done $0x0  }
0x2d: {  	s17 =	simm.s32 $0x4;
	[sflag:s9] =	ssyncadd.s32 $0xFFFFB000  }
0x2e: {  	_ =	swait.ge [sflag:s17], $0x5000  }
0x2f: {  	[sflag:s17] =	ssyncset.done $0x0  }
0x30: {  	[sflag:s17] =	ssyncadd.s32 $0xFFFFB000  }
0x31: {  	[tilespmem:s10], [sflag:$0x2] =	stream.indirect.gather [hbm4b:s5+s6], $0x20, s6, s6, $0xb8;
	[tilespmem:$0xA500] =	vst v63  }
0x32: {  	s18 =	sadd.s32 $0x10400, s22  }
0x33: {  	[hbm4b:s18+s2] =	stream.linear.scatter [tilespmem:s7], [sflag:$0x3], $0x5000, $0x38;
	[tilespmem:$0xA500] =	vst v63  }
0x34: {  	s19 =	sadd.s32 $0xCD540, s19  }
0x35: {  	[tilespmem:s2], [sflag:$0x5] =	stream.linear.gather [hbm4b:s19+s2], $0x280, $0x38;
	[tilespmem:$0xA500] =	vst v63  }
0x36: {  	_ =	swait.ge [sflag:s4], $0x280  }
0x37: {  	[sflag:s4] =	ssyncset.done $0x0  }
0x38: {  	[sflag:s4] =	ssyncadd.s32 $0xFFFFFD80  }
0x39: {  	_ =	swait.ge [sflag:s13], $0x5000  }
0x3a: {  	[sflag:s13] =	ssyncset.done $0x0  }
0x3b: {  	[sflag:s13] =	ssyncadd.s32 $0xFFFFB000  }
0x3c: {  	_ =	swait.ge [sflag:s14], $0x5000  }
0x3d: {  	[sflag:s14] =	ssyncset.done $0x0  }
0x3e: {  	s23 =	ssub.s32 $0x2, s21;
	[sflag:s14] =	ssyncadd.s32 $0xFFFFB000  }
0x3f: {  	[tilespmem:s7], [sflag:$0x1] =	stream.indirect.gather [hbm4b:s5+s6], $0x20, s2, s6, $0xb8;
	[tilespmem:$0xA500] =	vst v63  }
0x40: {  	s31 =	sshrl.u32 s23, $0x1;
	s20 =	sadd.s32 $0x10E00, s22  }
0x41: {  	[hbm4b:s20+s2] =	stream.linear.scatter [tilespmem:s10], [sflag:$0x4], $0x5000, $0x38;
	[tilespmem:$0xA500] =	vst v63  }
0x42: {  	s21 =	sadd.s32 $0x11800, s22;
	s22 =	ssub.s32 s23, s31;
	_ =	swait.ge [sflag:s9], $0x5000  }
0x43: {  	s22 =	smax.u32 s22, $0x1;
	[sflag:s9] =	ssyncset.done $0x0  }
0x44: {  	p0 =	sne.s32 s22, $0x1;
	[sflag:s9] =	ssyncadd.s32 $0xFFFFB000  }
0x45: {  	[hbm4b:s21+s2] =	stream.linear.scatter [tilespmem:s7], [sflag:$0x3], $0x5000, $0x38;
	[tilespmem:$0xA500] =	vst v63  }
.Ltmp0:
0x46: {  	_ =	swait.ge [sflag:s14], $0x5000;
	(pc) =	sbr.rel @!p0 .LBB2_2-.Ltmp0, $4  }
0x47: {  	[sflag:s14] =	ssyncset.done $0x0  }
0x48: {  	[sflag:s14] =	ssyncadd.s32 $0xFFFFB000  }
0x49: {  	_ =	swait.ge [sflag:s17], $0x5000  }
0x4a: {  	s22 =	sadd.s32 $0xFFFFFFFF, s22;
	[sflag:s17] =	ssyncset.done $0x0  }
.LBB2_1:
0x4b: {  	p0 =	sne.s32 s22, $0x1;
	s22 =	sadd.s32 $0xFFFFFFFF, s22;
	[sflag:s17] =	ssyncadd.s32 $0xFFFFB000  }
0x4c: {  	[tilespmem:s2], [sflag:$0x5] =	stream.linear.gather [hbm4b:s3+s2], $0x280, $0x38;
	[tilespmem:$0xA500] =	vst v63  }
0x4d: {  	_ =	swait.ge [sflag:s4], $0x280  }
0x4e: {  	[sflag:s4] =	ssyncset.done $0x0  }
0x4f: {  	[sflag:s4] =	ssyncadd.s32 $0xFFFFFD80  }
0x50: {  	[tilespmem:s7], [sflag:$0x1] =	stream.indirect.gather [hbm4b:s5+s6], $0x20, s2, s6, $0xb8;
	[tilespmem:$0xA500] =	vst v63  }
0x51: {  	_ = 	snop  }
0x52: {  	[tilespmem:s6], [sflag:$0x5] =	stream.linear.gather [hbm4b:s8+s2], $0x280, $0x38;
	[tilespmem:$0xA500] =	vst v63  }
0x53: {  	_ =	swait.ge [sflag:s4], $0x280  }
0x54: {  	[sflag:s4] =	ssyncset.done $0x0  }
0x55: {  	[sflag:s4] =	ssyncadd.s32 $0xFFFFFD80  }
0x56: {  	_ =	swait.ge [sflag:s9], $0x5000  }
0x57: {  	[sflag:s9] =	ssyncset.done $0x0  }
0x58: {  	[sflag:s9] =	ssyncadd.s32 $0xFFFFB000  }
0x59: {  	[tilespmem:s10], [sflag:$0x2] =	stream.indirect.gather [hbm4b:s5+s6], $0x20, s6, s6, $0xb8;
	[tilespmem:$0xA500] =	vst v63  }
0x5a: {  	_ = 	snop  }
0x5b: {  	[hbm4b:s11+s2] =	stream.linear.scatter [tilespmem:s7], [sflag:$0x3], $0x5000, $0x38;
	[tilespmem:$0xA500] =	vst v63  }
0x5c: {  	_ = 	snop  }
0x5d: {  	[tilespmem:s2], [sflag:$0x5] =	stream.linear.gather [hbm4b:s12+s2], $0x280, $0x38;
	[tilespmem:$0xA500] =	vst v63  }
0x5e: {  	_ =	swait.ge [sflag:s4], $0x280  }
0x5f: {  	[sflag:s4] =	ssyncset.done $0x0  }
0x60: {  	[sflag:s4] =	ssyncadd.s32 $0xFFFFFD80  }
0x61: {  	_ =	swait.ge [sflag:s13], $0x5000  }
0x62: {  	[sflag:s13] =	ssyncset.done $0x0  }
0x63: {  	[sflag:s13] =	ssyncadd.s32 $0xFFFFB000  }
0x64: {  	_ =	swait.ge [sflag:s14], $0x5000  }
0x65: {  	[sflag:s14] =	ssyncset.done $0x0  }
0x66: {  	[sflag:s14] =	ssyncadd.s32 $0xFFFFB000  }
0x67: {  	[tilespmem:s7], [sflag:$0x1] =	stream.indirect.gather [hbm4b:s5+s6], $0x20, s2, s6, $0xb8;
	[tilespmem:$0xA500] =	vst v63  }
0x68: {  	_ = 	snop  }
0x69: {  	[hbm4b:s15+s2] =	stream.linear.scatter [tilespmem:s10], [sflag:$0x4], $0x5000, $0x38;
	[tilespmem:$0xA500] =	vst v63  }
0x6a: {  	_ = 	snop  }
0x6b: {  	[tilespmem:s6], [sflag:$0x5] =	stream.linear.gather [hbm4b:s16+s2], $0x280, $0x38;
	[tilespmem:$0xA500] =	vst v63  }
0x6c: {  	_ =	swait.ge [sflag:s4], $0x280  }
0x6d: {  	[sflag:s4] =	ssyncset.done $0x0  }
0x6e: {  	[sflag:s4] =	ssyncadd.s32 $0xFFFFFD80  }
0x6f: {  	_ =	swait.ge [sflag:s9], $0x5000  }
0x70: {  	[sflag:s9] =	ssyncset.done $0x0  }
0x71: {  	[sflag:s9] =	ssyncadd.s32 $0xFFFFB000  }
0x72: {  	_ =	swait.ge [sflag:s17], $0x5000  }
0x73: {  	[sflag:s17] =	ssyncset.done $0x0  }
0x74: {  	[sflag:s17] =	ssyncadd.s32 $0xFFFFB000  }
0x75: {  	[tilespmem:s10], [sflag:$0x2] =	stream.indirect.gather [hbm4b:s5+s6], $0x20, s6, s6, $0xb8;
	[tilespmem:$0xA500] =	vst v63  }
0x76: {  	_ = 	snop  }
0x77: {  	[hbm4b:s18+s2] =	stream.linear.scatter [tilespmem:s7], [sflag:$0x3], $0x5000, $0x38;
	[tilespmem:$0xA500] =	vst v63  }
0x78: {  	_ = 	snop  }
0x79: {  	[tilespmem:s2], [sflag:$0x5] =	stream.linear.gather [hbm4b:s19+s2], $0x280, $0x38;
	[tilespmem:$0xA500] =	vst v63  }
0x7a: {  	_ =	swait.ge [sflag:s4], $0x280  }
0x7b: {  	[sflag:s4] =	ssyncset.done $0x0  }
0x7c: {  	[sflag:s4] =	ssyncadd.s32 $0xFFFFFD80  }
0x7d: {  	_ =	swait.ge [sflag:s13], $0x5000  }
0x7e: {  	[sflag:s13] =	ssyncset.done $0x0  }
0x7f: {  	[sflag:s13] =	ssyncadd.s32 $0xFFFFB000  }
0x80: {  	_ =	swait.ge [sflag:s14], $0x5000  }
0x81: {  	[sflag:s14] =	ssyncset.done $0x0  }
0x82: {  	[sflag:s14] =	ssyncadd.s32 $0xFFFFB000  }
0x83: {  	[tilespmem:s7], [sflag:$0x1] =	stream.indirect.gather [hbm4b:s5+s6], $0x20, s2, s6, $0xb8;
	[tilespmem:$0xA500] =	vst v63  }
0x84: {  	_ = 	snop  }
0x85: {  	[hbm4b:s20+s2] =	stream.linear.scatter [tilespmem:s10], [sflag:$0x4], $0x5000, $0x38;
	[tilespmem:$0xA500] =	vst v63  }
0x86: {  	_ =	swait.ge [sflag:s9], $0x5000  }
0x87: {  	[sflag:s9] =	ssyncset.done $0x0  }
0x88: {  	[sflag:s9] =	ssyncadd.s32 $0xFFFFB000  }
0x89: {  	[hbm4b:s21+s2] =	stream.linear.scatter [tilespmem:s7], [sflag:$0x3], $0x5000, $0x38;
	[tilespmem:$0xA500] =	vst v63  }
.Ltmp1:
0x8a: {  	_ =	swait.ge [sflag:s14], $0x5000;
	(pc) =	sbr.rel @p0 .LBB2_1-.Ltmp1, $4  }
0x8b: {  	[sflag:s14] =	ssyncset.done $0x0  }
0x8c: {  	[sflag:s14] =	ssyncadd.s32 $0xFFFFB000  }
0x8d: {  	_ =	swait.ge [sflag:s17], $0x5000  }
0x8e: {  	[sflag:s17] =	ssyncset.done $0x0  }
.LBB2_2:
0x8f: {  	[sflag:s17] =	ssyncadd.s32 $0xFFFFB000  }
0x90: {  	_ =	sfence.sel $0x180000  }
0x91: {  	[bflag:$0x0] =	sbarrier.arrive $0xFFFF  }
0x92: {  	p0 =	sne.s32 s0, $0x0;
	_ =	strace $0x90000059  }
0x93: {  	s0 =	sadd.s32 @!p0 $0x100000, s1;
	[bflag:$0x2] =	sbarrier.arrive $0xFFFF  }
0x94: {  	[sflag:s0] =	ssyncadd.tile.s32 @!p0 $0x1;
	_ =	shalt  }
.Lfunc_end2:
_tile_overlayer_lowered:
.L_overlay_start_2:
0x95: {  	(tag) =	ssettag $0x2  }
0x96: {  	s0 =	rddreg [dreg:$0x0];
	s2 =	stileid.u32  }
0x97: {  	s1 =	rddreg [dreg:$0x1];
	p0 =	sne.s32 s2, $0x0  }
0x98: {  	s3 =	rddreg [dreg:$0x2];
	[bflag:$0x3] =	sbarrier.arrive $0xFFFF;
	s2 =	simm.s32 @!p0 $0x1C05  }
0x99: {  	[timem:s3], [sflag:s2] =	dma.local @!p0 [hbm:s0], s1  }
0x9a: {  	s0 =	simm.s32 @!p0 $0x5  }
0x9b: {  	_ =	swait.ge @!p0 [sflag:s0], s1  }
0x9c: {  	s1 =	ssub.s32 @!p0 $0x0, s1;
	[sflag:s0] =	ssyncset.done @!p0 $0x0  }
0x9d: {  	[sflag:s0] =	ssyncadd.s32 @!p0 s1  }
0x9e: {  	[bflag:$0x3] =	sbarrier.arrive $0xFFFF  }
0x9f: {  	_ =	shalt  }

</sc_bundles>
